<compile_context>
chip_gen: v7x
topology: tpu7x:2x2x1
jax: 0.10.2.dev20260603
libtpu: 0.0.44.dev20260713+nightly
codegen_flags: <defaults>
</compile_context>

<pallas_src>
import functools

import jax
import jax.numpy as jnp
from jax import lax
from jax.experimental import pallas as pl
from jax.experimental.pallas import tpu as pltpu
from jax.experimental.pallas import tpu_sc as plsc

N = 10000
E = 160000
IN_DIM = 256
HIDDEN = 512
NUM_CLASSES = 4

NC = 2
NS = 16
LANES = 16
CHUNK = 128
K = 128
KH = 64
EPT = E // NS
NSTEP = pl.cdiv(EPT, K)
EPTP = NSTEP * K
EPAD = EPTP - EPT
AGGR_ROWS = N + 8
STRIPE = 640
ZCOP = 40



def _sc_aggregate(xflat, eflat, sds, nchunks):
    npass = nchunks // NC
    mesh = plsc.VectorSubcoreMesh(core_axis_name="c", subcore_axis_name="s")
    idx_rows = pl.cdiv(NSTEP, LANES) * LANES

    @functools.partial(
        pl.kernel,
        mesh=mesh,
        out_type=jax.ShapeDtypeStruct((nchunks * N, CHUNK), jnp.float32),
        scratch_types=[
            pltpu.VMEM((1, idx_rows), jnp.int32),
            pltpu.VMEM((idx_rows, K), jnp.int32),
            pltpu.VMEM((1, KH), jnp.int32),
            pltpu.VMEM((1, KH), jnp.int32),
            pltpu.VMEM((1, KH), jnp.int32),
            pltpu.VMEM((1, KH), jnp.int32),
            pltpu.VMEM((1, KH), jnp.int32),
            pltpu.VMEM((1, KH), jnp.int32),
            pltpu.VMEM((KH, CHUNK), jnp.float32),
            pltpu.VMEM((KH, CHUNK), jnp.float32),
            pltpu.VMEM((KH, CHUNK), jnp.float32),
            pltpu.VMEM((KH, CHUNK), jnp.float32),
            pltpu.VMEM_SHARED((AGGR_ROWS, CHUNK), jnp.float32),
            pltpu.SemaphoreType.DMA,
            pltpu.SemaphoreType.DMA,
        ],
    )
    def k(x_hbm, e_hbm, sds_hbm, out_hbm, ridx_v, sd_v,
          gsrc0, gsrc1, gdst0, gdst1, geid0, geid1,
          xb0, xb1, eb0, eb1, aggr, sem, sem_s):
        gsrc = (gsrc0, gsrc1)
        gdst = (gdst0, gdst1)
        geid = (geid0, geid1)
        xb = (xb0, xb1)
        eb = (eb0, eb1)
        c = lax.axis_index("c")
        s = lax.axis_index("s")
        row0 = s * STRIPE
        ncop = jnp.where(s == NS - 1, (N - (NS - 1) * STRIPE) // ZCOP,
                         STRIPE // ZCOP)
        lane = lax.iota(jnp.int32, LANES)
        ebase = s * EPT

        for j in range(idx_rows // LANES):
            ridx_v[0, pl.ds(j * LANES, LANES)] = jnp.minimum(
                lane + (s * NSTEP + j * LANES), NS * NSTEP - 1)

        pltpu.async_copy(sds_hbm.at[ridx_v.at[0]], sd_v, sem).wait()

        def build_lists(i, f, slot):
            t = jnp.minimum(lax.shift_right_logical(i, 1), NSTEP - 1)
            h = i - 2 * lax.shift_right_logical(i, 1)
            for j in range(KH // LANES):
                sl = pl.ds(j * LANES, LANES)
                v = sd_v[t, pl.ds(h * KH + j * LANES, LANES)]
                q = lax.shift_right_logical(v, 16)
                gsrc[slot][0, sl] = q + f * N
                gdst[slot][0, sl] = v - q * 65536
                geid[slot][0, sl] = f * E + jnp.minimum(
                    lane + (ebase + i * KH + j * LANES), E - 1)

        def issue(slot):
            pltpu.async_copy(e_hbm.at[geid[slot].at[0]], eb[slot], sem)
            pltpu.async_copy(x_hbm.at[gsrc[slot].at[0]], xb[slot], sem)

        def drain(slot):
            pltpu.make_async_copy(e_hbm.at[geid[slot].at[0]], eb[slot],
                                  sem).wait()
            pltpu.make_async_copy(x_hbm.at[gsrc[slot].at[0]], xb[slot],
                                  sem).wait()

        def drain_scatter(slot):
            pltpu.make_async_copy(xb[slot], aggr.at[gdst[slot].at[0]],
                                  sem_s).wait()

        def zxrow(r, carry):
            for j in range(CHUNK // LANES):
                xb0[r, pl.ds(j * LANES, LANES)] = jnp.zeros((LANES,),
                                                            jnp.float32)
            return carry

        def zerow(r, carry):
            for j in range(CHUNK // LANES):
                eb1[r, pl.ds(j * LANES, LANES)] = jnp.zeros((LANES,),
                                                            jnp.float32)
            return carry

        for p in range(npass):
            f = p * NC + c

            lax.fori_loop(0, ZCOP, zxrow, 0)
            lax.fori_loop(0, KH, zerow, 0)

            def zcopy(i, carry):
                pltpu.sync_copy(xb0.at[pl.ds(0, ZCOP)],
                                aggr.at[pl.ds(row0 + i * ZCOP, ZCOP)])
                return carry

            lax.fori_loop(0, ncop, zcopy, 0)
            plsc.subcore_barrier()

            build_lists(jnp.int32(0), f, 0)
            issue(0)
            for j in range(KH // LANES):
                gdst1[0, pl.ds(j * LANES, LANES)] = jnp.full(
                    (LANES,), N, jnp.int32)
            pltpu.async_copy(eb1, aggr.at[gdst1.at[0]], sem_s, add=True)

            def step(t, carry):
                for h in range(2):
                    i = 2 * t + h
                    b = h
                    nb = 1 - h
                    drain(b)
                    drain_scatter(nb)
                    build_lists(i + 1, f, nb)
                    issue(nb)

                    def crow(r, carry2):
                        for j in range(CHUNK // LANES):
                            sl = pl.ds(j * LANES, LANES)
                            xb[b][r, sl] = jnp.maximum(
                                xb[b][r, sl] + eb[b][r, sl], 0.0)
                        return carry2

                    lax.fori_loop(0, KH, crow, 0)
                    pltpu.async_copy(xb[b], aggr.at[gdst[b].at[0]], sem_s,
                                     add=True)
                return carry

            lax.fori_loop(0, NSTEP, step, 0)
            drain(0)
            drain_scatter(1)
            plsc.subcore_barrier()

            def ocopy(i, carry):
                r0 = row0 + i * ZCOP
                pltpu.sync_copy(aggr.at[pl.ds(r0, ZCOP)],
                                out_hbm.at[pl.ds(f * N + r0, ZCOP)])
                return carry

            lax.fori_loop(0, ncop, ocopy, 0)

    return k(xflat, eflat, sds)



_BE = 2000
_BN = 1000


def _edge_mm(edge_attr, We, be, nchunks):
    eb2 = be.reshape(nchunks, 1, CHUNK)

    def body(a_ref, w_ref, b_ref, o_ref):
        o_ref[...] = (
            jnp.dot(a_ref[...], w_ref[...], preferred_element_type=jnp.float32)
            + b_ref[0]
        )

    grid = (nchunks, E // _BE)
    return pl.pallas_call(
        body,
        grid=grid,
        in_specs=[
            pl.BlockSpec((_BE, edge_attr.shape[1]), lambda f, i: (i, 0)),
            pl.BlockSpec((edge_attr.shape[1], CHUNK), lambda f, i: (0, f)),
            pl.BlockSpec((1, 1, CHUNK), lambda f, i: (f, 0, 0)),
        ],
        out_specs=pl.BlockSpec((_BE, CHUNK), lambda f, i: (f * (E // _BE) + i, 0)),
        out_shape=jax.ShapeDtypeStruct((nchunks * E, CHUNK), jnp.float32),
    )(edge_attr, We, eb2)


def _mlp_stats(h, aggr, Wa, ba, Wb, bb, nchunks):
    in_dim = h.shape[1]

    def body(h_ref, a_ref, wa_ref, ba_ref, wb_ref, bb_ref, u_ref, st_ref):
        i = pl.program_id(0)
        hin = h_ref[...] + jnp.concatenate(
            [a_ref[j] for j in range(nchunks)], axis=-1)
        t = jnp.maximum(
            jnp.dot(hin, wa_ref[...], preferred_element_type=jnp.float32)
            + ba_ref[...], 0.0)
        u = jnp.dot(t, wb_ref[...], preferred_element_type=jnp.float32) + bb_ref[...]
        u_ref[...] = u

        @pl.when(i == 0)
        def _():
            st_ref[...] = jnp.zeros_like(st_ref)

        st_ref[0:1, :] += jnp.sum(u, axis=0, keepdims=True)
        st_ref[1:2, :] += jnp.sum(u * u, axis=0, keepdims=True)

    return pl.pallas_call(
        body,
        grid=(N // _BN,),
        in_specs=[
            pl.BlockSpec((_BN, in_dim), lambda i: (i, 0)),
            pl.BlockSpec((nchunks, _BN, CHUNK), lambda i: (0, i, 0)),
            pl.BlockSpec((in_dim, HIDDEN), lambda i: (0, 0)),
            pl.BlockSpec((1, HIDDEN), lambda i: (0, 0)),
            pl.BlockSpec((HIDDEN, HIDDEN), lambda i: (0, 0)),
            pl.BlockSpec((1, HIDDEN), lambda i: (0, 0)),
        ],
        out_specs=[
            pl.BlockSpec((_BN, HIDDEN), lambda i: (i, 0)),
            pl.BlockSpec((8, HIDDEN), lambda i: (0, 0)),
        ],
        out_shape=[
            jax.ShapeDtypeStruct((N, HIDDEN), jnp.float32),
            jax.ShapeDtypeStruct((8, HIDDEN), jnp.float32),
        ],
    )(h, aggr, Wa, ba.reshape(1, HIDDEN), Wb, bb.reshape(1, HIDDEN))


def _bn_relu(u, stats, gamma, beta):

    def body(u_ref, st_ref, g_ref, b_ref, o_ref):
        mean = st_ref[0:1, :] * (1.0 / N)
        var = st_ref[1:2, :] * (1.0 / N) - mean * mean
        rstd = lax.rsqrt(var + 1e-5)
        o_ref[...] = jnp.maximum(
            (u_ref[...] - mean) * rstd * g_ref[...] + b_ref[...], 0.0)

    return pl.pallas_call(
        body,
        grid=(N // _BN,),
        in_specs=[
            pl.BlockSpec((_BN, HIDDEN), lambda i: (i, 0)),
            pl.BlockSpec((8, HIDDEN), lambda i: (0, 0)),
            pl.BlockSpec((1, HIDDEN), lambda i: (0, 0)),
            pl.BlockSpec((1, HIDDEN), lambda i: (0, 0)),
        ],
        out_specs=pl.BlockSpec((_BN, HIDDEN), lambda i: (i, 0)),
        out_shape=jax.ShapeDtypeStruct((N, HIDDEN), jnp.float32),
    )(u, stats, gamma.reshape(1, HIDDEN), beta.reshape(1, HIDDEN))


def _bn_relu_heads(u, stats, gamma, beta, Wcat, bcat):
    nh = Wcat.shape[1]

    def body(u_ref, st_ref, g_ref, b_ref, w_ref, hb_ref, lo_ref, re_ref):
        mean = st_ref[0:1, :] * (1.0 / N)
        var = st_ref[1:2, :] * (1.0 / N) - mean * mean
        rstd = lax.rsqrt(var + 1e-5)
        h = jnp.maximum(
            (u_ref[...] - mean) * rstd * g_ref[...] + b_ref[...], 0.0)
        o = jnp.dot(h, w_ref[...], preferred_element_type=jnp.float32) + hb_ref[...]
        lo_ref[...] = o[:, :NUM_CLASSES]
        re_ref[...] = o[:, NUM_CLASSES:NUM_CLASSES + 1]

    return pl.pallas_call(
        body,
        grid=(N // _BN,),
        in_specs=[
            pl.BlockSpec((_BN, HIDDEN), lambda i: (i, 0)),
            pl.BlockSpec((8, HIDDEN), lambda i: (0, 0)),
            pl.BlockSpec((1, HIDDEN), lambda i: (0, 0)),
            pl.BlockSpec((1, HIDDEN), lambda i: (0, 0)),
            pl.BlockSpec((HIDDEN, nh), lambda i: (0, 0)),
            pl.BlockSpec((1, nh), lambda i: (0, 0)),
        ],
        out_specs=[
            pl.BlockSpec((_BN, NUM_CLASSES), lambda i: (i, 0)),
            pl.BlockSpec((_BN, 1), lambda i: (i, 0)),
        ],
        out_shape=[
            jax.ShapeDtypeStruct((N, NUM_CLASSES), jnp.float32),
            jax.ShapeDtypeStruct((N, 1), jnp.float32),
        ],
    )(u, stats, gamma.reshape(1, HIDDEN), beta.reshape(1, HIDDEN), Wcat, bcat)


def _chunk_major(h, nchunks):
    return jnp.transpose(h.reshape(N, nchunks, CHUNK), (1, 0, 2)).reshape(
        nchunks * N, CHUNK)


def kernel(x, edge_index, edge_attr, We1, be1, W1a, b1a, W1b, b1b, gamma1,
           beta1, We2, be2, W2a, b2a, W2b, b2b, gamma2, beta2, Wc, bc, Wr, br,
           logit_bias):
    src = edge_index[0]
    dst = edge_index[1]

    sd_t = jnp.pad((src * 65536 + dst).reshape(NS, EPT), ((0, 0), (0, EPAD)),
                   constant_values=N).reshape(NS * NSTEP, K)

    e1 = _edge_mm(edge_attr, We1, be1, nchunks=2)
    xflat1 = _chunk_major(x, 2)
    a1 = _sc_aggregate(xflat1, e1, sd_t, nchunks=2)
    u1, st1 = _mlp_stats(x, a1.reshape(2, N, CHUNK), W1a, b1a, W1b, b1b, 2)
    h1 = _bn_relu(u1, st1, gamma1, beta1)

    e2 = _edge_mm(edge_attr, We2, be2, nchunks=4)
    xflat2 = _chunk_major(h1, 4)
    a2 = _sc_aggregate(xflat2, e2, sd_t, nchunks=4)
    u2, st2 = _mlp_stats(h1, a2.reshape(4, N, CHUNK), W2a, b2a, W2b, b2b, 4)

    Wcat = jnp.concatenate([Wc, Wr], axis=1)
    bcat = jnp.concatenate([bc + logit_bias, br]).reshape(1, NUM_CLASSES + 1)
    logits, reg = _bn_relu_heads(u2, st2, gamma2, beta2, Wcat, bcat)
    return (logits, reg[:, 0])

# --- scband reference (transcript-rebuilt; emitter-appended) ---
"""Pipeline reference for scband-gine-multi-task-43782896615775 (READ-ONLY COPY).

The authoritative reference and input builder live on the scoring server;
editing this copy changes nothing except your own understanding.
"""

import jax, jax.numpy as jnp
import numpy as np

N = 10000
E = 160000
IN_DIM = 256
EDGE_DIM = 16
HIDDEN = 512
NUM_CLASSES = 4


def _lin(k, fan_in, fan_out):
    bound = 1.0 / np.sqrt(fan_in)
    kw, kb = jax.random.split(k)
    W = jax.random.uniform(kw, (fan_in, fan_out), minval=-bound, maxval=bound, dtype=jnp.float32)
    b = jax.random.uniform(kb, (fan_out,), minval=-bound, maxval=bound, dtype=jnp.float32)
    return W, b


def setup_inputs(seed: int = 0):
    key = jax.random.key(seed)
    ks = jax.random.split(key, 12)
    x = jax.random.normal(ks[0], (N, IN_DIM), dtype=jnp.float32)
    edge_index = jax.random.randint(ks[1], (2, E), 0, N, dtype=jnp.int32)
    edge_attr = jax.random.normal(ks[2], (E, EDGE_DIM), dtype=jnp.float32)
    We1, be1 = _lin(ks[3], EDGE_DIM, IN_DIM)
    W1a, b1a = _lin(ks[4], IN_DIM, HIDDEN)
    W1b, b1b = _lin(ks[5], HIDDEN, HIDDEN)
    We2, be2 = _lin(ks[6], EDGE_DIM, HIDDEN)
    W2a, b2a = _lin(ks[7], HIDDEN, HIDDEN)
    W2b, b2b = _lin(ks[8], HIDDEN, HIDDEN)
    Wc, bc = _lin(ks[9], HIDDEN, NUM_CLASSES)
    Wr, br = _lin(ks[10], HIDDEN, 1)
    gamma1 = jnp.ones((HIDDEN,), dtype=jnp.float32)
    beta1 = jnp.zeros((HIDDEN,), dtype=jnp.float32)
    gamma2 = jnp.ones((HIDDEN,), dtype=jnp.float32)
    beta2 = jnp.zeros((HIDDEN,), dtype=jnp.float32)
    logit_bias = jnp.zeros((NUM_CLASSES,), dtype=jnp.float32)
    return {"x": x, "edge_index": edge_index, "edge_attr": edge_attr, "We1": We1, "be1": be1, "W1a": W1a, "b1a": b1a, "W1b": W1b, "b1b": b1b, "gamma1": gamma1, "beta1": beta1, "We2": We2, "be2": be2, "W2a": W2a, "b2a": b2a, "W2b": W2b, "b2b": b2b, "gamma2": gamma2, "beta2": beta2, "Wc": Wc, "bc": bc, "Wr": Wr, "br": br, "logit_bias": logit_bias}


def _batch_norm(h, gamma, beta):
    mean = jnp.mean(h, axis=0)
    var = jnp.var(h, axis=0)
    return (h - mean) / jnp.sqrt(var + 1e-5) * gamma + beta


def _gine_conv(x, src, dst, edge_attr, We, be, Wa, ba, Wb, bb):
    # GINEConv: out = MLP((1 + eps) * x + sum_{j->i} ReLU(x_j + lin_edge(e_ji))), eps = 0
    e = edge_attr @ We + be
    m = jax.nn.relu(x[src] + e)
    aggr = jax.ops.segment_sum(m, dst, num_segments=x.shape[0])
    h = x + aggr
    return jax.nn.relu(h @ Wa + ba) @ Wb + bb


def reference(x, edge_index, edge_attr, We1, be1, W1a, b1a, W1b, b1b, gamma1, beta1, We2, be2, W2a, b2a, W2b, b2b, gamma2, beta2, Wc, bc, Wr, br, logit_bias):
    src = edge_index[0]
    dst = edge_index[1]
    h = _gine_conv(x, src, dst, edge_attr, We1, be1, W1a, b1a, W1b, b1b)
    h = jax.nn.relu(_batch_norm(h, gamma1, beta1))
    h = _gine_conv(h, src, dst, edge_attr, We2, be2, W2a, b2a, W2b, b2b)
    h = jax.nn.relu(_batch_norm(h, gamma2, beta2))
    logits = h @ Wc + bc + logit_bias
    reg = jnp.squeeze(h @ Wr + br, axis=-1)
    return (logits, reg)

if __name__ == "__main__":
    import jax
    _d = setup_inputs()
    print(jax.jit(kernel)(*tuple(_d.values())))

</pallas_src>

<mosaic_0001>
#map = affine_map<(d0, d1) -> (0, 0)>
module attributes {stable_mosaic.version = 14 : i64} {
  func.func @k(%arg0: i32, %arg1: i32, %arg2: memref<20000x128xf32, #tpu.memory_space<hbm>>, %arg3: memref<320000x128xf32, #tpu.memory_space<hbm>>, %arg4: memref<1264x128xi32, #tpu.memory_space<hbm>>, %arg5: memref<20000x128xf32, #tpu.memory_space<hbm>>, %arg6: memref<1x80xi32, #tpu.memory_space<vmem>>, %arg7: memref<80x128xi32, #tpu.memory_space<vmem>>, %arg8: memref<1x64xi32, #tpu.memory_space<vmem>>, %arg9: memref<1x64xi32, #tpu.memory_space<vmem>>, %arg10: memref<1x64xi32, #tpu.memory_space<vmem>>, %arg11: memref<1x64xi32, #tpu.memory_space<vmem>>, %arg12: memref<1x64xi32, #tpu.memory_space<vmem>>, %arg13: memref<1x64xi32, #tpu.memory_space<vmem>>, %arg14: memref<64x128xf32, #tpu.memory_space<vmem>>, %arg15: memref<64x128xf32, #tpu.memory_space<vmem>>, %arg16: memref<64x128xf32, #tpu.memory_space<vmem>>, %arg17: memref<64x128xf32, #tpu.memory_space<vmem>>, %arg18: memref<10008x128xf32, #tpu.memory_space<vmem_shared>>, %arg19: memref<!tpu.dma_semaphore, #tpu.memory_space<semaphore_mem>>, %arg20: memref<!tpu.dma_semaphore, #tpu.memory_space<semaphore_mem>>) attributes {dimension_semantics = [#tpu.dimension_semantics<core_parallel>, #tpu.dimension_semantics<subcore_parallel>], iteration_bounds = array<i64: 2, 16>, scalar_prefetch = 0 : i64, scratch_operands = 15 : i64, tpu.core_type = #tpu.core_type<sc_vector_subcore>, window_params = [{transform_indices = #map}, {transform_indices = #map}, {transform_indices = #map}, {transform_indices = #map}]} {
    %mul3A = arith.constant 640 : i32
    %mul3A_0 = arith.muli %arg1, %mul3A : i32
    %eq3A = arith.constant 15 : i32
    %eq3A_1 = arith.cmpi eq, %arg1, %eq3A : i32
    %jit3A = arith.constant 10 : i32
    %jit3A_2 = arith.constant 16 : i32
    %select_n3A = arith.select %eq3A_1, %jit3A, %jit3A_2 : i32
    %iota3A = tpu.iota {dimensions = array<i32: 0>} : vector<16xi32>
    %mul3A_3 = arith.constant 10000 : i32
    %mul3A_4 = arith.muli %arg1, %mul3A_3 : i32
    %mul3A_5 = arith.constant 79 : i32
    %mul3A_6 = arith.muli %arg1, %mul3A_5 : i32
    %add3A = arith.constant 0 : i32
    %add3A_7 = arith.addi %mul3A_6, %add3A : i32
    %add3A_8 = vector.broadcast %add3A_7 : i32 to vector<16xi32>
    %add3A_9 = arith.addi %iota3A, %add3A_8 : vector<16xi32>
    %min3A = arith.constant 1263 : i32
    %min3A_10 = vector.broadcast %min3A : i32 to vector<16xi32>
    %min3A_11 = arith.minsi %add3A_9, %min3A_10 : vector<16xi32>
    %swap3A = arith.constant 0 : i32
    %swap3A_12 = arith.index_cast %swap3A : i32 to index
    %swap3A_13 = arith.constant 0 : index
    %swap3A_14 = tpu.vector_load %arg6[%swap3A_12, %swap3A_13] {strides = array<i32>} : memref<1x80xi32, #tpu.memory_space<vmem>>, vector<1x16xi32>,
    %swap3A_15 = vector.shape_cast %swap3A_14 : vector<1x16xi32> to vector<16xi32>
    %swap3A_16 = vector.shape_cast %min3A_11 : vector<16xi32> to vector<1x16xi32>
    tpu.vector_store %arg6[%swap3A_12, %swap3A_13], %swap3A_16 {strides = array<i32>} : memref<1x80xi32, #tpu.memory_space<vmem>>, vector<1x16xi32>,
    %mul3A_17 = arith.constant 79 : i32
    %mul3A_18 = arith.muli %arg1, %mul3A_17 : i32
    %add3A_19 = arith.constant 16 : i32
    %add3A_20 = arith.addi %mul3A_18, %add3A_19 : i32
    %add3A_21 = vector.broadcast %add3A_20 : i32 to vector<16xi32>
    %add3A_22 = arith.addi %iota3A, %add3A_21 : vector<16xi32>
    %min3A_23 = arith.constant 1263 : i32
    %min3A_24 = vector.broadcast %min3A_23 : i32 to vector<16xi32>
    %min3A_25 = arith.minsi %add3A_22, %min3A_24 : vector<16xi32>
    %swap3A_26 = arith.constant 0 : i32
    %swap3A_27 = arith.index_cast %swap3A_26 : i32 to index
    %swap3A_28 = arith.constant 16 : index
    %swap3A_29 = tpu.vector_load %arg6[%swap3A_27, %swap3A_28] {strides = array<i32>} : memref<1x80xi32, #tpu.memory_space<vmem>>, vector<1x16xi32>,
    %swap3A_30 = vector.shape_cast %swap3A_29 : vector<1x16xi32> to vector<16xi32>
    %swap3A_31 = vector.shape_cast %min3A_25 : vector<16xi32> to vector<1x16xi32>
    tpu.vector_store %arg6[%swap3A_27, %swap3A_28], %swap3A_31 {strides = array<i32>} : memref<1x80xi32, #tpu.memory_space<vmem>>, vector<1x16xi32>,
    %mul3A_32 = arith.constant 79 : i32
    %mul3A_33 = arith.muli %arg1, %mul3A_32 : i32
    %add3A_34 = arith.constant 32 : i32
    %add3A_35 = arith.addi %mul3A_33, %add3A_34 : i32
    %add3A_36 = vector.broadcast %add3A_35 : i32 to vector<16xi32>
    %add3A_37 = arith.addi %iota3A, %add3A_36 : vector<16xi32>
    %min3A_38 = arith.constant 1263 : i32
    %min3A_39 = vector.broadcast %min3A_38 : i32 to vector<16xi32>
    %min3A_40 = arith.minsi %add3A_37, %min3A_39 : vector<16xi32>
    %swap3A_41 = arith.constant 0 : i32
    %swap3A_42 = arith.index_cast %swap3A_41 : i32 to index
    %swap3A_43 = arith.constant 32 : index
    %swap3A_44 = tpu.vector_load %arg6[%swap3A_42, %swap3A_43] {strides = array<i32>} : memref<1x80xi32, #tpu.memory_space<vmem>>, vector<1x16xi32>,
    %swap3A_45 = vector.shape_cast %swap3A_44 : vector<1x16xi32> to vector<16xi32>
    %swap3A_46 = vector.shape_cast %min3A_40 : vector<16xi32> to vector<1x16xi32>
    tpu.vector_store %arg6[%swap3A_42, %swap3A_43], %swap3A_46 {strides = array<i32>} : memref<1x80xi32, #tpu.memory_space<vmem>>, vector<1x16xi32>,
    %mul3A_47 = arith.constant 79 : i32
    %mul3A_48 = arith.muli %arg1, %mul3A_47 : i32
    %add3A_49 = arith.constant 48 : i32
    %add3A_50 = arith.addi %mul3A_48, %add3A_49 : i32
    %add3A_51 = vector.broadcast %add3A_50 : i32 to vector<16xi32>
    %add3A_52 = arith.addi %iota3A, %add3A_51 : vector<16xi32>
    %min3A_53 = arith.constant 1263 : i32
    %min3A_54 = vector.broadcast %min3A_53 : i32 to vector<16xi32>
    %min3A_55 = arith.minsi %add3A_52, %min3A_54 : vector<16xi32>
    %swap3A_56 = arith.constant 0 : i32
    %swap3A_57 = arith.index_cast %swap3A_56 : i32 to index
    %swap3A_58 = arith.constant 48 : index
    %swap3A_59 = tpu.vector_load %arg6[%swap3A_57, %swap3A_58] {strides = array<i32>} : memref<1x80xi32, #tpu.memory_space<vmem>>, vector<1x16xi32>,
    %swap3A_60 = vector.shape_cast %swap3A_59 : vector<1x16xi32> to vector<16xi32>
    %swap3A_61 = vector.shape_cast %min3A_55 : vector<16xi32> to vector<1x16xi32>
    tpu.vector_store %arg6[%swap3A_57, %swap3A_58], %swap3A_61 {strides = array<i32>} : memref<1x80xi32, #tpu.memory_space<vmem>>, vector<1x16xi32>,
    %mul3A_62 = arith.constant 79 : i32
    %mul3A_63 = arith.muli %arg1, %mul3A_62 : i32
    %add3A_64 = arith.constant 64 : i32
    %add3A_65 = arith.addi %mul3A_63, %add3A_64 : i32
    %add3A_66 = vector.broadcast %add3A_65 : i32 to vector<16xi32>
    %add3A_67 = arith.addi %iota3A, %add3A_66 : vector<16xi32>
    %min3A_68 = arith.constant 1263 : i32
    %min3A_69 = vector.broadcast %min3A_68 : i32 to vector<16xi32>
    %min3A_70 = arith.minsi %add3A_67, %min3A_69 : vector<16xi32>
    %swap3A_71 = arith.constant 0 : i32
    %swap3A_72 = arith.index_cast %swap3A_71 : i32 to index
    %swap3A_73 = arith.constant 64 : index
    %swap3A_74 = tpu.vector_load %arg6[%swap3A_72, %swap3A_73] {strides = array<i32>} : memref<1x80xi32, #tpu.memory_space<vmem>>, vector<1x16xi32>,
    %swap3A_75 = vector.shape_cast %swap3A_74 : vector<1x16xi32> to vector<16xi32>
    %swap3A_76 = vector.shape_cast %min3A_70 : vector<16xi32> to vector<1x16xi32>
    tpu.vector_store %arg6[%swap3A_72, %swap3A_73], %swap3A_76 {strides = array<i32>} : memref<1x80xi32, #tpu.memory_space<vmem>>, vector<1x16xi32>,
    %dma_start3A = arith.constant 0 : i32
    %dma_start3A_77 = arith.constant 0 : i32
    %dma_start3A_78 = tpu.memref_slice %arg6[%dma_start3A, %dma_start3A_77] : memref<1x80xi32, #tpu.memory_space<vmem>> -> memref<1x80xi32, #tpu.memory_space<vmem>>
    %dma_start3A_79 = tpu.memref_squeeze %dma_start3A_78 : memref<1x80xi32, #tpu.memory_space<vmem>> -> memref<80xi32, #tpu.memory_space<vmem>>
    %dma_start3A_80 = arith.constant 0 : i32
    %dma_start3A_81 = arith.constant 0 : i32
    %dma_start3A_82 = tpu.memref_slice %arg4[%dma_start3A_80, %dma_start3A_81] : memref<1264x128xi32, #tpu.memory_space<hbm>> -> memref<1264x128xi32, #tpu.memory_space<hbm>>
    tpu.enqueue_indirect_dma source(%dma_start3A_82 : memref<1264x128xi32, #tpu.memory_space<hbm>>) target(%arg7 : memref<80x128xi32, #tpu.memory_space<vmem>>) offsets(%dma_start3A_79 : memref<80xi32, #tpu.memory_space<vmem>>) semaphore(%arg19 : memref<!tpu.dma_semaphore, #tpu.memory_space<semaphore_mem>>)
    %dma_wait3A = arith.constant 0 : i32
    %dma_wait3A_83 = arith.constant 0 : i32
    %dma_wait3A_84 = tpu.memref_slice %arg6[%dma_wait3A, %dma_wait3A_83] : memref<1x80xi32, #tpu.memory_space<vmem>> -> memref<1x80xi32, #tpu.memory_space<vmem>>
    %dma_wait3A_85 = tpu.memref_squeeze %dma_wait3A_84 : memref<1x80xi32, #tpu.memory_space<vmem>> -> memref<80xi32, #tpu.memory_space<vmem>>
    %dma_wait3A_86 = arith.constant 0 : i32
    %dma_wait3A_87 = arith.constant 0 : i32
    %dma_wait3A_88 = tpu.memref_slice %arg4[%dma_wait3A_86, %dma_wait3A_87] : memref<1264x128xi32, #tpu.memory_space<hbm>> -> memref<1264x128xi32, #tpu.memory_space<hbm>>
    tpu.wait_indirect_dma semaphore(%arg19 : memref<!tpu.dma_semaphore, #tpu.memory_space<semaphore_mem>>) src(%dma_wait3A_88 : memref<1264x128xi32, #tpu.memory_space<hbm>>) dst(%arg7 : memref<80x128xi32, #tpu.memory_space<vmem>>)
    %add3A_89 = arith.constant 0 : i32
    %add3A_90 = arith.addi %add3A_89, %arg0 : i32
    %scan3A = arith.constant 0 : i32
    %scan3A_91 = arith.constant 0 : i32
    %scan3A_92 = arith.constant 40 : i32
    %scan3A_93 = arith.addi %scan3A_91, %scan3A_92 : i32
    %scan3A_94 = arith.constant 1 : i32
    scf.for %scan3A_418 = %scan3A_91 to %scan3A_93 step %scan3A_94  : i32 {
      %broadcast_in_dim3A_419 = arith.constant 0.000000e+00 : f32
      %broadcast_in_dim3A_420 = vector.broadcast %broadcast_in_dim3A_419 : f32 to vector<16xf32>
      %swap3A_421 = arith.index_cast %scan3A_418 : i32 to index
      %swap3A_422 = arith.constant 0 : index
      %swap3A_423 = tpu.vector_load %arg14[%swap3A_421, %swap3A_422] {strides = array<i32>} : memref<64x128xf32, #tpu.memory_space<vmem>>, vector<1x16xf32>,
      %swap3A_424 = vector.shape_cast %swap3A_423 : vector<1x16xf32> to vector<16xf32>
      %swap3A_425 = vector.shape_cast %broadcast_in_dim3A_420 : vector<16xf32> to vector<1x16xf32>
      tpu.vector_store %arg14[%swap3A_421, %swap3A_422], %swap3A_425 {strides = array<i32>} : memref<64x128xf32, #tpu.memory_space<vmem>>, vector<1x16xf32>,
      %broadcast_in_dim3A_426 = arith.constant 0.000000e+00 : f32
      %broadcast_in_dim3A_427 = vector.broadcast %broadcast_in_dim3A_426 : f32 to vector<16xf32>
      %swap3A_428 = arith.index_cast %scan3A_418 : i32 to index
      %swap3A_429 = arith.constant 16 : index
      %swap3A_430 = tpu.vector_load %arg14[%swap3A_428, %swap3A_429] {strides = array<i32>} : memref<64x128xf32, #tpu.memory_space<vmem>>, vector<1x16xf32>,
      %swap3A_431 = vector.shape_cast %swap3A_430 : vector<1x16xf32> to vector<16xf32>
      %swap3A_432 = vector.shape_cast %broadcast_in_dim3A_427 : vector<16xf32> to vector<1x16xf32>
      tpu.vector_store %arg14[%swap3A_428, %swap3A_429], %swap3A_432 {strides = array<i32>} : memref<64x128xf32, #tpu.memory_space<vmem>>, vector<1x16xf32>,
      %broadcast_in_dim3A_433 = arith.constant 0.000000e+00 : f32
      %broadcast_in_dim3A_434 = vector.broadcast %broadcast_in_dim3A_433 : f32 to vector<16xf32>
      %swap3A_435 = arith.index_cast %scan3A_418 : i32 to index
      %swap3A_436 = arith.constant 32 : index
      %swap3A_437 = tpu.vector_load %arg14[%swap3A_435, %swap3A_436] {strides = array<i32>} : memref<64x128xf32, #tpu.memory_space<vmem>>, vector<1x16xf32>,
      %swap3A_438 = vector.shape_cast %swap3A_437 : vector<1x16xf32> to vector<16xf32>
      %swap3A_439 = vector.shape_cast %broadcast_in_dim3A_434 : vector<16xf32> to vector<1x16xf32>
      tpu.vector_store %arg14[%swap3A_435, %swap3A_436], %swap3A_439 {strides = array<i32>} : memref<64x128xf32, #tpu.memory_space<vmem>>, vector<1x16xf32>,
      %broadcast_in_dim3A_440 = arith.constant 0.000000e+00 : f32
      %broadcast_in_dim3A_441 = vector.broadcast %broadcast_in_dim3A_440 : f32 to vector<16xf32>
      %swap3A_442 = arith.index_cast %scan3A_418 : i32 to index
      %swap3A_443 = arith.constant 48 : index
      %swap3A_444 = tpu.vector_load %arg14[%swap3A_442, %swap3A_443] {strides = array<i32>} : memref<64x128xf32, #tpu.memory_space<vmem>>, vector<1x16xf32>,
      %swap3A_445 = vector.shape_cast %swap3A_444 : vector<1x16xf32> to vector<16xf32>
      %swap3A_446 = vector.shape_cast %broadcast_in_dim3A_441 : vector<16xf32> to vector<1x16xf32>
      tpu.vector_store %arg14[%swap3A_442, %swap3A_443], %swap3A_446 {strides = array<i32>} : memref<64x128xf32, #tpu.memory_space<vmem>>, vector<1x16xf32>,
      %broadcast_in_dim3A_447 = arith.constant 0.000000e+00 : f32
      %broadcast_in_dim3A_448 = vector.broadcast %broadcast_in_dim3A_447 : f32 to vector<16xf32>
      %swap3A_449 = arith.index_cast %scan3A_418 : i32 to index
      %swap3A_450 = arith.constant 64 : index
      %swap3A_451 = tpu.vector_load %arg14[%swap3A_449, %swap3A_450] {strides = array<i32>} : memref<64x128xf32, #tpu.memory_space<vmem>>, vector<1x16xf32>,
      %swap3A_452 = vector.shape_cast %swap3A_451 : vector<1x16xf32> to vector<16xf32>
      %swap3A_453 = vector.shape_cast %broadcast_in_dim3A_448 : vector<16xf32> to vector<1x16xf32>
      tpu.vector_store %arg14[%swap3A_449, %swap3A_450], %swap3A_453 {strides = array<i32>} : memref<64x128xf32, #tpu.memory_space<vmem>>, vector<1x16xf32>,
      %broadcast_in_dim3A_454 = arith.constant 0.000000e+00 : f32
      %broadcast_in_dim3A_455 = vector.broadcast %broadcast_in_dim3A_454 : f32 to vector<16xf32>
      %swap3A_456 = arith.index_cast %scan3A_418 : i32 to index
      %swap3A_457 = arith.constant 80 : index
      %swap3A_458 = tpu.vector_load %arg14[%swap3A_456, %swap3A_457] {strides = array<i32>} : memref<64x128xf32, #tpu.memory_space<vmem>>, vector<1x16xf32>,
      %swap3A_459 = vector.shape_cast %swap3A_458 : vector<1x16xf32> to vector<16xf32>
      %swap3A_460 = vector.shape_cast %broadcast_in_dim3A_455 : vector<16xf32> to vector<1x16xf32>
      tpu.vector_store %arg14[%swap3A_456, %swap3A_457], %swap3A_460 {strides = array<i32>} : memref<64x128xf32, #tpu.memory_space<vmem>>, vector<1x16xf32>,
      %broadcast_in_dim3A_461 = arith.constant 0.000000e+00 : f32
      %broadcast_in_dim3A_462 = vector.broadcast %broadcast_in_dim3A_461 : f32 to vector<16xf32>
      %swap3A_463 = arith.index_cast %scan3A_418 : i32 to index
      %swap3A_464 = arith.constant 96 : index
      %swap3A_465 = tpu.vector_load %arg14[%swap3A_463, %swap3A_464] {strides = array<i32>} : memref<64x128xf32, #tpu.memory_space<vmem>>, vector<1x16xf32>,
      %swap3A_466 = vector.shape_cast %swap3A_465 : vector<1x16xf32> to vector<16xf32>
      %swap3A_467 = vector.shape_cast %broadcast_in_dim3A_462 : vector<16xf32> to vector<1x16xf32>
      tpu.vector_store %arg14[%swap3A_463, %swap3A_464], %swap3A_467 {strides = array<i32>} : memref<64x128xf32, #tpu.memory_space<vmem>>, vector<1x16xf32>,
      %broadcast_in_dim3A_468 = arith.constant 0.000000e+00 : f32
      %broadcast_in_dim3A_469 = vector.broadcast %broadcast_in_dim3A_468 : f32 to vector<16xf32>
      %swap3A_470 = arith.index_cast %scan3A_418 : i32 to index
      %swap3A_471 = arith.constant 112 : index
      %swap3A_472 = tpu.vector_load %arg14[%swap3A_470, %swap3A_471] {strides = array<i32>} : memref<64x128xf32, #tpu.memory_space<vmem>>, vector<1x16xf32>,
      %swap3A_473 = vector.shape_cast %swap3A_472 : vector<1x16xf32> to vector<16xf32>
      %swap3A_474 = vector.shape_cast %broadcast_in_dim3A_469 : vector<16xf32> to vector<1x16xf32>
      tpu.vector_store %arg14[%swap3A_470, %swap3A_471], %swap3A_474 {strides = array<i32>} : memref<64x128xf32, #tpu.memory_space<vmem>>, vector<1x16xf32>,
    }
    %scan3A_95 = arith.constant 40 : i32
    %scan3A_96 = arith.constant 0 : i32
    %scan3A_97 = arith.constant 0 : i32
    %scan3A_98 = arith.constant 64 : i32
    %scan3A_99 = arith.addi %scan3A_97, %scan3A_98 : i32
    %scan3A_100 = arith.constant 1 : i32
    scf.for %scan3A_418 = %scan3A_97 to %scan3A_99 step %scan3A_100  : i32 {
      %broadcast_in_dim3A_419 = arith.constant 0.000000e+00 : f32
      %broadcast_in_dim3A_420 = vector.broadcast %broadcast_in_dim3A_419 : f32 to vector<16xf32>
      %swap3A_421 = arith.index_cast %scan3A_418 : i32 to index
      %swap3A_422 = arith.constant 0 : index
      %swap3A_423 = tpu.vector_load %arg17[%swap3A_421, %swap3A_422] {strides = array<i32>} : memref<64x128xf32, #tpu.memory_space<vmem>>, vector<1x16xf32>,
      %swap3A_424 = vector.shape_cast %swap3A_423 : vector<1x16xf32> to vector<16xf32>
      %swap3A_425 = vector.shape_cast %broadcast_in_dim3A_420 : vector<16xf32> to vector<1x16xf32>
      tpu.vector_store %arg17[%swap3A_421, %swap3A_422], %swap3A_425 {strides = array<i32>} : memref<64x128xf32, #tpu.memory_space<vmem>>, vector<1x16xf32>,
      %broadcast_in_dim3A_426 = arith.constant 0.000000e+00 : f32
      %broadcast_in_dim3A_427 = vector.broadcast %broadcast_in_dim3A_426 : f32 to vector<16xf32>
      %swap3A_428 = arith.index_cast %scan3A_418 : i32 to index
      %swap3A_429 = arith.constant 16 : index
      %swap3A_430 = tpu.vector_load %arg17[%swap3A_428, %swap3A_429] {strides = array<i32>} : memref<64x128xf32, #tpu.memory_space<vmem>>, vector<1x16xf32>,
      %swap3A_431 = vector.shape_cast %swap3A_430 : vector<1x16xf32> to vector<16xf32>
      %swap3A_432 = vector.shape_cast %broadcast_in_dim3A_427 : vector<16xf32> to vector<1x16xf32>
      tpu.vector_store %arg17[%swap3A_428, %swap3A_429], %swap3A_432 {strides = array<i32>} : memref<64x128xf32, #tpu.memory_space<vmem>>, vector<1x16xf32>,
      %broadcast_in_dim3A_433 = arith.constant 0.000000e+00 : f32
      %broadcast_in_dim3A_434 = vector.broadcast %broadcast_in_dim3A_433 : f32 to vector<16xf32>
      %swap3A_435 = arith.index_cast %scan3A_418 : i32 to index
      %swap3A_436 = arith.constant 32 : index
      %swap3A_437 = tpu.vector_load %arg17[%swap3A_435, %swap3A_436] {strides = array<i32>} : memref<64x128xf32, #tpu.memory_space<vmem>>, vector<1x16xf32>,
      %swap3A_438 = vector.shape_cast %swap3A_437 : vector<1x16xf32> to vector<16xf32>
      %swap3A_439 = vector.shape_cast %broadcast_in_dim3A_434 : vector<16xf32> to vector<1x16xf32>
      tpu.vector_store %arg17[%swap3A_435, %swap3A_436], %swap3A_439 {strides = array<i32>} : memref<64x128xf32, #tpu.memory_space<vmem>>, vector<1x16xf32>,
      %broadcast_in_dim3A_440 = arith.constant 0.000000e+00 : f32
      %broadcast_in_dim3A_441 = vector.broadcast %broadcast_in_dim3A_440 : f32 to vector<16xf32>
      %swap3A_442 = arith.index_cast %scan3A_418 : i32 to index
      %swap3A_443 = arith.constant 48 : index
      %swap3A_444 = tpu.vector_load %arg17[%swap3A_442, %swap3A_443] {strides = array<i32>} : memref<64x128xf32, #tpu.memory_space<vmem>>, vector<1x16xf32>,
      %swap3A_445 = vector.shape_cast %swap3A_444 : vector<1x16xf32> to vector<16xf32>
      %swap3A_446 = vector.shape_cast %broadcast_in_dim3A_441 : vector<16xf32> to vector<1x16xf32>
      tpu.vector_store %arg17[%swap3A_442, %swap3A_443], %swap3A_446 {strides = array<i32>} : memref<64x128xf32, #tpu.memory_space<vmem>>, vector<1x16xf32>,
      %broadcast_in_dim3A_447 = arith.constant 0.000000e+00 : f32
      %broadcast_in_dim3A_448 = vector.broadcast %broadcast_in_dim3A_447 : f32 to vector<16xf32>
      %swap3A_449 = arith.index_cast %scan3A_418 : i32 to index
      %swap3A_450 = arith.constant 64 : index
      %swap3A_451 = tpu.vector_load %arg17[%swap3A_449, %swap3A_450] {strides = array<i32>} : memref<64x128xf32, #tpu.memory_space<vmem>>, vector<1x16xf32>,
      %swap3A_452 = vector.shape_cast %swap3A_451 : vector<1x16xf32> to vector<16xf32>
      %swap3A_453 = vector.shape_cast %broadcast_in_dim3A_448 : vector<16xf32> to vector<1x16xf32>
      tpu.vector_store %arg17[%swap3A_449, %swap3A_450], %swap3A_453 {strides = array<i32>} : memref<64x128xf32, #tpu.memory_space<vmem>>, vector<1x16xf32>,
      %broadcast_in_dim3A_454 = arith.constant 0.000000e+00 : f32
      %broadcast_in_dim3A_455 = vector.broadcast %broadcast_in_dim3A_454 : f32 to vector<16xf32>
      %swap3A_456 = arith.index_cast %scan3A_418 : i32 to index
      %swap3A_457 = arith.constant 80 : index
      %swap3A_458 = tpu.vector_load %arg17[%swap3A_456, %swap3A_457] {strides = array<i32>} : memref<64x128xf32, #tpu.memory_space<vmem>>, vector<1x16xf32>,
      %swap3A_459 = vector.shape_cast %swap3A_458 : vector<1x16xf32> to vector<16xf32>
      %swap3A_460 = vector.shape_cast %broadcast_in_dim3A_455 : vector<16xf32> to vector<1x16xf32>
      tpu.vector_store %arg17[%swap3A_456, %swap3A_457], %swap3A_460 {strides = array<i32>} : memref<64x128xf32, #tpu.memory_space<vmem>>, vector<1x16xf32>,
      %broadcast_in_dim3A_461 = arith.constant 0.000000e+00 : f32
      %broadcast_in_dim3A_462 = vector.broadcast %broadcast_in_dim3A_461 : f32 to vector<16xf32>
      %swap3A_463 = arith.index_cast %scan3A_418 : i32 to index
      %swap3A_464 = arith.constant 96 : index
      %swap3A_465 = tpu.vector_load %arg17[%swap3A_463, %swap3A_464] {strides = array<i32>} : memref<64x128xf32, #tpu.memory_space<vmem>>, vector<1x16xf32>,
      %swap3A_466 = vector.shape_cast %swap3A_465 : vector<1x16xf32> to vector<16xf32>
      %swap3A_467 = vector.shape_cast %broadcast_in_dim3A_462 : vector<16xf32> to vector<1x16xf32>
      tpu.vector_store %arg17[%swap3A_463, %swap3A_464], %swap3A_467 {strides = array<i32>} : memref<64x128xf32, #tpu.memory_space<vmem>>, vector<1x16xf32>,
      %broadcast_in_dim3A_468 = arith.constant 0.000000e+00 : f32
      %broadcast_in_dim3A_469 = vector.broadcast %broadcast_in_dim3A_468 : f32 to vector<16xf32>
      %swap3A_470 = arith.index_cast %scan3A_418 : i32 to index
      %swap3A_471 = arith.constant 112 : index
      %swap3A_472 = tpu.vector_load %arg17[%swap3A_470, %swap3A_471] {strides = array<i32>} : memref<64x128xf32, #tpu.memory_space<vmem>>, vector<1x16xf32>,
      %swap3A_473 = vector.shape_cast %swap3A_472 : vector<1x16xf32> to vector<16xf32>
      %swap3A_474 = vector.shape_cast %broadcast_in_dim3A_469 : vector<16xf32> to vector<1x16xf32>
      tpu.vector_store %arg17[%swap3A_470, %swap3A_471], %swap3A_474 {strides = array<i32>} : memref<64x128xf32, #tpu.memory_space<vmem>>, vector<1x16xf32>,
    }
    %scan3A_101 = arith.constant 64 : i32
    %while3A = arith.constant 0 : i32
    %while3A_102 = arith.constant 0 : i32
    %while3A_103 = arith.subi %select_n3A, %while3A_102 : i32
    %while3A_104 = arith.addi %while3A_102, %while3A_103 : i32
    %while3A_105 = arith.constant 1 : i32
    %while3A_106 = arith.divsi %while3A_103, %while3A_105 : i32
    %while3A_107 = arith.muli %while3A_106, %while3A_105 : i32
    %while3A_108 = arith.addi %while3A_102, %while3A_107 : i32
    %while3A_109 = arith.constant 1 : i32
    scf.for %while3A_418 = %while3A_102 to %while3A_108 step %while3A_109  : i32 {
      %mul3A_419 = arith.constant 40 : i32
      %mul3A_420 = arith.muli %while3A_418, %mul3A_419 : i32
      %add3A_421 = arith.addi %mul3A_0, %mul3A_420 : i32
      "tpu.region"() ({
        %run_scoped3A = tpu.sem_alloc : memref<!tpu.dma_semaphore, #tpu.memory_space<semaphore_mem>>
        %dma_start3A_422 = arith.constant 0 : i32
        %dma_start3A_423 = arith.constant 0 : i32
        %dma_start3A_424 = tpu.memref_slice %arg14[%dma_start3A_422, %dma_start3A_423] : memref<64x128xf32, #tpu.memory_space<vmem>> -> memref<40x128xf32, #tpu.memory_space<vmem>>
        %dma_start3A_425 = arith.constant 0 : i32
        %dma_start3A_426 = tpu.memref_slice %arg18[%add3A_421, %dma_start3A_425] : memref<10008x128xf32, #tpu.memory_space<vmem_shared>> -> memref<40x128xf32, #tpu.memory_space<vmem_shared>>
        %dma_start3A_427 = arith.constant 0 : i32
        %dma_start3A_428 = tpu.memref_slice %arg18[%add3A_421, %dma_start3A_427] : memref<10008x128xf32, #tpu.memory_space<vmem_shared>> -> memref<40x128xf32, #tpu.memory_space<vmem_shared>>
        %dma_start3A_429 = arith.constant 0 : i32
        %dma_start3A_430 = arith.constant 0 : i32
        %dma_start3A_431 = tpu.memref_slice %arg14[%dma_start3A_429, %dma_start3A_430] : memref<64x128xf32, #tpu.memory_space<vmem>> -> memref<40x128xf32, #tpu.memory_space<vmem>>
        tpu.enqueue_dma source(%dma_start3A_431 : memref<40x128xf32, #tpu.memory_space<vmem>>) target(%dma_start3A_428 : memref<40x128xf32, #tpu.memory_space<vmem_shared>>) target_semaphore(%run_scoped3A : memref<!tpu.dma_semaphore, #tpu.memory_space<semaphore_mem>>)
        %dma_wait3A_432 = arith.constant 0 : i32
        %dma_wait3A_433 = arith.constant 0 : i32
        %dma_wait3A_434 = tpu.memref_slice %arg14[%dma_wait3A_432, %dma_wait3A_433] : memref<64x128xf32, #tpu.memory_space<vmem>> -> memref<40x128xf32, #tpu.memory_space<vmem>>
        %dma_wait3A_435 = arith.constant 0 : i32
        %dma_wait3A_436 = tpu.memref_slice %arg18[%add3A_421, %dma_wait3A_435] : memref<10008x128xf32, #tpu.memory_space<vmem_shared>> -> memref<40x128xf32, #tpu.memory_space<vmem_shared>>
        %dma_wait3A_437 = arith.constant 0 : i32
        %dma_wait3A_438 = tpu.memref_slice %arg18[%add3A_421, %dma_wait3A_437] : memref<10008x128xf32, #tpu.memory_space<vmem_shared>> -> memref<40x128xf32, #tpu.memory_space<vmem_shared>>
        %dma_wait3A_439 = arith.constant 0 : i32
        %dma_wait3A_440 = arith.constant 0 : i32
        %dma_wait3A_441 = tpu.memref_slice %arg14[%dma_wait3A_439, %dma_wait3A_440] : memref<64x128xf32, #tpu.memory_space<vmem>> -> memref<40x128xf32, #tpu.memory_space<vmem>>
        tpu.wait_dma2 semaphore(%run_scoped3A : memref<!tpu.dma_semaphore, #tpu.memory_space<semaphore_mem>>) src(%dma_wait3A_441 : memref<40x128xf32, #tpu.memory_space<vmem>>) dst(%dma_wait3A_438 : memref<40x128xf32, #tpu.memory_space<vmem_shared>>)
        tpu.yield
      }) : () -> ()
    }
    %while3A_110 = arith.constant 1 : i32
    scf.for %while3A_418 = %while3A_108 to %while3A_104 step %while3A_110  : i32 {
      %mul3A_419 = arith.constant 40 : i32
      %mul3A_420 = arith.muli %while3A_418, %mul3A_419 : i32
      %add3A_421 = arith.addi %mul3A_0, %mul3A_420 : i32
      "tpu.region"() ({
        %run_scoped3A = tpu.sem_alloc : memref<!tpu.dma_semaphore, #tpu.memory_space<semaphore_mem>>
        %dma_start3A_422 = arith.constant 0 : i32
        %dma_start3A_423 = arith.constant 0 : i32
        %dma_start3A_424 = tpu.memref_slice %arg14[%dma_start3A_422, %dma_start3A_423] : memref<64x128xf32, #tpu.memory_space<vmem>> -> memref<40x128xf32, #tpu.memory_space<vmem>>
        %dma_start3A_425 = arith.constant 0 : i32
        %dma_start3A_426 = tpu.memref_slice %arg18[%add3A_421, %dma_start3A_425] : memref<10008x128xf32, #tpu.memory_space<vmem_shared>> -> memref<40x128xf32, #tpu.memory_space<vmem_shared>>
        %dma_start3A_427 = arith.constant 0 : i32
        %dma_start3A_428 = tpu.memref_slice %arg18[%add3A_421, %dma_start3A_427] : memref<10008x128xf32, #tpu.memory_space<vmem_shared>> -> memref<40x128xf32, #tpu.memory_space<vmem_shared>>
        %dma_start3A_429 = arith.constant 0 : i32
        %dma_start3A_430 = arith.constant 0 : i32
        %dma_start3A_431 = tpu.memref_slice %arg14[%dma_start3A_429, %dma_start3A_430] : memref<64x128xf32, #tpu.memory_space<vmem>> -> memref<40x128xf32, #tpu.memory_space<vmem>>
        tpu.enqueue_dma source(%dma_start3A_431 : memref<40x128xf32, #tpu.memory_space<vmem>>) target(%dma_start3A_428 : memref<40x128xf32, #tpu.memory_space<vmem_shared>>) target_semaphore(%run_scoped3A : memref<!tpu.dma_semaphore, #tpu.memory_space<semaphore_mem>>)
        %dma_wait3A_432 = arith.constant 0 : i32
        %dma_wait3A_433 = arith.constant 0 : i32
        %dma_wait3A_434 = tpu.memref_slice %arg14[%dma_wait3A_432, %dma_wait3A_433] : memref<64x128xf32, #tpu.memory_space<vmem>> -> memref<40x128xf32, #tpu.memory_space<vmem>>
        %dma_wait3A_435 = arith.constant 0 : i32
        %dma_wait3A_436 = tpu.memref_slice %arg18[%add3A_421, %dma_wait3A_435] : memref<10008x128xf32, #tpu.memory_space<vmem_shared>> -> memref<40x128xf32, #tpu.memory_space<vmem_shared>>
        %dma_wait3A_437 = arith.constant 0 : i32
        %dma_wait3A_438 = tpu.memref_slice %arg18[%add3A_421, %dma_wait3A_437] : memref<10008x128xf32, #tpu.memory_space<vmem_shared>> -> memref<40x128xf32, #tpu.memory_space<vmem_shared>>
        %dma_wait3A_439 = arith.constant 0 : i32
        %dma_wait3A_440 = arith.constant 0 : i32
        %dma_wait3A_441 = tpu.memref_slice %arg14[%dma_wait3A_439, %dma_wait3A_440] : memref<64x128xf32, #tpu.memory_space<vmem>> -> memref<40x128xf32, #tpu.memory_space<vmem>>
        tpu.wait_dma2 semaphore(%run_scoped3A : memref<!tpu.dma_semaphore, #tpu.memory_space<semaphore_mem>>) src(%dma_wait3A_441 : memref<40x128xf32, #tpu.memory_space<vmem>>) dst(%dma_wait3A_438 : memref<40x128xf32, #tpu.memory_space<vmem_shared>>)
        tpu.yield
      }) : () -> ()
    }
    %barrier3A = arith.constant 0 : index
    tpu.barrier barrier_id(%barrier3A)
    %shift_right_logical3A = arith.constant 0 : i32
    %shift_right_logical3A_111 = arith.constant 1 : i32
    %shift_right_logical3A_112 = arith.shrui %shift_right_logical3A, %shift_right_logical3A_111 : i32
    %min3A_113 = arith.constant 78 : i32
    %min3A_114 = arith.minsi %shift_right_logical3A_112, %min3A_113 : i32
    %shift_right_logical3A_115 = arith.constant 0 : i32
    %shift_right_logical3A_116 = arith.constant 1 : i32
    %shift_right_logical3A_117 = arith.shrui %shift_right_logical3A_115, %shift_right_logical3A_116 : i32
    %mul3A_118 = arith.constant 2 : i32
    %mul3A_119 = arith.muli %mul3A_118, %shift_right_logical3A_117 : i32
    %sub3A = arith.constant 0 : i32
    %sub3A_120 = arith.subi %sub3A, %mul3A_119 : i32
    %mul3A_121 = arith.constant 64 : i32
    %mul3A_122 = arith.muli %sub3A_120, %mul3A_121 : i32
    %add3A_123 = arith.constant 0 : i32
    %add3A_124 = arith.addi %mul3A_122, %add3A_123 : i32
    %get3A = arith.index_cast %min3A_114 : i32 to index
    %get3A_125 = arith.index_cast %add3A_124 : i32 to index
    %get3A_126 = tpu.vector_load %arg7[%get3A, %get3A_125] {strides = array<i32>} : memref<80x128xi32, #tpu.memory_space<vmem>>, vector<1x16xi32>,
    %get3A_127 = vector.shape_cast %get3A_126 : vector<1x16xi32> to vector<16xi32>
    %shift_right_logical3A_128 = arith.constant 16 : i32
    %shift_right_logical3A_129 = vector.broadcast %shift_right_logical3A_128 : i32 to vector<16xi32>
    %shift_right_logical3A_130 = arith.shrui %get3A_127, %shift_right_logical3A_129 : vector<16xi32>
    %mul3A_131 = arith.constant 10000 : i32
    %mul3A_132 = arith.muli %add3A_90, %mul3A_131 : i32
    %add3A_133 = vector.broadcast %mul3A_132 : i32 to vector<16xi32>
    %add3A_134 = arith.addi %shift_right_logical3A_130, %add3A_133 : vector<16xi32>
    %swap3A_135 = arith.constant 0 : i32
    %swap3A_136 = arith.index_cast %swap3A_135 : i32 to index
    %swap3A_137 = arith.constant 0 : index
    %swap3A_138 = tpu.vector_load %arg8[%swap3A_136, %swap3A_137] {strides = array<i32>} : memref<1x64xi32, #tpu.memory_space<vmem>>, vector<1x16xi32>,
    %swap3A_139 = vector.shape_cast %swap3A_138 : vector<1x16xi32> to vector<16xi32>
    %swap3A_140 = vector.shape_cast %add3A_134 : vector<16xi32> to vector<1x16xi32>
    tpu.vector_store %arg8[%swap3A_136, %swap3A_137], %swap3A_140 {strides = array<i32>} : memref<1x64xi32, #tpu.memory_space<vmem>>, vector<1x16xi32>,
    %mul3A_141 = arith.constant 65536 : i32
    %mul3A_142 = vector.broadcast %mul3A_141 : i32 to vector<16xi32>
    %mul3A_143 = arith.muli %shift_right_logical3A_130, %mul3A_142 : vector<16xi32>
    %sub3A_144 = arith.subi %get3A_127, %mul3A_143 : vector<16xi32>
    %swap3A_145 = arith.constant 0 : i32
    %swap3A_146 = arith.index_cast %swap3A_145 : i32 to index
    %swap3A_147 = arith.constant 0 : index
    %swap3A_148 = tpu.vector_load %arg10[%swap3A_146, %swap3A_147] {strides = array<i32>} : memref<1x64xi32, #tpu.memory_space<vmem>>, vector<1x16xi32>,
    %swap3A_149 = vector.shape_cast %swap3A_148 : vector<1x16xi32> to vector<16xi32>
    %swap3A_150 = vector.shape_cast %sub3A_144 : vector<16xi32> to vector<1x16xi32>
    tpu.vector_store %arg10[%swap3A_146, %swap3A_147], %swap3A_150 {strides = array<i32>} : memref<1x64xi32, #tpu.memory_space<vmem>>, vector<1x16xi32>,
    %mul3A_151 = arith.constant 160000 : i32
    %mul3A_152 = arith.muli %add3A_90, %mul3A_151 : i32
    %mul3A_153 = arith.constant 0 : i32
    %mul3A_154 = arith.constant 64 : i32
    %mul3A_155 = arith.muli %mul3A_153, %mul3A_154 : i32
    %add3A_156 = arith.addi %mul3A_4, %mul3A_155 : i32
    %add3A_157 = arith.constant 0 : i32
    %add3A_158 = arith.addi %add3A_156, %add3A_157 : i32
    %add3A_159 = vector.broadcast %add3A_158 : i32 to vector<16xi32>
    %add3A_160 = arith.addi %iota3A, %add3A_159 : vector<16xi32>
    %min3A_161 = arith.constant 159999 : i32
    %min3A_162 = vector.broadcast %min3A_161 : i32 to vector<16xi32>
    %min3A_163 = arith.minsi %add3A_160, %min3A_162 : vector<16xi32>
    %add3A_164 = vector.broadcast %mul3A_152 : i32 to vector<16xi32>
    %add3A_165 = arith.addi %add3A_164, %min3A_163 : vector<16xi32>
    %swap3A_166 = arith.constant 0 : i32
    %swap3A_167 = arith.index_cast %swap3A_166 : i32 to index
    %swap3A_168 = arith.constant 0 : index
    %swap3A_169 = tpu.vector_load %arg12[%swap3A_167, %swap3A_168] {strides = array<i32>} : memref<1x64xi32, #tpu.memory_space<vmem>>, vector<1x16xi32>,
    %swap3A_170 = vector.shape_cast %swap3A_169 : vector<1x16xi32> to vector<16xi32>
    %swap3A_171 = vector.shape_cast %add3A_165 : vector<16xi32> to vector<1x16xi32>
    tpu.vector_store %arg12[%swap3A_167, %swap3A_168], %swap3A_171 {strides = array<i32>} : memref<1x64xi32, #tpu.memory_space<vmem>>, vector<1x16xi32>,
    %mul3A_172 = arith.constant 64 : i32
    %mul3A_173 = arith.muli %sub3A_120, %mul3A_172 : i32
    %add3A_174 = arith.constant 16 : i32
    %add3A_175 = arith.addi %mul3A_173, %add3A_174 : i32
    %get3A_176 = arith.index_cast %min3A_114 : i32 to index
    %get3A_177 = arith.index_cast %add3A_175 : i32 to index
    %get3A_178 = tpu.vector_load %arg7[%get3A_176, %get3A_177] {strides = array<i32>} : memref<80x128xi32, #tpu.memory_space<vmem>>, vector<1x16xi32>,
    %get3A_179 = vector.shape_cast %get3A_178 : vector<1x16xi32> to vector<16xi32>
    %shift_right_logical3A_180 = arith.constant 16 : i32
    %shift_right_logical3A_181 = vector.broadcast %shift_right_logical3A_180 : i32 to vector<16xi32>
    %shift_right_logical3A_182 = arith.shrui %get3A_179, %shift_right_logical3A_181 : vector<16xi32>
    %mul3A_183 = arith.constant 10000 : i32
    %mul3A_184 = arith.muli %add3A_90, %mul3A_183 : i32
    %add3A_185 = vector.broadcast %mul3A_184 : i32 to vector<16xi32>
    %add3A_186 = arith.addi %shift_right_logical3A_182, %add3A_185 : vector<16xi32>
    %swap3A_187 = arith.constant 0 : i32
    %swap3A_188 = arith.index_cast %swap3A_187 : i32 to index
    %swap3A_189 = arith.constant 16 : index
    %swap3A_190 = tpu.vector_load %arg8[%swap3A_188, %swap3A_189] {strides = array<i32>} : memref<1x64xi32, #tpu.memory_space<vmem>>, vector<1x16xi32>,
    %swap3A_191 = vector.shape_cast %swap3A_190 : vector<1x16xi32> to vector<16xi32>
    %swap3A_192 = vector.shape_cast %add3A_186 : vector<16xi32> to vector<1x16xi32>
    tpu.vector_store %arg8[%swap3A_188, %swap3A_189], %swap3A_192 {strides = array<i32>} : memref<1x64xi32, #tpu.memory_space<vmem>>, vector<1x16xi32>,
    %mul3A_193 = arith.constant 65536 : i32
    %mul3A_194 = vector.broadcast %mul3A_193 : i32 to vector<16xi32>
    %mul3A_195 = arith.muli %shift_right_logical3A_182, %mul3A_194 : vector<16xi32>
    %sub3A_196 = arith.subi %get3A_179, %mul3A_195 : vector<16xi32>
    %swap3A_197 = arith.constant 0 : i32
    %swap3A_198 = arith.index_cast %swap3A_197 : i32 to index
    %swap3A_199 = arith.constant 16 : index
    %swap3A_200 = tpu.vector_load %arg10[%swap3A_198, %swap3A_199] {strides = array<i32>} : memref<1x64xi32, #tpu.memory_space<vmem>>, vector<1x16xi32>,
    %swap3A_201 = vector.shape_cast %swap3A_200 : vector<1x16xi32> to vector<16xi32>
    %swap3A_202 = vector.shape_cast %sub3A_196 : vector<16xi32> to vector<1x16xi32>
    tpu.vector_store %arg10[%swap3A_198, %swap3A_199], %swap3A_202 {strides = array<i32>} : memref<1x64xi32, #tpu.memory_space<vmem>>, vector<1x16xi32>,
    %mul3A_203 = arith.constant 160000 : i32
    %mul3A_204 = arith.muli %add3A_90, %mul3A_203 : i32
    %mul3A_205 = arith.constant 0 : i32
    %mul3A_206 = arith.constant 64 : i32
    %mul3A_207 = arith.muli %mul3A_205, %mul3A_206 : i32
    %add3A_208 = arith.addi %mul3A_4, %mul3A_207 : i32
    %add3A_209 = arith.constant 16 : i32
    %add3A_210 = arith.addi %add3A_208, %add3A_209 : i32
    %add3A_211 = vector.broadcast %add3A_210 : i32 to vector<16xi32>
    %add3A_212 = arith.addi %iota3A, %add3A_211 : vector<16xi32>
    %min3A_213 = arith.constant 159999 : i32
    %min3A_214 = vector.broadcast %min3A_213 : i32 to vector<16xi32>
    %min3A_215 = arith.minsi %add3A_212, %min3A_214 : vector<16xi32>
    %add3A_216 = vector.broadcast %mul3A_204 : i32 to vector<16xi32>
    %add3A_217 = arith.addi %add3A_216, %min3A_215 : vector<16xi32>
    %swap3A_218 = arith.constant 0 : i32
    %swap3A_219 = arith.index_cast %swap3A_218 : i32 to index
    %swap3A_220 = arith.constant 16 : index
    %swap3A_221 = tpu.vector_load %arg12[%swap3A_219, %swap3A_220] {strides = array<i32>} : memref<1x64xi32, #tpu.memory_space<vmem>>, vector<1x16xi32>,
    %swap3A_222 = vector.shape_cast %swap3A_221 : vector<1x16xi32> to vector<16xi32>
    %swap3A_223 = vector.shape_cast %add3A_217 : vector<16xi32> to vector<1x16xi32>
    tpu.vector_store %arg12[%swap3A_219, %swap3A_220], %swap3A_223 {strides = array<i32>} : memref<1x64xi32, #tpu.memory_space<vmem>>, vector<1x16xi32>,
    %mul3A_224 = arith.constant 64 : i32
    %mul3A_225 = arith.muli %sub3A_120, %mul3A_224 : i32
    %add3A_226 = arith.constant 32 : i32
    %add3A_227 = arith.addi %mul3A_225, %add3A_226 : i32
    %get3A_228 = arith.index_cast %min3A_114 : i32 to index
    %get3A_229 = arith.index_cast %add3A_227 : i32 to index
    %get3A_230 = tpu.vector_load %arg7[%get3A_228, %get3A_229] {strides = array<i32>} : memref<80x128xi32, #tpu.memory_space<vmem>>, vector<1x16xi32>,
    %get3A_231 = vector.shape_cast %get3A_230 : vector<1x16xi32> to vector<16xi32>
    %shift_right_logical3A_232 = arith.constant 16 : i32
    %shift_right_logical3A_233 = vector.broadcast %shift_right_logical3A_232 : i32 to vector<16xi32>
    %shift_right_logical3A_234 = arith.shrui %get3A_231, %shift_right_logical3A_233 : vector<16xi32>
    %mul3A_235 = arith.constant 10000 : i32
    %mul3A_236 = arith.muli %add3A_90, %mul3A_235 : i32
    %add3A_237 = vector.broadcast %mul3A_236 : i32 to vector<16xi32>
    %add3A_238 = arith.addi %shift_right_logical3A_234, %add3A_237 : vector<16xi32>
    %swap3A_239 = arith.constant 0 : i32
    %swap3A_240 = arith.index_cast %swap3A_239 : i32 to index
    %swap3A_241 = arith.constant 32 : index
    %swap3A_242 = tpu.vector_load %arg8[%swap3A_240, %swap3A_241] {strides = array<i32>} : memref<1x64xi32, #tpu.memory_space<vmem>>, vector<1x16xi32>,
    %swap3A_243 = vector.shape_cast %swap3A_242 : vector<1x16xi32> to vector<16xi32>
    %swap3A_244 = vector.shape_cast %add3A_238 : vector<16xi32> to vector<1x16xi32>
    tpu.vector_store %arg8[%swap3A_240, %swap3A_241], %swap3A_244 {strides = array<i32>} : memref<1x64xi32, #tpu.memory_space<vmem>>, vector<1x16xi32>,
    %mul3A_245 = arith.constant 65536 : i32
    %mul3A_246 = vector.broadcast %mul3A_245 : i32 to vector<16xi32>
    %mul3A_247 = arith.muli %shift_right_logical3A_234, %mul3A_246 : vector<16xi32>
    %sub3A_248 = arith.subi %get3A_231, %mul3A_247 : vector<16xi32>
    %swap3A_249 = arith.constant 0 : i32
    %swap3A_250 = arith.index_cast %swap3A_249 : i32 to index
    %swap3A_251 = arith.constant 32 : index
    %swap3A_252 = tpu.vector_load %arg10[%swap3A_250, %swap3A_251] {strides = array<i32>} : memref<1x64xi32, #tpu.memory_space<vmem>>, vector<1x16xi32>,
    %swap3A_253 = vector.shape_cast %swap3A_252 : vector<1x16xi32> to vector<16xi32>
    %swap3A_254 = vector.shape_cast %sub3A_248 : vector<16xi32> to vector<1x16xi32>
    tpu.vector_store %arg10[%swap3A_250, %swap3A_251], %swap3A_254 {strides = array<i32>} : memref<1x64xi32, #tpu.memory_space<vmem>>, vector<1x16xi32>,
    %mul3A_255 = arith.constant 160000 : i32
    %mul3A_256 = arith.muli %add3A_90, %mul3A_255 : i32
    %mul3A_257 = arith.constant 0 : i32
    %mul3A_258 = arith.constant 64 : i32
    %mul3A_259 = arith.muli %mul3A_257, %mul3A_258 : i32
    %add3A_260 = arith.addi %mul3A_4, %mul3A_259 : i32
    %add3A_261 = arith.constant 32 : i32
    %add3A_262 = arith.addi %add3A_260, %add3A_261 : i32
    %add3A_263 = vector.broadcast %add3A_262 : i32 to vector<16xi32>
    %add3A_264 = arith.addi %iota3A, %add3A_263 : vector<16xi32>
    %min3A_265 = arith.constant 159999 : i32
    %min3A_266 = vector.broadcast %min3A_265 : i32 to vector<16xi32>
    %min3A_267 = arith.minsi %add3A_264, %min3A_266 : vector<16xi32>
    %add3A_268 = vector.broadcast %mul3A_256 : i32 to vector<16xi32>
    %add3A_269 = arith.addi %add3A_268, %min3A_267 : vector<16xi32>
    %swap3A_270 = arith.constant 0 : i32
    %swap3A_271 = arith.index_cast %swap3A_270 : i32 to index
    %swap3A_272 = arith.constant 32 : index
    %swap3A_273 = tpu.vector_load %arg12[%swap3A_271, %swap3A_272] {strides = array<i32>} : memref<1x64xi32, #tpu.memory_space<vmem>>, vector<1x16xi32>,
    %swap3A_274 = vector.shape_cast %swap3A_273 : vector<1x16xi32> to vector<16xi32>
    %swap3A_275 = vector.shape_cast %add3A_269 : vector<16xi32> to vector<1x16xi32>
    tpu.vector_store %arg12[%swap3A_271, %swap3A_272], %swap3A_275 {strides = array<i32>} : memref<1x64xi32, #tpu.memory_space<vmem>>, vector<1x16xi32>,
    %mul3A_276 = arith.constant 64 : i32
    %mul3A_277 = arith.muli %sub3A_120, %mul3A_276 : i32
    %add3A_278 = arith.constant 48 : i32
    %add3A_279 = arith.addi %mul3A_277, %add3A_278 : i32
    %get3A_280 = arith.index_cast %min3A_114 : i32 to index
    %get3A_281 = arith.index_cast %add3A_279 : i32 to index
    %get3A_282 = tpu.vector_load %arg7[%get3A_280, %get3A_281] {strides = array<i32>} : memref<80x128xi32, #tpu.memory_space<vmem>>, vector<1x16xi32>,
    %get3A_283 = vector.shape_cast %get3A_282 : vector<1x16xi32> to vector<16xi32>
    %shift_right_logical3A_284 = arith.constant 16 : i32
    %shift_right_logical3A_285 = vector.broadcast %shift_right_logical3A_284 : i32 to vector<16xi32>
    %shift_right_logical3A_286 = arith.shrui %get3A_283, %shift_right_logical3A_285 : vector<16xi32>
    %mul3A_287 = arith.constant 10000 : i32
    %mul3A_288 = arith.muli %add3A_90, %mul3A_287 : i32
    %add3A_289 = vector.broadcast %mul3A_288 : i32 to vector<16xi32>
    %add3A_290 = arith.addi %shift_right_logical3A_286, %add3A_289 : vector<16xi32>
    %swap3A_291 = arith.constant 0 : i32
    %swap3A_292 = arith.index_cast %swap3A_291 : i32 to index
    %swap3A_293 = arith.constant 48 : index
    %swap3A_294 = tpu.vector_load %arg8[%swap3A_292, %swap3A_293] {strides = array<i32>} : memref<1x64xi32, #tpu.memory_space<vmem>>, vector<1x16xi32>,
    %swap3A_295 = vector.shape_cast %swap3A_294 : vector<1x16xi32> to vector<16xi32>
    %swap3A_296 = vector.shape_cast %add3A_290 : vector<16xi32> to vector<1x16xi32>
    tpu.vector_store %arg8[%swap3A_292, %swap3A_293], %swap3A_296 {strides = array<i32>} : memref<1x64xi32, #tpu.memory_space<vmem>>, vector<1x16xi32>,
    %mul3A_297 = arith.constant 65536 : i32
    %mul3A_298 = vector.broadcast %mul3A_297 : i32 to vector<16xi32>
    %mul3A_299 = arith.muli %shift_right_logical3A_286, %mul3A_298 : vector<16xi32>
    %sub3A_300 = arith.subi %get3A_283, %mul3A_299 : vector<16xi32>
    %swap3A_301 = arith.constant 0 : i32
    %swap3A_302 = arith.index_cast %swap3A_301 : i32 to index
    %swap3A_303 = arith.constant 48 : index
    %swap3A_304 = tpu.vector_load %arg10[%swap3A_302, %swap3A_303] {strides = array<i32>} : memref<1x64xi32, #tpu.memory_space<vmem>>, vector<1x16xi32>,
    %swap3A_305 = vector.shape_cast %swap3A_304 : vector<1x16xi32> to vector<16xi32>
    %swap3A_306 = vector.shape_cast %sub3A_300 : vector<16xi32> to vector<1x16xi32>
    tpu.vector_store %arg10[%swap3A_302, %swap3A_303], %swap3A_306 {strides = array<i32>} : memref<1x64xi32, #tpu.memory_space<vmem>>, vector<1x16xi32>,
    %mul3A_307 = arith.constant 160000 : i32
    %mul3A_308 = arith.muli %add3A_90, %mul3A_307 : i32
    %mul3A_309 = arith.constant 0 : i32
    %mul3A_310 = arith.constant 64 : i32
    %mul3A_311 = arith.muli %mul3A_309, %mul3A_310 : i32
    %add3A_312 = arith.addi %mul3A_4, %mul3A_311 : i32
    %add3A_313 = arith.constant 48 : i32
    %add3A_314 = arith.addi %add3A_312, %add3A_313 : i32
    %add3A_315 = vector.broadcast %add3A_314 : i32 to vector<16xi32>
    %add3A_316 = arith.addi %iota3A, %add3A_315 : vector<16xi32>
    %min3A_317 = arith.constant 159999 : i32
    %min3A_318 = vector.broadcast %min3A_317 : i32 to vector<16xi32>
    %min3A_319 = arith.minsi %add3A_316, %min3A_318 : vector<16xi32>
    %add3A_320 = vector.broadcast %mul3A_308 : i32 to vector<16xi32>
    %add3A_321 = arith.addi %add3A_320, %min3A_319 : vector<16xi32>
    %swap3A_322 = arith.constant 0 : i32
    %swap3A_323 = arith.index_cast %swap3A_322 : i32 to index
    %swap3A_324 = arith.constant 48 : index
    %swap3A_325 = tpu.vector_load %arg12[%swap3A_323, %swap3A_324] {strides = array<i32>} : memref<1x64xi32, #tpu.memory_space<vmem>>, vector<1x16xi32>,
    %swap3A_326 = vector.shape_cast %swap3A_325 : vector<1x16xi32> to vector<16xi32>
    %swap3A_327 = vector.shape_cast %add3A_321 : vector<16xi32> to vector<1x16xi32>
    tpu.vector_store %arg12[%swap3A_323, %swap3A_324], %swap3A_327 {strides = array<i32>} : memref<1x64xi32, #tpu.memory_space<vmem>>, vector<1x16xi32>,
    %dma_start3A_328 = arith.constant 0 : i32
    %dma_start3A_329 = arith.constant 0 : i32
    %dma_start3A_330 = tpu.memref_slice %arg12[%dma_start3A_328, %dma_start3A_329] : memref<1x64xi32, #tpu.memory_space<vmem>> -> memref<1x64xi32, #tpu.memory_space<vmem>>
    %dma_start3A_331 = tpu.memref_squeeze %dma_start3A_330 : memref<1x64xi32, #tpu.memory_space<vmem>> -> memref<64xi32, #tpu.memory_space<vmem>>
    %dma_start3A_332 = arith.constant 0 : i32
    %dma_start3A_333 = arith.constant 0 : i32
    %dma_start3A_334 = tpu.memref_slice %arg3[%dma_start3A_332, %dma_start3A_333] : memref<320000x128xf32, #tpu.memory_space<hbm>> -> memref<320000x128xf32, #tpu.memory_space<hbm>>
    tpu.enqueue_indirect_dma source(%dma_start3A_334 : memref<320000x128xf32, #tpu.memory_space<hbm>>) target(%arg16 : memref<64x128xf32, #tpu.memory_space<vmem>>) offsets(%dma_start3A_331 : memref<64xi32, #tpu.memory_space<vmem>>) semaphore(%arg19 : memref<!tpu.dma_semaphore, #tpu.memory_space<semaphore_mem>>)
    %dma_start3A_335 = arith.constant 0 : i32
    %dma_start3A_336 = arith.constant 0 : i32
    %dma_start3A_337 = tpu.memref_slice %arg8[%dma_start3A_335, %dma_start3A_336] : memref<1x64xi32, #tpu.memory_space<vmem>> -> memref<1x64xi32, #tpu.memory_space<vmem>>
    %dma_start3A_338 = tpu.memref_squeeze %dma_start3A_337 : memref<1x64xi32, #tpu.memory_space<vmem>> -> memref<64xi32, #tpu.memory_space<vmem>>
    %dma_start3A_339 = arith.constant 0 : i32
    %dma_start3A_340 = arith.constant 0 : i32
    %dma_start3A_341 = tpu.memref_slice %arg2[%dma_start3A_339, %dma_start3A_340] : memref<20000x128xf32, #tpu.memory_space<hbm>> -> memref<20000x128xf32, #tpu.memory_space<hbm>>
    tpu.enqueue_indirect_dma source(%dma_start3A_341 : memref<20000x128xf32, #tpu.memory_space<hbm>>) target(%arg14 : memref<64x128xf32, #tpu.memory_space<vmem>>) offsets(%dma_start3A_338 : memref<64xi32, #tpu.memory_space<vmem>>) semaphore(%arg19 : memref<!tpu.dma_semaphore, #tpu.memory_space<semaphore_mem>>)
    %broadcast_in_dim3A = arith.constant 10000 : i32
    %broadcast_in_dim3A_342 = vector.broadcast %broadcast_in_dim3A : i32 to vector<16xi32>
    %swap3A_343 = arith.constant 0 : i32
    %swap3A_344 = arith.index_cast %swap3A_343 : i32 to index
    %swap3A_345 = arith.constant 0 : index
    %swap3A_346 = tpu.vector_load %arg11[%swap3A_344, %swap3A_345] {strides = array<i32>} : memref<1x64xi32, #tpu.memory_space<vmem>>, vector<1x16xi32>,
    %swap3A_347 = vector.shape_cast %swap3A_346 : vector<1x16xi32> to vector<16xi32>
    %swap3A_348 = vector.shape_cast %broadcast_in_dim3A_342 : vector<16xi32> to vector<1x16xi32>
    tpu.vector_store %arg11[%swap3A_344, %swap3A_345], %swap3A_348 {strides = array<i32>} : memref<1x64xi32, #tpu.memory_space<vmem>>, vector<1x16xi32>,
    %broadcast_in_dim3A_349 = arith.constant 10000 : i32
    %broadcast_in_dim3A_350 = vector.broadcast %broadcast_in_dim3A_349 : i32 to vector<16xi32>
    %swap3A_351 = arith.constant 0 : i32
    %swap3A_352 = arith.index_cast %swap3A_351 : i32 to index
    %swap3A_353 = arith.constant 16 : index
    %swap3A_354 = tpu.vector_load %arg11[%swap3A_352, %swap3A_353] {strides = array<i32>} : memref<1x64xi32, #tpu.memory_space<vmem>>, vector<1x16xi32>,
    %swap3A_355 = vector.shape_cast %swap3A_354 : vector<1x16xi32> to vector<16xi32>
    %swap3A_356 = vector.shape_cast %broadcast_in_dim3A_350 : vector<16xi32> to vector<1x16xi32>
    tpu.vector_store %arg11[%swap3A_352, %swap3A_353], %swap3A_356 {strides = array<i32>} : memref<1x64xi32, #tpu.memory_space<vmem>>, vector<1x16xi32>,
    %broadcast_in_dim3A_357 = arith.constant 10000 : i32
    %broadcast_in_dim3A_358 = vector.broadcast %broadcast_in_dim3A_357 : i32 to vector<16xi32>
    %swap3A_359 = arith.constant 0 : i32
    %swap3A_360 = arith.index_cast %swap3A_359 : i32 to index
    %swap3A_361 = arith.constant 32 : index
    %swap3A_362 = tpu.vector_load %arg11[%swap3A_360, %swap3A_361] {strides = array<i32>} : memref<1x64xi32, #tpu.memory_space<vmem>>, vector<1x16xi32>,
    %swap3A_363 = vector.shape_cast %swap3A_362 : vector<1x16xi32> to vector<16xi32>
    %swap3A_364 = vector.shape_cast %broadcast_in_dim3A_358 : vector<16xi32> to vector<1x16xi32>
    tpu.vector_store %arg11[%swap3A_360, %swap3A_361], %swap3A_364 {strides = array<i32>} : memref<1x64xi32, #tpu.memory_space<vmem>>, vector<1x16xi32>,
    %broadcast_in_dim3A_365 = arith.constant 10000 : i32
    %broadcast_in_dim3A_366 = vector.broadcast %broadcast_in_dim3A_365 : i32 to vector<16xi32>
    %swap3A_367 = arith.constant 0 : i32
    %swap3A_368 = arith.index_cast %swap3A_367 : i32 to index
    %swap3A_369 = arith.constant 48 : index
    %swap3A_370 = tpu.vector_load %arg11[%swap3A_368, %swap3A_369] {strides = array<i32>} : memref<1x64xi32, #tpu.memory_space<vmem>>, vector<1x16xi32>,
    %swap3A_371 = vector.shape_cast %swap3A_370 : vector<1x16xi32> to vector<16xi32>
    %swap3A_372 = vector.shape_cast %broadcast_in_dim3A_366 : vector<16xi32> to vector<1x16xi32>
    tpu.vector_store %arg11[%swap3A_368, %swap3A_369], %swap3A_372 {strides = array<i32>} : memref<1x64xi32, #tpu.memory_space<vmem>>, vector<1x16xi32>,
    %dma_start3A_373 = arith.constant 0 : i32
    %dma_start3A_374 = arith.constant 0 : i32
    %dma_start3A_375 = tpu.memref_slice %arg11[%dma_start3A_373, %dma_start3A_374] : memref<1x64xi32, #tpu.memory_space<vmem>> -> memref<1x64xi32, #tpu.memory_space<vmem>>
    %dma_start3A_376 = tpu.memref_squeeze %dma_start3A_375 : memref<1x64xi32, #tpu.memory_space<vmem>> -> memref<64xi32, #tpu.memory_space<vmem>>
    %dma_start3A_377 = arith.constant 0 : i32
    %dma_start3A_378 = arith.constant 0 : i32
    %dma_start3A_379 = tpu.memref_slice %arg18[%dma_start3A_377, %dma_start3A_378] : memref<10008x128xf32, #tpu.memory_space<vmem_shared>> -> memref<10008x128xf32, #tpu.memory_space<vmem_shared>>
    tpu.enqueue_indirect_dma source(%arg17 : memref<64x128xf32, #tpu.memory_space<vmem>>) target(%dma_start3A_379 : memref<10008x128xf32, #tpu.memory_space<vmem_shared>>) offsets(%dma_start3A_376 : memref<64xi32, #tpu.memory_space<vmem>>) semaphore(%arg20 : memref<!tpu.dma_semaphore, #tpu.memory_space<semaphore_mem>>) {add = true}
    %scan3A_380 = arith.constant 0 : i32
    %scan3A_381 = arith.constant 0 : i32
    %scan3A_382 = arith.constant 79 : i32
    %scan3A_383 = arith.addi %scan3A_381, %scan3A_382 : i32
    %scan3A_384 = arith.constant 1 : i32
    scf.for %scan3A_418 = %scan3A_381 to %scan3A_383 step %scan3A_384  : i32 {
      %mul3A_419 = arith.constant 2 : i32
      %mul3A_420 = arith.muli %mul3A_419, %scan3A_418 : i32
      %add3A_421 = arith.constant 0 : i32
      %add3A_422 = arith.addi %mul3A_420, %add3A_421 : i32
      %dma_wait3A_423 = arith.constant 0 : i32
      %dma_wait3A_424 = arith.constant 0 : i32
      %dma_wait3A_425 = tpu.memref_slice %arg12[%dma_wait3A_423, %dma_wait3A_424] : memref<1x64xi32, #tpu.memory_space<vmem>> -> memref<1x64xi32, #tpu.memory_space<vmem>>
      %dma_wait3A_426 = tpu.memref_squeeze %dma_wait3A_425 : memref<1x64xi32, #tpu.memory_space<vmem>> -> memref<64xi32, #tpu.memory_space<vmem>>
      %dma_wait3A_427 = arith.constant 0 : i32
      %dma_wait3A_428 = arith.constant 0 : i32
      %dma_wait3A_429 = tpu.memref_slice %arg3[%dma_wait3A_427, %dma_wait3A_428] : memref<320000x128xf32, #tpu.memory_space<hbm>> -> memref<320000x128xf32, #tpu.memory_space<hbm>>
      tpu.wait_indirect_dma semaphore(%arg19 : memref<!tpu.dma_semaphore, #tpu.memory_space<semaphore_mem>>) src(%dma_wait3A_429 : memref<320000x128xf32, #tpu.memory_space<hbm>>) dst(%arg16 : memref<64x128xf32, #tpu.memory_space<vmem>>)
      %dma_wait3A_430 = arith.constant 0 : i32
      %dma_wait3A_431 = arith.constant 0 : i32
      %dma_wait3A_432 = tpu.memref_slice %arg8[%dma_wait3A_430, %dma_wait3A_431] : memref<1x64xi32, #tpu.memory_space<vmem>> -> memref<1x64xi32, #tpu.memory_space<vmem>>
      %dma_wait3A_433 = tpu.memref_squeeze %dma_wait3A_432 : memref<1x64xi32, #tpu.memory_space<vmem>> -> memref<64xi32, #tpu.memory_space<vmem>>
      %dma_wait3A_434 = arith.constant 0 : i32
      %dma_wait3A_435 = arith.constant 0 : i32
      %dma_wait3A_436 = tpu.memref_slice %arg2[%dma_wait3A_434, %dma_wait3A_435] : memref<20000x128xf32, #tpu.memory_space<hbm>> -> memref<20000x128xf32, #tpu.memory_space<hbm>>
      tpu.wait_indirect_dma semaphore(%arg19 : memref<!tpu.dma_semaphore, #tpu.memory_space<semaphore_mem>>) src(%dma_wait3A_436 : memref<20000x128xf32, #tpu.memory_space<hbm>>) dst(%arg14 : memref<64x128xf32, #tpu.memory_space<vmem>>)
      %dma_wait3A_437 = arith.constant 0 : i32
      %dma_wait3A_438 = arith.constant 0 : i32
      %dma_wait3A_439 = tpu.memref_slice %arg11[%dma_wait3A_437, %dma_wait3A_438] : memref<1x64xi32, #tpu.memory_space<vmem>> -> memref<1x64xi32, #tpu.memory_space<vmem>>
      %dma_wait3A_440 = tpu.memref_squeeze %dma_wait3A_439 : memref<1x64xi32, #tpu.memory_space<vmem>> -> memref<64xi32, #tpu.memory_space<vmem>>
      %dma_wait3A_441 = arith.constant 0 : i32
      %dma_wait3A_442 = arith.constant 0 : i32
      %dma_wait3A_443 = tpu.memref_slice %arg18[%dma_wait3A_441, %dma_wait3A_442] : memref<10008x128xf32, #tpu.memory_space<vmem_shared>> -> memref<10008x128xf32, #tpu.memory_space<vmem_shared>>
      tpu.wait_indirect_dma semaphore(%arg20 : memref<!tpu.dma_semaphore, #tpu.memory_space<semaphore_mem>>) src(%arg15 : memref<64x128xf32, #tpu.memory_space<vmem>>) dst(%dma_wait3A_443 : memref<10008x128xf32, #tpu.memory_space<vmem_shared>>)
      %add3A_444 = arith.constant 1 : i32
      %add3A_445 = arith.addi %add3A_422, %add3A_444 : i32
      %shift_right_logical3A_446 = arith.constant 1 : i32
      %shift_right_logical3A_447 = arith.shrui %add3A_445, %shift_right_logical3A_446 : i32
      %min3A_448 = arith.constant 78 : i32
      %min3A_449 = arith.minsi %shift_right_logical3A_447, %min3A_448 : i32
      %shift_right_logical3A_450 = arith.constant 1 : i32
      %shift_right_logical3A_451 = arith.shrui %add3A_445, %shift_right_logical3A_450 : i32
      %mul3A_452 = arith.constant 2 : i32
      %mul3A_453 = arith.muli %mul3A_452, %shift_right_logical3A_451 : i32
      %sub3A_454 = arith.subi %add3A_445, %mul3A_453 : i32
      %mul3A_455 = arith.constant 64 : i32
      %mul3A_456 = arith.muli %sub3A_454, %mul3A_455 : i32
      %add3A_457 = arith.constant 0 : i32
      %add3A_458 = arith.addi %mul3A_456, %add3A_457 : i32
      %get3A_459 = arith.index_cast %min3A_449 : i32 to index
      %get3A_460 = arith.index_cast %add3A_458 : i32 to index
      %get3A_461 = tpu.vector_load %arg7[%get3A_459, %get3A_460] {strides = array<i32>} : memref<80x128xi32, #tpu.memory_space<vmem>>, vector<1x16xi32>,
      %get3A_462 = vector.shape_cast %get3A_461 : vector<1x16xi32> to vector<16xi32>
      %shift_right_logical3A_463 = arith.constant 16 : i32
      %shift_right_logical3A_464 = vector.broadcast %shift_right_logical3A_463 : i32 to vector<16xi32>
      %shift_right_logical3A_465 = arith.shrui %get3A_462, %shift_right_logical3A_464 : vector<16xi32>
      %mul3A_466 = arith.constant 10000 : i32
      %mul3A_467 = arith.muli %add3A_90, %mul3A_466 : i32
      %add3A_468 = vector.broadcast %mul3A_467 : i32 to vector<16xi32>
      %add3A_469 = arith.addi %shift_right_logical3A_465, %add3A_468 : vector<16xi32>
      %swap3A_470 = arith.constant 0 : i32
      %swap3A_471 = arith.index_cast %swap3A_470 : i32 to index
      %swap3A_472 = arith.constant 0 : index
      %swap3A_473 = tpu.vector_load %arg9[%swap3A_471, %swap3A_472] {strides = array<i32>} : memref<1x64xi32, #tpu.memory_space<vmem>>, vector<1x16xi32>,
      %swap3A_474 = vector.shape_cast %swap3A_473 : vector<1x16xi32> to vector<16xi32>
      %swap3A_475 = vector.shape_cast %add3A_469 : vector<16xi32> to vector<1x16xi32>
      tpu.vector_store %arg9[%swap3A_471, %swap3A_472], %swap3A_475 {strides = array<i32>} : memref<1x64xi32, #tpu.memory_space<vmem>>, vector<1x16xi32>,
      %mul3A_476 = arith.constant 65536 : i32
      %mul3A_477 = vector.broadcast %mul3A_476 : i32 to vector<16xi32>
      %mul3A_478 = arith.muli %shift_right_logical3A_465, %mul3A_477 : vector<16xi32>
      %sub3A_479 = arith.subi %get3A_462, %mul3A_478 : vector<16xi32>
      %swap3A_480 = arith.constant 0 : i32
      %swap3A_481 = arith.index_cast %swap3A_480 : i32 to index
      %swap3A_482 = arith.constant 0 : index
      %swap3A_483 = tpu.vector_load %arg11[%swap3A_481, %swap3A_482] {strides = array<i32>} : memref<1x64xi32, #tpu.memory_space<vmem>>, vector<1x16xi32>,
      %swap3A_484 = vector.shape_cast %swap3A_483 : vector<1x16xi32> to vector<16xi32>
      %swap3A_485 = vector.shape_cast %sub3A_479 : vector<16xi32> to vector<1x16xi32>
      tpu.vector_store %arg11[%swap3A_481, %swap3A_482], %swap3A_485 {strides = array<i32>} : memref<1x64xi32, #tpu.memory_space<vmem>>, vector<1x16xi32>,
      %mul3A_486 = arith.constant 160000 : i32
      %mul3A_487 = arith.muli %add3A_90, %mul3A_486 : i32
      %mul3A_488 = arith.constant 64 : i32
      %mul3A_489 = arith.muli %add3A_445, %mul3A_488 : i32
      %add3A_490 = arith.addi %mul3A_4, %mul3A_489 : i32
      %add3A_491 = arith.constant 0 : i32
      %add3A_492 = arith.addi %add3A_490, %add3A_491 : i32
      %add3A_493 = vector.broadcast %add3A_492 : i32 to vector<16xi32>
      %add3A_494 = arith.addi %iota3A, %add3A_493 : vector<16xi32>
      %min3A_495 = arith.constant 159999 : i32
      %min3A_496 = vector.broadcast %min3A_495 : i32 to vector<16xi32>
      %min3A_497 = arith.minsi %add3A_494, %min3A_496 : vector<16xi32>
      %add3A_498 = vector.broadcast %mul3A_487 : i32 to vector<16xi32>
      %add3A_499 = arith.addi %add3A_498, %min3A_497 : vector<16xi32>
      %swap3A_500 = arith.constant 0 : i32
      %swap3A_501 = arith.index_cast %swap3A_500 : i32 to index
      %swap3A_502 = arith.constant 0 : index
      %swap3A_503 = tpu.vector_load %arg13[%swap3A_501, %swap3A_502] {strides = array<i32>} : memref<1x64xi32, #tpu.memory_space<vmem>>, vector<1x16xi32>,
      %swap3A_504 = vector.shape_cast %swap3A_503 : vector<1x16xi32> to vector<16xi32>
      %swap3A_505 = vector.shape_cast %add3A_499 : vector<16xi32> to vector<1x16xi32>
      tpu.vector_store %arg13[%swap3A_501, %swap3A_502], %swap3A_505 {strides = array<i32>} : memref<1x64xi32, #tpu.memory_space<vmem>>, vector<1x16xi32>,
      %mul3A_506 = arith.constant 64 : i32
      %mul3A_507 = arith.muli %sub3A_454, %mul3A_506 : i32
      %add3A_508 = arith.constant 16 : i32
      %add3A_509 = arith.addi %mul3A_507, %add3A_508 : i32
      %get3A_510 = arith.index_cast %min3A_449 : i32 to index
      %get3A_511 = arith.index_cast %add3A_509 : i32 to index
      %get3A_512 = tpu.vector_load %arg7[%get3A_510, %get3A_511] {strides = array<i32>} : memref<80x128xi32, #tpu.memory_space<vmem>>, vector<1x16xi32>,
      %get3A_513 = vector.shape_cast %get3A_512 : vector<1x16xi32> to vector<16xi32>
      %shift_right_logical3A_514 = arith.constant 16 : i32
      %shift_right_logical3A_515 = vector.broadcast %shift_right_logical3A_514 : i32 to vector<16xi32>
      %shift_right_logical3A_516 = arith.shrui %get3A_513, %shift_right_logical3A_515 : vector<16xi32>
      %mul3A_517 = arith.constant 10000 : i32
      %mul3A_518 = arith.muli %add3A_90, %mul3A_517 : i32
      %add3A_519 = vector.broadcast %mul3A_518 : i32 to vector<16xi32>
      %add3A_520 = arith.addi %shift_right_logical3A_516, %add3A_519 : vector<16xi32>
      %swap3A_521 = arith.constant 0 : i32
      %swap3A_522 = arith.index_cast %swap3A_521 : i32 to index
      %swap3A_523 = arith.constant 16 : index
      %swap3A_524 = tpu.vector_load %arg9[%swap3A_522, %swap3A_523] {strides = array<i32>} : memref<1x64xi32, #tpu.memory_space<vmem>>, vector<1x16xi32>,
      %swap3A_525 = vector.shape_cast %swap3A_524 : vector<1x16xi32> to vector<16xi32>
      %swap3A_526 = vector.shape_cast %add3A_520 : vector<16xi32> to vector<1x16xi32>
      tpu.vector_store %arg9[%swap3A_522, %swap3A_523], %swap3A_526 {strides = array<i32>} : memref<1x64xi32, #tpu.memory_space<vmem>>, vector<1x16xi32>,
      %mul3A_527 = arith.constant 65536 : i32
      %mul3A_528 = vector.broadcast %mul3A_527 : i32 to vector<16xi32>
      %mul3A_529 = arith.muli %shift_right_logical3A_516, %mul3A_528 : vector<16xi32>
      %sub3A_530 = arith.subi %get3A_513, %mul3A_529 : vector<16xi32>
      %swap3A_531 = arith.constant 0 : i32
      %swap3A_532 = arith.index_cast %swap3A_531 : i32 to index
      %swap3A_533 = arith.constant 16 : index
      %swap3A_534 = tpu.vector_load %arg11[%swap3A_532, %swap3A_533] {strides = array<i32>} : memref<1x64xi32, #tpu.memory_space<vmem>>, vector<1x16xi32>,
      %swap3A_535 = vector.shape_cast %swap3A_534 : vector<1x16xi32> to vector<16xi32>
      %swap3A_536 = vector.shape_cast %sub3A_530 : vector<16xi32> to vector<1x16xi32>
      tpu.vector_store %arg11[%swap3A_532, %swap3A_533], %swap3A_536 {strides = array<i32>} : memref<1x64xi32, #tpu.memory_space<vmem>>, vector<1x16xi32>,
      %mul3A_537 = arith.constant 160000 : i32
      %mul3A_538 = arith.muli %add3A_90, %mul3A_537 : i32
      %mul3A_539 = arith.constant 64 : i32
      %mul3A_540 = arith.muli %add3A_445, %mul3A_539 : i32
      %add3A_541 = arith.addi %mul3A_4, %mul3A_540 : i32
      %add3A_542 = arith.constant 16 : i32
      %add3A_543 = arith.addi %add3A_541, %add3A_542 : i32
      %add3A_544 = vector.broadcast %add3A_543 : i32 to vector<16xi32>
      %add3A_545 = arith.addi %iota3A, %add3A_544 : vector<16xi32>
      %min3A_546 = arith.constant 159999 : i32
      %min3A_547 = vector.broadcast %min3A_546 : i32 to vector<16xi32>
      %min3A_548 = arith.minsi %add3A_545, %min3A_547 : vector<16xi32>
      %add3A_549 = vector.broadcast %mul3A_538 : i32 to vector<16xi32>
      %add3A_550 = arith.addi %add3A_549, %min3A_548 : vector<16xi32>
      %swap3A_551 = arith.constant 0 : i32
      %swap3A_552 = arith.index_cast %swap3A_551 : i32 to index
      %swap3A_553 = arith.constant 16 : index
      %swap3A_554 = tpu.vector_load %arg13[%swap3A_552, %swap3A_553] {strides = array<i32>} : memref<1x64xi32, #tpu.memory_space<vmem>>, vector<1x16xi32>,
      %swap3A_555 = vector.shape_cast %swap3A_554 : vector<1x16xi32> to vector<16xi32>
      %swap3A_556 = vector.shape_cast %add3A_550 : vector<16xi32> to vector<1x16xi32>
      tpu.vector_store %arg13[%swap3A_552, %swap3A_553], %swap3A_556 {strides = array<i32>} : memref<1x64xi32, #tpu.memory_space<vmem>>, vector<1x16xi32>,
      %mul3A_557 = arith.constant 64 : i32
      %mul3A_558 = arith.muli %sub3A_454, %mul3A_557 : i32
      %add3A_559 = arith.constant 32 : i32
      %add3A_560 = arith.addi %mul3A_558, %add3A_559 : i32
      %get3A_561 = arith.index_cast %min3A_449 : i32 to index
      %get3A_562 = arith.index_cast %add3A_560 : i32 to index
      %get3A_563 = tpu.vector_load %arg7[%get3A_561, %get3A_562] {strides = array<i32>} : memref<80x128xi32, #tpu.memory_space<vmem>>, vector<1x16xi32>,
      %get3A_564 = vector.shape_cast %get3A_563 : vector<1x16xi32> to vector<16xi32>
      %shift_right_logical3A_565 = arith.constant 16 : i32
      %shift_right_logical3A_566 = vector.broadcast %shift_right_logical3A_565 : i32 to vector<16xi32>
      %shift_right_logical3A_567 = arith.shrui %get3A_564, %shift_right_logical3A_566 : vector<16xi32>
      %mul3A_568 = arith.constant 10000 : i32
      %mul3A_569 = arith.muli %add3A_90, %mul3A_568 : i32
      %add3A_570 = vector.broadcast %mul3A_569 : i32 to vector<16xi32>
      %add3A_571 = arith.addi %shift_right_logical3A_567, %add3A_570 : vector<16xi32>
      %swap3A_572 = arith.constant 0 : i32
      %swap3A_573 = arith.index_cast %swap3A_572 : i32 to index
      %swap3A_574 = arith.constant 32 : index
      %swap3A_575 = tpu.vector_load %arg9[%swap3A_573, %swap3A_574] {strides = array<i32>} : memref<1x64xi32, #tpu.memory_space<vmem>>, vector<1x16xi32>,
      %swap3A_576 = vector.shape_cast %swap3A_575 : vector<1x16xi32> to vector<16xi32>
      %swap3A_577 = vector.shape_cast %add3A_571 : vector<16xi32> to vector<1x16xi32>
      tpu.vector_store %arg9[%swap3A_573, %swap3A_574], %swap3A_577 {strides = array<i32>} : memref<1x64xi32, #tpu.memory_space<vmem>>, vector<1x16xi32>,
      %mul3A_578 = arith.constant 65536 : i32
      %mul3A_579 = vector.broadcast %mul3A_578 : i32 to vector<16xi32>
      %mul3A_580 = arith.muli %shift_right_logical3A_567, %mul3A_579 : vector<16xi32>
      %sub3A_581 = arith.subi %get3A_564, %mul3A_580 : vector<16xi32>
      %swap3A_582 = arith.constant 0 : i32
      %swap3A_583 = arith.index_cast %swap3A_582 : i32 to index
      %swap3A_584 = arith.constant 32 : index
      %swap3A_585 = tpu.vector_load %arg11[%swap3A_583, %swap3A_584] {strides = array<i32>} : memref<1x64xi32, #tpu.memory_space<vmem>>, vector<1x16xi32>,
      %swap3A_586 = vector.shape_cast %swap3A_585 : vector<1x16xi32> to vector<16xi32>
      %swap3A_587 = vector.shape_cast %sub3A_581 : vector<16xi32> to vector<1x16xi32>
      tpu.vector_store %arg11[%swap3A_583, %swap3A_584], %swap3A_587 {strides = array<i32>} : memref<1x64xi32, #tpu.memory_space<vmem>>, vector<1x16xi32>,
      %mul3A_588 = arith.constant 160000 : i32
      %mul3A_589 = arith.muli %add3A_90, %mul3A_588 : i32
      %mul3A_590 = arith.constant 64 : i32
      %mul3A_591 = arith.muli %add3A_445, %mul3A_590 : i32
      %add3A_592 = arith.addi %mul3A_4, %mul3A_591 : i32
      %add3A_593 = arith.constant 32 : i32
      %add3A_594 = arith.addi %add3A_592, %add3A_593 : i32
      %add3A_595 = vector.broadcast %add3A_594 : i32 to vector<16xi32>
      %add3A_596 = arith.addi %iota3A, %add3A_595 : vector<16xi32>
      %min3A_597 = arith.constant 159999 : i32
      %min3A_598 = vector.broadcast %min3A_597 : i32 to vector<16xi32>
      %min3A_599 = arith.minsi %add3A_596, %min3A_598 : vector<16xi32>
      %add3A_600 = vector.broadcast %mul3A_589 : i32 to vector<16xi32>
      %add3A_601 = arith.addi %add3A_600, %min3A_599 : vector<16xi32>
      %swap3A_602 = arith.constant 0 : i32
      %swap3A_603 = arith.index_cast %swap3A_602 : i32 to index
      %swap3A_604 = arith.constant 32 : index
      %swap3A_605 = tpu.vector_load %arg13[%swap3A_603, %swap3A_604] {strides = array<i32>} : memref<1x64xi32, #tpu.memory_space<vmem>>, vector<1x16xi32>,
      %swap3A_606 = vector.shape_cast %swap3A_605 : vector<1x16xi32> to vector<16xi32>
      %swap3A_607 = vector.shape_cast %add3A_601 : vector<16xi32> to vector<1x16xi32>
      tpu.vector_store %arg13[%swap3A_603, %swap3A_604], %swap3A_607 {strides = array<i32>} : memref<1x64xi32, #tpu.memory_space<vmem>>, vector<1x16xi32>,
      %mul3A_608 = arith.constant 64 : i32
      %mul3A_609 = arith.muli %sub3A_454, %mul3A_608 : i32
      %add3A_610 = arith.constant 48 : i32
      %add3A_611 = arith.addi %mul3A_609, %add3A_610 : i32
      %get3A_612 = arith.index_cast %min3A_449 : i32 to index
      %get3A_613 = arith.index_cast %add3A_611 : i32 to index
      %get3A_614 = tpu.vector_load %arg7[%get3A_612, %get3A_613] {strides = array<i32>} : memref<80x128xi32, #tpu.memory_space<vmem>>, vector<1x16xi32>,
      %get3A_615 = vector.shape_cast %get3A_614 : vector<1x16xi32> to vector<16xi32>
      %shift_right_logical3A_616 = arith.constant 16 : i32
      %shift_right_logical3A_617 = vector.broadcast %shift_right_logical3A_616 : i32 to vector<16xi32>
      %shift_right_logical3A_618 = arith.shrui %get3A_615, %shift_right_logical3A_617 : vector<16xi32>
      %mul3A_619 = arith.constant 10000 : i32
      %mul3A_620 = arith.muli %add3A_90, %mul3A_619 : i32
      %add3A_621 = vector.broadcast %mul3A_620 : i32 to vector<16xi32>
      %add3A_622 = arith.addi %shift_right_logical3A_618, %add3A_621 : vector<16xi32>
      %swap3A_623 = arith.constant 0 : i32
      %swap3A_624 = arith.index_cast %swap3A_623 : i32 to index
      %swap3A_625 = arith.constant 48 : index
      %swap3A_626 = tpu.vector_load %arg9[%swap3A_624, %swap3A_625] {strides = array<i32>} : memref<1x64xi32, #tpu.memory_space<vmem>>, vector<1x16xi32>,
      %swap3A_627 = vector.shape_cast %swap3A_626 : vector<1x16xi32> to vector<16xi32>
      %swap3A_628 = vector.shape_cast %add3A_622 : vector<16xi32> to vector<1x16xi32>
      tpu.vector_store %arg9[%swap3A_624, %swap3A_625], %swap3A_628 {strides = array<i32>} : memref<1x64xi32, #tpu.memory_space<vmem>>, vector<1x16xi32>,
      %mul3A_629 = arith.constant 65536 : i32
      %mul3A_630 = vector.broadcast %mul3A_629 : i32 to vector<16xi32>
      %mul3A_631 = arith.muli %shift_right_logical3A_618, %mul3A_630 : vector<16xi32>
      %sub3A_632 = arith.subi %get3A_615, %mul3A_631 : vector<16xi32>
      %swap3A_633 = arith.constant 0 : i32
      %swap3A_634 = arith.index_cast %swap3A_633 : i32 to index
      %swap3A_635 = arith.constant 48 : index
      %swap3A_636 = tpu.vector_load %arg11[%swap3A_634, %swap3A_635] {strides = array<i32>} : memref<1x64xi32, #tpu.memory_space<vmem>>, vector<1x16xi32>,
      %swap3A_637 = vector.shape_cast %swap3A_636 : vector<1x16xi32> to vector<16xi32>
      %swap3A_638 = vector.shape_cast %sub3A_632 : vector<16xi32> to vector<1x16xi32>
      tpu.vector_store %arg11[%swap3A_634, %swap3A_635], %swap3A_638 {strides = array<i32>} : memref<1x64xi32, #tpu.memory_space<vmem>>, vector<1x16xi32>,
      %mul3A_639 = arith.constant 160000 : i32
      %mul3A_640 = arith.muli %add3A_90, %mul3A_639 : i32
      %mul3A_641 = arith.constant 64 : i32
      %mul3A_642 = arith.muli %add3A_445, %mul3A_641 : i32
      %add3A_643 = arith.addi %mul3A_4, %mul3A_642 : i32
      %add3A_644 = arith.constant 48 : i32
      %add3A_645 = arith.addi %add3A_643, %add3A_644 : i32
      %add3A_646 = vector.broadcast %add3A_645 : i32 to vector<16xi32>
      %add3A_647 = arith.addi %iota3A, %add3A_646 : vector<16xi32>
      %min3A_648 = arith.constant 159999 : i32
      %min3A_649 = vector.broadcast %min3A_648 : i32 to vector<16xi32>
      %min3A_650 = arith.minsi %add3A_647, %min3A_649 : vector<16xi32>
      %add3A_651 = vector.broadcast %mul3A_640 : i32 to vector<16xi32>
      %add3A_652 = arith.addi %add3A_651, %min3A_650 : vector<16xi32>
      %swap3A_653 = arith.constant 0 : i32
      %swap3A_654 = arith.index_cast %swap3A_653 : i32 to index
      %swap3A_655 = arith.constant 48 : index
      %swap3A_656 = tpu.vector_load %arg13[%swap3A_654, %swap3A_655] {strides = array<i32>} : memref<1x64xi32, #tpu.memory_space<vmem>>, vector<1x16xi32>,
      %swap3A_657 = vector.shape_cast %swap3A_656 : vector<1x16xi32> to vector<16xi32>
      %swap3A_658 = vector.shape_cast %add3A_652 : vector<16xi32> to vector<1x16xi32>
      tpu.vector_store %arg13[%swap3A_654, %swap3A_655], %swap3A_658 {strides = array<i32>} : memref<1x64xi32, #tpu.memory_space<vmem>>, vector<1x16xi32>,
      %dma_start3A_659 = arith.constant 0 : i32
      %dma_start3A_660 = arith.constant 0 : i32
      %dma_start3A_661 = tpu.memref_slice %arg13[%dma_start3A_659, %dma_start3A_660] : memref<1x64xi32, #tpu.memory_space<vmem>> -> memref<1x64xi32, #tpu.memory_space<vmem>>
      %dma_start3A_662 = tpu.memref_squeeze %dma_start3A_661 : memref<1x64xi32, #tpu.memory_space<vmem>> -> memref<64xi32, #tpu.memory_space<vmem>>
      %dma_start3A_663 = arith.constant 0 : i32
      %dma_start3A_664 = arith.constant 0 : i32
      %dma_start3A_665 = tpu.memref_slice %arg3[%dma_start3A_663, %dma_start3A_664] : memref<320000x128xf32, #tpu.memory_space<hbm>> -> memref<320000x128xf32, #tpu.memory_space<hbm>>
      tpu.enqueue_indirect_dma source(%dma_start3A_665 : memref<320000x128xf32, #tpu.memory_space<hbm>>) target(%arg17 : memref<64x128xf32, #tpu.memory_space<vmem>>) offsets(%dma_start3A_662 : memref<64xi32, #tpu.memory_space<vmem>>) semaphore(%arg19 : memref<!tpu.dma_semaphore, #tpu.memory_space<semaphore_mem>>)
      %dma_start3A_666 = arith.constant 0 : i32
      %dma_start3A_667 = arith.constant 0 : i32
      %dma_start3A_668 = tpu.memref_slice %arg9[%dma_start3A_666, %dma_start3A_667] : memref<1x64xi32, #tpu.memory_space<vmem>> -> memref<1x64xi32, #tpu.memory_space<vmem>>
      %dma_start3A_669 = tpu.memref_squeeze %dma_start3A_668 : memref<1x64xi32, #tpu.memory_space<vmem>> -> memref<64xi32, #tpu.memory_space<vmem>>
      %dma_start3A_670 = arith.constant 0 : i32
      %dma_start3A_671 = arith.constant 0 : i32
      %dma_start3A_672 = tpu.memref_slice %arg2[%dma_start3A_670, %dma_start3A_671] : memref<20000x128xf32, #tpu.memory_space<hbm>> -> memref<20000x128xf32, #tpu.memory_space<hbm>>
      tpu.enqueue_indirect_dma source(%dma_start3A_672 : memref<20000x128xf32, #tpu.memory_space<hbm>>) target(%arg15 : memref<64x128xf32, #tpu.memory_space<vmem>>) offsets(%dma_start3A_669 : memref<64xi32, #tpu.memory_space<vmem>>) semaphore(%arg19 : memref<!tpu.dma_semaphore, #tpu.memory_space<semaphore_mem>>)
      %scan3A_673 = arith.constant 0 : i32
      %scan3A_674 = arith.constant 0 : i32
      %scan3A_675 = arith.constant 64 : i32
      %scan3A_676 = arith.addi %scan3A_674, %scan3A_675 : i32
      %scan3A_677 = arith.constant 1 : i32
      scf.for %scan3A_953 = %scan3A_674 to %scan3A_676 step %scan3A_677  : i32 {
        %get3A_954 = arith.index_cast %scan3A_953 : i32 to index
        %get3A_955 = arith.constant 0 : index
        %get3A_956 = tpu.vector_load %arg14[%get3A_954, %get3A_955] {strides = array<i32>} : memref<64x128xf32, #tpu.memory_space<vmem>>, vector<1x16xf32>,
        %get3A_957 = vector.shape_cast %get3A_956 : vector<1x16xf32> to vector<16xf32>
        %get3A_958 = arith.index_cast %scan3A_953 : i32 to index
        %get3A_959 = arith.constant 0 : index
        %get3A_960 = tpu.vector_load %arg16[%get3A_958, %get3A_959] {strides = array<i32>} : memref<64x128xf32, #tpu.memory_space<vmem>>, vector<1x16xf32>,
        %get3A_961 = vector.shape_cast %get3A_960 : vector<1x16xf32> to vector<16xf32>
        %add3A_962 = arith.addf %get3A_957, %get3A_961 : vector<16xf32>
        %max3A = arith.constant 0.000000e+00 : f32
        %max3A_963 = vector.broadcast %max3A : f32 to vector<16xf32>
        %max3A_964 = arith.maximumf %add3A_962, %max3A_963 : vector<16xf32>
        %swap3A_965 = arith.index_cast %scan3A_953 : i32 to index
        %swap3A_966 = arith.constant 0 : index
        %swap3A_967 = tpu.vector_load %arg14[%swap3A_965, %swap3A_966] {strides = array<i32>} : memref<64x128xf32, #tpu.memory_space<vmem>>, vector<1x16xf32>,
        %swap3A_968 = vector.shape_cast %swap3A_967 : vector<1x16xf32> to vector<16xf32>
        %swap3A_969 = vector.shape_cast %max3A_964 : vector<16xf32> to vector<1x16xf32>
        tpu.vector_store %arg14[%swap3A_965, %swap3A_966], %swap3A_969 {strides = array<i32>} : memref<64x128xf32, #tpu.memory_space<vmem>>, vector<1x16xf32>,
        %get3A_970 = arith.index_cast %scan3A_953 : i32 to index
        %get3A_971 = arith.constant 16 : index
        %get3A_972 = tpu.vector_load %arg14[%get3A_970, %get3A_971] {strides = array<i32>} : memref<64x128xf32, #tpu.memory_space<vmem>>, vector<1x16xf32>,
        %get3A_973 = vector.shape_cast %get3A_972 : vector<1x16xf32> to vector<16xf32>
        %get3A_974 = arith.index_cast %scan3A_953 : i32 to index
        %get3A_975 = arith.constant 16 : index
        %get3A_976 = tpu.vector_load %arg16[%get3A_974, %get3A_975] {strides = array<i32>} : memref<64x128xf32, #tpu.memory_space<vmem>>, vector<1x16xf32>,
        %get3A_977 = vector.shape_cast %get3A_976 : vector<1x16xf32> to vector<16xf32>
        %add3A_978 = arith.addf %get3A_973, %get3A_977 : vector<16xf32>
        %max3A_979 = arith.constant 0.000000e+00 : f32
        %max3A_980 = vector.broadcast %max3A_979 : f32 to vector<16xf32>
        %max3A_981 = arith.maximumf %add3A_978, %max3A_980 : vector<16xf32>
        %swap3A_982 = arith.index_cast %scan3A_953 : i32 to index
        %swap3A_983 = arith.constant 16 : index
        %swap3A_984 = tpu.vector_load %arg14[%swap3A_982, %swap3A_983] {strides = array<i32>} : memref<64x128xf32, #tpu.memory_space<vmem>>, vector<1x16xf32>,
        %swap3A_985 = vector.shape_cast %swap3A_984 : vector<1x16xf32> to vector<16xf32>
        %swap3A_986 = vector.shape_cast %max3A_981 : vector<16xf32> to vector<1x16xf32>
        tpu.vector_store %arg14[%swap3A_982, %swap3A_983], %swap3A_986 {strides = array<i32>} : memref<64x128xf32, #tpu.memory_space<vmem>>, vector<1x16xf32>,
        %get3A_987 = arith.index_cast %scan3A_953 : i32 to index
        %get3A_988 = arith.constant 32 : index
        %get3A_989 = tpu.vector_load %arg14[%get3A_987, %get3A_988] {strides = array<i32>} : memref<64x128xf32, #tpu.memory_space<vmem>>, vector<1x16xf32>,
        %get3A_990 = vector.shape_cast %get3A_989 : vector<1x16xf32> to vector<16xf32>
        %get3A_991 = arith.index_cast %scan3A_953 : i32 to index
        %get3A_992 = arith.constant 32 : index
        %get3A_993 = tpu.vector_load %arg16[%get3A_991, %get3A_992] {strides = array<i32>} : memref<64x128xf32, #tpu.memory_space<vmem>>, vector<1x16xf32>,
        %get3A_994 = vector.shape_cast %get3A_993 : vector<1x16xf32> to vector<16xf32>
        %add3A_995 = arith.addf %get3A_990, %get3A_994 : vector<16xf32>
        %max3A_996 = arith.constant 0.000000e+00 : f32
        %max3A_997 = vector.broadcast %max3A_996 : f32 to vector<16xf32>
        %max3A_998 = arith.maximumf %add3A_995, %max3A_997 : vector<16xf32>
        %swap3A_999 = arith.index_cast %scan3A_953 : i32 to index
        %swap3A_1000 = arith.constant 32 : index
        %swap3A_1001 = tpu.vector_load %arg14[%swap3A_999, %swap3A_1000] {strides = array<i32>} : memref<64x128xf32, #tpu.memory_space<vmem>>, vector<1x16xf32>,
        %swap3A_1002 = vector.shape_cast %swap3A_1001 : vector<1x16xf32> to vector<16xf32>
        %swap3A_1003 = vector.shape_cast %max3A_998 : vector<16xf32> to vector<1x16xf32>
        tpu.vector_store %arg14[%swap3A_999, %swap3A_1000], %swap3A_1003 {strides = array<i32>} : memref<64x128xf32, #tpu.memory_space<vmem>>, vector<1x16xf32>,
        %get3A_1004 = arith.index_cast %scan3A_953 : i32 to index
        %get3A_1005 = arith.constant 48 : index
        %get3A_1006 = tpu.vector_load %arg14[%get3A_1004, %get3A_1005] {strides = array<i32>} : memref<64x128xf32, #tpu.memory_space<vmem>>, vector<1x16xf32>,
        %get3A_1007 = vector.shape_cast %get3A_1006 : vector<1x16xf32> to vector<16xf32>
        %get3A_1008 = arith.index_cast %scan3A_953 : i32 to index
        %get3A_1009 = arith.constant 48 : index
        %get3A_1010 = tpu.vector_load %arg16[%get3A_1008, %get3A_1009] {strides = array<i32>} : memref<64x128xf32, #tpu.memory_space<vmem>>, vector<1x16xf32>,
        %get3A_1011 = vector.shape_cast %get3A_1010 : vector<1x16xf32> to vector<16xf32>
        %add3A_1012 = arith.addf %get3A_1007, %get3A_1011 : vector<16xf32>
        %max3A_1013 = arith.constant 0.000000e+00 : f32
        %max3A_1014 = vector.broadcast %max3A_1013 : f32 to vector<16xf32>
        %max3A_1015 = arith.maximumf %add3A_1012, %max3A_1014 : vector<16xf32>
        %swap3A_1016 = arith.index_cast %scan3A_953 : i32 to index
        %swap3A_1017 = arith.constant 48 : index
        %swap3A_1018 = tpu.vector_load %arg14[%swap3A_1016, %swap3A_1017] {strides = array<i32>} : memref<64x128xf32, #tpu.memory_space<vmem>>, vector<1x16xf32>,
        %swap3A_1019 = vector.shape_cast %swap3A_1018 : vector<1x16xf32> to vector<16xf32>
        %swap3A_1020 = vector.shape_cast %max3A_1015 : vector<16xf32> to vector<1x16xf32>
        tpu.vector_store %arg14[%swap3A_1016, %swap3A_1017], %swap3A_1020 {strides = array<i32>} : memref<64x128xf32, #tpu.memory_space<vmem>>, vector<1x16xf32>,
        %get3A_1021 = arith.index_cast %scan3A_953 : i32 to index
        %get3A_1022 = arith.constant 64 : index
        %get3A_1023 = tpu.vector_load %arg14[%get3A_1021, %get3A_1022] {strides = array<i32>} : memref<64x128xf32, #tpu.memory_space<vmem>>, vector<1x16xf32>,
        %get3A_1024 = vector.shape_cast %get3A_1023 : vector<1x16xf32> to vector<16xf32>
        %get3A_1025 = arith.index_cast %scan3A_953 : i32 to index
        %get3A_1026 = arith.constant 64 : index
        %get3A_1027 = tpu.vector_load %arg16[%get3A_1025, %get3A_1026] {strides = array<i32>} : memref<64x128xf32, #tpu.memory_space<vmem>>, vector<1x16xf32>,
        %get3A_1028 = vector.shape_cast %get3A_1027 : vector<1x16xf32> to vector<16xf32>
        %add3A_1029 = arith.addf %get3A_1024, %get3A_1028 : vector<16xf32>
        %max3A_1030 = arith.constant 0.000000e+00 : f32
        %max3A_1031 = vector.broadcast %max3A_1030 : f32 to vector<16xf32>
        %max3A_1032 = arith.maximumf %add3A_1029, %max3A_1031 : vector<16xf32>
        %swap3A_1033 = arith.index_cast %scan3A_953 : i32 to index
        %swap3A_1034 = arith.constant 64 : index
        %swap3A_1035 = tpu.vector_load %arg14[%swap3A_1033, %swap3A_1034] {strides = array<i32>} : memref<64x128xf32, #tpu.memory_space<vmem>>, vector<1x16xf32>,
        %swap3A_1036 = vector.shape_cast %swap3A_1035 : vector<1x16xf32> to vector<16xf32>
        %swap3A_1037 = vector.shape_cast %max3A_1032 : vector<16xf32> to vector<1x16xf32>
        tpu.vector_store %arg14[%swap3A_1033, %swap3A_1034], %swap3A_1037 {strides = array<i32>} : memref<64x128xf32, #tpu.memory_space<vmem>>, vector<1x16xf32>,
        %get3A_1038 = arith.index_cast %scan3A_953 : i32 to index
        %get3A_1039 = arith.constant 80 : index
        %get3A_1040 = tpu.vector_load %arg14[%get3A_1038, %get3A_1039] {strides = array<i32>} : memref<64x128xf32, #tpu.memory_space<vmem>>, vector<1x16xf32>,
        %get3A_1041 = vector.shape_cast %get3A_1040 : vector<1x16xf32> to vector<16xf32>
        %get3A_1042 = arith.index_cast %scan3A_953 : i32 to index
        %get3A_1043 = arith.constant 80 : index
        %get3A_1044 = tpu.vector_load %arg16[%get3A_1042, %get3A_1043] {strides = array<i32>} : memref<64x128xf32, #tpu.memory_space<vmem>>, vector<1x16xf32>,
        %get3A_1045 = vector.shape_cast %get3A_1044 : vector<1x16xf32> to vector<16xf32>
        %add3A_1046 = arith.addf %get3A_1041, %get3A_1045 : vector<16xf32>
        %max3A_1047 = arith.constant 0.000000e+00 : f32
        %max3A_1048 = vector.broadcast %max3A_1047 : f32 to vector<16xf32>
        %max3A_1049 = arith.maximumf %add3A_1046, %max3A_1048 : vector<16xf32>
        %swap3A_1050 = arith.index_cast %scan3A_953 : i32 to index
        %swap3A_1051 = arith.constant 80 : index
        %swap3A_1052 = tpu.vector_load %arg14[%swap3A_1050, %swap3A_1051] {strides = array<i32>} : memref<64x128xf32, #tpu.memory_space<vmem>>, vector<1x16xf32>,
        %swap3A_1053 = vector.shape_cast %swap3A_1052 : vector<1x16xf32> to vector<16xf32>
        %swap3A_1054 = vector.shape_cast %max3A_1049 : vector<16xf32> to vector<1x16xf32>
        tpu.vector_store %arg14[%swap3A_1050, %swap3A_1051], %swap3A_1054 {strides = array<i32>} : memref<64x128xf32, #tpu.memory_space<vmem>>, vector<1x16xf32>,
        %get3A_1055 = arith.index_cast %scan3A_953 : i32 to index
        %get3A_1056 = arith.constant 96 : index
        %get3A_1057 = tpu.vector_load %arg14[%get3A_1055, %get3A_1056] {strides = array<i32>} : memref<64x128xf32, #tpu.memory_space<vmem>>, vector<1x16xf32>,
        %get3A_1058 = vector.shape_cast %get3A_1057 : vector<1x16xf32> to vector<16xf32>
        %get3A_1059 = arith.index_cast %scan3A_953 : i32 to index
        %get3A_1060 = arith.constant 96 : index
        %get3A_1061 = tpu.vector_load %arg16[%get3A_1059, %get3A_1060] {strides = array<i32>} : memref<64x128xf32, #tpu.memory_space<vmem>>, vector<1x16xf32>,
        %get3A_1062 = vector.shape_cast %get3A_1061 : vector<1x16xf32> to vector<16xf32>
        %add3A_1063 = arith.addf %get3A_1058, %get3A_1062 : vector<16xf32>
        %max3A_1064 = arith.constant 0.000000e+00 : f32
        %max3A_1065 = vector.broadcast %max3A_1064 : f32 to vector<16xf32>
        %max3A_1066 = arith.maximumf %add3A_1063, %max3A_1065 : vector<16xf32>
        %swap3A_1067 = arith.index_cast %scan3A_953 : i32 to index
        %swap3A_1068 = arith.constant 96 : index
        %swap3A_1069 = tpu.vector_load %arg14[%swap3A_1067, %swap3A_1068] {strides = array<i32>} : memref<64x128xf32, #tpu.memory_space<vmem>>, vector<1x16xf32>,
        %swap3A_1070 = vector.shape_cast %swap3A_1069 : vector<1x16xf32> to vector<16xf32>
        %swap3A_1071 = vector.shape_cast %max3A_1066 : vector<16xf32> to vector<1x16xf32>
        tpu.vector_store %arg14[%swap3A_1067, %swap3A_1068], %swap3A_1071 {strides = array<i32>} : memref<64x128xf32, #tpu.memory_space<vmem>>, vector<1x16xf32>,
        %get3A_1072 = arith.index_cast %scan3A_953 : i32 to index
        %get3A_1073 = arith.constant 112 : index
        %get3A_1074 = tpu.vector_load %arg14[%get3A_1072, %get3A_1073] {strides = array<i32>} : memref<64x128xf32, #tpu.memory_space<vmem>>, vector<1x16xf32>,
        %get3A_1075 = vector.shape_cast %get3A_1074 : vector<1x16xf32> to vector<16xf32>
        %get3A_1076 = arith.index_cast %scan3A_953 : i32 to index
        %get3A_1077 = arith.constant 112 : index
        %get3A_1078 = tpu.vector_load %arg16[%get3A_1076, %get3A_1077] {strides = array<i32>} : memref<64x128xf32, #tpu.memory_space<vmem>>, vector<1x16xf32>,
        %get3A_1079 = vector.shape_cast %get3A_1078 : vector<1x16xf32> to vector<16xf32>
        %add3A_1080 = arith.addf %get3A_1075, %get3A_1079 : vector<16xf32>
        %max3A_1081 = arith.constant 0.000000e+00 : f32
        %max3A_1082 = vector.broadcast %max3A_1081 : f32 to vector<16xf32>
        %max3A_1083 = arith.maximumf %add3A_1080, %max3A_1082 : vector<16xf32>
        %swap3A_1084 = arith.index_cast %scan3A_953 : i32 to index
        %swap3A_1085 = arith.constant 112 : index
        %swap3A_1086 = tpu.vector_load %arg14[%swap3A_1084, %swap3A_1085] {strides = array<i32>} : memref<64x128xf32, #tpu.memory_space<vmem>>, vector<1x16xf32>,
        %swap3A_1087 = vector.shape_cast %swap3A_1086 : vector<1x16xf32> to vector<16xf32>
        %swap3A_1088 = vector.shape_cast %max3A_1083 : vector<16xf32> to vector<1x16xf32>
        tpu.vector_store %arg14[%swap3A_1084, %swap3A_1085], %swap3A_1088 {strides = array<i32>} : memref<64x128xf32, #tpu.memory_space<vmem>>, vector<1x16xf32>,
      }
      %scan3A_678 = arith.constant 64 : i32
      %dma_start3A_679 = arith.constant 0 : i32
      %dma_start3A_680 = arith.constant 0 : i32
      %dma_start3A_681 = tpu.memref_slice %arg10[%dma_start3A_679, %dma_start3A_680] : memref<1x64xi32, #tpu.memory_space<vmem>> -> memref<1x64xi32, #tpu.memory_space<vmem>>
      %dma_start3A_682 = tpu.memref_squeeze %dma_start3A_681 : memref<1x64xi32, #tpu.memory_space<vmem>> -> memref<64xi32, #tpu.memory_space<vmem>>
      %dma_start3A_683 = arith.constant 0 : i32
      %dma_start3A_684 = arith.constant 0 : i32
      %dma_start3A_685 = tpu.memref_slice %arg18[%dma_start3A_683, %dma_start3A_684] : memref<10008x128xf32, #tpu.memory_space<vmem_shared>> -> memref<10008x128xf32, #tpu.memory_space<vmem_shared>>
      tpu.enqueue_indirect_dma source(%arg14 : memref<64x128xf32, #tpu.memory_space<vmem>>) target(%dma_start3A_685 : memref<10008x128xf32, #tpu.memory_space<vmem_shared>>) offsets(%dma_start3A_682 : memref<64xi32, #tpu.memory_space<vmem>>) semaphore(%arg20 : memref<!tpu.dma_semaphore, #tpu.memory_space<semaphore_mem>>) {add = true}
      %mul3A_686 = arith.constant 2 : i32
      %mul3A_687 = arith.muli %mul3A_686, %scan3A_418 : i32
      %add3A_688 = arith.constant 1 : i32
      %add3A_689 = arith.addi %mul3A_687, %add3A_688 : i32
      %dma_wait3A_690 = arith.constant 0 : i32
      %dma_wait3A_691 = arith.constant 0 : i32
      %dma_wait3A_692 = tpu.memref_slice %arg13[%dma_wait3A_690, %dma_wait3A_691] : memref<1x64xi32, #tpu.memory_space<vmem>> -> memref<1x64xi32, #tpu.memory_space<vmem>>
      %dma_wait3A_693 = tpu.memref_squeeze %dma_wait3A_692 : memref<1x64xi32, #tpu.memory_space<vmem>> -> memref<64xi32, #tpu.memory_space<vmem>>
      %dma_wait3A_694 = arith.constant 0 : i32
      %dma_wait3A_695 = arith.constant 0 : i32
      %dma_wait3A_696 = tpu.memref_slice %arg3[%dma_wait3A_694, %dma_wait3A_695] : memref<320000x128xf32, #tpu.memory_space<hbm>> -> memref<320000x128xf32, #tpu.memory_space<hbm>>
      tpu.wait_indirect_dma semaphore(%arg19 : memref<!tpu.dma_semaphore, #tpu.memory_space<semaphore_mem>>) src(%dma_wait3A_696 : memref<320000x128xf32, #tpu.memory_space<hbm>>) dst(%arg17 : memref<64x128xf32, #tpu.memory_space<vmem>>)
      %dma_wait3A_697 = arith.constant 0 : i32
      %dma_wait3A_698 = arith.constant 0 : i32
      %dma_wait3A_699 = tpu.memref_slice %arg9[%dma_wait3A_697, %dma_wait3A_698] : memref<1x64xi32, #tpu.memory_space<vmem>> -> memref<1x64xi32, #tpu.memory_space<vmem>>
      %dma_wait3A_700 = tpu.memref_squeeze %dma_wait3A_699 : memref<1x64xi32, #tpu.memory_space<vmem>> -> memref<64xi32, #tpu.memory_space<vmem>>
      %dma_wait3A_701 = arith.constant 0 : i32
      %dma_wait3A_702 = arith.constant 0 : i32
      %dma_wait3A_703 = tpu.memref_slice %arg2[%dma_wait3A_701, %dma_wait3A_702] : memref<20000x128xf32, #tpu.memory_space<hbm>> -> memref<20000x128xf32, #tpu.memory_space<hbm>>
      tpu.wait_indirect_dma semaphore(%arg19 : memref<!tpu.dma_semaphore, #tpu.memory_space<semaphore_mem>>) src(%dma_wait3A_703 : memref<20000x128xf32, #tpu.memory_space<hbm>>) dst(%arg15 : memref<64x128xf32, #tpu.memory_space<vmem>>)
      %dma_wait3A_704 = arith.constant 0 : i32
      %dma_wait3A_705 = arith.constant 0 : i32
      %dma_wait3A_706 = tpu.memref_slice %arg10[%dma_wait3A_704, %dma_wait3A_705] : memref<1x64xi32, #tpu.memory_space<vmem>> -> memref<1x64xi32, #tpu.memory_space<vmem>>
      %dma_wait3A_707 = tpu.memref_squeeze %dma_wait3A_706 : memref<1x64xi32, #tpu.memory_space<vmem>> -> memref<64xi32, #tpu.memory_space<vmem>>
      %dma_wait3A_708 = arith.constant 0 : i32
      %dma_wait3A_709 = arith.constant 0 : i32
      %dma_wait3A_710 = tpu.memref_slice %arg18[%dma_wait3A_708, %dma_wait3A_709] : memref<10008x128xf32, #tpu.memory_space<vmem_shared>> -> memref<10008x128xf32, #tpu.memory_space<vmem_shared>>
      tpu.wait_indirect_dma semaphore(%arg20 : memref<!tpu.dma_semaphore, #tpu.memory_space<semaphore_mem>>) src(%arg14 : memref<64x128xf32, #tpu.memory_space<vmem>>) dst(%dma_wait3A_710 : memref<10008x128xf32, #tpu.memory_space<vmem_shared>>)
      %add3A_711 = arith.constant 1 : i32
      %add3A_712 = arith.addi %add3A_689, %add3A_711 : i32
      %shift_right_logical3A_713 = arith.constant 1 : i32
      %shift_right_logical3A_714 = arith.shrui %add3A_712, %shift_right_logical3A_713 : i32
      %min3A_715 = arith.constant 78 : i32
      %min3A_716 = arith.minsi %shift_right_logical3A_714, %min3A_715 : i32
      %shift_right_logical3A_717 = arith.constant 1 : i32
      %shift_right_logical3A_718 = arith.shrui %add3A_712, %shift_right_logical3A_717 : i32
      %mul3A_719 = arith.constant 2 : i32
      %mul3A_720 = arith.muli %mul3A_719, %shift_right_logical3A_718 : i32
      %sub3A_721 = arith.subi %add3A_712, %mul3A_720 : i32
      %mul3A_722 = arith.constant 64 : i32
      %mul3A_723 = arith.muli %sub3A_721, %mul3A_722 : i32
      %add3A_724 = arith.constant 0 : i32
      %add3A_725 = arith.addi %mul3A_723, %add3A_724 : i32
      %get3A_726 = arith.index_cast %min3A_716 : i32 to index
      %get3A_727 = arith.index_cast %add3A_725 : i32 to index
      %get3A_728 = tpu.vector_load %arg7[%get3A_726, %get3A_727] {strides = array<i32>} : memref<80x128xi32, #tpu.memory_space<vmem>>, vector<1x16xi32>,
      %get3A_729 = vector.shape_cast %get3A_728 : vector<1x16xi32> to vector<16xi32>
      %shift_right_logical3A_730 = arith.constant 16 : i32
      %shift_right_logical3A_731 = vector.broadcast %shift_right_logical3A_730 : i32 to vector<16xi32>
      %shift_right_logical3A_732 = arith.shrui %get3A_729, %shift_right_logical3A_731 : vector<16xi32>
      %mul3A_733 = arith.constant 10000 : i32
      %mul3A_734 = arith.muli %add3A_90, %mul3A_733 : i32
      %add3A_735 = vector.broadcast %mul3A_734 : i32 to vector<16xi32>
      %add3A_736 = arith.addi %shift_right_logical3A_732, %add3A_735 : vector<16xi32>
      %swap3A_737 = arith.constant 0 : i32
      %swap3A_738 = arith.index_cast %swap3A_737 : i32 to index
      %swap3A_739 = arith.constant 0 : index
      %swap3A_740 = tpu.vector_load %arg8[%swap3A_738, %swap3A_739] {strides = array<i32>} : memref<1x64xi32, #tpu.memory_space<vmem>>, vector<1x16xi32>,
      %swap3A_741 = vector.shape_cast %swap3A_740 : vector<1x16xi32> to vector<16xi32>
      %swap3A_742 = vector.shape_cast %add3A_736 : vector<16xi32> to vector<1x16xi32>
      tpu.vector_store %arg8[%swap3A_738, %swap3A_739], %swap3A_742 {strides = array<i32>} : memref<1x64xi32, #tpu.memory_space<vmem>>, vector<1x16xi32>,
      %mul3A_743 = arith.constant 65536 : i32
      %mul3A_744 = vector.broadcast %mul3A_743 : i32 to vector<16xi32>
      %mul3A_745 = arith.muli %shift_right_logical3A_732, %mul3A_744 : vector<16xi32>
      %sub3A_746 = arith.subi %get3A_729, %mul3A_745 : vector<16xi32>
      %swap3A_747 = arith.constant 0 : i32
      %swap3A_748 = arith.index_cast %swap3A_747 : i32 to index
      %swap3A_749 = arith.constant 0 : index
      %swap3A_750 = tpu.vector_load %arg10[%swap3A_748, %swap3A_749] {strides = array<i32>} : memref<1x64xi32, #tpu.memory_space<vmem>>, vector<1x16xi32>,
      %swap3A_751 = vector.shape_cast %swap3A_750 : vector<1x16xi32> to vector<16xi32>
      %swap3A_752 = vector.shape_cast %sub3A_746 : vector<16xi32> to vector<1x16xi32>
      tpu.vector_store %arg10[%swap3A_748, %swap3A_749], %swap3A_752 {strides = array<i32>} : memref<1x64xi32, #tpu.memory_space<vmem>>, vector<1x16xi32>,
      %mul3A_753 = arith.constant 160000 : i32
      %mul3A_754 = arith.muli %add3A_90, %mul3A_753 : i32
      %mul3A_755 = arith.constant 64 : i32
      %mul3A_756 = arith.muli %add3A_712, %mul3A_755 : i32
      %add3A_757 = arith.addi %mul3A_4, %mul3A_756 : i32
      %add3A_758 = arith.constant 0 : i32
      %add3A_759 = arith.addi %add3A_757, %add3A_758 : i32
      %add3A_760 = vector.broadcast %add3A_759 : i32 to vector<16xi32>
      %add3A_761 = arith.addi %iota3A, %add3A_760 : vector<16xi32>
      %min3A_762 = arith.constant 159999 : i32
      %min3A_763 = vector.broadcast %min3A_762 : i32 to vector<16xi32>
      %min3A_764 = arith.minsi %add3A_761, %min3A_763 : vector<16xi32>
      %add3A_765 = vector.broadcast %mul3A_754 : i32 to vector<16xi32>
      %add3A_766 = arith.addi %add3A_765, %min3A_764 : vector<16xi32>
      %swap3A_767 = arith.constant 0 : i32
      %swap3A_768 = arith.index_cast %swap3A_767 : i32 to index
      %swap3A_769 = arith.constant 0 : index
      %swap3A_770 = tpu.vector_load %arg12[%swap3A_768, %swap3A_769] {strides = array<i32>} : memref<1x64xi32, #tpu.memory_space<vmem>>, vector<1x16xi32>,
      %swap3A_771 = vector.shape_cast %swap3A_770 : vector<1x16xi32> to vector<16xi32>
      %swap3A_772 = vector.shape_cast %add3A_766 : vector<16xi32> to vector<1x16xi32>
      tpu.vector_store %arg12[%swap3A_768, %swap3A_769], %swap3A_772 {strides = array<i32>} : memref<1x64xi32, #tpu.memory_space<vmem>>, vector<1x16xi32>,
      %mul3A_773 = arith.constant 64 : i32
      %mul3A_774 = arith.muli %sub3A_721, %mul3A_773 : i32
      %add3A_775 = arith.constant 16 : i32
      %add3A_776 = arith.addi %mul3A_774, %add3A_775 : i32
      %get3A_777 = arith.index_cast %min3A_716 : i32 to index
      %get3A_778 = arith.index_cast %add3A_776 : i32 to index
      %get3A_779 = tpu.vector_load %arg7[%get3A_777, %get3A_778] {strides = array<i32>} : memref<80x128xi32, #tpu.memory_space<vmem>>, vector<1x16xi32>,
      %get3A_780 = vector.shape_cast %get3A_779 : vector<1x16xi32> to vector<16xi32>
      %shift_right_logical3A_781 = arith.constant 16 : i32
      %shift_right_logical3A_782 = vector.broadcast %shift_right_logical3A_781 : i32 to vector<16xi32>
      %shift_right_logical3A_783 = arith.shrui %get3A_780, %shift_right_logical3A_782 : vector<16xi32>
      %mul3A_784 = arith.constant 10000 : i32
      %mul3A_785 = arith.muli %add3A_90, %mul3A_784 : i32
      %add3A_786 = vector.broadcast %mul3A_785 : i32 to vector<16xi32>
      %add3A_787 = arith.addi %shift_right_logical3A_783, %add3A_786 : vector<16xi32>
      %swap3A_788 = arith.constant 0 : i32
      %swap3A_789 = arith.index_cast %swap3A_788 : i32 to index
      %swap3A_790 = arith.constant 16 : index
      %swap3A_791 = tpu.vector_load %arg8[%swap3A_789, %swap3A_790] {strides = array<i32>} : memref<1x64xi32, #tpu.memory_space<vmem>>, vector<1x16xi32>,
      %swap3A_792 = vector.shape_cast %swap3A_791 : vector<1x16xi32> to vector<16xi32>
      %swap3A_793 = vector.shape_cast %add3A_787 : vector<16xi32> to vector<1x16xi32>
      tpu.vector_store %arg8[%swap3A_789, %swap3A_790], %swap3A_793 {strides = array<i32>} : memref<1x64xi32, #tpu.memory_space<vmem>>, vector<1x16xi32>,
      %mul3A_794 = arith.constant 65536 : i32
      %mul3A_795 = vector.broadcast %mul3A_794 : i32 to vector<16xi32>
      %mul3A_796 = arith.muli %shift_right_logical3A_783, %mul3A_795 : vector<16xi32>
      %sub3A_797 = arith.subi %get3A_780, %mul3A_796 : vector<16xi32>
      %swap3A_798 = arith.constant 0 : i32
      %swap3A_799 = arith.index_cast %swap3A_798 : i32 to index
      %swap3A_800 = arith.constant 16 : index
      %swap3A_801 = tpu.vector_load %arg10[%swap3A_799, %swap3A_800] {strides = array<i32>} : memref<1x64xi32, #tpu.memory_space<vmem>>, vector<1x16xi32>,
      %swap3A_802 = vector.shape_cast %swap3A_801 : vector<1x16xi32> to vector<16xi32>
      %swap3A_803 = vector.shape_cast %sub3A_797 : vector<16xi32> to vector<1x16xi32>
      tpu.vector_store %arg10[%swap3A_799, %swap3A_800], %swap3A_803 {strides = array<i32>} : memref<1x64xi32, #tpu.memory_space<vmem>>, vector<1x16xi32>,
      %mul3A_804 = arith.constant 160000 : i32
      %mul3A_805 = arith.muli %add3A_90, %mul3A_804 : i32
      %mul3A_806 = arith.constant 64 : i32
      %mul3A_807 = arith.muli %add3A_712, %mul3A_806 : i32
      %add3A_808 = arith.addi %mul3A_4, %mul3A_807 : i32
      %add3A_809 = arith.constant 16 : i32
      %add3A_810 = arith.addi %add3A_808, %add3A_809 : i32
      %add3A_811 = vector.broadcast %add3A_810 : i32 to vector<16xi32>
      %add3A_812 = arith.addi %iota3A, %add3A_811 : vector<16xi32>
      %min3A_813 = arith.constant 159999 : i32
      %min3A_814 = vector.broadcast %min3A_813 : i32 to vector<16xi32>
      %min3A_815 = arith.minsi %add3A_812, %min3A_814 : vector<16xi32>
      %add3A_816 = vector.broadcast %mul3A_805 : i32 to vector<16xi32>
      %add3A_817 = arith.addi %add3A_816, %min3A_815 : vector<16xi32>
      %swap3A_818 = arith.constant 0 : i32
      %swap3A_819 = arith.index_cast %swap3A_818 : i32 to index
      %swap3A_820 = arith.constant 16 : index
      %swap3A_821 = tpu.vector_load %arg12[%swap3A_819, %swap3A_820] {strides = array<i32>} : memref<1x64xi32, #tpu.memory_space<vmem>>, vector<1x16xi32>,
      %swap3A_822 = vector.shape_cast %swap3A_821 : vector<1x16xi32> to vector<16xi32>
      %swap3A_823 = vector.shape_cast %add3A_817 : vector<16xi32> to vector<1x16xi32>
      tpu.vector_store %arg12[%swap3A_819, %swap3A_820], %swap3A_823 {strides = array<i32>} : memref<1x64xi32, #tpu.memory_space<vmem>>, vector<1x16xi32>,
      %mul3A_824 = arith.constant 64 : i32
      %mul3A_825 = arith.muli %sub3A_721, %mul3A_824 : i32
      %add3A_826 = arith.constant 32 : i32
      %add3A_827 = arith.addi %mul3A_825, %add3A_826 : i32
      %get3A_828 = arith.index_cast %min3A_716 : i32 to index
      %get3A_829 = arith.index_cast %add3A_827 : i32 to index
      %get3A_830 = tpu.vector_load %arg7[%get3A_828, %get3A_829] {strides = array<i32>} : memref<80x128xi32, #tpu.memory_space<vmem>>, vector<1x16xi32>,
      %get3A_831 = vector.shape_cast %get3A_830 : vector<1x16xi32> to vector<16xi32>
      %shift_right_logical3A_832 = arith.constant 16 : i32
      %shift_right_logical3A_833 = vector.broadcast %shift_right_logical3A_832 : i32 to vector<16xi32>
      %shift_right_logical3A_834 = arith.shrui %get3A_831, %shift_right_logical3A_833 : vector<16xi32>
      %mul3A_835 = arith.constant 10000 : i32
      %mul3A_836 = arith.muli %add3A_90, %mul3A_835 : i32
      %add3A_837 = vector.broadcast %mul3A_836 : i32 to vector<16xi32>
      %add3A_838 = arith.addi %shift_right_logical3A_834, %add3A_837 : vector<16xi32>
      %swap3A_839 = arith.constant 0 : i32
      %swap3A_840 = arith.index_cast %swap3A_839 : i32 to index
      %swap3A_841 = arith.constant 32 : index
      %swap3A_842 = tpu.vector_load %arg8[%swap3A_840, %swap3A_841] {strides = array<i32>} : memref<1x64xi32, #tpu.memory_space<vmem>>, vector<1x16xi32>,
      %swap3A_843 = vector.shape_cast %swap3A_842 : vector<1x16xi32> to vector<16xi32>
      %swap3A_844 = vector.shape_cast %add3A_838 : vector<16xi32> to vector<1x16xi32>
      tpu.vector_store %arg8[%swap3A_840, %swap3A_841], %swap3A_844 {strides = array<i32>} : memref<1x64xi32, #tpu.memory_space<vmem>>, vector<1x16xi32>,
      %mul3A_845 = arith.constant 65536 : i32
      %mul3A_846 = vector.broadcast %mul3A_845 : i32 to vector<16xi32>
      %mul3A_847 = arith.muli %shift_right_logical3A_834, %mul3A_846 : vector<16xi32>
      %sub3A_848 = arith.subi %get3A_831, %mul3A_847 : vector<16xi32>
      %swap3A_849 = arith.constant 0 : i32
      %swap3A_850 = arith.index_cast %swap3A_849 : i32 to index
      %swap3A_851 = arith.constant 32 : index
      %swap3A_852 = tpu.vector_load %arg10[%swap3A_850, %swap3A_851] {strides = array<i32>} : memref<1x64xi32, #tpu.memory_space<vmem>>, vector<1x16xi32>,
      %swap3A_853 = vector.shape_cast %swap3A_852 : vector<1x16xi32> to vector<16xi32>
      %swap3A_854 = vector.shape_cast %sub3A_848 : vector<16xi32> to vector<1x16xi32>
      tpu.vector_store %arg10[%swap3A_850, %swap3A_851], %swap3A_854 {strides = array<i32>} : memref<1x64xi32, #tpu.memory_space<vmem>>, vector<1x16xi32>,
      %mul3A_855 = arith.constant 160000 : i32
      %mul3A_856 = arith.muli %add3A_90, %mul3A_855 : i32
      %mul3A_857 = arith.constant 64 : i32
      %mul3A_858 = arith.muli %add3A_712, %mul3A_857 : i32
      %add3A_859 = arith.addi %mul3A_4, %mul3A_858 : i32
      %add3A_860 = arith.constant 32 : i32
      %add3A_861 = arith.addi %add3A_859, %add3A_860 : i32
      %add3A_862 = vector.broadcast %add3A_861 : i32 to vector<16xi32>
      %add3A_863 = arith.addi %iota3A, %add3A_862 : vector<16xi32>
      %min3A_864 = arith.constant 159999 : i32
      %min3A_865 = vector.broadcast %min3A_864 : i32 to vector<16xi32>
      %min3A_866 = arith.minsi %add3A_863, %min3A_865 : vector<16xi32>
      %add3A_867 = vector.broadcast %mul3A_856 : i32 to vector<16xi32>
      %add3A_868 = arith.addi %add3A_867, %min3A_866 : vector<16xi32>
      %swap3A_869 = arith.constant 0 : i32
      %swap3A_870 = arith.index_cast %swap3A_869 : i32 to index
      %swap3A_871 = arith.constant 32 : index
      %swap3A_872 = tpu.vector_load %arg12[%swap3A_870, %swap3A_871] {strides = array<i32>} : memref<1x64xi32, #tpu.memory_space<vmem>>, vector<1x16xi32>,
      %swap3A_873 = vector.shape_cast %swap3A_872 : vector<1x16xi32> to vector<16xi32>
      %swap3A_874 = vector.shape_cast %add3A_868 : vector<16xi32> to vector<1x16xi32>
      tpu.vector_store %arg12[%swap3A_870, %swap3A_871], %swap3A_874 {strides = array<i32>} : memref<1x64xi32, #tpu.memory_space<vmem>>, vector<1x16xi32>,
      %mul3A_875 = arith.constant 64 : i32
      %mul3A_876 = arith.muli %sub3A_721, %mul3A_875 : i32
      %add3A_877 = arith.constant 48 : i32
      %add3A_878 = arith.addi %mul3A_876, %add3A_877 : i32
      %get3A_879 = arith.index_cast %min3A_716 : i32 to index
      %get3A_880 = arith.index_cast %add3A_878 : i32 to index
      %get3A_881 = tpu.vector_load %arg7[%get3A_879, %get3A_880] {strides = array<i32>} : memref<80x128xi32, #tpu.memory_space<vmem>>, vector<1x16xi32>,
      %get3A_882 = vector.shape_cast %get3A_881 : vector<1x16xi32> to vector<16xi32>
      %shift_right_logical3A_883 = arith.constant 16 : i32
      %shift_right_logical3A_884 = vector.broadcast %shift_right_logical3A_883 : i32 to vector<16xi32>
      %shift_right_logical3A_885 = arith.shrui %get3A_882, %shift_right_logical3A_884 : vector<16xi32>
      %mul3A_886 = arith.constant 10000 : i32
      %mul3A_887 = arith.muli %add3A_90, %mul3A_886 : i32
      %add3A_888 = vector.broadcast %mul3A_887 : i32 to vector<16xi32>
      %add3A_889 = arith.addi %shift_right_logical3A_885, %add3A_888 : vector<16xi32>
      %swap3A_890 = arith.constant 0 : i32
      %swap3A_891 = arith.index_cast %swap3A_890 : i32 to index
      %swap3A_892 = arith.constant 48 : index
      %swap3A_893 = tpu.vector_load %arg8[%swap3A_891, %swap3A_892] {strides = array<i32>} : memref<1x64xi32, #tpu.memory_space<vmem>>, vector<1x16xi32>,
      %swap3A_894 = vector.shape_cast %swap3A_893 : vector<1x16xi32> to vector<16xi32>
      %swap3A_895 = vector.shape_cast %add3A_889 : vector<16xi32> to vector<1x16xi32>
      tpu.vector_store %arg8[%swap3A_891, %swap3A_892], %swap3A_895 {strides = array<i32>} : memref<1x64xi32, #tpu.memory_space<vmem>>, vector<1x16xi32>,
      %mul3A_896 = arith.constant 65536 : i32
      %mul3A_897 = vector.broadcast %mul3A_896 : i32 to vector<16xi32>
      %mul3A_898 = arith.muli %shift_right_logical3A_885, %mul3A_897 : vector<16xi32>
      %sub3A_899 = arith.subi %get3A_882, %mul3A_898 : vector<16xi32>
      %swap3A_900 = arith.constant 0 : i32
      %swap3A_901 = arith.index_cast %swap3A_900 : i32 to index
      %swap3A_902 = arith.constant 48 : index
      %swap3A_903 = tpu.vector_load %arg10[%swap3A_901, %swap3A_902] {strides = array<i32>} : memref<1x64xi32, #tpu.memory_space<vmem>>, vector<1x16xi32>,
      %swap3A_904 = vector.shape_cast %swap3A_903 : vector<1x16xi32> to vector<16xi32>
      %swap3A_905 = vector.shape_cast %sub3A_899 : vector<16xi32> to vector<1x16xi32>
      tpu.vector_store %arg10[%swap3A_901, %swap3A_902], %swap3A_905 {strides = array<i32>} : memref<1x64xi32, #tpu.memory_space<vmem>>, vector<1x16xi32>,
      %mul3A_906 = arith.constant 160000 : i32
      %mul3A_907 = arith.muli %add3A_90, %mul3A_906 : i32
      %mul3A_908 = arith.constant 64 : i32
      %mul3A_909 = arith.muli %add3A_712, %mul3A_908 : i32
      %add3A_910 = arith.addi %mul3A_4, %mul3A_909 : i32
      %add3A_911 = arith.constant 48 : i32
      %add3A_912 = arith.addi %add3A_910, %add3A_911 : i32
      %add3A_913 = vector.broadcast %add3A_912 : i32 to vector<16xi32>
      %add3A_914 = arith.addi %iota3A, %add3A_913 : vector<16xi32>
      %min3A_915 = arith.constant 159999 : i32
      %min3A_916 = vector.broadcast %min3A_915 : i32 to vector<16xi32>
      %min3A_917 = arith.minsi %add3A_914, %min3A_916 : vector<16xi32>
      %add3A_918 = vector.broadcast %mul3A_907 : i32 to vector<16xi32>
      %add3A_919 = arith.addi %add3A_918, %min3A_917 : vector<16xi32>
      %swap3A_920 = arith.constant 0 : i32
      %swap3A_921 = arith.index_cast %swap3A_920 : i32 to index
      %swap3A_922 = arith.constant 48 : index
      %swap3A_923 = tpu.vector_load %arg12[%swap3A_921, %swap3A_922] {strides = array<i32>} : memref<1x64xi32, #tpu.memory_space<vmem>>, vector<1x16xi32>,
      %swap3A_924 = vector.shape_cast %swap3A_923 : vector<1x16xi32> to vector<16xi32>
      %swap3A_925 = vector.shape_cast %add3A_919 : vector<16xi32> to vector<1x16xi32>
      tpu.vector_store %arg12[%swap3A_921, %swap3A_922], %swap3A_925 {strides = array<i32>} : memref<1x64xi32, #tpu.memory_space<vmem>>, vector<1x16xi32>,
      %dma_start3A_926 = arith.constant 0 : i32
      %dma_start3A_927 = arith.constant 0 : i32
      %dma_start3A_928 = tpu.memref_slice %arg12[%dma_start3A_926, %dma_start3A_927] : memref<1x64xi32, #tpu.memory_space<vmem>> -> memref<1x64xi32, #tpu.memory_space<vmem>>
      %dma_start3A_929 = tpu.memref_squeeze %dma_start3A_928 : memref<1x64xi32, #tpu.memory_space<vmem>> -> memref<64xi32, #tpu.memory_space<vmem>>
      %dma_start3A_930 = arith.constant 0 : i32
      %dma_start3A_931 = arith.constant 0 : i32
      %dma_start3A_932 = tpu.memref_slice %arg3[%dma_start3A_930, %dma_start3A_931] : memref<320000x128xf32, #tpu.memory_space<hbm>> -> memref<320000x128xf32, #tpu.memory_space<hbm>>
      tpu.enqueue_indirect_dma source(%dma_start3A_932 : memref<320000x128xf32, #tpu.memory_space<hbm>>) target(%arg16 : memref<64x128xf32, #tpu.memory_space<vmem>>) offsets(%dma_start3A_929 : memref<64xi32, #tpu.memory_space<vmem>>) semaphore(%arg19 : memref<!tpu.dma_semaphore, #tpu.memory_space<semaphore_mem>>)
      %dma_start3A_933 = arith.constant 0 : i32
      %dma_start3A_934 = arith.constant 0 : i32
      %dma_start3A_935 = tpu.memref_slice %arg8[%dma_start3A_933, %dma_start3A_934] : memref<1x64xi32, #tpu.memory_space<vmem>> -> memref<1x64xi32, #tpu.memory_space<vmem>>
      %dma_start3A_936 = tpu.memref_squeeze %dma_start3A_935 : memref<1x64xi32, #tpu.memory_space<vmem>> -> memref<64xi32, #tpu.memory_space<vmem>>
      %dma_start3A_937 = arith.constant 0 : i32
      %dma_start3A_938 = arith.constant 0 : i32
      %dma_start3A_939 = tpu.memref_slice %arg2[%dma_start3A_937, %dma_start3A_938] : memref<20000x128xf32, #tpu.memory_space<hbm>> -> memref<20000x128xf32, #tpu.memory_space<hbm>>
      tpu.enqueue_indirect_dma source(%dma_start3A_939 : memref<20000x128xf32, #tpu.memory_space<hbm>>) target(%arg14 : memref<64x128xf32, #tpu.memory_space<vmem>>) offsets(%dma_start3A_936 : memref<64xi32, #tpu.memory_space<vmem>>) semaphore(%arg19 : memref<!tpu.dma_semaphore, #tpu.memory_space<semaphore_mem>>)
      %scan3A_940 = arith.constant 0 : i32
      %scan3A_941 = arith.constant 0 : i32
      %scan3A_942 = arith.constant 64 : i32
      %scan3A_943 = arith.addi %scan3A_941, %scan3A_942 : i32
      %scan3A_944 = arith.constant 1 : i32
      scf.for %scan3A_953 = %scan3A_941 to %scan3A_943 step %scan3A_944  : i32 {
        %get3A_954 = arith.index_cast %scan3A_953 : i32 to index
        %get3A_955 = arith.constant 0 : index
        %get3A_956 = tpu.vector_load %arg15[%get3A_954, %get3A_955] {strides = array<i32>} : memref<64x128xf32, #tpu.memory_space<vmem>>, vector<1x16xf32>,
        %get3A_957 = vector.shape_cast %get3A_956 : vector<1x16xf32> to vector<16xf32>
        %get3A_958 = arith.index_cast %scan3A_953 : i32 to index
        %get3A_959 = arith.constant 0 : index
        %get3A_960 = tpu.vector_load %arg17[%get3A_958, %get3A_959] {strides = array<i32>} : memref<64x128xf32, #tpu.memory_space<vmem>>, vector<1x16xf32>,
        %get3A_961 = vector.shape_cast %get3A_960 : vector<1x16xf32> to vector<16xf32>
        %add3A_962 = arith.addf %get3A_957, %get3A_961 : vector<16xf32>
        %max3A = arith.constant 0.000000e+00 : f32
        %max3A_963 = vector.broadcast %max3A : f32 to vector<16xf32>
        %max3A_964 = arith.maximumf %add3A_962, %max3A_963 : vector<16xf32>
        %swap3A_965 = arith.index_cast %scan3A_953 : i32 to index
        %swap3A_966 = arith.constant 0 : index
        %swap3A_967 = tpu.vector_load %arg15[%swap3A_965, %swap3A_966] {strides = array<i32>} : memref<64x128xf32, #tpu.memory_space<vmem>>, vector<1x16xf32>,
        %swap3A_968 = vector.shape_cast %swap3A_967 : vector<1x16xf32> to vector<16xf32>
        %swap3A_969 = vector.shape_cast %max3A_964 : vector<16xf32> to vector<1x16xf32>
        tpu.vector_store %arg15[%swap3A_965, %swap3A_966], %swap3A_969 {strides = array<i32>} : memref<64x128xf32, #tpu.memory_space<vmem>>, vector<1x16xf32>,
        %get3A_970 = arith.index_cast %scan3A_953 : i32 to index
        %get3A_971 = arith.constant 16 : index
        %get3A_972 = tpu.vector_load %arg15[%get3A_970, %get3A_971] {strides = array<i32>} : memref<64x128xf32, #tpu.memory_space<vmem>>, vector<1x16xf32>,
        %get3A_973 = vector.shape_cast %get3A_972 : vector<1x16xf32> to vector<16xf32>
        %get3A_974 = arith.index_cast %scan3A_953 : i32 to index
        %get3A_975 = arith.constant 16 : index
        %get3A_976 = tpu.vector_load %arg17[%get3A_974, %get3A_975] {strides = array<i32>} : memref<64x128xf32, #tpu.memory_space<vmem>>, vector<1x16xf32>,
        %get3A_977 = vector.shape_cast %get3A_976 : vector<1x16xf32> to vector<16xf32>
        %add3A_978 = arith.addf %get3A_973, %get3A_977 : vector<16xf32>
        %max3A_979 = arith.constant 0.000000e+00 : f32
        %max3A_980 = vector.broadcast %max3A_979 : f32 to vector<16xf32>
        %max3A_981 = arith.maximumf %add3A_978, %max3A_980 : vector<16xf32>
        %swap3A_982 = arith.index_cast %scan3A_953 : i32 to index
        %swap3A_983 = arith.constant 16 : index
        %swap3A_984 = tpu.vector_load %arg15[%swap3A_982, %swap3A_983] {strides = array<i32>} : memref<64x128xf32, #tpu.memory_space<vmem>>, vector<1x16xf32>,
        %swap3A_985 = vector.shape_cast %swap3A_984 : vector<1x16xf32> to vector<16xf32>
        %swap3A_986 = vector.shape_cast %max3A_981 : vector<16xf32> to vector<1x16xf32>
        tpu.vector_store %arg15[%swap3A_982, %swap3A_983], %swap3A_986 {strides = array<i32>} : memref<64x128xf32, #tpu.memory_space<vmem>>, vector<1x16xf32>,
        %get3A_987 = arith.index_cast %scan3A_953 : i32 to index
        %get3A_988 = arith.constant 32 : index
        %get3A_989 = tpu.vector_load %arg15[%get3A_987, %get3A_988] {strides = array<i32>} : memref<64x128xf32, #tpu.memory_space<vmem>>, vector<1x16xf32>,
        %get3A_990 = vector.shape_cast %get3A_989 : vector<1x16xf32> to vector<16xf32>
        %get3A_991 = arith.index_cast %scan3A_953 : i32 to index
        %get3A_992 = arith.constant 32 : index
        %get3A_993 = tpu.vector_load %arg17[%get3A_991, %get3A_992] {strides = array<i32>} : memref<64x128xf32, #tpu.memory_space<vmem>>, vector<1x16xf32>,
        %get3A_994 = vector.shape_cast %get3A_993 : vector<1x16xf32> to vector<16xf32>
        %add3A_995 = arith.addf %get3A_990, %get3A_994 : vector<16xf32>
        %max3A_996 = arith.constant 0.000000e+00 : f32
        %max3A_997 = vector.broadcast %max3A_996 : f32 to vector<16xf32>
        %max3A_998 = arith.maximumf %add3A_995, %max3A_997 : vector<16xf32>
        %swap3A_999 = arith.index_cast %scan3A_953 : i32 to index
        %swap3A_1000 = arith.constant 32 : index
        %swap3A_1001 = tpu.vector_load %arg15[%swap3A_999, %swap3A_1000] {strides = array<i32>} : memref<64x128xf32, #tpu.memory_space<vmem>>, vector<1x16xf32>,
        %swap3A_1002 = vector.shape_cast %swap3A_1001 : vector<1x16xf32> to vector<16xf32>
        %swap3A_1003 = vector.shape_cast %max3A_998 : vector<16xf32> to vector<1x16xf32>
        tpu.vector_store %arg15[%swap3A_999, %swap3A_1000], %swap3A_1003 {strides = array<i32>} : memref<64x128xf32, #tpu.memory_space<vmem>>, vector<1x16xf32>,
        %get3A_1004 = arith.index_cast %scan3A_953 : i32 to index
        %get3A_1005 = arith.constant 48 : index
        %get3A_1006 = tpu.vector_load %arg15[%get3A_1004, %get3A_1005] {strides = array<i32>} : memref<64x128xf32, #tpu.memory_space<vmem>>, vector<1x16xf32>,
        %get3A_1007 = vector.shape_cast %get3A_1006 : vector<1x16xf32> to vector<16xf32>
        %get3A_1008 = arith.index_cast %scan3A_953 : i32 to index
        %get3A_1009 = arith.constant 48 : index
        %get3A_1010 = tpu.vector_load %arg17[%get3A_1008, %get3A_1009] {strides = array<i32>} : memref<64x128xf32, #tpu.memory_space<vmem>>, vector<1x16xf32>,
        %get3A_1011 = vector.shape_cast %get3A_1010 : vector<1x16xf32> to vector<16xf32>
        %add3A_1012 = arith.addf %get3A_1007, %get3A_1011 : vector<16xf32>
        %max3A_1013 = arith.constant 0.000000e+00 : f32
        %max3A_1014 = vector.broadcast %max3A_1013 : f32 to vector<16xf32>
        %max3A_1015 = arith.maximumf %add3A_1012, %max3A_1014 : vector<16xf32>
        %swap3A_1016 = arith.index_cast %scan3A_953 : i32 to index
        %swap3A_1017 = arith.constant 48 : index
        %swap3A_1018 = tpu.vector_load %arg15[%swap3A_1016, %swap3A_1017] {strides = array<i32>} : memref<64x128xf32, #tpu.memory_space<vmem>>, vector<1x16xf32>,
        %swap3A_1019 = vector.shape_cast %swap3A_1018 : vector<1x16xf32> to vector<16xf32>
        %swap3A_1020 = vector.shape_cast %max3A_1015 : vector<16xf32> to vector<1x16xf32>
        tpu.vector_store %arg15[%swap3A_1016, %swap3A_1017], %swap3A_1020 {strides = array<i32>} : memref<64x128xf32, #tpu.memory_space<vmem>>, vector<1x16xf32>,
        %get3A_1021 = arith.index_cast %scan3A_953 : i32 to index
        %get3A_1022 = arith.constant 64 : index
        %get3A_1023 = tpu.vector_load %arg15[%get3A_1021, %get3A_1022] {strides = array<i32>} : memref<64x128xf32, #tpu.memory_space<vmem>>, vector<1x16xf32>,
        %get3A_1024 = vector.shape_cast %get3A_1023 : vector<1x16xf32> to vector<16xf32>
        %get3A_1025 = arith.index_cast %scan3A_953 : i32 to index
        %get3A_1026 = arith.constant 64 : index
        %get3A_1027 = tpu.vector_load %arg17[%get3A_1025, %get3A_1026] {strides = array<i32>} : memref<64x128xf32, #tpu.memory_space<vmem>>, vector<1x16xf32>,
        %get3A_1028 = vector.shape_cast %get3A_1027 : vector<1x16xf32> to vector<16xf32>
        %add3A_1029 = arith.addf %get3A_1024, %get3A_1028 : vector<16xf32>
        %max3A_1030 = arith.constant 0.000000e+00 : f32
        %max3A_1031 = vector.broadcast %max3A_1030 : f32 to vector<16xf32>
        %max3A_1032 = arith.maximumf %add3A_1029, %max3A_1031 : vector<16xf32>
        %swap3A_1033 = arith.index_cast %scan3A_953 : i32 to index
        %swap3A_1034 = arith.constant 64 : index
        %swap3A_1035 = tpu.vector_load %arg15[%swap3A_1033, %swap3A_1034] {strides = array<i32>} : memref<64x128xf32, #tpu.memory_space<vmem>>, vector<1x16xf32>,
        %swap3A_1036 = vector.shape_cast %swap3A_1035 : vector<1x16xf32> to vector<16xf32>
        %swap3A_1037 = vector.shape_cast %max3A_1032 : vector<16xf32> to vector<1x16xf32>
        tpu.vector_store %arg15[%swap3A_1033, %swap3A_1034], %swap3A_1037 {strides = array<i32>} : memref<64x128xf32, #tpu.memory_space<vmem>>, vector<1x16xf32>,
        %get3A_1038 = arith.index_cast %scan3A_953 : i32 to index
        %get3A_1039 = arith.constant 80 : index
        %get3A_1040 = tpu.vector_load %arg15[%get3A_1038, %get3A_1039] {strides = array<i32>} : memref<64x128xf32, #tpu.memory_space<vmem>>, vector<1x16xf32>,
        %get3A_1041 = vector.shape_cast %get3A_1040 : vector<1x16xf32> to vector<16xf32>
        %get3A_1042 = arith.index_cast %scan3A_953 : i32 to index
        %get3A_1043 = arith.constant 80 : index
        %get3A_1044 = tpu.vector_load %arg17[%get3A_1042, %get3A_1043] {strides = array<i32>} : memref<64x128xf32, #tpu.memory_space<vmem>>, vector<1x16xf32>,
        %get3A_1045 = vector.shape_cast %get3A_1044 : vector<1x16xf32> to vector<16xf32>
        %add3A_1046 = arith.addf %get3A_1041, %get3A_1045 : vector<16xf32>
        %max3A_1047 = arith.constant 0.000000e+00 : f32
        %max3A_1048 = vector.broadcast %max3A_1047 : f32 to vector<16xf32>
        %max3A_1049 = arith.maximumf %add3A_1046, %max3A_1048 : vector<16xf32>
        %swap3A_1050 = arith.index_cast %scan3A_953 : i32 to index
        %swap3A_1051 = arith.constant 80 : index
        %swap3A_1052 = tpu.vector_load %arg15[%swap3A_1050, %swap3A_1051] {strides = array<i32>} : memref<64x128xf32, #tpu.memory_space<vmem>>, vector<1x16xf32>,
        %swap3A_1053 = vector.shape_cast %swap3A_1052 : vector<1x16xf32> to vector<16xf32>
        %swap3A_1054 = vector.shape_cast %max3A_1049 : vector<16xf32> to vector<1x16xf32>
        tpu.vector_store %arg15[%swap3A_1050, %swap3A_1051], %swap3A_1054 {strides = array<i32>} : memref<64x128xf32, #tpu.memory_space<vmem>>, vector<1x16xf32>,
        %get3A_1055 = arith.index_cast %scan3A_953 : i32 to index
        %get3A_1056 = arith.constant 96 : index
        %get3A_1057 = tpu.vector_load %arg15[%get3A_1055, %get3A_1056] {strides = array<i32>} : memref<64x128xf32, #tpu.memory_space<vmem>>, vector<1x16xf32>,
        %get3A_1058 = vector.shape_cast %get3A_1057 : vector<1x16xf32> to vector<16xf32>
        %get3A_1059 = arith.index_cast %scan3A_953 : i32 to index
        %get3A_1060 = arith.constant 96 : index
        %get3A_1061 = tpu.vector_load %arg17[%get3A_1059, %get3A_1060] {strides = array<i32>} : memref<64x128xf32, #tpu.memory_space<vmem>>, vector<1x16xf32>,
        %get3A_1062 = vector.shape_cast %get3A_1061 : vector<1x16xf32> to vector<16xf32>
        %add3A_1063 = arith.addf %get3A_1058, %get3A_1062 : vector<16xf32>
        %max3A_1064 = arith.constant 0.000000e+00 : f32
        %max3A_1065 = vector.broadcast %max3A_1064 : f32 to vector<16xf32>
        %max3A_1066 = arith.maximumf %add3A_1063, %max3A_1065 : vector<16xf32>
        %swap3A_1067 = arith.index_cast %scan3A_953 : i32 to index
        %swap3A_1068 = arith.constant 96 : index
        %swap3A_1069 = tpu.vector_load %arg15[%swap3A_1067, %swap3A_1068] {strides = array<i32>} : memref<64x128xf32, #tpu.memory_space<vmem>>, vector<1x16xf32>,
        %swap3A_1070 = vector.shape_cast %swap3A_1069 : vector<1x16xf32> to vector<16xf32>
        %swap3A_1071 = vector.shape_cast %max3A_1066 : vector<16xf32> to vector<1x16xf32>
        tpu.vector_store %arg15[%swap3A_1067, %swap3A_1068], %swap3A_1071 {strides = array<i32>} : memref<64x128xf32, #tpu.memory_space<vmem>>, vector<1x16xf32>,
        %get3A_1072 = arith.index_cast %scan3A_953 : i32 to index
        %get3A_1073 = arith.constant 112 : index
        %get3A_1074 = tpu.vector_load %arg15[%get3A_1072, %get3A_1073] {strides = array<i32>} : memref<64x128xf32, #tpu.memory_space<vmem>>, vector<1x16xf32>,
        %get3A_1075 = vector.shape_cast %get3A_1074 : vector<1x16xf32> to vector<16xf32>
        %get3A_1076 = arith.index_cast %scan3A_953 : i32 to index
        %get3A_1077 = arith.constant 112 : index
        %get3A_1078 = tpu.vector_load %arg17[%get3A_1076, %get3A_1077] {strides = array<i32>} : memref<64x128xf32, #tpu.memory_space<vmem>>, vector<1x16xf32>,
        %get3A_1079 = vector.shape_cast %get3A_1078 : vector<1x16xf32> to vector<16xf32>
        %add3A_1080 = arith.addf %get3A_1075, %get3A_1079 : vector<16xf32>
        %max3A_1081 = arith.constant 0.000000e+00 : f32
        %max3A_1082 = vector.broadcast %max3A_1081 : f32 to vector<16xf32>
        %max3A_1083 = arith.maximumf %add3A_1080, %max3A_1082 : vector<16xf32>
        %swap3A_1084 = arith.index_cast %scan3A_953 : i32 to index
        %swap3A_1085 = arith.constant 112 : index
        %swap3A_1086 = tpu.vector_load %arg15[%swap3A_1084, %swap3A_1085] {strides = array<i32>} : memref<64x128xf32, #tpu.memory_space<vmem>>, vector<1x16xf32>,
        %swap3A_1087 = vector.shape_cast %swap3A_1086 : vector<1x16xf32> to vector<16xf32>
        %swap3A_1088 = vector.shape_cast %max3A_1083 : vector<16xf32> to vector<1x16xf32>
        tpu.vector_store %arg15[%swap3A_1084, %swap3A_1085], %swap3A_1088 {strides = array<i32>} : memref<64x128xf32, #tpu.memory_space<vmem>>, vector<1x16xf32>,
      }
      %scan3A_945 = arith.constant 64 : i32
      %dma_start3A_946 = arith.constant 0 : i32
      %dma_start3A_947 = arith.constant 0 : i32
      %dma_start3A_948 = tpu.memref_slice %arg11[%dma_start3A_946, %dma_start3A_947] : memref<1x64xi32, #tpu.memory_space<vmem>> -> memref<1x64xi32, #tpu.memory_space<vmem>>
      %dma_start3A_949 = tpu.memref_squeeze %dma_start3A_948 : memref<1x64xi32, #tpu.memory_space<vmem>> -> memref<64xi32, #tpu.memory_space<vmem>>
      %dma_start3A_950 = arith.constant 0 : i32
      %dma_start3A_951 = arith.constant 0 : i32
      %dma_start3A_952 = tpu.memref_slice %arg18[%dma_start3A_950, %dma_start3A_951] : memref<10008x128xf32, #tpu.memory_space<vmem_shared>> -> memref<10008x128xf32, #tpu.memory_space<vmem_shared>>
      tpu.enqueue_indirect_dma source(%arg15 : memref<64x128xf32, #tpu.memory_space<vmem>>) target(%dma_start3A_952 : memref<10008x128xf32, #tpu.memory_space<vmem_shared>>) offsets(%dma_start3A_949 : memref<64xi32, #tpu.memory_space<vmem>>) semaphore(%arg20 : memref<!tpu.dma_semaphore, #tpu.memory_space<semaphore_mem>>) {add = true}
    }
    %scan3A_385 = arith.constant 79 : i32
    %dma_wait3A_386 = arith.constant 0 : i32
    %dma_wait3A_387 = arith.constant 0 : i32
    %dma_wait3A_388 = tpu.memref_slice %arg12[%dma_wait3A_386, %dma_wait3A_387] : memref<1x64xi32, #tpu.memory_space<vmem>> -> memref<1x64xi32, #tpu.memory_space<vmem>>
    %dma_wait3A_389 = tpu.memref_squeeze %dma_wait3A_388 : memref<1x64xi32, #tpu.memory_space<vmem>> -> memref<64xi32, #tpu.memory_space<vmem>>
    %dma_wait3A_390 = arith.constant 0 : i32
    %dma_wait3A_391 = arith.constant 0 : i32
    %dma_wait3A_392 = tpu.memref_slice %arg3[%dma_wait3A_390, %dma_wait3A_391] : memref<320000x128xf32, #tpu.memory_space<hbm>> -> memref<320000x128xf32, #tpu.memory_space<hbm>>
    tpu.wait_indirect_dma semaphore(%arg19 : memref<!tpu.dma_semaphore, #tpu.memory_space<semaphore_mem>>) src(%dma_wait3A_392 : memref<320000x128xf32, #tpu.memory_space<hbm>>) dst(%arg16 : memref<64x128xf32, #tpu.memory_space<vmem>>)
    %dma_wait3A_393 = arith.constant 0 : i32
    %dma_wait3A_394 = arith.constant 0 : i32
    %dma_wait3A_395 = tpu.memref_slice %arg8[%dma_wait3A_393, %dma_wait3A_394] : memref<1x64xi32, #tpu.memory_space<vmem>> -> memref<1x64xi32, #tpu.memory_space<vmem>>
    %dma_wait3A_396 = tpu.memref_squeeze %dma_wait3A_395 : memref<1x64xi32, #tpu.memory_space<vmem>> -> memref<64xi32, #tpu.memory_space<vmem>>
    %dma_wait3A_397 = arith.constant 0 : i32
    %dma_wait3A_398 = arith.constant 0 : i32
    %dma_wait3A_399 = tpu.memref_slice %arg2[%dma_wait3A_397, %dma_wait3A_398] : memref<20000x128xf32, #tpu.memory_space<hbm>> -> memref<20000x128xf32, #tpu.memory_space<hbm>>
    tpu.wait_indirect_dma semaphore(%arg19 : memref<!tpu.dma_semaphore, #tpu.memory_space<semaphore_mem>>) src(%dma_wait3A_399 : memref<20000x128xf32, #tpu.memory_space<hbm>>) dst(%arg14 : memref<64x128xf32, #tpu.memory_space<vmem>>)
    %dma_wait3A_400 = arith.constant 0 : i32
    %dma_wait3A_401 = arith.constant 0 : i32
    %dma_wait3A_402 = tpu.memref_slice %arg11[%dma_wait3A_400, %dma_wait3A_401] : memref<1x64xi32, #tpu.memory_space<vmem>> -> memref<1x64xi32, #tpu.memory_space<vmem>>
    %dma_wait3A_403 = tpu.memref_squeeze %dma_wait3A_402 : memref<1x64xi32, #tpu.memory_space<vmem>> -> memref<64xi32, #tpu.memory_space<vmem>>
    %dma_wait3A_404 = arith.constant 0 : i32
    %dma_wait3A_405 = arith.constant 0 : i32
    %dma_wait3A_406 = tpu.memref_slice %arg18[%dma_wait3A_404, %dma_wait3A_405] : memref<10008x128xf32, #tpu.memory_space<vmem_shared>> -> memref<10008x128xf32, #tpu.memory_space<vmem_shared>>
    tpu.wait_indirect_dma semaphore(%arg20 : memref<!tpu.dma_semaphore, #tpu.memory_space<semaphore_mem>>) src(%arg15 : memref<64x128xf32, #tpu.memory_space<vmem>>) dst(%dma_wait3A_406 : memref<10008x128xf32, #tpu.memory_space<vmem_shared>>)
    %barrier3A_407 = arith.constant 0 : index
    tpu.barrier barrier_id(%barrier3A_407)
    %while3A_408 = arith.constant 0 : i32
    %while3A_409 = arith.constant 0 : i32
    %while3A_410 = arith.subi %select_n3A, %while3A_409 : i32
    %while3A_411 = arith.addi %while3A_409, %while3A_410 : i32
    %while3A_412 = arith.constant 1 : i32
    %while3A_413 = arith.divsi %while3A_410, %while3A_412 : i32
    %while3A_414 = arith.muli %while3A_413, %while3A_412 : i32
    %while3A_415 = arith.addi %while3A_409, %while3A_414 : i32
    %while3A_416 = arith.constant 1 : i32
    scf.for %while3A_418 = %while3A_409 to %while3A_415 step %while3A_416  : i32 {
      %mul3A_419 = arith.constant 40 : i32
      %mul3A_420 = arith.muli %while3A_418, %mul3A_419 : i32
      %add3A_421 = arith.addi %mul3A_0, %mul3A_420 : i32
      %mul3A_422 = arith.constant 10000 : i32
      %mul3A_423 = arith.muli %add3A_90, %mul3A_422 : i32
      %add3A_424 = arith.addi %mul3A_423, %add3A_421 : i32
      "tpu.region"() ({
        %run_scoped3A = tpu.sem_alloc : memref<!tpu.dma_semaphore, #tpu.memory_space<semaphore_mem>>
        %dma_start3A_425 = arith.constant 0 : i32
        %dma_start3A_426 = tpu.memref_slice %arg5[%add3A_424, %dma_start3A_425] : memref<20000x128xf32, #tpu.memory_space<hbm>> -> memref<40x128xf32, #tpu.memory_space<hbm>>
        %dma_start3A_427 = arith.constant 0 : i32
        %dma_start3A_428 = tpu.memref_slice %arg18[%add3A_421, %dma_start3A_427] : memref<10008x128xf32, #tpu.memory_space<vmem_shared>> -> memref<40x128xf32, #tpu.memory_space<vmem_shared>>
        tpu.enqueue_dma source(%dma_start3A_428 : memref<40x128xf32, #tpu.memory_space<vmem_shared>>) target(%dma_start3A_426 : memref<40x128xf32, #tpu.memory_space<hbm>>) target_semaphore(%run_scoped3A : memref<!tpu.dma_semaphore, #tpu.memory_space<semaphore_mem>>)
        %dma_wait3A_429 = arith.constant 0 : i32
        %dma_wait3A_430 = tpu.memref_slice %arg5[%add3A_424, %dma_wait3A_429] : memref<20000x128xf32, #tpu.memory_space<hbm>> -> memref<40x128xf32, #tpu.memory_space<hbm>>
        %dma_wait3A_431 = arith.constant 0 : i32
        %dma_wait3A_432 = tpu.memref_slice %arg18[%add3A_421, %dma_wait3A_431] : memref<10008x128xf32, #tpu.memory_space<vmem_shared>> -> memref<40x128xf32, #tpu.memory_space<vmem_shared>>
        tpu.wait_dma2 semaphore(%run_scoped3A : memref<!tpu.dma_semaphore, #tpu.memory_space<semaphore_mem>>) src(%dma_wait3A_432 : memref<40x128xf32, #tpu.memory_space<vmem_shared>>) dst(%dma_wait3A_430 : memref<40x128xf32, #tpu.memory_space<hbm>>)
        tpu.yield
      }) : () -> ()
    }
    %while3A_417 = arith.constant 1 : i32
    scf.for %while3A_418 = %while3A_415 to %while3A_411 step %while3A_417  : i32 {
      %mul3A_419 = arith.constant 40 : i32
      %mul3A_420 = arith.muli %while3A_418, %mul3A_419 : i32
      %add3A_421 = arith.addi %mul3A_0, %mul3A_420 : i32
      %mul3A_422 = arith.constant 10000 : i32
      %mul3A_423 = arith.muli %add3A_90, %mul3A_422 : i32
      %add3A_424 = arith.addi %mul3A_423, %add3A_421 : i32
      "tpu.region"() ({
        %run_scoped3A = tpu.sem_alloc : memref<!tpu.dma_semaphore, #tpu.memory_space<semaphore_mem>>
        %dma_start3A_425 = arith.constant 0 : i32
        %dma_start3A_426 = tpu.memref_slice %arg5[%add3A_424, %dma_start3A_425] : memref<20000x128xf32, #tpu.memory_space<hbm>> -> memref<40x128xf32, #tpu.memory_space<hbm>>
        %dma_start3A_427 = arith.constant 0 : i32
        %dma_start3A_428 = tpu.memref_slice %arg18[%add3A_421, %dma_start3A_427] : memref<10008x128xf32, #tpu.memory_space<vmem_shared>> -> memref<40x128xf32, #tpu.memory_space<vmem_shared>>
        tpu.enqueue_dma source(%dma_start3A_428 : memref<40x128xf32, #tpu.memory_space<vmem_shared>>) target(%dma_start3A_426 : memref<40x128xf32, #tpu.memory_space<hbm>>) target_semaphore(%run_scoped3A : memref<!tpu.dma_semaphore, #tpu.memory_space<semaphore_mem>>)
        %dma_wait3A_429 = arith.constant 0 : i32
        %dma_wait3A_430 = tpu.memref_slice %arg5[%add3A_424, %dma_wait3A_429] : memref<20000x128xf32, #tpu.memory_space<hbm>> -> memref<40x128xf32, #tpu.memory_space<hbm>>
        %dma_wait3A_431 = arith.constant 0 : i32
        %dma_wait3A_432 = tpu.memref_slice %arg18[%add3A_421, %dma_wait3A_431] : memref<10008x128xf32, #tpu.memory_space<vmem_shared>> -> memref<40x128xf32, #tpu.memory_space<vmem_shared>>
        tpu.wait_dma2 semaphore(%run_scoped3A : memref<!tpu.dma_semaphore, #tpu.memory_space<semaphore_mem>>) src(%dma_wait3A_432 : memref<40x128xf32, #tpu.memory_space<vmem_shared>>) dst(%dma_wait3A_430 : memref<40x128xf32, #tpu.memory_space<hbm>>)
        tpu.yield
      }) : () -> ()
    }
    return
  }
}

#map = affine_map<(d0, d1) -> (0, 0)>
module attributes {stable_mosaic.version = 14 : i64} {
  func.func @k(%arg0: i32, %arg1: i32, %arg2: memref<40000x128xf32, #tpu.memory_space<hbm>>, %arg3: memref<640000x128xf32, #tpu.memory_space<hbm>>, %arg4: memref<1264x128xi32, #tpu.memory_space<hbm>>, %arg5: memref<40000x128xf32, #tpu.memory_space<hbm>>, %arg6: memref<1x80xi32, #tpu.memory_space<vmem>>, %arg7: memref<80x128xi32, #tpu.memory_space<vmem>>, %arg8: memref<1x64xi32, #tpu.memory_space<vmem>>, %arg9: memref<1x64xi32, #tpu.memory_space<vmem>>, %arg10: memref<1x64xi32, #tpu.memory_space<vmem>>, %arg11: memref<1x64xi32, #tpu.memory_space<vmem>>, %arg12: memref<1x64xi32, #tpu.memory_space<vmem>>, %arg13: memref<1x64xi32, #tpu.memory_space<vmem>>, %arg14: memref<64x128xf32, #tpu.memory_space<vmem>>, %arg15: memref<64x128xf32, #tpu.memory_space<vmem>>, %arg16: memref<64x128xf32, #tpu.memory_space<vmem>>, %arg17: memref<64x128xf32, #tpu.memory_space<vmem>>, %arg18: memref<10008x128xf32, #tpu.memory_space<vmem_shared>>, %arg19: memref<!tpu.dma_semaphore, #tpu.memory_space<semaphore_mem>>, %arg20: memref<!tpu.dma_semaphore, #tpu.memory_space<semaphore_mem>>) attributes {dimension_semantics = [#tpu.dimension_semantics<core_parallel>, #tpu.dimension_semantics<subcore_parallel>], iteration_bounds = array<i64: 2, 16>, scalar_prefetch = 0 : i64, scratch_operands = 15 : i64, tpu.core_type = #tpu.core_type<sc_vector_subcore>, window_params = [{transform_indices = #map}, {transform_indices = #map}, {transform_indices = #map}, {transform_indices = #map}]} {
    %mul3A = arith.constant 640 : i32
    %mul3A_0 = arith.muli %arg1, %mul3A : i32
    %eq3A = arith.constant 15 : i32
    %eq3A_1 = arith.cmpi eq, %arg1, %eq3A : i32
    %jit3A = arith.constant 10 : i32
    %jit3A_2 = arith.constant 16 : i32
    %select_n3A = arith.select %eq3A_1, %jit3A, %jit3A_2 : i32
    %iota3A = tpu.iota {dimensions = array<i32: 0>} : vector<16xi32>
    %mul3A_3 = arith.constant 10000 : i32
    %mul3A_4 = arith.muli %arg1, %mul3A_3 : i32
    %mul3A_5 = arith.constant 79 : i32
    %mul3A_6 = arith.muli %arg1, %mul3A_5 : i32
    %add3A = arith.constant 0 : i32
    %add3A_7 = arith.addi %mul3A_6, %add3A : i32
    %add3A_8 = vector.broadcast %add3A_7 : i32 to vector<16xi32>
    %add3A_9 = arith.addi %iota3A, %add3A_8 : vector<16xi32>
    %min3A = arith.constant 1263 : i32
    %min3A_10 = vector.broadcast %min3A : i32 to vector<16xi32>
    %min3A_11 = arith.minsi %add3A_9, %min3A_10 : vector<16xi32>
    %swap3A = arith.constant 0 : i32
    %swap3A_12 = arith.index_cast %swap3A : i32 to index
    %swap3A_13 = arith.constant 0 : index
    %swap3A_14 = tpu.vector_load %arg6[%swap3A_12, %swap3A_13] {strides = array<i32>} : memref<1x80xi32, #tpu.memory_space<vmem>>, vector<1x16xi32>,
    %swap3A_15 = vector.shape_cast %swap3A_14 : vector<1x16xi32> to vector<16xi32>
    %swap3A_16 = vector.shape_cast %min3A_11 : vector<16xi32> to vector<1x16xi32>
    tpu.vector_store %arg6[%swap3A_12, %swap3A_13], %swap3A_16 {strides = array<i32>} : memref<1x80xi32, #tpu.memory_space<vmem>>, vector<1x16xi32>,
    %mul3A_17 = arith.constant 79 : i32
    %mul3A_18 = arith.muli %arg1, %mul3A_17 : i32
    %add3A_19 = arith.constant 16 : i32
    %add3A_20 = arith.addi %mul3A_18, %add3A_19 : i32
    %add3A_21 = vector.broadcast %add3A_20 : i32 to vector<16xi32>
    %add3A_22 = arith.addi %iota3A, %add3A_21 : vector<16xi32>
    %min3A_23 = arith.constant 1263 : i32
    %min3A_24 = vector.broadcast %min3A_23 : i32 to vector<16xi32>
    %min3A_25 = arith.minsi %add3A_22, %min3A_24 : vector<16xi32>
    %swap3A_26 = arith.constant 0 : i32
    %swap3A_27 = arith.index_cast %swap3A_26 : i32 to index
    %swap3A_28 = arith.constant 16 : index
    %swap3A_29 = tpu.vector_load %arg6[%swap3A_27, %swap3A_28] {strides = array<i32>} : memref<1x80xi32, #tpu.memory_space<vmem>>, vector<1x16xi32>,
    %swap3A_30 = vector.shape_cast %swap3A_29 : vector<1x16xi32> to vector<16xi32>
    %swap3A_31 = vector.shape_cast %min3A_25 : vector<16xi32> to vector<1x16xi32>
    tpu.vector_store %arg6[%swap3A_27, %swap3A_28], %swap3A_31 {strides = array<i32>} : memref<1x80xi32, #tpu.memory_space<vmem>>, vector<1x16xi32>,
    %mul3A_32 = arith.constant 79 : i32
    %mul3A_33 = arith.muli %arg1, %mul3A_32 : i32
    %add3A_34 = arith.constant 32 : i32
    %add3A_35 = arith.addi %mul3A_33, %add3A_34 : i32
    %add3A_36 = vector.broadcast %add3A_35 : i32 to vector<16xi32>
    %add3A_37 = arith.addi %iota3A, %add3A_36 : vector<16xi32>
    %min3A_38 = arith.constant 1263 : i32
    %min3A_39 = vector.broadcast %min3A_38 : i32 to vector<16xi32>
    %min3A_40 = arith.minsi %add3A_37, %min3A_39 : vector<16xi32>
    %swap3A_41 = arith.constant 0 : i32
    %swap3A_42 = arith.index_cast %swap3A_41 : i32 to index
    %swap3A_43 = arith.constant 32 : index
    %swap3A_44 = tpu.vector_load %arg6[%swap3A_42, %swap3A_43] {strides = array<i32>} : memref<1x80xi32, #tpu.memory_space<vmem>>, vector<1x16xi32>,
    %swap3A_45 = vector.shape_cast %swap3A_44 : vector<1x16xi32> to vector<16xi32>
    %swap3A_46 = vector.shape_cast %min3A_40 : vector<16xi32> to vector<1x16xi32>
    tpu.vector_store %arg6[%swap3A_42, %swap3A_43], %swap3A_46 {strides = array<i32>} : memref<1x80xi32, #tpu.memory_space<vmem>>, vector<1x16xi32>,
    %mul3A_47 = arith.constant 79 : i32
    %mul3A_48 = arith.muli %arg1, %mul3A_47 : i32
    %add3A_49 = arith.constant 48 : i32
    %add3A_50 = arith.addi %mul3A_48, %add3A_49 : i32
    %add3A_51 = vector.broadcast %add3A_50 : i32 to vector<16xi32>
    %add3A_52 = arith.addi %iota3A, %add3A_51 : vector<16xi32>
    %min3A_53 = arith.constant 1263 : i32
    %min3A_54 = vector.broadcast %min3A_53 : i32 to vector<16xi32>
    %min3A_55 = arith.minsi %add3A_52, %min3A_54 : vector<16xi32>
    %swap3A_56 = arith.constant 0 : i32
    %swap3A_57 = arith.index_cast %swap3A_56 : i32 to index
    %swap3A_58 = arith.constant 48 : index
    %swap3A_59 = tpu.vector_load %arg6[%swap3A_57, %swap3A_58] {strides = array<i32>} : memref<1x80xi32, #tpu.memory_space<vmem>>, vector<1x16xi32>,
    %swap3A_60 = vector.shape_cast %swap3A_59 : vector<1x16xi32> to vector<16xi32>
    %swap3A_61 = vector.shape_cast %min3A_55 : vector<16xi32> to vector<1x16xi32>
    tpu.vector_store %arg6[%swap3A_57, %swap3A_58], %swap3A_61 {strides = array<i32>} : memref<1x80xi32, #tpu.memory_space<vmem>>, vector<1x16xi32>,
    %mul3A_62 = arith.constant 79 : i32
    %mul3A_63 = arith.muli %arg1, %mul3A_62 : i32
    %add3A_64 = arith.constant 64 : i32
    %add3A_65 = arith.addi %mul3A_63, %add3A_64 : i32
    %add3A_66 = vector.broadcast %add3A_65 : i32 to vector<16xi32>
    %add3A_67 = arith.addi %iota3A, %add3A_66 : vector<16xi32>
    %min3A_68 = arith.constant 1263 : i32
    %min3A_69 = vector.broadcast %min3A_68 : i32 to vector<16xi32>
    %min3A_70 = arith.minsi %add3A_67, %min3A_69 : vector<16xi32>
    %swap3A_71 = arith.constant 0 : i32
    %swap3A_72 = arith.index_cast %swap3A_71 : i32 to index
    %swap3A_73 = arith.constant 64 : index
    %swap3A_74 = tpu.vector_load %arg6[%swap3A_72, %swap3A_73] {strides = array<i32>} : memref<1x80xi32, #tpu.memory_space<vmem>>, vector<1x16xi32>,
    %swap3A_75 = vector.shape_cast %swap3A_74 : vector<1x16xi32> to vector<16xi32>
    %swap3A_76 = vector.shape_cast %min3A_70 : vector<16xi32> to vector<1x16xi32>
    tpu.vector_store %arg6[%swap3A_72, %swap3A_73], %swap3A_76 {strides = array<i32>} : memref<1x80xi32, #tpu.memory_space<vmem>>, vector<1x16xi32>,
    %dma_start3A = arith.constant 0 : i32
    %dma_start3A_77 = arith.constant 0 : i32
    %dma_start3A_78 = tpu.memref_slice %arg6[%dma_start3A, %dma_start3A_77] : memref<1x80xi32, #tpu.memory_space<vmem>> -> memref<1x80xi32, #tpu.memory_space<vmem>>
    %dma_start3A_79 = tpu.memref_squeeze %dma_start3A_78 : memref<1x80xi32, #tpu.memory_space<vmem>> -> memref<80xi32, #tpu.memory_space<vmem>>
    %dma_start3A_80 = arith.constant 0 : i32
    %dma_start3A_81 = arith.constant 0 : i32
    %dma_start3A_82 = tpu.memref_slice %arg4[%dma_start3A_80, %dma_start3A_81] : memref<1264x128xi32, #tpu.memory_space<hbm>> -> memref<1264x128xi32, #tpu.memory_space<hbm>>
    tpu.enqueue_indirect_dma source(%dma_start3A_82 : memref<1264x128xi32, #tpu.memory_space<hbm>>) target(%arg7 : memref<80x128xi32, #tpu.memory_space<vmem>>) offsets(%dma_start3A_79 : memref<80xi32, #tpu.memory_space<vmem>>) semaphore(%arg19 : memref<!tpu.dma_semaphore, #tpu.memory_space<semaphore_mem>>)
    %dma_wait3A = arith.constant 0 : i32
    %dma_wait3A_83 = arith.constant 0 : i32
    %dma_wait3A_84 = tpu.memref_slice %arg6[%dma_wait3A, %dma_wait3A_83] : memref<1x80xi32, #tpu.memory_space<vmem>> -> memref<1x80xi32, #tpu.memory_space<vmem>>
    %dma_wait3A_85 = tpu.memref_squeeze %dma_wait3A_84 : memref<1x80xi32, #tpu.memory_space<vmem>> -> memref<80xi32, #tpu.memory_space<vmem>>
    %dma_wait3A_86 = arith.constant 0 : i32
    %dma_wait3A_87 = arith.constant 0 : i32
    %dma_wait3A_88 = tpu.memref_slice %arg4[%dma_wait3A_86, %dma_wait3A_87] : memref<1264x128xi32, #tpu.memory_space<hbm>> -> memref<1264x128xi32, #tpu.memory_space<hbm>>
    tpu.wait_indirect_dma semaphore(%arg19 : memref<!tpu.dma_semaphore, #tpu.memory_space<semaphore_mem>>) src(%dma_wait3A_88 : memref<1264x128xi32, #tpu.memory_space<hbm>>) dst(%arg7 : memref<80x128xi32, #tpu.memory_space<vmem>>)
    %add3A_89 = arith.constant 0 : i32
    %add3A_90 = arith.addi %add3A_89, %arg0 : i32
    %scan3A = arith.constant 0 : i32
    %scan3A_91 = arith.constant 0 : i32
    %scan3A_92 = arith.constant 40 : i32
    %scan3A_93 = arith.addi %scan3A_91, %scan3A_92 : i32
    %scan3A_94 = arith.constant 1 : i32
    scf.for %scan3A_754 = %scan3A_91 to %scan3A_93 step %scan3A_94  : i32 {
      %broadcast_in_dim3A_755 = arith.constant 0.000000e+00 : f32
      %broadcast_in_dim3A_756 = vector.broadcast %broadcast_in_dim3A_755 : f32 to vector<16xf32>
      %swap3A_757 = arith.index_cast %scan3A_754 : i32 to index
      %swap3A_758 = arith.constant 0 : index
      %swap3A_759 = tpu.vector_load %arg14[%swap3A_757, %swap3A_758] {strides = array<i32>} : memref<64x128xf32, #tpu.memory_space<vmem>>, vector<1x16xf32>,
      %swap3A_760 = vector.shape_cast %swap3A_759 : vector<1x16xf32> to vector<16xf32>
      %swap3A_761 = vector.shape_cast %broadcast_in_dim3A_756 : vector<16xf32> to vector<1x16xf32>
      tpu.vector_store %arg14[%swap3A_757, %swap3A_758], %swap3A_761 {strides = array<i32>} : memref<64x128xf32, #tpu.memory_space<vmem>>, vector<1x16xf32>,
      %broadcast_in_dim3A_762 = arith.constant 0.000000e+00 : f32
      %broadcast_in_dim3A_763 = vector.broadcast %broadcast_in_dim3A_762 : f32 to vector<16xf32>
      %swap3A_764 = arith.index_cast %scan3A_754 : i32 to index
      %swap3A_765 = arith.constant 16 : index
      %swap3A_766 = tpu.vector_load %arg14[%swap3A_764, %swap3A_765] {strides = array<i32>} : memref<64x128xf32, #tpu.memory_space<vmem>>, vector<1x16xf32>,
      %swap3A_767 = vector.shape_cast %swap3A_766 : vector<1x16xf32> to vector<16xf32>
      %swap3A_768 = vector.shape_cast %broadcast_in_dim3A_763 : vector<16xf32> to vector<1x16xf32>
      tpu.vector_store %arg14[%swap3A_764, %swap3A_765], %swap3A_768 {strides = array<i32>} : memref<64x128xf32, #tpu.memory_space<vmem>>, vector<1x16xf32>,
      %broadcast_in_dim3A_769 = arith.constant 0.000000e+00 : f32
      %broadcast_in_dim3A_770 = vector.broadcast %broadcast_in_dim3A_769 : f32 to vector<16xf32>
      %swap3A_771 = arith.index_cast %scan3A_754 : i32 to index
      %swap3A_772 = arith.constant 32 : index
      %swap3A_773 = tpu.vector_load %arg14[%swap3A_771, %swap3A_772] {strides = array<i32>} : memref<64x128xf32, #tpu.memory_space<vmem>>, vector<1x16xf32>,
      %swap3A_774 = vector.shape_cast %swap3A_773 : vector<1x16xf32> to vector<16xf32>
      %swap3A_775 = vector.shape_cast %broadcast_in_dim3A_770 : vector<16xf32> to vector<1x16xf32>
      tpu.vector_store %arg14[%swap3A_771, %swap3A_772], %swap3A_775 {strides = array<i32>} : memref<64x128xf32, #tpu.memory_space<vmem>>, vector<1x16xf32>,
      %broadcast_in_dim3A_776 = arith.constant 0.000000e+00 : f32
      %broadcast_in_dim3A_777 = vector.broadcast %broadcast_in_dim3A_776 : f32 to vector<16xf32>
      %swap3A_778 = arith.index_cast %scan3A_754 : i32 to index
      %swap3A_779 = arith.constant 48 : index
      %swap3A_780 = tpu.vector_load %arg14[%swap3A_778, %swap3A_779] {strides = array<i32>} : memref<64x128xf32, #tpu.memory_space<vmem>>, vector<1x16xf32>,
      %swap3A_781 = vector.shape_cast %swap3A_780 : vector<1x16xf32> to vector<16xf32>
      %swap3A_782 = vector.shape_cast %broadcast_in_dim3A_777 : vector<16xf32> to vector<1x16xf32>
      tpu.vector_store %arg14[%swap3A_778, %swap3A_779], %swap3A_782 {strides = array<i32>} : memref<64x128xf32, #tpu.memory_space<vmem>>, vector<1x16xf32>,
      %broadcast_in_dim3A_783 = arith.constant 0.000000e+00 : f32
      %broadcast_in_dim3A_784 = vector.broadcast %broadcast_in_dim3A_783 : f32 to vector<16xf32>
      %swap3A_785 = arith.index_cast %scan3A_754 : i32 to index
      %swap3A_786 = arith.constant 64 : index
      %swap3A_787 = tpu.vector_load %arg14[%swap3A_785, %swap3A_786] {strides = array<i32>} : memref<64x128xf32, #tpu.memory_space<vmem>>, vector<1x16xf32>,
      %swap3A_788 = vector.shape_cast %swap3A_787 : vector<1x16xf32> to vector<16xf32>
      %swap3A_789 = vector.shape_cast %broadcast_in_dim3A_784 : vector<16xf32> to vector<1x16xf32>
      tpu.vector_store %arg14[%swap3A_785, %swap3A_786], %swap3A_789 {strides = array<i32>} : memref<64x128xf32, #tpu.memory_space<vmem>>, vector<1x16xf32>,
      %broadcast_in_dim3A_790 = arith.constant 0.000000e+00 : f32
      %broadcast_in_dim3A_791 = vector.broadcast %broadcast_in_dim3A_790 : f32 to vector<16xf32>
      %swap3A_792 = arith.index_cast %scan3A_754 : i32 to index
      %swap3A_793 = arith.constant 80 : index
      %swap3A_794 = tpu.vector_load %arg14[%swap3A_792, %swap3A_793] {strides = array<i32>} : memref<64x128xf32, #tpu.memory_space<vmem>>, vector<1x16xf32>,
      %swap3A_795 = vector.shape_cast %swap3A_794 : vector<1x16xf32> to vector<16xf32>
      %swap3A_796 = vector.shape_cast %broadcast_in_dim3A_791 : vector<16xf32> to vector<1x16xf32>
      tpu.vector_store %arg14[%swap3A_792, %swap3A_793], %swap3A_796 {strides = array<i32>} : memref<64x128xf32, #tpu.memory_space<vmem>>, vector<1x16xf32>,
      %broadcast_in_dim3A_797 = arith.constant 0.000000e+00 : f32
      %broadcast_in_dim3A_798 = vector.broadcast %broadcast_in_dim3A_797 : f32 to vector<16xf32>
      %swap3A_799 = arith.index_cast %scan3A_754 : i32 to index
      %swap3A_800 = arith.constant 96 : index
      %swap3A_801 = tpu.vector_load %arg14[%swap3A_799, %swap3A_800] {strides = array<i32>} : memref<64x128xf32, #tpu.memory_space<vmem>>, vector<1x16xf32>,
      %swap3A_802 = vector.shape_cast %swap3A_801 : vector<1x16xf32> to vector<16xf32>
      %swap3A_803 = vector.shape_cast %broadcast_in_dim3A_798 : vector<16xf32> to vector<1x16xf32>
      tpu.vector_store %arg14[%swap3A_799, %swap3A_800], %swap3A_803 {strides = array<i32>} : memref<64x128xf32, #tpu.memory_space<vmem>>, vector<1x16xf32>,
      %broadcast_in_dim3A_804 = arith.constant 0.000000e+00 : f32
      %broadcast_in_dim3A_805 = vector.broadcast %broadcast_in_dim3A_804 : f32 to vector<16xf32>
      %swap3A_806 = arith.index_cast %scan3A_754 : i32 to index
      %swap3A_807 = arith.constant 112 : index
      %swap3A_808 = tpu.vector_load %arg14[%swap3A_806, %swap3A_807] {strides = array<i32>} : memref<64x128xf32, #tpu.memory_space<vmem>>, vector<1x16xf32>,
      %swap3A_809 = vector.shape_cast %swap3A_808 : vector<1x16xf32> to vector<16xf32>
      %swap3A_810 = vector.shape_cast %broadcast_in_dim3A_805 : vector<16xf32> to vector<1x16xf32>
      tpu.vector_store %arg14[%swap3A_806, %swap3A_807], %swap3A_810 {strides = array<i32>} : memref<64x128xf32, #tpu.memory_space<vmem>>, vector<1x16xf32>,
    }
    %scan3A_95 = arith.constant 40 : i32
    %scan3A_96 = arith.constant 0 : i32
    %scan3A_97 = arith.constant 0 : i32
    %scan3A_98 = arith.constant 64 : i32
    %scan3A_99 = arith.addi %scan3A_97, %scan3A_98 : i32
    %scan3A_100 = arith.constant 1 : i32
    scf.for %scan3A_754 = %scan3A_97 to %scan3A_99 step %scan3A_100  : i32 {
      %broadcast_in_dim3A_755 = arith.constant 0.000000e+00 : f32
      %broadcast_in_dim3A_756 = vector.broadcast %broadcast_in_dim3A_755 : f32 to vector<16xf32>
      %swap3A_757 = arith.index_cast %scan3A_754 : i32 to index
      %swap3A_758 = arith.constant 0 : index
      %swap3A_759 = tpu.vector_load %arg17[%swap3A_757, %swap3A_758] {strides = array<i32>} : memref<64x128xf32, #tpu.memory_space<vmem>>, vector<1x16xf32>,
      %swap3A_760 = vector.shape_cast %swap3A_759 : vector<1x16xf32> to vector<16xf32>
      %swap3A_761 = vector.shape_cast %broadcast_in_dim3A_756 : vector<16xf32> to vector<1x16xf32>
      tpu.vector_store %arg17[%swap3A_757, %swap3A_758], %swap3A_761 {strides = array<i32>} : memref<64x128xf32, #tpu.memory_space<vmem>>, vector<1x16xf32>,
      %broadcast_in_dim3A_762 = arith.constant 0.000000e+00 : f32
      %broadcast_in_dim3A_763 = vector.broadcast %broadcast_in_dim3A_762 : f32 to vector<16xf32>
      %swap3A_764 = arith.index_cast %scan3A_754 : i32 to index
      %swap3A_765 = arith.constant 16 : index
      %swap3A_766 = tpu.vector_load %arg17[%swap3A_764, %swap3A_765] {strides = array<i32>} : memref<64x128xf32, #tpu.memory_space<vmem>>, vector<1x16xf32>,
      %swap3A_767 = vector.shape_cast %swap3A_766 : vector<1x16xf32> to vector<16xf32>
      %swap3A_768 = vector.shape_cast %broadcast_in_dim3A_763 : vector<16xf32> to vector<1x16xf32>
      tpu.vector_store %arg17[%swap3A_764, %swap3A_765], %swap3A_768 {strides = array<i32>} : memref<64x128xf32, #tpu.memory_space<vmem>>, vector<1x16xf32>,
      %broadcast_in_dim3A_769 = arith.constant 0.000000e+00 : f32
      %broadcast_in_dim3A_770 = vector.broadcast %broadcast_in_dim3A_769 : f32 to vector<16xf32>
      %swap3A_771 = arith.index_cast %scan3A_754 : i32 to index
      %swap3A_772 = arith.constant 32 : index
      %swap3A_773 = tpu.vector_load %arg17[%swap3A_771, %swap3A_772] {strides = array<i32>} : memref<64x128xf32, #tpu.memory_space<vmem>>, vector<1x16xf32>,
      %swap3A_774 = vector.shape_cast %swap3A_773 : vector<1x16xf32> to vector<16xf32>
      %swap3A_775 = vector.shape_cast %broadcast_in_dim3A_770 : vector<16xf32> to vector<1x16xf32>
      tpu.vector_store %arg17[%swap3A_771, %swap3A_772], %swap3A_775 {strides = array<i32>} : memref<64x128xf32, #tpu.memory_space<vmem>>, vector<1x16xf32>,
      %broadcast_in_dim3A_776 = arith.constant 0.000000e+00 : f32
      %broadcast_in_dim3A_777 = vector.broadcast %broadcast_in_dim3A_776 : f32 to vector<16xf32>
      %swap3A_778 = arith.index_cast %scan3A_754 : i32 to index
      %swap3A_779 = arith.constant 48 : index
      %swap3A_780 = tpu.vector_load %arg17[%swap3A_778, %swap3A_779] {strides = array<i32>} : memref<64x128xf32, #tpu.memory_space<vmem>>, vector<1x16xf32>,
      %swap3A_781 = vector.shape_cast %swap3A_780 : vector<1x16xf32> to vector<16xf32>
      %swap3A_782 = vector.shape_cast %broadcast_in_dim3A_777 : vector<16xf32> to vector<1x16xf32>
      tpu.vector_store %arg17[%swap3A_778, %swap3A_779], %swap3A_782 {strides = array<i32>} : memref<64x128xf32, #tpu.memory_space<vmem>>, vector<1x16xf32>,
      %broadcast_in_dim3A_783 = arith.constant 0.000000e+00 : f32
      %broadcast_in_dim3A_784 = vector.broadcast %broadcast_in_dim3A_783 : f32 to vector<16xf32>
      %swap3A_785 = arith.index_cast %scan3A_754 : i32 to index
      %swap3A_786 = arith.constant 64 : index
      %swap3A_787 = tpu.vector_load %arg17[%swap3A_785, %swap3A_786] {strides = array<i32>} : memref<64x128xf32, #tpu.memory_space<vmem>>, vector<1x16xf32>,
      %swap3A_788 = vector.shape_cast %swap3A_787 : vector<1x16xf32> to vector<16xf32>
      %swap3A_789 = vector.shape_cast %broadcast_in_dim3A_784 : vector<16xf32> to vector<1x16xf32>
      tpu.vector_store %arg17[%swap3A_785, %swap3A_786], %swap3A_789 {strides = array<i32>} : memref<64x128xf32, #tpu.memory_space<vmem>>, vector<1x16xf32>,
      %broadcast_in_dim3A_790 = arith.constant 0.000000e+00 : f32
      %broadcast_in_dim3A_791 = vector.broadcast %broadcast_in_dim3A_790 : f32 to vector<16xf32>
      %swap3A_792 = arith.index_cast %scan3A_754 : i32 to index
      %swap3A_793 = arith.constant 80 : index
      %swap3A_794 = tpu.vector_load %arg17[%swap3A_792, %swap3A_793] {strides = array<i32>} : memref<64x128xf32, #tpu.memory_space<vmem>>, vector<1x16xf32>,
      %swap3A_795 = vector.shape_cast %swap3A_794 : vector<1x16xf32> to vector<16xf32>
      %swap3A_796 = vector.shape_cast %broadcast_in_dim3A_791 : vector<16xf32> to vector<1x16xf32>
      tpu.vector_store %arg17[%swap3A_792, %swap3A_793], %swap3A_796 {strides = array<i32>} : memref<64x128xf32, #tpu.memory_space<vmem>>, vector<1x16xf32>,
      %broadcast_in_dim3A_797 = arith.constant 0.000000e+00 : f32
      %broadcast_in_dim3A_798 = vector.broadcast %broadcast_in_dim3A_797 : f32 to vector<16xf32>
      %swap3A_799 = arith.index_cast %scan3A_754 : i32 to index
      %swap3A_800 = arith.constant 96 : index
      %swap3A_801 = tpu.vector_load %arg17[%swap3A_799, %swap3A_800] {strides = array<i32>} : memref<64x128xf32, #tpu.memory_space<vmem>>, vector<1x16xf32>,
      %swap3A_802 = vector.shape_cast %swap3A_801 : vector<1x16xf32> to vector<16xf32>
      %swap3A_803 = vector.shape_cast %broadcast_in_dim3A_798 : vector<16xf32> to vector<1x16xf32>
      tpu.vector_store %arg17[%swap3A_799, %swap3A_800], %swap3A_803 {strides = array<i32>} : memref<64x128xf32, #tpu.memory_space<vmem>>, vector<1x16xf32>,
      %broadcast_in_dim3A_804 = arith.constant 0.000000e+00 : f32
      %broadcast_in_dim3A_805 = vector.broadcast %broadcast_in_dim3A_804 : f32 to vector<16xf32>
      %swap3A_806 = arith.index_cast %scan3A_754 : i32 to index
      %swap3A_807 = arith.constant 112 : index
      %swap3A_808 = tpu.vector_load %arg17[%swap3A_806, %swap3A_807] {strides = array<i32>} : memref<64x128xf32, #tpu.memory_space<vmem>>, vector<1x16xf32>,
      %swap3A_809 = vector.shape_cast %swap3A_808 : vector<1x16xf32> to vector<16xf32>
      %swap3A_810 = vector.shape_cast %broadcast_in_dim3A_805 : vector<16xf32> to vector<1x16xf32>
      tpu.vector_store %arg17[%swap3A_806, %swap3A_807], %swap3A_810 {strides = array<i32>} : memref<64x128xf32, #tpu.memory_space<vmem>>, vector<1x16xf32>,
    }
    %scan3A_101 = arith.constant 64 : i32
    %while3A = arith.constant 0 : i32
    %while3A_102 = arith.constant 0 : i32
    %while3A_103 = arith.subi %select_n3A, %while3A_102 : i32
    %while3A_104 = arith.addi %while3A_102, %while3A_103 : i32
    %while3A_105 = arith.constant 1 : i32
    %while3A_106 = arith.divsi %while3A_103, %while3A_105 : i32
    %while3A_107 = arith.muli %while3A_106, %while3A_105 : i32
    %while3A_108 = arith.addi %while3A_102, %while3A_107 : i32
    %while3A_109 = arith.constant 1 : i32
    scf.for %while3A_754 = %while3A_102 to %while3A_108 step %while3A_109  : i32 {
      %mul3A_755 = arith.constant 40 : i32
      %mul3A_756 = arith.muli %while3A_754, %mul3A_755 : i32
      %add3A_757 = arith.addi %mul3A_0, %mul3A_756 : i32
      "tpu.region"() ({
        %run_scoped3A = tpu.sem_alloc : memref<!tpu.dma_semaphore, #tpu.memory_space<semaphore_mem>>
        %dma_start3A_758 = arith.constant 0 : i32
        %dma_start3A_759 = arith.constant 0 : i32
        %dma_start3A_760 = tpu.memref_slice %arg14[%dma_start3A_758, %dma_start3A_759] : memref<64x128xf32, #tpu.memory_space<vmem>> -> memref<40x128xf32, #tpu.memory_space<vmem>>
        %dma_start3A_761 = arith.constant 0 : i32
        %dma_start3A_762 = tpu.memref_slice %arg18[%add3A_757, %dma_start3A_761] : memref<10008x128xf32, #tpu.memory_space<vmem_shared>> -> memref<40x128xf32, #tpu.memory_space<vmem_shared>>
        %dma_start3A_763 = arith.constant 0 : i32
        %dma_start3A_764 = tpu.memref_slice %arg18[%add3A_757, %dma_start3A_763] : memref<10008x128xf32, #tpu.memory_space<vmem_shared>> -> memref<40x128xf32, #tpu.memory_space<vmem_shared>>
        %dma_start3A_765 = arith.constant 0 : i32
        %dma_start3A_766 = arith.constant 0 : i32
        %dma_start3A_767 = tpu.memref_slice %arg14[%dma_start3A_765, %dma_start3A_766] : memref<64x128xf32, #tpu.memory_space<vmem>> -> memref<40x128xf32, #tpu.memory_space<vmem>>
        tpu.enqueue_dma source(%dma_start3A_767 : memref<40x128xf32, #tpu.memory_space<vmem>>) target(%dma_start3A_764 : memref<40x128xf32, #tpu.memory_space<vmem_shared>>) target_semaphore(%run_scoped3A : memref<!tpu.dma_semaphore, #tpu.memory_space<semaphore_mem>>)
        %dma_wait3A_768 = arith.constant 0 : i32
        %dma_wait3A_769 = arith.constant 0 : i32
        %dma_wait3A_770 = tpu.memref_slice %arg14[%dma_wait3A_768, %dma_wait3A_769] : memref<64x128xf32, #tpu.memory_space<vmem>> -> memref<40x128xf32, #tpu.memory_space<vmem>>
        %dma_wait3A_771 = arith.constant 0 : i32
        %dma_wait3A_772 = tpu.memref_slice %arg18[%add3A_757, %dma_wait3A_771] : memref<10008x128xf32, #tpu.memory_space<vmem_shared>> -> memref<40x128xf32, #tpu.memory_space<vmem_shared>>
        %dma_wait3A_773 = arith.constant 0 : i32
        %dma_wait3A_774 = tpu.memref_slice %arg18[%add3A_757, %dma_wait3A_773] : memref<10008x128xf32, #tpu.memory_space<vmem_shared>> -> memref<40x128xf32, #tpu.memory_space<vmem_shared>>
        %dma_wait3A_775 = arith.constant 0 : i32
        %dma_wait3A_776 = arith.constant 0 : i32
        %dma_wait3A_777 = tpu.memref_slice %arg14[%dma_wait3A_775, %dma_wait3A_776] : memref<64x128xf32, #tpu.memory_space<vmem>> -> memref<40x128xf32, #tpu.memory_space<vmem>>
        tpu.wait_dma2 semaphore(%run_scoped3A : memref<!tpu.dma_semaphore, #tpu.memory_space<semaphore_mem>>) src(%dma_wait3A_777 : memref<40x128xf32, #tpu.memory_space<vmem>>) dst(%dma_wait3A_774 : memref<40x128xf32, #tpu.memory_space<vmem_shared>>)
        tpu.yield
      }) : () -> ()
    }
    %while3A_110 = arith.constant 1 : i32
    scf.for %while3A_754 = %while3A_108 to %while3A_104 step %while3A_110  : i32 {
      %mul3A_755 = arith.constant 40 : i32
      %mul3A_756 = arith.muli %while3A_754, %mul3A_755 : i32
      %add3A_757 = arith.addi %mul3A_0, %mul3A_756 : i32
      "tpu.region"() ({
        %run_scoped3A = tpu.sem_alloc : memref<!tpu.dma_semaphore, #tpu.memory_space<semaphore_mem>>
        %dma_start3A_758 = arith.constant 0 : i32
        %dma_start3A_759 = arith.constant 0 : i32
        %dma_start3A_760 = tpu.memref_slice %arg14[%dma_start3A_758, %dma_start3A_759] : memref<64x128xf32, #tpu.memory_space<vmem>> -> memref<40x128xf32, #tpu.memory_space<vmem>>
        %dma_start3A_761 = arith.constant 0 : i32
        %dma_start3A_762 = tpu.memref_slice %arg18[%add3A_757, %dma_start3A_761] : memref<10008x128xf32, #tpu.memory_space<vmem_shared>> -> memref<40x128xf32, #tpu.memory_space<vmem_shared>>
        %dma_start3A_763 = arith.constant 0 : i32
        %dma_start3A_764 = tpu.memref_slice %arg18[%add3A_757, %dma_start3A_763] : memref<10008x128xf32, #tpu.memory_space<vmem_shared>> -> memref<40x128xf32, #tpu.memory_space<vmem_shared>>
        %dma_start3A_765 = arith.constant 0 : i32
        %dma_start3A_766 = arith.constant 0 : i32
        %dma_start3A_767 = tpu.memref_slice %arg14[%dma_start3A_765, %dma_start3A_766] : memref<64x128xf32, #tpu.memory_space<vmem>> -> memref<40x128xf32, #tpu.memory_space<vmem>>
        tpu.enqueue_dma source(%dma_start3A_767 : memref<40x128xf32, #tpu.memory_space<vmem>>) target(%dma_start3A_764 : memref<40x128xf32, #tpu.memory_space<vmem_shared>>) target_semaphore(%run_scoped3A : memref<!tpu.dma_semaphore, #tpu.memory_space<semaphore_mem>>)
        %dma_wait3A_768 = arith.constant 0 : i32
        %dma_wait3A_769 = arith.constant 0 : i32
        %dma_wait3A_770 = tpu.memref_slice %arg14[%dma_wait3A_768, %dma_wait3A_769] : memref<64x128xf32, #tpu.memory_space<vmem>> -> memref<40x128xf32, #tpu.memory_space<vmem>>
        %dma_wait3A_771 = arith.constant 0 : i32
        %dma_wait3A_772 = tpu.memref_slice %arg18[%add3A_757, %dma_wait3A_771] : memref<10008x128xf32, #tpu.memory_space<vmem_shared>> -> memref<40x128xf32, #tpu.memory_space<vmem_shared>>
        %dma_wait3A_773 = arith.constant 0 : i32
        %dma_wait3A_774 = tpu.memref_slice %arg18[%add3A_757, %dma_wait3A_773] : memref<10008x128xf32, #tpu.memory_space<vmem_shared>> -> memref<40x128xf32, #tpu.memory_space<vmem_shared>>
        %dma_wait3A_775 = arith.constant 0 : i32
        %dma_wait3A_776 = arith.constant 0 : i32
        %dma_wait3A_777 = tpu.memref_slice %arg14[%dma_wait3A_775, %dma_wait3A_776] : memref<64x128xf32, #tpu.memory_space<vmem>> -> memref<40x128xf32, #tpu.memory_space<vmem>>
        tpu.wait_dma2 semaphore(%run_scoped3A : memref<!tpu.dma_semaphore, #tpu.memory_space<semaphore_mem>>) src(%dma_wait3A_777 : memref<40x128xf32, #tpu.memory_space<vmem>>) dst(%dma_wait3A_774 : memref<40x128xf32, #tpu.memory_space<vmem_shared>>)
        tpu.yield
      }) : () -> ()
    }
    %barrier3A = arith.constant 0 : index
    tpu.barrier barrier_id(%barrier3A)
    %shift_right_logical3A = arith.constant 0 : i32
    %shift_right_logical3A_111 = arith.constant 1 : i32
    %shift_right_logical3A_112 = arith.shrui %shift_right_logical3A, %shift_right_logical3A_111 : i32
    %min3A_113 = arith.constant 78 : i32
    %min3A_114 = arith.minsi %shift_right_logical3A_112, %min3A_113 : i32
    %shift_right_logical3A_115 = arith.constant 0 : i32
    %shift_right_logical3A_116 = arith.constant 1 : i32
    %shift_right_logical3A_117 = arith.shrui %shift_right_logical3A_115, %shift_right_logical3A_116 : i32
    %mul3A_118 = arith.constant 2 : i32
    %mul3A_119 = arith.muli %mul3A_118, %shift_right_logical3A_117 : i32
    %sub3A = arith.constant 0 : i32
    %sub3A_120 = arith.subi %sub3A, %mul3A_119 : i32
    %mul3A_121 = arith.constant 64 : i32
    %mul3A_122 = arith.muli %sub3A_120, %mul3A_121 : i32
    %add3A_123 = arith.constant 0 : i32
    %add3A_124 = arith.addi %mul3A_122, %add3A_123 : i32
    %get3A = arith.index_cast %min3A_114 : i32 to index
    %get3A_125 = arith.index_cast %add3A_124 : i32 to index
    %get3A_126 = tpu.vector_load %arg7[%get3A, %get3A_125] {strides = array<i32>} : memref<80x128xi32, #tpu.memory_space<vmem>>, vector<1x16xi32>,
    %get3A_127 = vector.shape_cast %get3A_126 : vector<1x16xi32> to vector<16xi32>
    %shift_right_logical3A_128 = arith.constant 16 : i32
    %shift_right_logical3A_129 = vector.broadcast %shift_right_logical3A_128 : i32 to vector<16xi32>
    %shift_right_logical3A_130 = arith.shrui %get3A_127, %shift_right_logical3A_129 : vector<16xi32>
    %mul3A_131 = arith.constant 10000 : i32
    %mul3A_132 = arith.muli %add3A_90, %mul3A_131 : i32
    %add3A_133 = vector.broadcast %mul3A_132 : i32 to vector<16xi32>
    %add3A_134 = arith.addi %shift_right_logical3A_130, %add3A_133 : vector<16xi32>
    %swap3A_135 = arith.constant 0 : i32
    %swap3A_136 = arith.index_cast %swap3A_135 : i32 to index
    %swap3A_137 = arith.constant 0 : index
    %swap3A_138 = tpu.vector_load %arg8[%swap3A_136, %swap3A_137] {strides = array<i32>} : memref<1x64xi32, #tpu.memory_space<vmem>>, vector<1x16xi32>,
    %swap3A_139 = vector.shape_cast %swap3A_138 : vector<1x16xi32> to vector<16xi32>
    %swap3A_140 = vector.shape_cast %add3A_134 : vector<16xi32> to vector<1x16xi32>
    tpu.vector_store %arg8[%swap3A_136, %swap3A_137], %swap3A_140 {strides = array<i32>} : memref<1x64xi32, #tpu.memory_space<vmem>>, vector<1x16xi32>,
    %mul3A_141 = arith.constant 65536 : i32
    %mul3A_142 = vector.broadcast %mul3A_141 : i32 to vector<16xi32>
    %mul3A_143 = arith.muli %shift_right_logical3A_130, %mul3A_142 : vector<16xi32>
    %sub3A_144 = arith.subi %get3A_127, %mul3A_143 : vector<16xi32>
    %swap3A_145 = arith.constant 0 : i32
    %swap3A_146 = arith.index_cast %swap3A_145 : i32 to index
    %swap3A_147 = arith.constant 0 : index
    %swap3A_148 = tpu.vector_load %arg10[%swap3A_146, %swap3A_147] {strides = array<i32>} : memref<1x64xi32, #tpu.memory_space<vmem>>, vector<1x16xi32>,
    %swap3A_149 = vector.shape_cast %swap3A_148 : vector<1x16xi32> to vector<16xi32>
    %swap3A_150 = vector.shape_cast %sub3A_144 : vector<16xi32> to vector<1x16xi32>
    tpu.vector_store %arg10[%swap3A_146, %swap3A_147], %swap3A_150 {strides = array<i32>} : memref<1x64xi32, #tpu.memory_space<vmem>>, vector<1x16xi32>,
    %mul3A_151 = arith.constant 160000 : i32
    %mul3A_152 = arith.muli %add3A_90, %mul3A_151 : i32
    %mul3A_153 = arith.constant 0 : i32
    %mul3A_154 = arith.constant 64 : i32
    %mul3A_155 = arith.muli %mul3A_153, %mul3A_154 : i32
    %add3A_156 = arith.addi %mul3A_4, %mul3A_155 : i32
    %add3A_157 = arith.constant 0 : i32
    %add3A_158 = arith.addi %add3A_156, %add3A_157 : i32
    %add3A_159 = vector.broadcast %add3A_158 : i32 to vector<16xi32>
    %add3A_160 = arith.addi %iota3A, %add3A_159 : vector<16xi32>
    %min3A_161 = arith.constant 159999 : i32
    %min3A_162 = vector.broadcast %min3A_161 : i32 to vector<16xi32>
    %min3A_163 = arith.minsi %add3A_160, %min3A_162 : vector<16xi32>
    %add3A_164 = vector.broadcast %mul3A_152 : i32 to vector<16xi32>
    %add3A_165 = arith.addi %add3A_164, %min3A_163 : vector<16xi32>
    %swap3A_166 = arith.constant 0 : i32
    %swap3A_167 = arith.index_cast %swap3A_166 : i32 to index
    %swap3A_168 = arith.constant 0 : index
    %swap3A_169 = tpu.vector_load %arg12[%swap3A_167, %swap3A_168] {strides = array<i32>} : memref<1x64xi32, #tpu.memory_space<vmem>>, vector<1x16xi32>,
    %swap3A_170 = vector.shape_cast %swap3A_169 : vector<1x16xi32> to vector<16xi32>
    %swap3A_171 = vector.shape_cast %add3A_165 : vector<16xi32> to vector<1x16xi32>
    tpu.vector_store %arg12[%swap3A_167, %swap3A_168], %swap3A_171 {strides = array<i32>} : memref<1x64xi32, #tpu.memory_space<vmem>>, vector<1x16xi32>,
    %mul3A_172 = arith.constant 64 : i32
    %mul3A_173 = arith.muli %sub3A_120, %mul3A_172 : i32
    %add3A_174 = arith.constant 16 : i32
    %add3A_175 = arith.addi %mul3A_173, %add3A_174 : i32
    %get3A_176 = arith.index_cast %min3A_114 : i32 to index
    %get3A_177 = arith.index_cast %add3A_175 : i32 to index
    %get3A_178 = tpu.vector_load %arg7[%get3A_176, %get3A_177] {strides = array<i32>} : memref<80x128xi32, #tpu.memory_space<vmem>>, vector<1x16xi32>,
    %get3A_179 = vector.shape_cast %get3A_178 : vector<1x16xi32> to vector<16xi32>
    %shift_right_logical3A_180 = arith.constant 16 : i32
    %shift_right_logical3A_181 = vector.broadcast %shift_right_logical3A_180 : i32 to vector<16xi32>
    %shift_right_logical3A_182 = arith.shrui %get3A_179, %shift_right_logical3A_181 : vector<16xi32>
    %mul3A_183 = arith.constant 10000 : i32
    %mul3A_184 = arith.muli %add3A_90, %mul3A_183 : i32
    %add3A_185 = vector.broadcast %mul3A_184 : i32 to vector<16xi32>
    %add3A_186 = arith.addi %shift_right_logical3A_182, %add3A_185 : vector<16xi32>
    %swap3A_187 = arith.constant 0 : i32
    %swap3A_188 = arith.index_cast %swap3A_187 : i32 to index
    %swap3A_189 = arith.constant 16 : index
    %swap3A_190 = tpu.vector_load %arg8[%swap3A_188, %swap3A_189] {strides = array<i32>} : memref<1x64xi32, #tpu.memory_space<vmem>>, vector<1x16xi32>,
    %swap3A_191 = vector.shape_cast %swap3A_190 : vector<1x16xi32> to vector<16xi32>
    %swap3A_192 = vector.shape_cast %add3A_186 : vector<16xi32> to vector<1x16xi32>
    tpu.vector_store %arg8[%swap3A_188, %swap3A_189], %swap3A_192 {strides = array<i32>} : memref<1x64xi32, #tpu.memory_space<vmem>>, vector<1x16xi32>,
    %mul3A_193 = arith.constant 65536 : i32
    %mul3A_194 = vector.broadcast %mul3A_193 : i32 to vector<16xi32>
    %mul3A_195 = arith.muli %shift_right_logical3A_182, %mul3A_194 : vector<16xi32>
    %sub3A_196 = arith.subi %get3A_179, %mul3A_195 : vector<16xi32>
    %swap3A_197 = arith.constant 0 : i32
    %swap3A_198 = arith.index_cast %swap3A_197 : i32 to index
    %swap3A_199 = arith.constant 16 : index
    %swap3A_200 = tpu.vector_load %arg10[%swap3A_198, %swap3A_199] {strides = array<i32>} : memref<1x64xi32, #tpu.memory_space<vmem>>, vector<1x16xi32>,
    %swap3A_201 = vector.shape_cast %swap3A_200 : vector<1x16xi32> to vector<16xi32>
    %swap3A_202 = vector.shape_cast %sub3A_196 : vector<16xi32> to vector<1x16xi32>
    tpu.vector_store %arg10[%swap3A_198, %swap3A_199], %swap3A_202 {strides = array<i32>} : memref<1x64xi32, #tpu.memory_space<vmem>>, vector<1x16xi32>,
    %mul3A_203 = arith.constant 160000 : i32
    %mul3A_204 = arith.muli %add3A_90, %mul3A_203 : i32
    %mul3A_205 = arith.constant 0 : i32
    %mul3A_206 = arith.constant 64 : i32
    %mul3A_207 = arith.muli %mul3A_205, %mul3A_206 : i32
    %add3A_208 = arith.addi %mul3A_4, %mul3A_207 : i32
    %add3A_209 = arith.constant 16 : i32
    %add3A_210 = arith.addi %add3A_208, %add3A_209 : i32
    %add3A_211 = vector.broadcast %add3A_210 : i32 to vector<16xi32>
    %add3A_212 = arith.addi %iota3A, %add3A_211 : vector<16xi32>
    %min3A_213 = arith.constant 159999 : i32
    %min3A_214 = vector.broadcast %min3A_213 : i32 to vector<16xi32>
    %min3A_215 = arith.minsi %add3A_212, %min3A_214 : vector<16xi32>
    %add3A_216 = vector.broadcast %mul3A_204 : i32 to vector<16xi32>
    %add3A_217 = arith.addi %add3A_216, %min3A_215 : vector<16xi32>
    %swap3A_218 = arith.constant 0 : i32
    %swap3A_219 = arith.index_cast %swap3A_218 : i32 to index
    %swap3A_220 = arith.constant 16 : index
    %swap3A_221 = tpu.vector_load %arg12[%swap3A_219, %swap3A_220] {strides = array<i32>} : memref<1x64xi32, #tpu.memory_space<vmem>>, vector<1x16xi32>,
    %swap3A_222 = vector.shape_cast %swap3A_221 : vector<1x16xi32> to vector<16xi32>
    %swap3A_223 = vector.shape_cast %add3A_217 : vector<16xi32> to vector<1x16xi32>
    tpu.vector_store %arg12[%swap3A_219, %swap3A_220], %swap3A_223 {strides = array<i32>} : memref<1x64xi32, #tpu.memory_space<vmem>>, vector<1x16xi32>,
    %mul3A_224 = arith.constant 64 : i32
    %mul3A_225 = arith.muli %sub3A_120, %mul3A_224 : i32
    %add3A_226 = arith.constant 32 : i32
    %add3A_227 = arith.addi %mul3A_225, %add3A_226 : i32
    %get3A_228 = arith.index_cast %min3A_114 : i32 to index
    %get3A_229 = arith.index_cast %add3A_227 : i32 to index
    %get3A_230 = tpu.vector_load %arg7[%get3A_228, %get3A_229] {strides = array<i32>} : memref<80x128xi32, #tpu.memory_space<vmem>>, vector<1x16xi32>,
    %get3A_231 = vector.shape_cast %get3A_230 : vector<1x16xi32> to vector<16xi32>
    %shift_right_logical3A_232 = arith.constant 16 : i32
    %shift_right_logical3A_233 = vector.broadcast %shift_right_logical3A_232 : i32 to vector<16xi32>
    %shift_right_logical3A_234 = arith.shrui %get3A_231, %shift_right_logical3A_233 : vector<16xi32>
    %mul3A_235 = arith.constant 10000 : i32
    %mul3A_236 = arith.muli %add3A_90, %mul3A_235 : i32
    %add3A_237 = vector.broadcast %mul3A_236 : i32 to vector<16xi32>
    %add3A_238 = arith.addi %shift_right_logical3A_234, %add3A_237 : vector<16xi32>
    %swap3A_239 = arith.constant 0 : i32
    %swap3A_240 = arith.index_cast %swap3A_239 : i32 to index
    %swap3A_241 = arith.constant 32 : index
    %swap3A_242 = tpu.vector_load %arg8[%swap3A_240, %swap3A_241] {strides = array<i32>} : memref<1x64xi32, #tpu.memory_space<vmem>>, vector<1x16xi32>,
    %swap3A_243 = vector.shape_cast %swap3A_242 : vector<1x16xi32> to vector<16xi32>
    %swap3A_244 = vector.shape_cast %add3A_238 : vector<16xi32> to vector<1x16xi32>
    tpu.vector_store %arg8[%swap3A_240, %swap3A_241], %swap3A_244 {strides = array<i32>} : memref<1x64xi32, #tpu.memory_space<vmem>>, vector<1x16xi32>,
    %mul3A_245 = arith.constant 65536 : i32
    %mul3A_246 = vector.broadcast %mul3A_245 : i32 to vector<16xi32>
    %mul3A_247 = arith.muli %shift_right_logical3A_234, %mul3A_246 : vector<16xi32>
    %sub3A_248 = arith.subi %get3A_231, %mul3A_247 : vector<16xi32>
    %swap3A_249 = arith.constant 0 : i32
    %swap3A_250 = arith.index_cast %swap3A_249 : i32 to index
    %swap3A_251 = arith.constant 32 : index
    %swap3A_252 = tpu.vector_load %arg10[%swap3A_250, %swap3A_251] {strides = array<i32>} : memref<1x64xi32, #tpu.memory_space<vmem>>, vector<1x16xi32>,
    %swap3A_253 = vector.shape_cast %swap3A_252 : vector<1x16xi32> to vector<16xi32>
    %swap3A_254 = vector.shape_cast %sub3A_248 : vector<16xi32> to vector<1x16xi32>
    tpu.vector_store %arg10[%swap3A_250, %swap3A_251], %swap3A_254 {strides = array<i32>} : memref<1x64xi32, #tpu.memory_space<vmem>>, vector<1x16xi32>,
    %mul3A_255 = arith.constant 160000 : i32
    %mul3A_256 = arith.muli %add3A_90, %mul3A_255 : i32
    %mul3A_257 = arith.constant 0 : i32
    %mul3A_258 = arith.constant 64 : i32
    %mul3A_259 = arith.muli %mul3A_257, %mul3A_258 : i32
    %add3A_260 = arith.addi %mul3A_4, %mul3A_259 : i32
    %add3A_261 = arith.constant 32 : i32
    %add3A_262 = arith.addi %add3A_260, %add3A_261 : i32
    %add3A_263 = vector.broadcast %add3A_262 : i32 to vector<16xi32>
    %add3A_264 = arith.addi %iota3A, %add3A_263 : vector<16xi32>
    %min3A_265 = arith.constant 159999 : i32
    %min3A_266 = vector.broadcast %min3A_265 : i32 to vector<16xi32>
    %min3A_267 = arith.minsi %add3A_264, %min3A_266 : vector<16xi32>
    %add3A_268 = vector.broadcast %mul3A_256 : i32 to vector<16xi32>
    %add3A_269 = arith.addi %add3A_268, %min3A_267 : vector<16xi32>
    %swap3A_270 = arith.constant 0 : i32
    %swap3A_271 = arith.index_cast %swap3A_270 : i32 to index
    %swap3A_272 = arith.constant 32 : index
    %swap3A_273 = tpu.vector_load %arg12[%swap3A_271, %swap3A_272] {strides = array<i32>} : memref<1x64xi32, #tpu.memory_space<vmem>>, vector<1x16xi32>,
    %swap3A_274 = vector.shape_cast %swap3A_273 : vector<1x16xi32> to vector<16xi32>
    %swap3A_275 = vector.shape_cast %add3A_269 : vector<16xi32> to vector<1x16xi32>
    tpu.vector_store %arg12[%swap3A_271, %swap3A_272], %swap3A_275 {strides = array<i32>} : memref<1x64xi32, #tpu.memory_space<vmem>>, vector<1x16xi32>,
    %mul3A_276 = arith.constant 64 : i32
    %mul3A_277 = arith.muli %sub3A_120, %mul3A_276 : i32
    %add3A_278 = arith.constant 48 : i32
    %add3A_279 = arith.addi %mul3A_277, %add3A_278 : i32
    %get3A_280 = arith.index_cast %min3A_114 : i32 to index
    %get3A_281 = arith.index_cast %add3A_279 : i32 to index
    %get3A_282 = tpu.vector_load %arg7[%get3A_280, %get3A_281] {strides = array<i32>} : memref<80x128xi32, #tpu.memory_space<vmem>>, vector<1x16xi32>,
    %get3A_283 = vector.shape_cast %get3A_282 : vector<1x16xi32> to vector<16xi32>
    %shift_right_logical3A_284 = arith.constant 16 : i32
    %shift_right_logical3A_285 = vector.broadcast %shift_right_logical3A_284 : i32 to vector<16xi32>
    %shift_right_logical3A_286 = arith.shrui %get3A_283, %shift_right_logical3A_285 : vector<16xi32>
    %mul3A_287 = arith.constant 10000 : i32
    %mul3A_288 = arith.muli %add3A_90, %mul3A_287 : i32
    %add3A_289 = vector.broadcast %mul3A_288 : i32 to vector<16xi32>
    %add3A_290 = arith.addi %shift_right_logical3A_286, %add3A_289 : vector<16xi32>
    %swap3A_291 = arith.constant 0 : i32
    %swap3A_292 = arith.index_cast %swap3A_291 : i32 to index
    %swap3A_293 = arith.constant 48 : index
    %swap3A_294 = tpu.vector_load %arg8[%swap3A_292, %swap3A_293] {strides = array<i32>} : memref<1x64xi32, #tpu.memory_space<vmem>>, vector<1x16xi32>,
    %swap3A_295 = vector.shape_cast %swap3A_294 : vector<1x16xi32> to vector<16xi32>
    %swap3A_296 = vector.shape_cast %add3A_290 : vector<16xi32> to vector<1x16xi32>
    tpu.vector_store %arg8[%swap3A_292, %swap3A_293], %swap3A_296 {strides = array<i32>} : memref<1x64xi32, #tpu.memory_space<vmem>>, vector<1x16xi32>,
    %mul3A_297 = arith.constant 65536 : i32
    %mul3A_298 = vector.broadcast %mul3A_297 : i32 to vector<16xi32>
    %mul3A_299 = arith.muli %shift_right_logical3A_286, %mul3A_298 : vector<16xi32>
    %sub3A_300 = arith.subi %get3A_283, %mul3A_299 : vector<16xi32>
    %swap3A_301 = arith.constant 0 : i32
    %swap3A_302 = arith.index_cast %swap3A_301 : i32 to index
    %swap3A_303 = arith.constant 48 : index
    %swap3A_304 = tpu.vector_load %arg10[%swap3A_302, %swap3A_303] {strides = array<i32>} : memref<1x64xi32, #tpu.memory_space<vmem>>, vector<1x16xi32>,
    %swap3A_305 = vector.shape_cast %swap3A_304 : vector<1x16xi32> to vector<16xi32>
    %swap3A_306 = vector.shape_cast %sub3A_300 : vector<16xi32> to vector<1x16xi32>
    tpu.vector_store %arg10[%swap3A_302, %swap3A_303], %swap3A_306 {strides = array<i32>} : memref<1x64xi32, #tpu.memory_space<vmem>>, vector<1x16xi32>,
    %mul3A_307 = arith.constant 160000 : i32
    %mul3A_308 = arith.muli %add3A_90, %mul3A_307 : i32
    %mul3A_309 = arith.constant 0 : i32
    %mul3A_310 = arith.constant 64 : i32
    %mul3A_311 = arith.muli %mul3A_309, %mul3A_310 : i32
    %add3A_312 = arith.addi %mul3A_4, %mul3A_311 : i32
    %add3A_313 = arith.constant 48 : i32
    %add3A_314 = arith.addi %add3A_312, %add3A_313 : i32
    %add3A_315 = vector.broadcast %add3A_314 : i32 to vector<16xi32>
    %add3A_316 = arith.addi %iota3A, %add3A_315 : vector<16xi32>
    %min3A_317 = arith.constant 159999 : i32
    %min3A_318 = vector.broadcast %min3A_317 : i32 to vector<16xi32>
    %min3A_319 = arith.minsi %add3A_316, %min3A_318 : vector<16xi32>
    %add3A_320 = vector.broadcast %mul3A_308 : i32 to vector<16xi32>
    %add3A_321 = arith.addi %add3A_320, %min3A_319 : vector<16xi32>
    %swap3A_322 = arith.constant 0 : i32
    %swap3A_323 = arith.index_cast %swap3A_322 : i32 to index
    %swap3A_324 = arith.constant 48 : index
    %swap3A_325 = tpu.vector_load %arg12[%swap3A_323, %swap3A_324] {strides = array<i32>} : memref<1x64xi32, #tpu.memory_space<vmem>>, vector<1x16xi32>,
    %swap3A_326 = vector.shape_cast %swap3A_325 : vector<1x16xi32> to vector<16xi32>
    %swap3A_327 = vector.shape_cast %add3A_321 : vector<16xi32> to vector<1x16xi32>
    tpu.vector_store %arg12[%swap3A_323, %swap3A_324], %swap3A_327 {strides = array<i32>} : memref<1x64xi32, #tpu.memory_space<vmem>>, vector<1x16xi32>,
    %dma_start3A_328 = arith.constant 0 : i32
    %dma_start3A_329 = arith.constant 0 : i32
    %dma_start3A_330 = tpu.memref_slice %arg12[%dma_start3A_328, %dma_start3A_329] : memref<1x64xi32, #tpu.memory_space<vmem>> -> memref<1x64xi32, #tpu.memory_space<vmem>>
    %dma_start3A_331 = tpu.memref_squeeze %dma_start3A_330 : memref<1x64xi32, #tpu.memory_space<vmem>> -> memref<64xi32, #tpu.memory_space<vmem>>
    %dma_start3A_332 = arith.constant 0 : i32
    %dma_start3A_333 = arith.constant 0 : i32
    %dma_start3A_334 = tpu.memref_slice %arg3[%dma_start3A_332, %dma_start3A_333] : memref<640000x128xf32, #tpu.memory_space<hbm>> -> memref<640000x128xf32, #tpu.memory_space<hbm>>
    tpu.enqueue_indirect_dma source(%dma_start3A_334 : memref<640000x128xf32, #tpu.memory_space<hbm>>) target(%arg16 : memref<64x128xf32, #tpu.memory_space<vmem>>) offsets(%dma_start3A_331 : memref<64xi32, #tpu.memory_space<vmem>>) semaphore(%arg19 : memref<!tpu.dma_semaphore, #tpu.memory_space<semaphore_mem>>)
    %dma_start3A_335 = arith.constant 0 : i32
    %dma_start3A_336 = arith.constant 0 : i32
    %dma_start3A_337 = tpu.memref_slice %arg8[%dma_start3A_335, %dma_start3A_336] : memref<1x64xi32, #tpu.memory_space<vmem>> -> memref<1x64xi32, #tpu.memory_space<vmem>>
    %dma_start3A_338 = tpu.memref_squeeze %dma_start3A_337 : memref<1x64xi32, #tpu.memory_space<vmem>> -> memref<64xi32, #tpu.memory_space<vmem>>
    %dma_start3A_339 = arith.constant 0 : i32
    %dma_start3A_340 = arith.constant 0 : i32
    %dma_start3A_341 = tpu.memref_slice %arg2[%dma_start3A_339, %dma_start3A_340] : memref<40000x128xf32, #tpu.memory_space<hbm>> -> memref<40000x128xf32, #tpu.memory_space<hbm>>
    tpu.enqueue_indirect_dma source(%dma_start3A_341 : memref<40000x128xf32, #tpu.memory_space<hbm>>) target(%arg14 : memref<64x128xf32, #tpu.memory_space<vmem>>) offsets(%dma_start3A_338 : memref<64xi32, #tpu.memory_space<vmem>>) semaphore(%arg19 : memref<!tpu.dma_semaphore, #tpu.memory_space<semaphore_mem>>)
    %broadcast_in_dim3A = arith.constant 10000 : i32
    %broadcast_in_dim3A_342 = vector.broadcast %broadcast_in_dim3A : i32 to vector<16xi32>
    %swap3A_343 = arith.constant 0 : i32
    %swap3A_344 = arith.index_cast %swap3A_343 : i32 to index
    %swap3A_345 = arith.constant 0 : index
    %swap3A_346 = tpu.vector_load %arg11[%swap3A_344, %swap3A_345] {strides = array<i32>} : memref<1x64xi32, #tpu.memory_space<vmem>>, vector<1x16xi32>,
    %swap3A_347 = vector.shape_cast %swap3A_346 : vector<1x16xi32> to vector<16xi32>
    %swap3A_348 = vector.shape_cast %broadcast_in_dim3A_342 : vector<16xi32> to vector<1x16xi32>
    tpu.vector_store %arg11[%swap3A_344, %swap3A_345], %swap3A_348 {strides = array<i32>} : memref<1x64xi32, #tpu.memory_space<vmem>>, vector<1x16xi32>,
    %broadcast_in_dim3A_349 = arith.constant 10000 : i32
    %broadcast_in_dim3A_350 = vector.broadcast %broadcast_in_dim3A_349 : i32 to vector<16xi32>
    %swap3A_351 = arith.constant 0 : i32
    %swap3A_352 = arith.index_cast %swap3A_351 : i32 to index
    %swap3A_353 = arith.constant 16 : index
    %swap3A_354 = tpu.vector_load %arg11[%swap3A_352, %swap3A_353] {strides = array<i32>} : memref<1x64xi32, #tpu.memory_space<vmem>>, vector<1x16xi32>,
    %swap3A_355 = vector.shape_cast %swap3A_354 : vector<1x16xi32> to vector<16xi32>
    %swap3A_356 = vector.shape_cast %broadcast_in_dim3A_350 : vector<16xi32> to vector<1x16xi32>
    tpu.vector_store %arg11[%swap3A_352, %swap3A_353], %swap3A_356 {strides = array<i32>} : memref<1x64xi32, #tpu.memory_space<vmem>>, vector<1x16xi32>,
    %broadcast_in_dim3A_357 = arith.constant 10000 : i32
    %broadcast_in_dim3A_358 = vector.broadcast %broadcast_in_dim3A_357 : i32 to vector<16xi32>
    %swap3A_359 = arith.constant 0 : i32
    %swap3A_360 = arith.index_cast %swap3A_359 : i32 to index
    %swap3A_361 = arith.constant 32 : index
    %swap3A_362 = tpu.vector_load %arg11[%swap3A_360, %swap3A_361] {strides = array<i32>} : memref<1x64xi32, #tpu.memory_space<vmem>>, vector<1x16xi32>,
    %swap3A_363 = vector.shape_cast %swap3A_362 : vector<1x16xi32> to vector<16xi32>
    %swap3A_364 = vector.shape_cast %broadcast_in_dim3A_358 : vector<16xi32> to vector<1x16xi32>
    tpu.vector_store %arg11[%swap3A_360, %swap3A_361], %swap3A_364 {strides = array<i32>} : memref<1x64xi32, #tpu.memory_space<vmem>>, vector<1x16xi32>,
    %broadcast_in_dim3A_365 = arith.constant 10000 : i32
    %broadcast_in_dim3A_366 = vector.broadcast %broadcast_in_dim3A_365 : i32 to vector<16xi32>
    %swap3A_367 = arith.constant 0 : i32
    %swap3A_368 = arith.index_cast %swap3A_367 : i32 to index
    %swap3A_369 = arith.constant 48 : index
    %swap3A_370 = tpu.vector_load %arg11[%swap3A_368, %swap3A_369] {strides = array<i32>} : memref<1x64xi32, #tpu.memory_space<vmem>>, vector<1x16xi32>,
    %swap3A_371 = vector.shape_cast %swap3A_370 : vector<1x16xi32> to vector<16xi32>
    %swap3A_372 = vector.shape_cast %broadcast_in_dim3A_366 : vector<16xi32> to vector<1x16xi32>
    tpu.vector_store %arg11[%swap3A_368, %swap3A_369], %swap3A_372 {strides = array<i32>} : memref<1x64xi32, #tpu.memory_space<vmem>>, vector<1x16xi32>,
    %dma_start3A_373 = arith.constant 0 : i32
    %dma_start3A_374 = arith.constant 0 : i32
    %dma_start3A_375 = tpu.memref_slice %arg11[%dma_start3A_373, %dma_start3A_374] : memref<1x64xi32, #tpu.memory_space<vmem>> -> memref<1x64xi32, #tpu.memory_space<vmem>>
    %dma_start3A_376 = tpu.memref_squeeze %dma_start3A_375 : memref<1x64xi32, #tpu.memory_space<vmem>> -> memref<64xi32, #tpu.memory_space<vmem>>
    %dma_start3A_377 = arith.constant 0 : i32
    %dma_start3A_378 = arith.constant 0 : i32
    %dma_start3A_379 = tpu.memref_slice %arg18[%dma_start3A_377, %dma_start3A_378] : memref<10008x128xf32, #tpu.memory_space<vmem_shared>> -> memref<10008x128xf32, #tpu.memory_space<vmem_shared>>
    tpu.enqueue_indirect_dma source(%arg17 : memref<64x128xf32, #tpu.memory_space<vmem>>) target(%dma_start3A_379 : memref<10008x128xf32, #tpu.memory_space<vmem_shared>>) offsets(%dma_start3A_376 : memref<64xi32, #tpu.memory_space<vmem>>) semaphore(%arg20 : memref<!tpu.dma_semaphore, #tpu.memory_space<semaphore_mem>>) {add = true}
    %scan3A_380 = arith.constant 0 : i32
    %scan3A_381 = arith.constant 0 : i32
    %scan3A_382 = arith.constant 79 : i32
    %scan3A_383 = arith.addi %scan3A_381, %scan3A_382 : i32
    %scan3A_384 = arith.constant 1 : i32
    scf.for %scan3A_754 = %scan3A_381 to %scan3A_383 step %scan3A_384  : i32 {
      %mul3A_755 = arith.constant 2 : i32
      %mul3A_756 = arith.muli %mul3A_755, %scan3A_754 : i32
      %add3A_757 = arith.constant 0 : i32
      %add3A_758 = arith.addi %mul3A_756, %add3A_757 : i32
      %dma_wait3A_759 = arith.constant 0 : i32
      %dma_wait3A_760 = arith.constant 0 : i32
      %dma_wait3A_761 = tpu.memref_slice %arg12[%dma_wait3A_759, %dma_wait3A_760] : memref<1x64xi32, #tpu.memory_space<vmem>> -> memref<1x64xi32, #tpu.memory_space<vmem>>
      %dma_wait3A_762 = tpu.memref_squeeze %dma_wait3A_761 : memref<1x64xi32, #tpu.memory_space<vmem>> -> memref<64xi32, #tpu.memory_space<vmem>>
      %dma_wait3A_763 = arith.constant 0 : i32
      %dma_wait3A_764 = arith.constant 0 : i32
      %dma_wait3A_765 = tpu.memref_slice %arg3[%dma_wait3A_763, %dma_wait3A_764] : memref<640000x128xf32, #tpu.memory_space<hbm>> -> memref<640000x128xf32, #tpu.memory_space<hbm>>
      tpu.wait_indirect_dma semaphore(%arg19 : memref<!tpu.dma_semaphore, #tpu.memory_space<semaphore_mem>>) src(%dma_wait3A_765 : memref<640000x128xf32, #tpu.memory_space<hbm>>) dst(%arg16 : memref<64x128xf32, #tpu.memory_space<vmem>>)
      %dma_wait3A_766 = arith.constant 0 : i32
      %dma_wait3A_767 = arith.constant 0 : i32
      %dma_wait3A_768 = tpu.memref_slice %arg8[%dma_wait3A_766, %dma_wait3A_767] : memref<1x64xi32, #tpu.memory_space<vmem>> -> memref<1x64xi32, #tpu.memory_space<vmem>>
      %dma_wait3A_769 = tpu.memref_squeeze %dma_wait3A_768 : memref<1x64xi32, #tpu.memory_space<vmem>> -> memref<64xi32, #tpu.memory_space<vmem>>
      %dma_wait3A_770 = arith.constant 0 : i32
      %dma_wait3A_771 = arith.constant 0 : i32
      %dma_wait3A_772 = tpu.memref_slice %arg2[%dma_wait3A_770, %dma_wait3A_771] : memref<40000x128xf32, #tpu.memory_space<hbm>> -> memref<40000x128xf32, #tpu.memory_space<hbm>>
      tpu.wait_indirect_dma semaphore(%arg19 : memref<!tpu.dma_semaphore, #tpu.memory_space<semaphore_mem>>) src(%dma_wait3A_772 : memref<40000x128xf32, #tpu.memory_space<hbm>>) dst(%arg14 : memref<64x128xf32, #tpu.memory_space<vmem>>)
      %dma_wait3A_773 = arith.constant 0 : i32
      %dma_wait3A_774 = arith.constant 0 : i32
      %dma_wait3A_775 = tpu.memref_slice %arg11[%dma_wait3A_773, %dma_wait3A_774] : memref<1x64xi32, #tpu.memory_space<vmem>> -> memref<1x64xi32, #tpu.memory_space<vmem>>
      %dma_wait3A_776 = tpu.memref_squeeze %dma_wait3A_775 : memref<1x64xi32, #tpu.memory_space<vmem>> -> memref<64xi32, #tpu.memory_space<vmem>>
      %dma_wait3A_777 = arith.constant 0 : i32
      %dma_wait3A_778 = arith.constant 0 : i32
      %dma_wait3A_779 = tpu.memref_slice %arg18[%dma_wait3A_777, %dma_wait3A_778] : memref<10008x128xf32, #tpu.memory_space<vmem_shared>> -> memref<10008x128xf32, #tpu.memory_space<vmem_shared>>
      tpu.wait_indirect_dma semaphore(%arg20 : memref<!tpu.dma_semaphore, #tpu.memory_space<semaphore_mem>>) src(%arg15 : memref<64x128xf32, #tpu.memory_space<vmem>>) dst(%dma_wait3A_779 : memref<10008x128xf32, #tpu.memory_space<vmem_shared>>)
      %add3A_780 = arith.constant 1 : i32
      %add3A_781 = arith.addi %add3A_758, %add3A_780 : i32
      %shift_right_logical3A_782 = arith.constant 1 : i32
      %shift_right_logical3A_783 = arith.shrui %add3A_781, %shift_right_logical3A_782 : i32
      %min3A_784 = arith.constant 78 : i32
      %min3A_785 = arith.minsi %shift_right_logical3A_783, %min3A_784 : i32
      %shift_right_logical3A_786 = arith.constant 1 : i32
      %shift_right_logical3A_787 = arith.shrui %add3A_781, %shift_right_logical3A_786 : i32
      %mul3A_788 = arith.constant 2 : i32
      %mul3A_789 = arith.muli %mul3A_788, %shift_right_logical3A_787 : i32
      %sub3A_790 = arith.subi %add3A_781, %mul3A_789 : i32
      %mul3A_791 = arith.constant 64 : i32
      %mul3A_792 = arith.muli %sub3A_790, %mul3A_791 : i32
      %add3A_793 = arith.constant 0 : i32
      %add3A_794 = arith.addi %mul3A_792, %add3A_793 : i32
      %get3A_795 = arith.index_cast %min3A_785 : i32 to index
      %get3A_796 = arith.index_cast %add3A_794 : i32 to index
      %get3A_797 = tpu.vector_load %arg7[%get3A_795, %get3A_796] {strides = array<i32>} : memref<80x128xi32, #tpu.memory_space<vmem>>, vector<1x16xi32>,
      %get3A_798 = vector.shape_cast %get3A_797 : vector<1x16xi32> to vector<16xi32>
      %shift_right_logical3A_799 = arith.constant 16 : i32
      %shift_right_logical3A_800 = vector.broadcast %shift_right_logical3A_799 : i32 to vector<16xi32>
      %shift_right_logical3A_801 = arith.shrui %get3A_798, %shift_right_logical3A_800 : vector<16xi32>
      %mul3A_802 = arith.constant 10000 : i32
      %mul3A_803 = arith.muli %add3A_90, %mul3A_802 : i32
      %add3A_804 = vector.broadcast %mul3A_803 : i32 to vector<16xi32>
      %add3A_805 = arith.addi %shift_right_logical3A_801, %add3A_804 : vector<16xi32>
      %swap3A_806 = arith.constant 0 : i32
      %swap3A_807 = arith.index_cast %swap3A_806 : i32 to index
      %swap3A_808 = arith.constant 0 : index
      %swap3A_809 = tpu.vector_load %arg9[%swap3A_807, %swap3A_808] {strides = array<i32>} : memref<1x64xi32, #tpu.memory_space<vmem>>, vector<1x16xi32>,
      %swap3A_810 = vector.shape_cast %swap3A_809 : vector<1x16xi32> to vector<16xi32>
      %swap3A_811 = vector.shape_cast %add3A_805 : vector<16xi32> to vector<1x16xi32>
      tpu.vector_store %arg9[%swap3A_807, %swap3A_808], %swap3A_811 {strides = array<i32>} : memref<1x64xi32, #tpu.memory_space<vmem>>, vector<1x16xi32>,
      %mul3A_812 = arith.constant 65536 : i32
      %mul3A_813 = vector.broadcast %mul3A_812 : i32 to vector<16xi32>
      %mul3A_814 = arith.muli %shift_right_logical3A_801, %mul3A_813 : vector<16xi32>
      %sub3A_815 = arith.subi %get3A_798, %mul3A_814 : vector<16xi32>
      %swap3A_816 = arith.constant 0 : i32
      %swap3A_817 = arith.index_cast %swap3A_816 : i32 to index
      %swap3A_818 = arith.constant 0 : index
      %swap3A_819 = tpu.vector_load %arg11[%swap3A_817, %swap3A_818] {strides = array<i32>} : memref<1x64xi32, #tpu.memory_space<vmem>>, vector<1x16xi32>,
      %swap3A_820 = vector.shape_cast %swap3A_819 : vector<1x16xi32> to vector<16xi32>
      %swap3A_821 = vector.shape_cast %sub3A_815 : vector<16xi32> to vector<1x16xi32>
      tpu.vector_store %arg11[%swap3A_817, %swap3A_818], %swap3A_821 {strides = array<i32>} : memref<1x64xi32, #tpu.memory_space<vmem>>, vector<1x16xi32>,
      %mul3A_822 = arith.constant 160000 : i32
      %mul3A_823 = arith.muli %add3A_90, %mul3A_822 : i32
      %mul3A_824 = arith.constant 64 : i32
      %mul3A_825 = arith.muli %add3A_781, %mul3A_824 : i32
      %add3A_826 = arith.addi %mul3A_4, %mul3A_825 : i32
      %add3A_827 = arith.constant 0 : i32
      %add3A_828 = arith.addi %add3A_826, %add3A_827 : i32
      %add3A_829 = vector.broadcast %add3A_828 : i32 to vector<16xi32>
      %add3A_830 = arith.addi %iota3A, %add3A_829 : vector<16xi32>
      %min3A_831 = arith.constant 159999 : i32
      %min3A_832 = vector.broadcast %min3A_831 : i32 to vector<16xi32>
      %min3A_833 = arith.minsi %add3A_830, %min3A_832 : vector<16xi32>
      %add3A_834 = vector.broadcast %mul3A_823 : i32 to vector<16xi32>
      %add3A_835 = arith.addi %add3A_834, %min3A_833 : vector<16xi32>
      %swap3A_836 = arith.constant 0 : i32
      %swap3A_837 = arith.index_cast %swap3A_836 : i32 to index
      %swap3A_838 = arith.constant 0 : index
      %swap3A_839 = tpu.vector_load %arg13[%swap3A_837, %swap3A_838] {strides = array<i32>} : memref<1x64xi32, #tpu.memory_space<vmem>>, vector<1x16xi32>,
      %swap3A_840 = vector.shape_cast %swap3A_839 : vector<1x16xi32> to vector<16xi32>
      %swap3A_841 = vector.shape_cast %add3A_835 : vector<16xi32> to vector<1x16xi32>
      tpu.vector_store %arg13[%swap3A_837, %swap3A_838], %swap3A_841 {strides = array<i32>} : memref<1x64xi32, #tpu.memory_space<vmem>>, vector<1x16xi32>,
      %mul3A_842 = arith.constant 64 : i32
      %mul3A_843 = arith.muli %sub3A_790, %mul3A_842 : i32
      %add3A_844 = arith.constant 16 : i32
      %add3A_845 = arith.addi %mul3A_843, %add3A_844 : i32
      %get3A_846 = arith.index_cast %min3A_785 : i32 to index
      %get3A_847 = arith.index_cast %add3A_845 : i32 to index
      %get3A_848 = tpu.vector_load %arg7[%get3A_846, %get3A_847] {strides = array<i32>} : memref<80x128xi32, #tpu.memory_space<vmem>>, vector<1x16xi32>,
      %get3A_849 = vector.shape_cast %get3A_848 : vector<1x16xi32> to vector<16xi32>
      %shift_right_logical3A_850 = arith.constant 16 : i32
      %shift_right_logical3A_851 = vector.broadcast %shift_right_logical3A_850 : i32 to vector<16xi32>
      %shift_right_logical3A_852 = arith.shrui %get3A_849, %shift_right_logical3A_851 : vector<16xi32>
      %mul3A_853 = arith.constant 10000 : i32
      %mul3A_854 = arith.muli %add3A_90, %mul3A_853 : i32
      %add3A_855 = vector.broadcast %mul3A_854 : i32 to vector<16xi32>
      %add3A_856 = arith.addi %shift_right_logical3A_852, %add3A_855 : vector<16xi32>
      %swap3A_857 = arith.constant 0 : i32
      %swap3A_858 = arith.index_cast %swap3A_857 : i32 to index
      %swap3A_859 = arith.constant 16 : index
      %swap3A_860 = tpu.vector_load %arg9[%swap3A_858, %swap3A_859] {strides = array<i32>} : memref<1x64xi32, #tpu.memory_space<vmem>>, vector<1x16xi32>,
      %swap3A_861 = vector.shape_cast %swap3A_860 : vector<1x16xi32> to vector<16xi32>
      %swap3A_862 = vector.shape_cast %add3A_856 : vector<16xi32> to vector<1x16xi32>
      tpu.vector_store %arg9[%swap3A_858, %swap3A_859], %swap3A_862 {strides = array<i32>} : memref<1x64xi32, #tpu.memory_space<vmem>>, vector<1x16xi32>,
      %mul3A_863 = arith.constant 65536 : i32
      %mul3A_864 = vector.broadcast %mul3A_863 : i32 to vector<16xi32>
      %mul3A_865 = arith.muli %shift_right_logical3A_852, %mul3A_864 : vector<16xi32>
      %sub3A_866 = arith.subi %get3A_849, %mul3A_865 : vector<16xi32>
      %swap3A_867 = arith.constant 0 : i32
      %swap3A_868 = arith.index_cast %swap3A_867 : i32 to index
      %swap3A_869 = arith.constant 16 : index
      %swap3A_870 = tpu.vector_load %arg11[%swap3A_868, %swap3A_869] {strides = array<i32>} : memref<1x64xi32, #tpu.memory_space<vmem>>, vector<1x16xi32>,
      %swap3A_871 = vector.shape_cast %swap3A_870 : vector<1x16xi32> to vector<16xi32>
      %swap3A_872 = vector.shape_cast %sub3A_866 : vector<16xi32> to vector<1x16xi32>
      tpu.vector_store %arg11[%swap3A_868, %swap3A_869], %swap3A_872 {strides = array<i32>} : memref<1x64xi32, #tpu.memory_space<vmem>>, vector<1x16xi32>,
      %mul3A_873 = arith.constant 160000 : i32
      %mul3A_874 = arith.muli %add3A_90, %mul3A_873 : i32
      %mul3A_875 = arith.constant 64 : i32
      %mul3A_876 = arith.muli %add3A_781, %mul3A_875 : i32
      %add3A_877 = arith.addi %mul3A_4, %mul3A_876 : i32
      %add3A_878 = arith.constant 16 : i32
      %add3A_879 = arith.addi %add3A_877, %add3A_878 : i32
      %add3A_880 = vector.broadcast %add3A_879 : i32 to vector<16xi32>
      %add3A_881 = arith.addi %iota3A, %add3A_880 : vector<16xi32>
      %min3A_882 = arith.constant 159999 : i32
      %min3A_883 = vector.broadcast %min3A_882 : i32 to vector<16xi32>
      %min3A_884 = arith.minsi %add3A_881, %min3A_883 : vector<16xi32>
      %add3A_885 = vector.broadcast %mul3A_874 : i32 to vector<16xi32>
      %add3A_886 = arith.addi %add3A_885, %min3A_884 : vector<16xi32>
      %swap3A_887 = arith.constant 0 : i32
      %swap3A_888 = arith.index_cast %swap3A_887 : i32 to index
      %swap3A_889 = arith.constant 16 : index
      %swap3A_890 = tpu.vector_load %arg13[%swap3A_888, %swap3A_889] {strides = array<i32>} : memref<1x64xi32, #tpu.memory_space<vmem>>, vector<1x16xi32>,
      %swap3A_891 = vector.shape_cast %swap3A_890 : vector<1x16xi32> to vector<16xi32>
      %swap3A_892 = vector.shape_cast %add3A_886 : vector<16xi32> to vector<1x16xi32>
      tpu.vector_store %arg13[%swap3A_888, %swap3A_889], %swap3A_892 {strides = array<i32>} : memref<1x64xi32, #tpu.memory_space<vmem>>, vector<1x16xi32>,
      %mul3A_893 = arith.constant 64 : i32
      %mul3A_894 = arith.muli %sub3A_790, %mul3A_893 : i32
      %add3A_895 = arith.constant 32 : i32
      %add3A_896 = arith.addi %mul3A_894, %add3A_895 : i32
      %get3A_897 = arith.index_cast %min3A_785 : i32 to index
      %get3A_898 = arith.index_cast %add3A_896 : i32 to index
      %get3A_899 = tpu.vector_load %arg7[%get3A_897, %get3A_898] {strides = array<i32>} : memref<80x128xi32, #tpu.memory_space<vmem>>, vector<1x16xi32>,
      %get3A_900 = vector.shape_cast %get3A_899 : vector<1x16xi32> to vector<16xi32>
      %shift_right_logical3A_901 = arith.constant 16 : i32
      %shift_right_logical3A_902 = vector.broadcast %shift_right_logical3A_901 : i32 to vector<16xi32>
      %shift_right_logical3A_903 = arith.shrui %get3A_900, %shift_right_logical3A_902 : vector<16xi32>
      %mul3A_904 = arith.constant 10000 : i32
      %mul3A_905 = arith.muli %add3A_90, %mul3A_904 : i32
      %add3A_906 = vector.broadcast %mul3A_905 : i32 to vector<16xi32>
      %add3A_907 = arith.addi %shift_right_logical3A_903, %add3A_906 : vector<16xi32>
      %swap3A_908 = arith.constant 0 : i32
      %swap3A_909 = arith.index_cast %swap3A_908 : i32 to index
      %swap3A_910 = arith.constant 32 : index
      %swap3A_911 = tpu.vector_load %arg9[%swap3A_909, %swap3A_910] {strides = array<i32>} : memref<1x64xi32, #tpu.memory_space<vmem>>, vector<1x16xi32>,
      %swap3A_912 = vector.shape_cast %swap3A_911 : vector<1x16xi32> to vector<16xi32>
      %swap3A_913 = vector.shape_cast %add3A_907 : vector<16xi32> to vector<1x16xi32>
      tpu.vector_store %arg9[%swap3A_909, %swap3A_910], %swap3A_913 {strides = array<i32>} : memref<1x64xi32, #tpu.memory_space<vmem>>, vector<1x16xi32>,
      %mul3A_914 = arith.constant 65536 : i32
      %mul3A_915 = vector.broadcast %mul3A_914 : i32 to vector<16xi32>
      %mul3A_916 = arith.muli %shift_right_logical3A_903, %mul3A_915 : vector<16xi32>
      %sub3A_917 = arith.subi %get3A_900, %mul3A_916 : vector<16xi32>
      %swap3A_918 = arith.constant 0 : i32
      %swap3A_919 = arith.index_cast %swap3A_918 : i32 to index
      %swap3A_920 = arith.constant 32 : index
      %swap3A_921 = tpu.vector_load %arg11[%swap3A_919, %swap3A_920] {strides = array<i32>} : memref<1x64xi32, #tpu.memory_space<vmem>>, vector<1x16xi32>,
      %swap3A_922 = vector.shape_cast %swap3A_921 : vector<1x16xi32> to vector<16xi32>
      %swap3A_923 = vector.shape_cast %sub3A_917 : vector<16xi32> to vector<1x16xi32>
      tpu.vector_store %arg11[%swap3A_919, %swap3A_920], %swap3A_923 {strides = array<i32>} : memref<1x64xi32, #tpu.memory_space<vmem>>, vector<1x16xi32>,
      %mul3A_924 = arith.constant 160000 : i32
      %mul3A_925 = arith.muli %add3A_90, %mul3A_924 : i32
      %mul3A_926 = arith.constant 64 : i32
      %mul3A_927 = arith.muli %add3A_781, %mul3A_926 : i32
      %add3A_928 = arith.addi %mul3A_4, %mul3A_927 : i32
      %add3A_929 = arith.constant 32 : i32
      %add3A_930 = arith.addi %add3A_928, %add3A_929 : i32
      %add3A_931 = vector.broadcast %add3A_930 : i32 to vector<16xi32>
      %add3A_932 = arith.addi %iota3A, %add3A_931 : vector<16xi32>
      %min3A_933 = arith.constant 159999 : i32
      %min3A_934 = vector.broadcast %min3A_933 : i32 to vector<16xi32>
      %min3A_935 = arith.minsi %add3A_932, %min3A_934 : vector<16xi32>
      %add3A_936 = vector.broadcast %mul3A_925 : i32 to vector<16xi32>
      %add3A_937 = arith.addi %add3A_936, %min3A_935 : vector<16xi32>
      %swap3A_938 = arith.constant 0 : i32
      %swap3A_939 = arith.index_cast %swap3A_938 : i32 to index
      %swap3A_940 = arith.constant 32 : index
      %swap3A_941 = tpu.vector_load %arg13[%swap3A_939, %swap3A_940] {strides = array<i32>} : memref<1x64xi32, #tpu.memory_space<vmem>>, vector<1x16xi32>,
      %swap3A_942 = vector.shape_cast %swap3A_941 : vector<1x16xi32> to vector<16xi32>
      %swap3A_943 = vector.shape_cast %add3A_937 : vector<16xi32> to vector<1x16xi32>
      tpu.vector_store %arg13[%swap3A_939, %swap3A_940], %swap3A_943 {strides = array<i32>} : memref<1x64xi32, #tpu.memory_space<vmem>>, vector<1x16xi32>,
      %mul3A_944 = arith.constant 64 : i32
      %mul3A_945 = arith.muli %sub3A_790, %mul3A_944 : i32
      %add3A_946 = arith.constant 48 : i32
      %add3A_947 = arith.addi %mul3A_945, %add3A_946 : i32
      %get3A_948 = arith.index_cast %min3A_785 : i32 to index
      %get3A_949 = arith.index_cast %add3A_947 : i32 to index
      %get3A_950 = tpu.vector_load %arg7[%get3A_948, %get3A_949] {strides = array<i32>} : memref<80x128xi32, #tpu.memory_space<vmem>>, vector<1x16xi32>,
      %get3A_951 = vector.shape_cast %get3A_950 : vector<1x16xi32> to vector<16xi32>
      %shift_right_logical3A_952 = arith.constant 16 : i32
      %shift_right_logical3A_953 = vector.broadcast %shift_right_logical3A_952 : i32 to vector<16xi32>
      %shift_right_logical3A_954 = arith.shrui %get3A_951, %shift_right_logical3A_953 : vector<16xi32>
      %mul3A_955 = arith.constant 10000 : i32
      %mul3A_956 = arith.muli %add3A_90, %mul3A_955 : i32
      %add3A_957 = vector.broadcast %mul3A_956 : i32 to vector<16xi32>
      %add3A_958 = arith.addi %shift_right_logical3A_954, %add3A_957 : vector<16xi32>
      %swap3A_959 = arith.constant 0 : i32
      %swap3A_960 = arith.index_cast %swap3A_959 : i32 to index
      %swap3A_961 = arith.constant 48 : index
      %swap3A_962 = tpu.vector_load %arg9[%swap3A_960, %swap3A_961] {strides = array<i32>} : memref<1x64xi32, #tpu.memory_space<vmem>>, vector<1x16xi32>,
      %swap3A_963 = vector.shape_cast %swap3A_962 : vector<1x16xi32> to vector<16xi32>
      %swap3A_964 = vector.shape_cast %add3A_958 : vector<16xi32> to vector<1x16xi32>
      tpu.vector_store %arg9[%swap3A_960, %swap3A_961], %swap3A_964 {strides = array<i32>} : memref<1x64xi32, #tpu.memory_space<vmem>>, vector<1x16xi32>,
      %mul3A_965 = arith.constant 65536 : i32
      %mul3A_966 = vector.broadcast %mul3A_965 : i32 to vector<16xi32>
      %mul3A_967 = arith.muli %shift_right_logical3A_954, %mul3A_966 : vector<16xi32>
      %sub3A_968 = arith.subi %get3A_951, %mul3A_967 : vector<16xi32>
      %swap3A_969 = arith.constant 0 : i32
      %swap3A_970 = arith.index_cast %swap3A_969 : i32 to index
      %swap3A_971 = arith.constant 48 : index
      %swap3A_972 = tpu.vector_load %arg11[%swap3A_970, %swap3A_971] {strides = array<i32>} : memref<1x64xi32, #tpu.memory_space<vmem>>, vector<1x16xi32>,
      %swap3A_973 = vector.shape_cast %swap3A_972 : vector<1x16xi32> to vector<16xi32>
      %swap3A_974 = vector.shape_cast %sub3A_968 : vector<16xi32> to vector<1x16xi32>
      tpu.vector_store %arg11[%swap3A_970, %swap3A_971], %swap3A_974 {strides = array<i32>} : memref<1x64xi32, #tpu.memory_space<vmem>>, vector<1x16xi32>,
      %mul3A_975 = arith.constant 160000 : i32
      %mul3A_976 = arith.muli %add3A_90, %mul3A_975 : i32
      %mul3A_977 = arith.constant 64 : i32
      %mul3A_978 = arith.muli %add3A_781, %mul3A_977 : i32
      %add3A_979 = arith.addi %mul3A_4, %mul3A_978 : i32
      %add3A_980 = arith.constant 48 : i32
      %add3A_981 = arith.addi %add3A_979, %add3A_980 : i32
      %add3A_982 = vector.broadcast %add3A_981 : i32 to vector<16xi32>
      %add3A_983 = arith.addi %iota3A, %add3A_982 : vector<16xi32>
      %min3A_984 = arith.constant 159999 : i32
      %min3A_985 = vector.broadcast %min3A_984 : i32 to vector<16xi32>
      %min3A_986 = arith.minsi %add3A_983, %min3A_985 : vector<16xi32>
      %add3A_987 = vector.broadcast %mul3A_976 : i32 to vector<16xi32>
      %add3A_988 = arith.addi %add3A_987, %min3A_986 : vector<16xi32>
      %swap3A_989 = arith.constant 0 : i32
      %swap3A_990 = arith.index_cast %swap3A_989 : i32 to index
      %swap3A_991 = arith.constant 48 : index
      %swap3A_992 = tpu.vector_load %arg13[%swap3A_990, %swap3A_991] {strides = array<i32>} : memref<1x64xi32, #tpu.memory_space<vmem>>, vector<1x16xi32>,
      %swap3A_993 = vector.shape_cast %swap3A_992 : vector<1x16xi32> to vector<16xi32>
      %swap3A_994 = vector.shape_cast %add3A_988 : vector<16xi32> to vector<1x16xi32>
      tpu.vector_store %arg13[%swap3A_990, %swap3A_991], %swap3A_994 {strides = array<i32>} : memref<1x64xi32, #tpu.memory_space<vmem>>, vector<1x16xi32>,
      %dma_start3A_995 = arith.constant 0 : i32
      %dma_start3A_996 = arith.constant 0 : i32
      %dma_start3A_997 = tpu.memref_slice %arg13[%dma_start3A_995, %dma_start3A_996] : memref<1x64xi32, #tpu.memory_space<vmem>> -> memref<1x64xi32, #tpu.memory_space<vmem>>
      %dma_start3A_998 = tpu.memref_squeeze %dma_start3A_997 : memref<1x64xi32, #tpu.memory_space<vmem>> -> memref<64xi32, #tpu.memory_space<vmem>>
      %dma_start3A_999 = arith.constant 0 : i32
      %dma_start3A_1000 = arith.constant 0 : i32
      %dma_start3A_1001 = tpu.memref_slice %arg3[%dma_start3A_999, %dma_start3A_1000] : memref<640000x128xf32, #tpu.memory_space<hbm>> -> memref<640000x128xf32, #tpu.memory_space<hbm>>
      tpu.enqueue_indirect_dma source(%dma_start3A_1001 : memref<640000x128xf32, #tpu.memory_space<hbm>>) target(%arg17 : memref<64x128xf32, #tpu.memory_space<vmem>>) offsets(%dma_start3A_998 : memref<64xi32, #tpu.memory_space<vmem>>) semaphore(%arg19 : memref<!tpu.dma_semaphore, #tpu.memory_space<semaphore_mem>>)
      %dma_start3A_1002 = arith.constant 0 : i32
      %dma_start3A_1003 = arith.constant 0 : i32
      %dma_start3A_1004 = tpu.memref_slice %arg9[%dma_start3A_1002, %dma_start3A_1003] : memref<1x64xi32, #tpu.memory_space<vmem>> -> memref<1x64xi32, #tpu.memory_space<vmem>>
      %dma_start3A_1005 = tpu.memref_squeeze %dma_start3A_1004 : memref<1x64xi32, #tpu.memory_space<vmem>> -> memref<64xi32, #tpu.memory_space<vmem>>
      %dma_start3A_1006 = arith.constant 0 : i32
      %dma_start3A_1007 = arith.constant 0 : i32
      %dma_start3A_1008 = tpu.memref_slice %arg2[%dma_start3A_1006, %dma_start3A_1007] : memref<40000x128xf32, #tpu.memory_space<hbm>> -> memref<40000x128xf32, #tpu.memory_space<hbm>>
      tpu.enqueue_indirect_dma source(%dma_start3A_1008 : memref<40000x128xf32, #tpu.memory_space<hbm>>) target(%arg15 : memref<64x128xf32, #tpu.memory_space<vmem>>) offsets(%dma_start3A_1005 : memref<64xi32, #tpu.memory_space<vmem>>) semaphore(%arg19 : memref<!tpu.dma_semaphore, #tpu.memory_space<semaphore_mem>>)
      %scan3A_1009 = arith.constant 0 : i32
      %scan3A_1010 = arith.constant 0 : i32
      %scan3A_1011 = arith.constant 64 : i32
      %scan3A_1012 = arith.addi %scan3A_1010, %scan3A_1011 : i32
      %scan3A_1013 = arith.constant 1 : i32
      scf.for %scan3A_1289 = %scan3A_1010 to %scan3A_1012 step %scan3A_1013  : i32 {
        %get3A_1290 = arith.index_cast %scan3A_1289 : i32 to index
        %get3A_1291 = arith.constant 0 : index
        %get3A_1292 = tpu.vector_load %arg14[%get3A_1290, %get3A_1291] {strides = array<i32>} : memref<64x128xf32, #tpu.memory_space<vmem>>, vector<1x16xf32>,
        %get3A_1293 = vector.shape_cast %get3A_1292 : vector<1x16xf32> to vector<16xf32>
        %get3A_1294 = arith.index_cast %scan3A_1289 : i32 to index
        %get3A_1295 = arith.constant 0 : index
        %get3A_1296 = tpu.vector_load %arg16[%get3A_1294, %get3A_1295] {strides = array<i32>} : memref<64x128xf32, #tpu.memory_space<vmem>>, vector<1x16xf32>,
        %get3A_1297 = vector.shape_cast %get3A_1296 : vector<1x16xf32> to vector<16xf32>
        %add3A_1298 = arith.addf %get3A_1293, %get3A_1297 : vector<16xf32>
        %max3A = arith.constant 0.000000e+00 : f32
        %max3A_1299 = vector.broadcast %max3A : f32 to vector<16xf32>
        %max3A_1300 = arith.maximumf %add3A_1298, %max3A_1299 : vector<16xf32>
        %swap3A_1301 = arith.index_cast %scan3A_1289 : i32 to index
        %swap3A_1302 = arith.constant 0 : index
        %swap3A_1303 = tpu.vector_load %arg14[%swap3A_1301, %swap3A_1302] {strides = array<i32>} : memref<64x128xf32, #tpu.memory_space<vmem>>, vector<1x16xf32>,
        %swap3A_1304 = vector.shape_cast %swap3A_1303 : vector<1x16xf32> to vector<16xf32>
        %swap3A_1305 = vector.shape_cast %max3A_1300 : vector<16xf32> to vector<1x16xf32>
        tpu.vector_store %arg14[%swap3A_1301, %swap3A_1302], %swap3A_1305 {strides = array<i32>} : memref<64x128xf32, #tpu.memory_space<vmem>>, vector<1x16xf32>,
        %get3A_1306 = arith.index_cast %scan3A_1289 : i32 to index
        %get3A_1307 = arith.constant 16 : index
        %get3A_1308 = tpu.vector_load %arg14[%get3A_1306, %get3A_1307] {strides = array<i32>} : memref<64x128xf32, #tpu.memory_space<vmem>>, vector<1x16xf32>,
        %get3A_1309 = vector.shape_cast %get3A_1308 : vector<1x16xf32> to vector<16xf32>
        %get3A_1310 = arith.index_cast %scan3A_1289 : i32 to index
        %get3A_1311 = arith.constant 16 : index
        %get3A_1312 = tpu.vector_load %arg16[%get3A_1310, %get3A_1311] {strides = array<i32>} : memref<64x128xf32, #tpu.memory_space<vmem>>, vector<1x16xf32>,
        %get3A_1313 = vector.shape_cast %get3A_1312 : vector<1x16xf32> to vector<16xf32>
        %add3A_1314 = arith.addf %get3A_1309, %get3A_1313 : vector<16xf32>
        %max3A_1315 = arith.constant 0.000000e+00 : f32
        %max3A_1316 = vector.broadcast %max3A_1315 : f32 to vector<16xf32>
        %max3A_1317 = arith.maximumf %add3A_1314, %max3A_1316 : vector<16xf32>
        %swap3A_1318 = arith.index_cast %scan3A_1289 : i32 to index
        %swap3A_1319 = arith.constant 16 : index
        %swap3A_1320 = tpu.vector_load %arg14[%swap3A_1318, %swap3A_1319] {strides = array<i32>} : memref<64x128xf32, #tpu.memory_space<vmem>>, vector<1x16xf32>,
        %swap3A_1321 = vector.shape_cast %swap3A_1320 : vector<1x16xf32> to vector<16xf32>
        %swap3A_1322 = vector.shape_cast %max3A_1317 : vector<16xf32> to vector<1x16xf32>
        tpu.vector_store %arg14[%swap3A_1318, %swap3A_1319], %swap3A_1322 {strides = array<i32>} : memref<64x128xf32, #tpu.memory_space<vmem>>, vector<1x16xf32>,
        %get3A_1323 = arith.index_cast %scan3A_1289 : i32 to index
        %get3A_1324 = arith.constant 32 : index
        %get3A_1325 = tpu.vector_load %arg14[%get3A_1323, %get3A_1324] {strides = array<i32>} : memref<64x128xf32, #tpu.memory_space<vmem>>, vector<1x16xf32>,
        %get3A_1326 = vector.shape_cast %get3A_1325 : vector<1x16xf32> to vector<16xf32>
        %get3A_1327 = arith.index_cast %scan3A_1289 : i32 to index
        %get3A_1328 = arith.constant 32 : index
        %get3A_1329 = tpu.vector_load %arg16[%get3A_1327, %get3A_1328] {strides = array<i32>} : memref<64x128xf32, #tpu.memory_space<vmem>>, vector<1x16xf32>,
        %get3A_1330 = vector.shape_cast %get3A_1329 : vector<1x16xf32> to vector<16xf32>
        %add3A_1331 = arith.addf %get3A_1326, %get3A_1330 : vector<16xf32>
        %max3A_1332 = arith.constant 0.000000e+00 : f32
        %max3A_1333 = vector.broadcast %max3A_1332 : f32 to vector<16xf32>
        %max3A_1334 = arith.maximumf %add3A_1331, %max3A_1333 : vector<16xf32>
        %swap3A_1335 = arith.index_cast %scan3A_1289 : i32 to index
        %swap3A_1336 = arith.constant 32 : index
        %swap3A_1337 = tpu.vector_load %arg14[%swap3A_1335, %swap3A_1336] {strides = array<i32>} : memref<64x128xf32, #tpu.memory_space<vmem>>, vector<1x16xf32>,
        %swap3A_1338 = vector.shape_cast %swap3A_1337 : vector<1x16xf32> to vector<16xf32>
        %swap3A_1339 = vector.shape_cast %max3A_1334 : vector<16xf32> to vector<1x16xf32>
        tpu.vector_store %arg14[%swap3A_1335, %swap3A_1336], %swap3A_1339 {strides = array<i32>} : memref<64x128xf32, #tpu.memory_space<vmem>>, vector<1x16xf32>,
        %get3A_1340 = arith.index_cast %scan3A_1289 : i32 to index
        %get3A_1341 = arith.constant 48 : index
        %get3A_1342 = tpu.vector_load %arg14[%get3A_1340, %get3A_1341] {strides = array<i32>} : memref<64x128xf32, #tpu.memory_space<vmem>>, vector<1x16xf32>,
        %get3A_1343 = vector.shape_cast %get3A_1342 : vector<1x16xf32> to vector<16xf32>
        %get3A_1344 = arith.index_cast %scan3A_1289 : i32 to index
        %get3A_1345 = arith.constant 48 : index
        %get3A_1346 = tpu.vector_load %arg16[%get3A_1344, %get3A_1345] {strides = array<i32>} : memref<64x128xf32, #tpu.memory_space<vmem>>, vector<1x16xf32>,
        %get3A_1347 = vector.shape_cast %get3A_1346 : vector<1x16xf32> to vector<16xf32>
        %add3A_1348 = arith.addf %get3A_1343, %get3A_1347 : vector<16xf32>
        %max3A_1349 = arith.constant 0.000000e+00 : f32
        %max3A_1350 = vector.broadcast %max3A_1349 : f32 to vector<16xf32>
        %max3A_1351 = arith.maximumf %add3A_1348, %max3A_1350 : vector<16xf32>
        %swap3A_1352 = arith.index_cast %scan3A_1289 : i32 to index
        %swap3A_1353 = arith.constant 48 : index
        %swap3A_1354 = tpu.vector_load %arg14[%swap3A_1352, %swap3A_1353] {strides = array<i32>} : memref<64x128xf32, #tpu.memory_space<vmem>>, vector<1x16xf32>,
        %swap3A_1355 = vector.shape_cast %swap3A_1354 : vector<1x16xf32> to vector<16xf32>
        %swap3A_1356 = vector.shape_cast %max3A_1351 : vector<16xf32> to vector<1x16xf32>
        tpu.vector_store %arg14[%swap3A_1352, %swap3A_1353], %swap3A_1356 {strides = array<i32>} : memref<64x128xf32, #tpu.memory_space<vmem>>, vector<1x16xf32>,
        %get3A_1357 = arith.index_cast %scan3A_1289 : i32 to index
        %get3A_1358 = arith.constant 64 : index
        %get3A_1359 = tpu.vector_load %arg14[%get3A_1357, %get3A_1358] {strides = array<i32>} : memref<64x128xf32, #tpu.memory_space<vmem>>, vector<1x16xf32>,
        %get3A_1360 = vector.shape_cast %get3A_1359 : vector<1x16xf32> to vector<16xf32>
        %get3A_1361 = arith.index_cast %scan3A_1289 : i32 to index
        %get3A_1362 = arith.constant 64 : index
        %get3A_1363 = tpu.vector_load %arg16[%get3A_1361, %get3A_1362] {strides = array<i32>} : memref<64x128xf32, #tpu.memory_space<vmem>>, vector<1x16xf32>,
        %get3A_1364 = vector.shape_cast %get3A_1363 : vector<1x16xf32> to vector<16xf32>
        %add3A_1365 = arith.addf %get3A_1360, %get3A_1364 : vector<16xf32>
        %max3A_1366 = arith.constant 0.000000e+00 : f32
        %max3A_1367 = vector.broadcast %max3A_1366 : f32 to vector<16xf32>
        %max3A_1368 = arith.maximumf %add3A_1365, %max3A_1367 : vector<16xf32>
        %swap3A_1369 = arith.index_cast %scan3A_1289 : i32 to index
        %swap3A_1370 = arith.constant 64 : index
        %swap3A_1371 = tpu.vector_load %arg14[%swap3A_1369, %swap3A_1370] {strides = array<i32>} : memref<64x128xf32, #tpu.memory_space<vmem>>, vector<1x16xf32>,
        %swap3A_1372 = vector.shape_cast %swap3A_1371 : vector<1x16xf32> to vector<16xf32>
        %swap3A_1373 = vector.shape_cast %max3A_1368 : vector<16xf32> to vector<1x16xf32>
        tpu.vector_store %arg14[%swap3A_1369, %swap3A_1370], %swap3A_1373 {strides = array<i32>} : memref<64x128xf32, #tpu.memory_space<vmem>>, vector<1x16xf32>,
        %get3A_1374 = arith.index_cast %scan3A_1289 : i32 to index
        %get3A_1375 = arith.constant 80 : index
        %get3A_1376 = tpu.vector_load %arg14[%get3A_1374, %get3A_1375] {strides = array<i32>} : memref<64x128xf32, #tpu.memory_space<vmem>>, vector<1x16xf32>,
        %get3A_1377 = vector.shape_cast %get3A_1376 : vector<1x16xf32> to vector<16xf32>
        %get3A_1378 = arith.index_cast %scan3A_1289 : i32 to index
        %get3A_1379 = arith.constant 80 : index
        %get3A_1380 = tpu.vector_load %arg16[%get3A_1378, %get3A_1379] {strides = array<i32>} : memref<64x128xf32, #tpu.memory_space<vmem>>, vector<1x16xf32>,
        %get3A_1381 = vector.shape_cast %get3A_1380 : vector<1x16xf32> to vector<16xf32>
        %add3A_1382 = arith.addf %get3A_1377, %get3A_1381 : vector<16xf32>
        %max3A_1383 = arith.constant 0.000000e+00 : f32
        %max3A_1384 = vector.broadcast %max3A_1383 : f32 to vector<16xf32>
        %max3A_1385 = arith.maximumf %add3A_1382, %max3A_1384 : vector<16xf32>
        %swap3A_1386 = arith.index_cast %scan3A_1289 : i32 to index
        %swap3A_1387 = arith.constant 80 : index
        %swap3A_1388 = tpu.vector_load %arg14[%swap3A_1386, %swap3A_1387] {strides = array<i32>} : memref<64x128xf32, #tpu.memory_space<vmem>>, vector<1x16xf32>,
        %swap3A_1389 = vector.shape_cast %swap3A_1388 : vector<1x16xf32> to vector<16xf32>
        %swap3A_1390 = vector.shape_cast %max3A_1385 : vector<16xf32> to vector<1x16xf32>
        tpu.vector_store %arg14[%swap3A_1386, %swap3A_1387], %swap3A_1390 {strides = array<i32>} : memref<64x128xf32, #tpu.memory_space<vmem>>, vector<1x16xf32>,
        %get3A_1391 = arith.index_cast %scan3A_1289 : i32 to index
        %get3A_1392 = arith.constant 96 : index
        %get3A_1393 = tpu.vector_load %arg14[%get3A_1391, %get3A_1392] {strides = array<i32>} : memref<64x128xf32, #tpu.memory_space<vmem>>, vector<1x16xf32>,
        %get3A_1394 = vector.shape_cast %get3A_1393 : vector<1x16xf32> to vector<16xf32>
        %get3A_1395 = arith.index_cast %scan3A_1289 : i32 to index
        %get3A_1396 = arith.constant 96 : index
        %get3A_1397 = tpu.vector_load %arg16[%get3A_1395, %get3A_1396] {strides = array<i32>} : memref<64x128xf32, #tpu.memory_space<vmem>>, vector<1x16xf32>,
        %get3A_1398 = vector.shape_cast %get3A_1397 : vector<1x16xf32> to vector<16xf32>
        %add3A_1399 = arith.addf %get3A_1394, %get3A_1398 : vector<16xf32>
        %max3A_1400 = arith.constant 0.000000e+00 : f32
        %max3A_1401 = vector.broadcast %max3A_1400 : f32 to vector<16xf32>
        %max3A_1402 = arith.maximumf %add3A_1399, %max3A_1401 : vector<16xf32>
        %swap3A_1403 = arith.index_cast %scan3A_1289 : i32 to index
        %swap3A_1404 = arith.constant 96 : index
        %swap3A_1405 = tpu.vector_load %arg14[%swap3A_1403, %swap3A_1404] {strides = array<i32>} : memref<64x128xf32, #tpu.memory_space<vmem>>, vector<1x16xf32>,
        %swap3A_1406 = vector.shape_cast %swap3A_1405 : vector<1x16xf32> to vector<16xf32>
        %swap3A_1407 = vector.shape_cast %max3A_1402 : vector<16xf32> to vector<1x16xf32>
        tpu.vector_store %arg14[%swap3A_1403, %swap3A_1404], %swap3A_1407 {strides = array<i32>} : memref<64x128xf32, #tpu.memory_space<vmem>>, vector<1x16xf32>,
        %get3A_1408 = arith.index_cast %scan3A_1289 : i32 to index
        %get3A_1409 = arith.constant 112 : index
        %get3A_1410 = tpu.vector_load %arg14[%get3A_1408, %get3A_1409] {strides = array<i32>} : memref<64x128xf32, #tpu.memory_space<vmem>>, vector<1x16xf32>,
        %get3A_1411 = vector.shape_cast %get3A_1410 : vector<1x16xf32> to vector<16xf32>
        %get3A_1412 = arith.index_cast %scan3A_1289 : i32 to index
        %get3A_1413 = arith.constant 112 : index
        %get3A_1414 = tpu.vector_load %arg16[%get3A_1412, %get3A_1413] {strides = array<i32>} : memref<64x128xf32, #tpu.memory_space<vmem>>, vector<1x16xf32>,
        %get3A_1415 = vector.shape_cast %get3A_1414 : vector<1x16xf32> to vector<16xf32>
        %add3A_1416 = arith.addf %get3A_1411, %get3A_1415 : vector<16xf32>
        %max3A_1417 = arith.constant 0.000000e+00 : f32
        %max3A_1418 = vector.broadcast %max3A_1417 : f32 to vector<16xf32>
        %max3A_1419 = arith.maximumf %add3A_1416, %max3A_1418 : vector<16xf32>
        %swap3A_1420 = arith.index_cast %scan3A_1289 : i32 to index
        %swap3A_1421 = arith.constant 112 : index
        %swap3A_1422 = tpu.vector_load %arg14[%swap3A_1420, %swap3A_1421] {strides = array<i32>} : memref<64x128xf32, #tpu.memory_space<vmem>>, vector<1x16xf32>,
        %swap3A_1423 = vector.shape_cast %swap3A_1422 : vector<1x16xf32> to vector<16xf32>
        %swap3A_1424 = vector.shape_cast %max3A_1419 : vector<16xf32> to vector<1x16xf32>
        tpu.vector_store %arg14[%swap3A_1420, %swap3A_1421], %swap3A_1424 {strides = array<i32>} : memref<64x128xf32, #tpu.memory_space<vmem>>, vector<1x16xf32>,
      }
      %scan3A_1014 = arith.constant 64 : i32
      %dma_start3A_1015 = arith.constant 0 : i32
      %dma_start3A_1016 = arith.constant 0 : i32
      %dma_start3A_1017 = tpu.memref_slice %arg10[%dma_start3A_1015, %dma_start3A_1016] : memref<1x64xi32, #tpu.memory_space<vmem>> -> memref<1x64xi32, #tpu.memory_space<vmem>>
      %dma_start3A_1018 = tpu.memref_squeeze %dma_start3A_1017 : memref<1x64xi32, #tpu.memory_space<vmem>> -> memref<64xi32, #tpu.memory_space<vmem>>
      %dma_start3A_1019 = arith.constant 0 : i32
      %dma_start3A_1020 = arith.constant 0 : i32
      %dma_start3A_1021 = tpu.memref_slice %arg18[%dma_start3A_1019, %dma_start3A_1020] : memref<10008x128xf32, #tpu.memory_space<vmem_shared>> -> memref<10008x128xf32, #tpu.memory_space<vmem_shared>>
      tpu.enqueue_indirect_dma source(%arg14 : memref<64x128xf32, #tpu.memory_space<vmem>>) target(%dma_start3A_1021 : memref<10008x128xf32, #tpu.memory_space<vmem_shared>>) offsets(%dma_start3A_1018 : memref<64xi32, #tpu.memory_space<vmem>>) semaphore(%arg20 : memref<!tpu.dma_semaphore, #tpu.memory_space<semaphore_mem>>) {add = true}
      %mul3A_1022 = arith.constant 2 : i32
      %mul3A_1023 = arith.muli %mul3A_1022, %scan3A_754 : i32
      %add3A_1024 = arith.constant 1 : i32
      %add3A_1025 = arith.addi %mul3A_1023, %add3A_1024 : i32
      %dma_wait3A_1026 = arith.constant 0 : i32
      %dma_wait3A_1027 = arith.constant 0 : i32
      %dma_wait3A_1028 = tpu.memref_slice %arg13[%dma_wait3A_1026, %dma_wait3A_1027] : memref<1x64xi32, #tpu.memory_space<vmem>> -> memref<1x64xi32, #tpu.memory_space<vmem>>
      %dma_wait3A_1029 = tpu.memref_squeeze %dma_wait3A_1028 : memref<1x64xi32, #tpu.memory_space<vmem>> -> memref<64xi32, #tpu.memory_space<vmem>>
      %dma_wait3A_1030 = arith.constant 0 : i32
      %dma_wait3A_1031 = arith.constant 0 : i32
      %dma_wait3A_1032 = tpu.memref_slice %arg3[%dma_wait3A_1030, %dma_wait3A_1031] : memref<640000x128xf32, #tpu.memory_space<hbm>> -> memref<640000x128xf32, #tpu.memory_space<hbm>>
      tpu.wait_indirect_dma semaphore(%arg19 : memref<!tpu.dma_semaphore, #tpu.memory_space<semaphore_mem>>) src(%dma_wait3A_1032 : memref<640000x128xf32, #tpu.memory_space<hbm>>) dst(%arg17 : memref<64x128xf32, #tpu.memory_space<vmem>>)
      %dma_wait3A_1033 = arith.constant 0 : i32
      %dma_wait3A_1034 = arith.constant 0 : i32
      %dma_wait3A_1035 = tpu.memref_slice %arg9[%dma_wait3A_1033, %dma_wait3A_1034] : memref<1x64xi32, #tpu.memory_space<vmem>> -> memref<1x64xi32, #tpu.memory_space<vmem>>
      %dma_wait3A_1036 = tpu.memref_squeeze %dma_wait3A_1035 : memref<1x64xi32, #tpu.memory_space<vmem>> -> memref<64xi32, #tpu.memory_space<vmem>>
      %dma_wait3A_1037 = arith.constant 0 : i32
      %dma_wait3A_1038 = arith.constant 0 : i32
      %dma_wait3A_1039 = tpu.memref_slice %arg2[%dma_wait3A_1037, %dma_wait3A_1038] : memref<40000x128xf32, #tpu.memory_space<hbm>> -> memref<40000x128xf32, #tpu.memory_space<hbm>>
      tpu.wait_indirect_dma semaphore(%arg19 : memref<!tpu.dma_semaphore, #tpu.memory_space<semaphore_mem>>) src(%dma_wait3A_1039 : memref<40000x128xf32, #tpu.memory_space<hbm>>) dst(%arg15 : memref<64x128xf32, #tpu.memory_space<vmem>>)
      %dma_wait3A_1040 = arith.constant 0 : i32
      %dma_wait3A_1041 = arith.constant 0 : i32
      %dma_wait3A_1042 = tpu.memref_slice %arg10[%dma_wait3A_1040, %dma_wait3A_1041] : memref<1x64xi32, #tpu.memory_space<vmem>> -> memref<1x64xi32, #tpu.memory_space<vmem>>
      %dma_wait3A_1043 = tpu.memref_squeeze %dma_wait3A_1042 : memref<1x64xi32, #tpu.memory_space<vmem>> -> memref<64xi32, #tpu.memory_space<vmem>>
      %dma_wait3A_1044 = arith.constant 0 : i32
      %dma_wait3A_1045 = arith.constant 0 : i32
      %dma_wait3A_1046 = tpu.memref_slice %arg18[%dma_wait3A_1044, %dma_wait3A_1045] : memref<10008x128xf32, #tpu.memory_space<vmem_shared>> -> memref<10008x128xf32, #tpu.memory_space<vmem_shared>>
      tpu.wait_indirect_dma semaphore(%arg20 : memref<!tpu.dma_semaphore, #tpu.memory_space<semaphore_mem>>) src(%arg14 : memref<64x128xf32, #tpu.memory_space<vmem>>) dst(%dma_wait3A_1046 : memref<10008x128xf32, #tpu.memory_space<vmem_shared>>)
      %add3A_1047 = arith.constant 1 : i32
      %add3A_1048 = arith.addi %add3A_1025, %add3A_1047 : i32
      %shift_right_logical3A_1049 = arith.constant 1 : i32
      %shift_right_logical3A_1050 = arith.shrui %add3A_1048, %shift_right_logical3A_1049 : i32
      %min3A_1051 = arith.constant 78 : i32
      %min3A_1052 = arith.minsi %shift_right_logical3A_1050, %min3A_1051 : i32
      %shift_right_logical3A_1053 = arith.constant 1 : i32
      %shift_right_logical3A_1054 = arith.shrui %add3A_1048, %shift_right_logical3A_1053 : i32
      %mul3A_1055 = arith.constant 2 : i32
      %mul3A_1056 = arith.muli %mul3A_1055, %shift_right_logical3A_1054 : i32
      %sub3A_1057 = arith.subi %add3A_1048, %mul3A_1056 : i32
      %mul3A_1058 = arith.constant 64 : i32
      %mul3A_1059 = arith.muli %sub3A_1057, %mul3A_1058 : i32
      %add3A_1060 = arith.constant 0 : i32
      %add3A_1061 = arith.addi %mul3A_1059, %add3A_1060 : i32
      %get3A_1062 = arith.index_cast %min3A_1052 : i32 to index
      %get3A_1063 = arith.index_cast %add3A_1061 : i32 to index
      %get3A_1064 = tpu.vector_load %arg7[%get3A_1062, %get3A_1063] {strides = array<i32>} : memref<80x128xi32, #tpu.memory_space<vmem>>, vector<1x16xi32>,
      %get3A_1065 = vector.shape_cast %get3A_1064 : vector<1x16xi32> to vector<16xi32>
      %shift_right_logical3A_1066 = arith.constant 16 : i32
      %shift_right_logical3A_1067 = vector.broadcast %shift_right_logical3A_1066 : i32 to vector<16xi32>
      %shift_right_logical3A_1068 = arith.shrui %get3A_1065, %shift_right_logical3A_1067 : vector<16xi32>
      %mul3A_1069 = arith.constant 10000 : i32
      %mul3A_1070 = arith.muli %add3A_90, %mul3A_1069 : i32
      %add3A_1071 = vector.broadcast %mul3A_1070 : i32 to vector<16xi32>
      %add3A_1072 = arith.addi %shift_right_logical3A_1068, %add3A_1071 : vector<16xi32>
      %swap3A_1073 = arith.constant 0 : i32
      %swap3A_1074 = arith.index_cast %swap3A_1073 : i32 to index
      %swap3A_1075 = arith.constant 0 : index
      %swap3A_1076 = tpu.vector_load %arg8[%swap3A_1074, %swap3A_1075] {strides = array<i32>} : memref<1x64xi32, #tpu.memory_space<vmem>>, vector<1x16xi32>,
      %swap3A_1077 = vector.shape_cast %swap3A_1076 : vector<1x16xi32> to vector<16xi32>
      %swap3A_1078 = vector.shape_cast %add3A_1072 : vector<16xi32> to vector<1x16xi32>
      tpu.vector_store %arg8[%swap3A_1074, %swap3A_1075], %swap3A_1078 {strides = array<i32>} : memref<1x64xi32, #tpu.memory_space<vmem>>, vector<1x16xi32>,
      %mul3A_1079 = arith.constant 65536 : i32
      %mul3A_1080 = vector.broadcast %mul3A_1079 : i32 to vector<16xi32>
      %mul3A_1081 = arith.muli %shift_right_logical3A_1068, %mul3A_1080 : vector<16xi32>
      %sub3A_1082 = arith.subi %get3A_1065, %mul3A_1081 : vector<16xi32>
      %swap3A_1083 = arith.constant 0 : i32
      %swap3A_1084 = arith.index_cast %swap3A_1083 : i32 to index
      %swap3A_1085 = arith.constant 0 : index
      %swap3A_1086 = tpu.vector_load %arg10[%swap3A_1084, %swap3A_1085] {strides = array<i32>} : memref<1x64xi32, #tpu.memory_space<vmem>>, vector<1x16xi32>,
      %swap3A_1087 = vector.shape_cast %swap3A_1086 : vector<1x16xi32> to vector<16xi32>
      %swap3A_1088 = vector.shape_cast %sub3A_1082 : vector<16xi32> to vector<1x16xi32>
      tpu.vector_store %arg10[%swap3A_1084, %swap3A_1085], %swap3A_1088 {strides = array<i32>} : memref<1x64xi32, #tpu.memory_space<vmem>>, vector<1x16xi32>,
      %mul3A_1089 = arith.constant 160000 : i32
      %mul3A_1090 = arith.muli %add3A_90, %mul3A_1089 : i32
      %mul3A_1091 = arith.constant 64 : i32
      %mul3A_1092 = arith.muli %add3A_1048, %mul3A_1091 : i32
      %add3A_1093 = arith.addi %mul3A_4, %mul3A_1092 : i32
      %add3A_1094 = arith.constant 0 : i32
      %add3A_1095 = arith.addi %add3A_1093, %add3A_1094 : i32
      %add3A_1096 = vector.broadcast %add3A_1095 : i32 to vector<16xi32>
      %add3A_1097 = arith.addi %iota3A, %add3A_1096 : vector<16xi32>
      %min3A_1098 = arith.constant 159999 : i32
      %min3A_1099 = vector.broadcast %min3A_1098 : i32 to vector<16xi32>
      %min3A_1100 = arith.minsi %add3A_1097, %min3A_1099 : vector<16xi32>
      %add3A_1101 = vector.broadcast %mul3A_1090 : i32 to vector<16xi32>
      %add3A_1102 = arith.addi %add3A_1101, %min3A_1100 : vector<16xi32>
      %swap3A_1103 = arith.constant 0 : i32
      %swap3A_1104 = arith.index_cast %swap3A_1103 : i32 to index
      %swap3A_1105 = arith.constant 0 : index
      %swap3A_1106 = tpu.vector_load %arg12[%swap3A_1104, %swap3A_1105] {strides = array<i32>} : memref<1x64xi32, #tpu.memory_space<vmem>>, vector<1x16xi32>,
      %swap3A_1107 = vector.shape_cast %swap3A_1106 : vector<1x16xi32> to vector<16xi32>
      %swap3A_1108 = vector.shape_cast %add3A_1102 : vector<16xi32> to vector<1x16xi32>
      tpu.vector_store %arg12[%swap3A_1104, %swap3A_1105], %swap3A_1108 {strides = array<i32>} : memref<1x64xi32, #tpu.memory_space<vmem>>, vector<1x16xi32>,
      %mul3A_1109 = arith.constant 64 : i32
      %mul3A_1110 = arith.muli %sub3A_1057, %mul3A_1109 : i32
      %add3A_1111 = arith.constant 16 : i32
      %add3A_1112 = arith.addi %mul3A_1110, %add3A_1111 : i32
      %get3A_1113 = arith.index_cast %min3A_1052 : i32 to index
      %get3A_1114 = arith.index_cast %add3A_1112 : i32 to index
      %get3A_1115 = tpu.vector_load %arg7[%get3A_1113, %get3A_1114] {strides = array<i32>} : memref<80x128xi32, #tpu.memory_space<vmem>>, vector<1x16xi32>,
      %get3A_1116 = vector.shape_cast %get3A_1115 : vector<1x16xi32> to vector<16xi32>
      %shift_right_logical3A_1117 = arith.constant 16 : i32
      %shift_right_logical3A_1118 = vector.broadcast %shift_right_logical3A_1117 : i32 to vector<16xi32>
      %shift_right_logical3A_1119 = arith.shrui %get3A_1116, %shift_right_logical3A_1118 : vector<16xi32>
      %mul3A_1120 = arith.constant 10000 : i32
      %mul3A_1121 = arith.muli %add3A_90, %mul3A_1120 : i32
      %add3A_1122 = vector.broadcast %mul3A_1121 : i32 to vector<16xi32>
      %add3A_1123 = arith.addi %shift_right_logical3A_1119, %add3A_1122 : vector<16xi32>
      %swap3A_1124 = arith.constant 0 : i32
      %swap3A_1125 = arith.index_cast %swap3A_1124 : i32 to index
      %swap3A_1126 = arith.constant 16 : index
      %swap3A_1127 = tpu.vector_load %arg8[%swap3A_1125, %swap3A_1126] {strides = array<i32>} : memref<1x64xi32, #tpu.memory_space<vmem>>, vector<1x16xi32>,
      %swap3A_1128 = vector.shape_cast %swap3A_1127 : vector<1x16xi32> to vector<16xi32>
      %swap3A_1129 = vector.shape_cast %add3A_1123 : vector<16xi32> to vector<1x16xi32>
      tpu.vector_store %arg8[%swap3A_1125, %swap3A_1126], %swap3A_1129 {strides = array<i32>} : memref<1x64xi32, #tpu.memory_space<vmem>>, vector<1x16xi32>,
      %mul3A_1130 = arith.constant 65536 : i32
      %mul3A_1131 = vector.broadcast %mul3A_1130 : i32 to vector<16xi32>
      %mul3A_1132 = arith.muli %shift_right_logical3A_1119, %mul3A_1131 : vector<16xi32>
      %sub3A_1133 = arith.subi %get3A_1116, %mul3A_1132 : vector<16xi32>
      %swap3A_1134 = arith.constant 0 : i32
      %swap3A_1135 = arith.index_cast %swap3A_1134 : i32 to index
      %swap3A_1136 = arith.constant 16 : index
      %swap3A_1137 = tpu.vector_load %arg10[%swap3A_1135, %swap3A_1136] {strides = array<i32>} : memref<1x64xi32, #tpu.memory_space<vmem>>, vector<1x16xi32>,
      %swap3A_1138 = vector.shape_cast %swap3A_1137 : vector<1x16xi32> to vector<16xi32>
      %swap3A_1139 = vector.shape_cast %sub3A_1133 : vector<16xi32> to vector<1x16xi32>
      tpu.vector_store %arg10[%swap3A_1135, %swap3A_1136], %swap3A_1139 {strides = array<i32>} : memref<1x64xi32, #tpu.memory_space<vmem>>, vector<1x16xi32>,
      %mul3A_1140 = arith.constant 160000 : i32
      %mul3A_1141 = arith.muli %add3A_90, %mul3A_1140 : i32
      %mul3A_1142 = arith.constant 64 : i32
      %mul3A_1143 = arith.muli %add3A_1048, %mul3A_1142 : i32
      %add3A_1144 = arith.addi %mul3A_4, %mul3A_1143 : i32
      %add3A_1145 = arith.constant 16 : i32
      %add3A_1146 = arith.addi %add3A_1144, %add3A_1145 : i32
      %add3A_1147 = vector.broadcast %add3A_1146 : i32 to vector<16xi32>
      %add3A_1148 = arith.addi %iota3A, %add3A_1147 : vector<16xi32>
      %min3A_1149 = arith.constant 159999 : i32
      %min3A_1150 = vector.broadcast %min3A_1149 : i32 to vector<16xi32>
      %min3A_1151 = arith.minsi %add3A_1148, %min3A_1150 : vector<16xi32>
      %add3A_1152 = vector.broadcast %mul3A_1141 : i32 to vector<16xi32>
      %add3A_1153 = arith.addi %add3A_1152, %min3A_1151 : vector<16xi32>
      %swap3A_1154 = arith.constant 0 : i32
      %swap3A_1155 = arith.index_cast %swap3A_1154 : i32 to index
      %swap3A_1156 = arith.constant 16 : index
      %swap3A_1157 = tpu.vector_load %arg12[%swap3A_1155, %swap3A_1156] {strides = array<i32>} : memref<1x64xi32, #tpu.memory_space<vmem>>, vector<1x16xi32>,
      %swap3A_1158 = vector.shape_cast %swap3A_1157 : vector<1x16xi32> to vector<16xi32>
      %swap3A_1159 = vector.shape_cast %add3A_1153 : vector<16xi32> to vector<1x16xi32>
      tpu.vector_store %arg12[%swap3A_1155, %swap3A_1156], %swap3A_1159 {strides = array<i32>} : memref<1x64xi32, #tpu.memory_space<vmem>>, vector<1x16xi32>,
      %mul3A_1160 = arith.constant 64 : i32
      %mul3A_1161 = arith.muli %sub3A_1057, %mul3A_1160 : i32
      %add3A_1162 = arith.constant 32 : i32
      %add3A_1163 = arith.addi %mul3A_1161, %add3A_1162 : i32
      %get3A_1164 = arith.index_cast %min3A_1052 : i32 to index
      %get3A_1165 = arith.index_cast %add3A_1163 : i32 to index
      %get3A_1166 = tpu.vector_load %arg7[%get3A_1164, %get3A_1165] {strides = array<i32>} : memref<80x128xi32, #tpu.memory_space<vmem>>, vector<1x16xi32>,
      %get3A_1167 = vector.shape_cast %get3A_1166 : vector<1x16xi32> to vector<16xi32>
      %shift_right_logical3A_1168 = arith.constant 16 : i32
      %shift_right_logical3A_1169 = vector.broadcast %shift_right_logical3A_1168 : i32 to vector<16xi32>
      %shift_right_logical3A_1170 = arith.shrui %get3A_1167, %shift_right_logical3A_1169 : vector<16xi32>
      %mul3A_1171 = arith.constant 10000 : i32
      %mul3A_1172 = arith.muli %add3A_90, %mul3A_1171 : i32
      %add3A_1173 = vector.broadcast %mul3A_1172 : i32 to vector<16xi32>
      %add3A_1174 = arith.addi %shift_right_logical3A_1170, %add3A_1173 : vector<16xi32>
      %swap3A_1175 = arith.constant 0 : i32
      %swap3A_1176 = arith.index_cast %swap3A_1175 : i32 to index
      %swap3A_1177 = arith.constant 32 : index
      %swap3A_1178 = tpu.vector_load %arg8[%swap3A_1176, %swap3A_1177] {strides = array<i32>} : memref<1x64xi32, #tpu.memory_space<vmem>>, vector<1x16xi32>,
      %swap3A_1179 = vector.shape_cast %swap3A_1178 : vector<1x16xi32> to vector<16xi32>
      %swap3A_1180 = vector.shape_cast %add3A_1174 : vector<16xi32> to vector<1x16xi32>
      tpu.vector_store %arg8[%swap3A_1176, %swap3A_1177], %swap3A_1180 {strides = array<i32>} : memref<1x64xi32, #tpu.memory_space<vmem>>, vector<1x16xi32>,
      %mul3A_1181 = arith.constant 65536 : i32
      %mul3A_1182 = vector.broadcast %mul3A_1181 : i32 to vector<16xi32>
      %mul3A_1183 = arith.muli %shift_right_logical3A_1170, %mul3A_1182 : vector<16xi32>
      %sub3A_1184 = arith.subi %get3A_1167, %mul3A_1183 : vector<16xi32>
      %swap3A_1185 = arith.constant 0 : i32
      %swap3A_1186 = arith.index_cast %swap3A_1185 : i32 to index
      %swap3A_1187 = arith.constant 32 : index
      %swap3A_1188 = tpu.vector_load %arg10[%swap3A_1186, %swap3A_1187] {strides = array<i32>} : memref<1x64xi32, #tpu.memory_space<vmem>>, vector<1x16xi32>,
      %swap3A_1189 = vector.shape_cast %swap3A_1188 : vector<1x16xi32> to vector<16xi32>
      %swap3A_1190 = vector.shape_cast %sub3A_1184 : vector<16xi32> to vector<1x16xi32>
      tpu.vector_store %arg10[%swap3A_1186, %swap3A_1187], %swap3A_1190 {strides = array<i32>} : memref<1x64xi32, #tpu.memory_space<vmem>>, vector<1x16xi32>,
      %mul3A_1191 = arith.constant 160000 : i32
      %mul3A_1192 = arith.muli %add3A_90, %mul3A_1191 : i32
      %mul3A_1193 = arith.constant 64 : i32
      %mul3A_1194 = arith.muli %add3A_1048, %mul3A_1193 : i32
      %add3A_1195 = arith.addi %mul3A_4, %mul3A_1194 : i32
      %add3A_1196 = arith.constant 32 : i32
      %add3A_1197 = arith.addi %add3A_1195, %add3A_1196 : i32
      %add3A_1198 = vector.broadcast %add3A_1197 : i32 to vector<16xi32>
      %add3A_1199 = arith.addi %iota3A, %add3A_1198 : vector<16xi32>
      %min3A_1200 = arith.constant 159999 : i32
      %min3A_1201 = vector.broadcast %min3A_1200 : i32 to vector<16xi32>
      %min3A_1202 = arith.minsi %add3A_1199, %min3A_1201 : vector<16xi32>
      %add3A_1203 = vector.broadcast %mul3A_1192 : i32 to vector<16xi32>
      %add3A_1204 = arith.addi %add3A_1203, %min3A_1202 : vector<16xi32>
      %swap3A_1205 = arith.constant 0 : i32
      %swap3A_1206 = arith.index_cast %swap3A_1205 : i32 to index
      %swap3A_1207 = arith.constant 32 : index
      %swap3A_1208 = tpu.vector_load %arg12[%swap3A_1206, %swap3A_1207] {strides = array<i32>} : memref<1x64xi32, #tpu.memory_space<vmem>>, vector<1x16xi32>,
      %swap3A_1209 = vector.shape_cast %swap3A_1208 : vector<1x16xi32> to vector<16xi32>
      %swap3A_1210 = vector.shape_cast %add3A_1204 : vector<16xi32> to vector<1x16xi32>
      tpu.vector_store %arg12[%swap3A_1206, %swap3A_1207], %swap3A_1210 {strides = array<i32>} : memref<1x64xi32, #tpu.memory_space<vmem>>, vector<1x16xi32>,
      %mul3A_1211 = arith.constant 64 : i32
      %mul3A_1212 = arith.muli %sub3A_1057, %mul3A_1211 : i32
      %add3A_1213 = arith.constant 48 : i32
      %add3A_1214 = arith.addi %mul3A_1212, %add3A_1213 : i32
      %get3A_1215 = arith.index_cast %min3A_1052 : i32 to index
      %get3A_1216 = arith.index_cast %add3A_1214 : i32 to index
      %get3A_1217 = tpu.vector_load %arg7[%get3A_1215, %get3A_1216] {strides = array<i32>} : memref<80x128xi32, #tpu.memory_space<vmem>>, vector<1x16xi32>,
      %get3A_1218 = vector.shape_cast %get3A_1217 : vector<1x16xi32> to vector<16xi32>
      %shift_right_logical3A_1219 = arith.constant 16 : i32
      %shift_right_logical3A_1220 = vector.broadcast %shift_right_logical3A_1219 : i32 to vector<16xi32>
      %shift_right_logical3A_1221 = arith.shrui %get3A_1218, %shift_right_logical3A_1220 : vector<16xi32>
      %mul3A_1222 = arith.constant 10000 : i32
      %mul3A_1223 = arith.muli %add3A_90, %mul3A_1222 : i32
      %add3A_1224 = vector.broadcast %mul3A_1223 : i32 to vector<16xi32>
      %add3A_1225 = arith.addi %shift_right_logical3A_1221, %add3A_1224 : vector<16xi32>
      %swap3A_1226 = arith.constant 0 : i32
      %swap3A_1227 = arith.index_cast %swap3A_1226 : i32 to index
      %swap3A_1228 = arith.constant 48 : index
      %swap3A_1229 = tpu.vector_load %arg8[%swap3A_1227, %swap3A_1228] {strides = array<i32>} : memref<1x64xi32, #tpu.memory_space<vmem>>, vector<1x16xi32>,
      %swap3A_1230 = vector.shape_cast %swap3A_1229 : vector<1x16xi32> to vector<16xi32>
      %swap3A_1231 = vector.shape_cast %add3A_1225 : vector<16xi32> to vector<1x16xi32>
      tpu.vector_store %arg8[%swap3A_1227, %swap3A_1228], %swap3A_1231 {strides = array<i32>} : memref<1x64xi32, #tpu.memory_space<vmem>>, vector<1x16xi32>,
      %mul3A_1232 = arith.constant 65536 : i32
      %mul3A_1233 = vector.broadcast %mul3A_1232 : i32 to vector<16xi32>
      %mul3A_1234 = arith.muli %shift_right_logical3A_1221, %mul3A_1233 : vector<16xi32>
      %sub3A_1235 = arith.subi %get3A_1218, %mul3A_1234 : vector<16xi32>
      %swap3A_1236 = arith.constant 0 : i32
      %swap3A_1237 = arith.index_cast %swap3A_1236 : i32 to index
      %swap3A_1238 = arith.constant 48 : index
      %swap3A_1239 = tpu.vector_load %arg10[%swap3A_1237, %swap3A_1238] {strides = array<i32>} : memref<1x64xi32, #tpu.memory_space<vmem>>, vector<1x16xi32>,
      %swap3A_1240 = vector.shape_cast %swap3A_1239 : vector<1x16xi32> to vector<16xi32>
      %swap3A_1241 = vector.shape_cast %sub3A_1235 : vector<16xi32> to vector<1x16xi32>
      tpu.vector_store %arg10[%swap3A_1237, %swap3A_1238], %swap3A_1241 {strides = array<i32>} : memref<1x64xi32, #tpu.memory_space<vmem>>, vector<1x16xi32>,
      %mul3A_1242 = arith.constant 160000 : i32
      %mul3A_1243 = arith.muli %add3A_90, %mul3A_1242 : i32
      %mul3A_1244 = arith.constant 64 : i32
      %mul3A_1245 = arith.muli %add3A_1048, %mul3A_1244 : i32
      %add3A_1246 = arith.addi %mul3A_4, %mul3A_1245 : i32
      %add3A_1247 = arith.constant 48 : i32
      %add3A_1248 = arith.addi %add3A_1246, %add3A_1247 : i32
      %add3A_1249 = vector.broadcast %add3A_1248 : i32 to vector<16xi32>
      %add3A_1250 = arith.addi %iota3A, %add3A_1249 : vector<16xi32>
      %min3A_1251 = arith.constant 159999 : i32
      %min3A_1252 = vector.broadcast %min3A_1251 : i32 to vector<16xi32>
      %min3A_1253 = arith.minsi %add3A_1250, %min3A_1252 : vector<16xi32>
      %add3A_1254 = vector.broadcast %mul3A_1243 : i32 to vector<16xi32>
      %add3A_1255 = arith.addi %add3A_1254, %min3A_1253 : vector<16xi32>
      %swap3A_1256 = arith.constant 0 : i32
      %swap3A_1257 = arith.index_cast %swap3A_1256 : i32 to index
      %swap3A_1258 = arith.constant 48 : index
      %swap3A_1259 = tpu.vector_load %arg12[%swap3A_1257, %swap3A_1258] {strides = array<i32>} : memref<1x64xi32, #tpu.memory_space<vmem>>, vector<1x16xi32>,
      %swap3A_1260 = vector.shape_cast %swap3A_1259 : vector<1x16xi32> to vector<16xi32>
      %swap3A_1261 = vector.shape_cast %add3A_1255 : vector<16xi32> to vector<1x16xi32>
      tpu.vector_store %arg12[%swap3A_1257, %swap3A_1258], %swap3A_1261 {strides = array<i32>} : memref<1x64xi32, #tpu.memory_space<vmem>>, vector<1x16xi32>,
      %dma_start3A_1262 = arith.constant 0 : i32
      %dma_start3A_1263 = arith.constant 0 : i32
      %dma_start3A_1264 = tpu.memref_slice %arg12[%dma_start3A_1262, %dma_start3A_1263] : memref<1x64xi32, #tpu.memory_space<vmem>> -> memref<1x64xi32, #tpu.memory_space<vmem>>
      %dma_start3A_1265 = tpu.memref_squeeze %dma_start3A_1264 : memref<1x64xi32, #tpu.memory_space<vmem>> -> memref<64xi32, #tpu.memory_space<vmem>>
      %dma_start3A_1266 = arith.constant 0 : i32
      %dma_start3A_1267 = arith.constant 0 : i32
      %dma_start3A_1268 = tpu.memref_slice %arg3[%dma_start3A_1266, %dma_start3A_1267] : memref<640000x128xf32, #tpu.memory_space<hbm>> -> memref<640000x128xf32, #tpu.memory_space<hbm>>
      tpu.enqueue_indirect_dma source(%dma_start3A_1268 : memref<640000x128xf32, #tpu.memory_space<hbm>>) target(%arg16 : memref<64x128xf32, #tpu.memory_space<vmem>>) offsets(%dma_start3A_1265 : memref<64xi32, #tpu.memory_space<vmem>>) semaphore(%arg19 : memref<!tpu.dma_semaphore, #tpu.memory_space<semaphore_mem>>)
      %dma_start3A_1269 = arith.constant 0 : i32
      %dma_start3A_1270 = arith.constant 0 : i32
      %dma_start3A_1271 = tpu.memref_slice %arg8[%dma_start3A_1269, %dma_start3A_1270] : memref<1x64xi32, #tpu.memory_space<vmem>> -> memref<1x64xi32, #tpu.memory_space<vmem>>
      %dma_start3A_1272 = tpu.memref_squeeze %dma_start3A_1271 : memref<1x64xi32, #tpu.memory_space<vmem>> -> memref<64xi32, #tpu.memory_space<vmem>>
      %dma_start3A_1273 = arith.constant 0 : i32
      %dma_start3A_1274 = arith.constant 0 : i32
      %dma_start3A_1275 = tpu.memref_slice %arg2[%dma_start3A_1273, %dma_start3A_1274] : memref<40000x128xf32, #tpu.memory_space<hbm>> -> memref<40000x128xf32, #tpu.memory_space<hbm>>
      tpu.enqueue_indirect_dma source(%dma_start3A_1275 : memref<40000x128xf32, #tpu.memory_space<hbm>>) target(%arg14 : memref<64x128xf32, #tpu.memory_space<vmem>>) offsets(%dma_start3A_1272 : memref<64xi32, #tpu.memory_space<vmem>>) semaphore(%arg19 : memref<!tpu.dma_semaphore, #tpu.memory_space<semaphore_mem>>)
      %scan3A_1276 = arith.constant 0 : i32
      %scan3A_1277 = arith.constant 0 : i32
      %scan3A_1278 = arith.constant 64 : i32
      %scan3A_1279 = arith.addi %scan3A_1277, %scan3A_1278 : i32
      %scan3A_1280 = arith.constant 1 : i32
      scf.for %scan3A_1289 = %scan3A_1277 to %scan3A_1279 step %scan3A_1280  : i32 {
        %get3A_1290 = arith.index_cast %scan3A_1289 : i32 to index
        %get3A_1291 = arith.constant 0 : index
        %get3A_1292 = tpu.vector_load %arg15[%get3A_1290, %get3A_1291] {strides = array<i32>} : memref<64x128xf32, #tpu.memory_space<vmem>>, vector<1x16xf32>,
        %get3A_1293 = vector.shape_cast %get3A_1292 : vector<1x16xf32> to vector<16xf32>
        %get3A_1294 = arith.index_cast %scan3A_1289 : i32 to index
        %get3A_1295 = arith.constant 0 : index
        %get3A_1296 = tpu.vector_load %arg17[%get3A_1294, %get3A_1295] {strides = array<i32>} : memref<64x128xf32, #tpu.memory_space<vmem>>, vector<1x16xf32>,
        %get3A_1297 = vector.shape_cast %get3A_1296 : vector<1x16xf32> to vector<16xf32>
        %add3A_1298 = arith.addf %get3A_1293, %get3A_1297 : vector<16xf32>
        %max3A = arith.constant 0.000000e+00 : f32
        %max3A_1299 = vector.broadcast %max3A : f32 to vector<16xf32>
        %max3A_1300 = arith.maximumf %add3A_1298, %max3A_1299 : vector<16xf32>
        %swap3A_1301 = arith.index_cast %scan3A_1289 : i32 to index
        %swap3A_1302 = arith.constant 0 : index
        %swap3A_1303 = tpu.vector_load %arg15[%swap3A_1301, %swap3A_1302] {strides = array<i32>} : memref<64x128xf32, #tpu.memory_space<vmem>>, vector<1x16xf32>,
        %swap3A_1304 = vector.shape_cast %swap3A_1303 : vector<1x16xf32> to vector<16xf32>
        %swap3A_1305 = vector.shape_cast %max3A_1300 : vector<16xf32> to vector<1x16xf32>
        tpu.vector_store %arg15[%swap3A_1301, %swap3A_1302], %swap3A_1305 {strides = array<i32>} : memref<64x128xf32, #tpu.memory_space<vmem>>, vector<1x16xf32>,
        %get3A_1306 = arith.index_cast %scan3A_1289 : i32 to index
        %get3A_1307 = arith.constant 16 : index
        %get3A_1308 = tpu.vector_load %arg15[%get3A_1306, %get3A_1307] {strides = array<i32>} : memref<64x128xf32, #tpu.memory_space<vmem>>, vector<1x16xf32>,
        %get3A_1309 = vector.shape_cast %get3A_1308 : vector<1x16xf32> to vector<16xf32>
        %get3A_1310 = arith.index_cast %scan3A_1289 : i32 to index
        %get3A_1311 = arith.constant 16 : index
        %get3A_1312 = tpu.vector_load %arg17[%get3A_1310, %get3A_1311] {strides = array<i32>} : memref<64x128xf32, #tpu.memory_space<vmem>>, vector<1x16xf32>,
        %get3A_1313 = vector.shape_cast %get3A_1312 : vector<1x16xf32> to vector<16xf32>
        %add3A_1314 = arith.addf %get3A_1309, %get3A_1313 : vector<16xf32>
        %max3A_1315 = arith.constant 0.000000e+00 : f32
        %max3A_1316 = vector.broadcast %max3A_1315 : f32 to vector<16xf32>
        %max3A_1317 = arith.maximumf %add3A_1314, %max3A_1316 : vector<16xf32>
        %swap3A_1318 = arith.index_cast %scan3A_1289 : i32 to index
        %swap3A_1319 = arith.constant 16 : index
        %swap3A_1320 = tpu.vector_load %arg15[%swap3A_1318, %swap3A_1319] {strides = array<i32>} : memref<64x128xf32, #tpu.memory_space<vmem>>, vector<1x16xf32>,
        %swap3A_1321 = vector.shape_cast %swap3A_1320 : vector<1x16xf32> to vector<16xf32>
        %swap3A_1322 = vector.shape_cast %max3A_1317 : vector<16xf32> to vector<1x16xf32>
        tpu.vector_store %arg15[%swap3A_1318, %swap3A_1319], %swap3A_1322 {strides = array<i32>} : memref<64x128xf32, #tpu.memory_space<vmem>>, vector<1x16xf32>,
        %get3A_1323 = arith.index_cast %scan3A_1289 : i32 to index
        %get3A_1324 = arith.constant 32 : index
        %get3A_1325 = tpu.vector_load %arg15[%get3A_1323, %get3A_1324] {strides = array<i32>} : memref<64x128xf32, #tpu.memory_space<vmem>>, vector<1x16xf32>,
        %get3A_1326 = vector.shape_cast %get3A_1325 : vector<1x16xf32> to vector<16xf32>
        %get3A_1327 = arith.index_cast %scan3A_1289 : i32 to index
        %get3A_1328 = arith.constant 32 : index
        %get3A_1329 = tpu.vector_load %arg17[%get3A_1327, %get3A_1328] {strides = array<i32>} : memref<64x128xf32, #tpu.memory_space<vmem>>, vector<1x16xf32>,
        %get3A_1330 = vector.shape_cast %get3A_1329 : vector<1x16xf32> to vector<16xf32>
        %add3A_1331 = arith.addf %get3A_1326, %get3A_1330 : vector<16xf32>
        %max3A_1332 = arith.constant 0.000000e+00 : f32
        %max3A_1333 = vector.broadcast %max3A_1332 : f32 to vector<16xf32>
        %max3A_1334 = arith.maximumf %add3A_1331, %max3A_1333 : vector<16xf32>
        %swap3A_1335 = arith.index_cast %scan3A_1289 : i32 to index
        %swap3A_1336 = arith.constant 32 : index
        %swap3A_1337 = tpu.vector_load %arg15[%swap3A_1335, %swap3A_1336] {strides = array<i32>} : memref<64x128xf32, #tpu.memory_space<vmem>>, vector<1x16xf32>,
        %swap3A_1338 = vector.shape_cast %swap3A_1337 : vector<1x16xf32> to vector<16xf32>
        %swap3A_1339 = vector.shape_cast %max3A_1334 : vector<16xf32> to vector<1x16xf32>
        tpu.vector_store %arg15[%swap3A_1335, %swap3A_1336], %swap3A_1339 {strides = array<i32>} : memref<64x128xf32, #tpu.memory_space<vmem>>, vector<1x16xf32>,
        %get3A_1340 = arith.index_cast %scan3A_1289 : i32 to index
        %get3A_1341 = arith.constant 48 : index
        %get3A_1342 = tpu.vector_load %arg15[%get3A_1340, %get3A_1341] {strides = array<i32>} : memref<64x128xf32, #tpu.memory_space<vmem>>, vector<1x16xf32>,
        %get3A_1343 = vector.shape_cast %get3A_1342 : vector<1x16xf32> to vector<16xf32>
        %get3A_1344 = arith.index_cast %scan3A_1289 : i32 to index
        %get3A_1345 = arith.constant 48 : index
        %get3A_1346 = tpu.vector_load %arg17[%get3A_1344, %get3A_1345] {strides = array<i32>} : memref<64x128xf32, #tpu.memory_space<vmem>>, vector<1x16xf32>,
        %get3A_1347 = vector.shape_cast %get3A_1346 : vector<1x16xf32> to vector<16xf32>
        %add3A_1348 = arith.addf %get3A_1343, %get3A_1347 : vector<16xf32>
        %max3A_1349 = arith.constant 0.000000e+00 : f32
        %max3A_1350 = vector.broadcast %max3A_1349 : f32 to vector<16xf32>
        %max3A_1351 = arith.maximumf %add3A_1348, %max3A_1350 : vector<16xf32>
        %swap3A_1352 = arith.index_cast %scan3A_1289 : i32 to index
        %swap3A_1353 = arith.constant 48 : index
        %swap3A_1354 = tpu.vector_load %arg15[%swap3A_1352, %swap3A_1353] {strides = array<i32>} : memref<64x128xf32, #tpu.memory_space<vmem>>, vector<1x16xf32>,
        %swap3A_1355 = vector.shape_cast %swap3A_1354 : vector<1x16xf32> to vector<16xf32>
        %swap3A_1356 = vector.shape_cast %max3A_1351 : vector<16xf32> to vector<1x16xf32>
        tpu.vector_store %arg15[%swap3A_1352, %swap3A_1353], %swap3A_1356 {strides = array<i32>} : memref<64x128xf32, #tpu.memory_space<vmem>>, vector<1x16xf32>,
        %get3A_1357 = arith.index_cast %scan3A_1289 : i32 to index
        %get3A_1358 = arith.constant 64 : index
        %get3A_1359 = tpu.vector_load %arg15[%get3A_1357, %get3A_1358] {strides = array<i32>} : memref<64x128xf32, #tpu.memory_space<vmem>>, vector<1x16xf32>,
        %get3A_1360 = vector.shape_cast %get3A_1359 : vector<1x16xf32> to vector<16xf32>
        %get3A_1361 = arith.index_cast %scan3A_1289 : i32 to index
        %get3A_1362 = arith.constant 64 : index
        %get3A_1363 = tpu.vector_load %arg17[%get3A_1361, %get3A_1362] {strides = array<i32>} : memref<64x128xf32, #tpu.memory_space<vmem>>, vector<1x16xf32>,
        %get3A_1364 = vector.shape_cast %get3A_1363 : vector<1x16xf32> to vector<16xf32>
        %add3A_1365 = arith.addf %get3A_1360, %get3A_1364 : vector<16xf32>
        %max3A_1366 = arith.constant 0.000000e+00 : f32
        %max3A_1367 = vector.broadcast %max3A_1366 : f32 to vector<16xf32>
        %max3A_1368 = arith.maximumf %add3A_1365, %max3A_1367 : vector<16xf32>
        %swap3A_1369 = arith.index_cast %scan3A_1289 : i32 to index
        %swap3A_1370 = arith.constant 64 : index
        %swap3A_1371 = tpu.vector_load %arg15[%swap3A_1369, %swap3A_1370] {strides = array<i32>} : memref<64x128xf32, #tpu.memory_space<vmem>>, vector<1x16xf32>,
        %swap3A_1372 = vector.shape_cast %swap3A_1371 : vector<1x16xf32> to vector<16xf32>
        %swap3A_1373 = vector.shape_cast %max3A_1368 : vector<16xf32> to vector<1x16xf32>
        tpu.vector_store %arg15[%swap3A_1369, %swap3A_1370], %swap3A_1373 {strides = array<i32>} : memref<64x128xf32, #tpu.memory_space<vmem>>, vector<1x16xf32>,
        %get3A_1374 = arith.index_cast %scan3A_1289 : i32 to index
        %get3A_1375 = arith.constant 80 : index
        %get3A_1376 = tpu.vector_load %arg15[%get3A_1374, %get3A_1375] {strides = array<i32>} : memref<64x128xf32, #tpu.memory_space<vmem>>, vector<1x16xf32>,
        %get3A_1377 = vector.shape_cast %get3A_1376 : vector<1x16xf32> to vector<16xf32>
        %get3A_1378 = arith.index_cast %scan3A_1289 : i32 to index
        %get3A_1379 = arith.constant 80 : index
        %get3A_1380 = tpu.vector_load %arg17[%get3A_1378, %get3A_1379] {strides = array<i32>} : memref<64x128xf32, #tpu.memory_space<vmem>>, vector<1x16xf32>,
        %get3A_1381 = vector.shape_cast %get3A_1380 : vector<1x16xf32> to vector<16xf32>
        %add3A_1382 = arith.addf %get3A_1377, %get3A_1381 : vector<16xf32>
        %max3A_1383 = arith.constant 0.000000e+00 : f32
        %max3A_1384 = vector.broadcast %max3A_1383 : f32 to vector<16xf32>
        %max3A_1385 = arith.maximumf %add3A_1382, %max3A_1384 : vector<16xf32>
        %swap3A_1386 = arith.index_cast %scan3A_1289 : i32 to index
        %swap3A_1387 = arith.constant 80 : index
        %swap3A_1388 = tpu.vector_load %arg15[%swap3A_1386, %swap3A_1387] {strides = array<i32>} : memref<64x128xf32, #tpu.memory_space<vmem>>, vector<1x16xf32>,
        %swap3A_1389 = vector.shape_cast %swap3A_1388 : vector<1x16xf32> to vector<16xf32>
        %swap3A_1390 = vector.shape_cast %max3A_1385 : vector<16xf32> to vector<1x16xf32>
        tpu.vector_store %arg15[%swap3A_1386, %swap3A_1387], %swap3A_1390 {strides = array<i32>} : memref<64x128xf32, #tpu.memory_space<vmem>>, vector<1x16xf32>,
        %get3A_1391 = arith.index_cast %scan3A_1289 : i32 to index
        %get3A_1392 = arith.constant 96 : index
        %get3A_1393 = tpu.vector_load %arg15[%get3A_1391, %get3A_1392] {strides = array<i32>} : memref<64x128xf32, #tpu.memory_space<vmem>>, vector<1x16xf32>,
        %get3A_1394 = vector.shape_cast %get3A_1393 : vector<1x16xf32> to vector<16xf32>
        %get3A_1395 = arith.index_cast %scan3A_1289 : i32 to index
        %get3A_1396 = arith.constant 96 : index
        %get3A_1397 = tpu.vector_load %arg17[%get3A_1395, %get3A_1396] {strides = array<i32>} : memref<64x128xf32, #tpu.memory_space<vmem>>, vector<1x16xf32>,
        %get3A_1398 = vector.shape_cast %get3A_1397 : vector<1x16xf32> to vector<16xf32>
        %add3A_1399 = arith.addf %get3A_1394, %get3A_1398 : vector<16xf32>
        %max3A_1400 = arith.constant 0.000000e+00 : f32
        %max3A_1401 = vector.broadcast %max3A_1400 : f32 to vector<16xf32>
        %max3A_1402 = arith.maximumf %add3A_1399, %max3A_1401 : vector<16xf32>
        %swap3A_1403 = arith.index_cast %scan3A_1289 : i32 to index
        %swap3A_1404 = arith.constant 96 : index
        %swap3A_1405 = tpu.vector_load %arg15[%swap3A_1403, %swap3A_1404] {strides = array<i32>} : memref<64x128xf32, #tpu.memory_space<vmem>>, vector<1x16xf32>,
        %swap3A_1406 = vector.shape_cast %swap3A_1405 : vector<1x16xf32> to vector<16xf32>
        %swap3A_1407 = vector.shape_cast %max3A_1402 : vector<16xf32> to vector<1x16xf32>
        tpu.vector_store %arg15[%swap3A_1403, %swap3A_1404], %swap3A_1407 {strides = array<i32>} : memref<64x128xf32, #tpu.memory_space<vmem>>, vector<1x16xf32>,
        %get3A_1408 = arith.index_cast %scan3A_1289 : i32 to index
        %get3A_1409 = arith.constant 112 : index
        %get3A_1410 = tpu.vector_load %arg15[%get3A_1408, %get3A_1409] {strides = array<i32>} : memref<64x128xf32, #tpu.memory_space<vmem>>, vector<1x16xf32>,
        %get3A_1411 = vector.shape_cast %get3A_1410 : vector<1x16xf32> to vector<16xf32>
        %get3A_1412 = arith.index_cast %scan3A_1289 : i32 to index
        %get3A_1413 = arith.constant 112 : index
        %get3A_1414 = tpu.vector_load %arg17[%get3A_1412, %get3A_1413] {strides = array<i32>} : memref<64x128xf32, #tpu.memory_space<vmem>>, vector<1x16xf32>,
        %get3A_1415 = vector.shape_cast %get3A_1414 : vector<1x16xf32> to vector<16xf32>
        %add3A_1416 = arith.addf %get3A_1411, %get3A_1415 : vector<16xf32>
        %max3A_1417 = arith.constant 0.000000e+00 : f32
        %max3A_1418 = vector.broadcast %max3A_1417 : f32 to vector<16xf32>
        %max3A_1419 = arith.maximumf %add3A_1416, %max3A_1418 : vector<16xf32>
        %swap3A_1420 = arith.index_cast %scan3A_1289 : i32 to index
        %swap3A_1421 = arith.constant 112 : index
        %swap3A_1422 = tpu.vector_load %arg15[%swap3A_1420, %swap3A_1421] {strides = array<i32>} : memref<64x128xf32, #tpu.memory_space<vmem>>, vector<1x16xf32>,
        %swap3A_1423 = vector.shape_cast %swap3A_1422 : vector<1x16xf32> to vector<16xf32>
        %swap3A_1424 = vector.shape_cast %max3A_1419 : vector<16xf32> to vector<1x16xf32>
        tpu.vector_store %arg15[%swap3A_1420, %swap3A_1421], %swap3A_1424 {strides = array<i32>} : memref<64x128xf32, #tpu.memory_space<vmem>>, vector<1x16xf32>,
      }
      %scan3A_1281 = arith.constant 64 : i32
      %dma_start3A_1282 = arith.constant 0 : i32
      %dma_start3A_1283 = arith.constant 0 : i32
      %dma_start3A_1284 = tpu.memref_slice %arg11[%dma_start3A_1282, %dma_start3A_1283] : memref<1x64xi32, #tpu.memory_space<vmem>> -> memref<1x64xi32, #tpu.memory_space<vmem>>
      %dma_start3A_1285 = tpu.memref_squeeze %dma_start3A_1284 : memref<1x64xi32, #tpu.memory_space<vmem>> -> memref<64xi32, #tpu.memory_space<vmem>>
      %dma_start3A_1286 = arith.constant 0 : i32
      %dma_start3A_1287 = arith.constant 0 : i32
      %dma_start3A_1288 = tpu.memref_slice %arg18[%dma_start3A_1286, %dma_start3A_1287] : memref<10008x128xf32, #tpu.memory_space<vmem_shared>> -> memref<10008x128xf32, #tpu.memory_space<vmem_shared>>
      tpu.enqueue_indirect_dma source(%arg15 : memref<64x128xf32, #tpu.memory_space<vmem>>) target(%dma_start3A_1288 : memref<10008x128xf32, #tpu.memory_space<vmem_shared>>) offsets(%dma_start3A_1285 : memref<64xi32, #tpu.memory_space<vmem>>) semaphore(%arg20 : memref<!tpu.dma_semaphore, #tpu.memory_space<semaphore_mem>>) {add = true}
    }
    %scan3A_385 = arith.constant 79 : i32
    %dma_wait3A_386 = arith.constant 0 : i32
    %dma_wait3A_387 = arith.constant 0 : i32
    %dma_wait3A_388 = tpu.memref_slice %arg12[%dma_wait3A_386, %dma_wait3A_387] : memref<1x64xi32, #tpu.memory_space<vmem>> -> memref<1x64xi32, #tpu.memory_space<vmem>>
    %dma_wait3A_389 = tpu.memref_squeeze %dma_wait3A_388 : memref<1x64xi32, #tpu.memory_space<vmem>> -> memref<64xi32, #tpu.memory_space<vmem>>
    %dma_wait3A_390 = arith.constant 0 : i32
    %dma_wait3A_391 = arith.constant 0 : i32
    %dma_wait3A_392 = tpu.memref_slice %arg3[%dma_wait3A_390, %dma_wait3A_391] : memref<640000x128xf32, #tpu.memory_space<hbm>> -> memref<640000x128xf32, #tpu.memory_space<hbm>>
    tpu.wait_indirect_dma semaphore(%arg19 : memref<!tpu.dma_semaphore, #tpu.memory_space<semaphore_mem>>) src(%dma_wait3A_392 : memref<640000x128xf32, #tpu.memory_space<hbm>>) dst(%arg16 : memref<64x128xf32, #tpu.memory_space<vmem>>)
    %dma_wait3A_393 = arith.constant 0 : i32
    %dma_wait3A_394 = arith.constant 0 : i32
    %dma_wait3A_395 = tpu.memref_slice %arg8[%dma_wait3A_393, %dma_wait3A_394] : memref<1x64xi32, #tpu.memory_space<vmem>> -> memref<1x64xi32, #tpu.memory_space<vmem>>
    %dma_wait3A_396 = tpu.memref_squeeze %dma_wait3A_395 : memref<1x64xi32, #tpu.memory_space<vmem>> -> memref<64xi32, #tpu.memory_space<vmem>>
    %dma_wait3A_397 = arith.constant 0 : i32
    %dma_wait3A_398 = arith.constant 0 : i32
    %dma_wait3A_399 = tpu.memref_slice %arg2[%dma_wait3A_397, %dma_wait3A_398] : memref<40000x128xf32, #tpu.memory_space<hbm>> -> memref<40000x128xf32, #tpu.memory_space<hbm>>
    tpu.wait_indirect_dma semaphore(%arg19 : memref<!tpu.dma_semaphore, #tpu.memory_space<semaphore_mem>>) src(%dma_wait3A_399 : memref<40000x128xf32, #tpu.memory_space<hbm>>) dst(%arg14 : memref<64x128xf32, #tpu.memory_space<vmem>>)
    %dma_wait3A_400 = arith.constant 0 : i32
    %dma_wait3A_401 = arith.constant 0 : i32
    %dma_wait3A_402 = tpu.memref_slice %arg11[%dma_wait3A_400, %dma_wait3A_401] : memref<1x64xi32, #tpu.memory_space<vmem>> -> memref<1x64xi32, #tpu.memory_space<vmem>>
    %dma_wait3A_403 = tpu.memref_squeeze %dma_wait3A_402 : memref<1x64xi32, #tpu.memory_space<vmem>> -> memref<64xi32, #tpu.memory_space<vmem>>
    %dma_wait3A_404 = arith.constant 0 : i32
    %dma_wait3A_405 = arith.constant 0 : i32
    %dma_wait3A_406 = tpu.memref_slice %arg18[%dma_wait3A_404, %dma_wait3A_405] : memref<10008x128xf32, #tpu.memory_space<vmem_shared>> -> memref<10008x128xf32, #tpu.memory_space<vmem_shared>>
    tpu.wait_indirect_dma semaphore(%arg20 : memref<!tpu.dma_semaphore, #tpu.memory_space<semaphore_mem>>) src(%arg15 : memref<64x128xf32, #tpu.memory_space<vmem>>) dst(%dma_wait3A_406 : memref<10008x128xf32, #tpu.memory_space<vmem_shared>>)
    %barrier3A_407 = arith.constant 0 : index
    tpu.barrier barrier_id(%barrier3A_407)
    %while3A_408 = arith.constant 0 : i32
    %while3A_409 = arith.constant 0 : i32
    %while3A_410 = arith.subi %select_n3A, %while3A_409 : i32
    %while3A_411 = arith.addi %while3A_409, %while3A_410 : i32
    %while3A_412 = arith.constant 1 : i32
    %while3A_413 = arith.divsi %while3A_410, %while3A_412 : i32
    %while3A_414 = arith.muli %while3A_413, %while3A_412 : i32
    %while3A_415 = arith.addi %while3A_409, %while3A_414 : i32
    %while3A_416 = arith.constant 1 : i32
    scf.for %while3A_754 = %while3A_409 to %while3A_415 step %while3A_416  : i32 {
      %mul3A_755 = arith.constant 40 : i32
      %mul3A_756 = arith.muli %while3A_754, %mul3A_755 : i32
      %add3A_757 = arith.addi %mul3A_0, %mul3A_756 : i32
      %mul3A_758 = arith.constant 10000 : i32
      %mul3A_759 = arith.muli %add3A_90, %mul3A_758 : i32
      %add3A_760 = arith.addi %mul3A_759, %add3A_757 : i32
      "tpu.region"() ({
        %run_scoped3A = tpu.sem_alloc : memref<!tpu.dma_semaphore, #tpu.memory_space<semaphore_mem>>
        %dma_start3A_761 = arith.constant 0 : i32
        %dma_start3A_762 = tpu.memref_slice %arg5[%add3A_760, %dma_start3A_761] : memref<40000x128xf32, #tpu.memory_space<hbm>> -> memref<40x128xf32, #tpu.memory_space<hbm>>
        %dma_start3A_763 = arith.constant 0 : i32
        %dma_start3A_764 = tpu.memref_slice %arg18[%add3A_757, %dma_start3A_763] : memref<10008x128xf32, #tpu.memory_space<vmem_shared>> -> memref<40x128xf32, #tpu.memory_space<vmem_shared>>
        tpu.enqueue_dma source(%dma_start3A_764 : memref<40x128xf32, #tpu.memory_space<vmem_shared>>) target(%dma_start3A_762 : memref<40x128xf32, #tpu.memory_space<hbm>>) target_semaphore(%run_scoped3A : memref<!tpu.dma_semaphore, #tpu.memory_space<semaphore_mem>>)
        %dma_wait3A_765 = arith.constant 0 : i32
        %dma_wait3A_766 = tpu.memref_slice %arg5[%add3A_760, %dma_wait3A_765] : memref<40000x128xf32, #tpu.memory_space<hbm>> -> memref<40x128xf32, #tpu.memory_space<hbm>>
        %dma_wait3A_767 = arith.constant 0 : i32
        %dma_wait3A_768 = tpu.memref_slice %arg18[%add3A_757, %dma_wait3A_767] : memref<10008x128xf32, #tpu.memory_space<vmem_shared>> -> memref<40x128xf32, #tpu.memory_space<vmem_shared>>
        tpu.wait_dma2 semaphore(%run_scoped3A : memref<!tpu.dma_semaphore, #tpu.memory_space<semaphore_mem>>) src(%dma_wait3A_768 : memref<40x128xf32, #tpu.memory_space<vmem_shared>>) dst(%dma_wait3A_766 : memref<40x128xf32, #tpu.memory_space<hbm>>)
        tpu.yield
      }) : () -> ()
    }
    %while3A_417 = arith.constant 1 : i32
    scf.for %while3A_754 = %while3A_415 to %while3A_411 step %while3A_417  : i32 {
      %mul3A_755 = arith.constant 40 : i32
      %mul3A_756 = arith.muli %while3A_754, %mul3A_755 : i32
      %add3A_757 = arith.addi %mul3A_0, %mul3A_756 : i32
      %mul3A_758 = arith.constant 10000 : i32
      %mul3A_759 = arith.muli %add3A_90, %mul3A_758 : i32
      %add3A_760 = arith.addi %mul3A_759, %add3A_757 : i32
      "tpu.region"() ({
        %run_scoped3A = tpu.sem_alloc : memref<!tpu.dma_semaphore, #tpu.memory_space<semaphore_mem>>
        %dma_start3A_761 = arith.constant 0 : i32
        %dma_start3A_762 = tpu.memref_slice %arg5[%add3A_760, %dma_start3A_761] : memref<40000x128xf32, #tpu.memory_space<hbm>> -> memref<40x128xf32, #tpu.memory_space<hbm>>
        %dma_start3A_763 = arith.constant 0 : i32
        %dma_start3A_764 = tpu.memref_slice %arg18[%add3A_757, %dma_start3A_763] : memref<10008x128xf32, #tpu.memory_space<vmem_shared>> -> memref<40x128xf32, #tpu.memory_space<vmem_shared>>
        tpu.enqueue_dma source(%dma_start3A_764 : memref<40x128xf32, #tpu.memory_space<vmem_shared>>) target(%dma_start3A_762 : memref<40x128xf32, #tpu.memory_space<hbm>>) target_semaphore(%run_scoped3A : memref<!tpu.dma_semaphore, #tpu.memory_space<semaphore_mem>>)
        %dma_wait3A_765 = arith.constant 0 : i32
        %dma_wait3A_766 = tpu.memref_slice %arg5[%add3A_760, %dma_wait3A_765] : memref<40000x128xf32, #tpu.memory_space<hbm>> -> memref<40x128xf32, #tpu.memory_space<hbm>>
        %dma_wait3A_767 = arith.constant 0 : i32
        %dma_wait3A_768 = tpu.memref_slice %arg18[%add3A_757, %dma_wait3A_767] : memref<10008x128xf32, #tpu.memory_space<vmem_shared>> -> memref<40x128xf32, #tpu.memory_space<vmem_shared>>
        tpu.wait_dma2 semaphore(%run_scoped3A : memref<!tpu.dma_semaphore, #tpu.memory_space<semaphore_mem>>) src(%dma_wait3A_768 : memref<40x128xf32, #tpu.memory_space<vmem_shared>>) dst(%dma_wait3A_766 : memref<40x128xf32, #tpu.memory_space<hbm>>)
        tpu.yield
      }) : () -> ()
    }
    %add3A_418 = arith.constant 2 : i32
    %add3A_419 = arith.addi %add3A_418, %arg0 : i32
    %scan3A_420 = arith.constant 0 : i32
    %scan3A_421 = arith.constant 0 : i32
    %scan3A_422 = arith.constant 40 : i32
    %scan3A_423 = arith.addi %scan3A_421, %scan3A_422 : i32
    %scan3A_424 = arith.constant 1 : i32
    scf.for %scan3A_754 = %scan3A_421 to %scan3A_423 step %scan3A_424  : i32 {
      %broadcast_in_dim3A_755 = arith.constant 0.000000e+00 : f32
      %broadcast_in_dim3A_756 = vector.broadcast %broadcast_in_dim3A_755 : f32 to vector<16xf32>
      %swap3A_757 = arith.index_cast %scan3A_754 : i32 to index
      %swap3A_758 = arith.constant 0 : index
      %swap3A_759 = tpu.vector_load %arg14[%swap3A_757, %swap3A_758] {strides = array<i32>} : memref<64x128xf32, #tpu.memory_space<vmem>>, vector<1x16xf32>,
      %swap3A_760 = vector.shape_cast %swap3A_759 : vector<1x16xf32> to vector<16xf32>
      %swap3A_761 = vector.shape_cast %broadcast_in_dim3A_756 : vector<16xf32> to vector<1x16xf32>
      tpu.vector_store %arg14[%swap3A_757, %swap3A_758], %swap3A_761 {strides = array<i32>} : memref<64x128xf32, #tpu.memory_space<vmem>>, vector<1x16xf32>,
      %broadcast_in_dim3A_762 = arith.constant 0.000000e+00 : f32
      %broadcast_in_dim3A_763 = vector.broadcast %broadcast_in_dim3A_762 : f32 to vector<16xf32>
      %swap3A_764 = arith.index_cast %scan3A_754 : i32 to index
      %swap3A_765 = arith.constant 16 : index
      %swap3A_766 = tpu.vector_load %arg14[%swap3A_764, %swap3A_765] {strides = array<i32>} : memref<64x128xf32, #tpu.memory_space<vmem>>, vector<1x16xf32>,
      %swap3A_767 = vector.shape_cast %swap3A_766 : vector<1x16xf32> to vector<16xf32>
      %swap3A_768 = vector.shape_cast %broadcast_in_dim3A_763 : vector<16xf32> to vector<1x16xf32>
      tpu.vector_store %arg14[%swap3A_764, %swap3A_765], %swap3A_768 {strides = array<i32>} : memref<64x128xf32, #tpu.memory_space<vmem>>, vector<1x16xf32>,
      %broadcast_in_dim3A_769 = arith.constant 0.000000e+00 : f32
      %broadcast_in_dim3A_770 = vector.broadcast %broadcast_in_dim3A_769 : f32 to vector<16xf32>
      %swap3A_771 = arith.index_cast %scan3A_754 : i32 to index
      %swap3A_772 = arith.constant 32 : index
      %swap3A_773 = tpu.vector_load %arg14[%swap3A_771, %swap3A_772] {strides = array<i32>} : memref<64x128xf32, #tpu.memory_space<vmem>>, vector<1x16xf32>,
      %swap3A_774 = vector.shape_cast %swap3A_773 : vector<1x16xf32> to vector<16xf32>
      %swap3A_775 = vector.shape_cast %broadcast_in_dim3A_770 : vector<16xf32> to vector<1x16xf32>
      tpu.vector_store %arg14[%swap3A_771, %swap3A_772], %swap3A_775 {strides = array<i32>} : memref<64x128xf32, #tpu.memory_space<vmem>>, vector<1x16xf32>,
      %broadcast_in_dim3A_776 = arith.constant 0.000000e+00 : f32
      %broadcast_in_dim3A_777 = vector.broadcast %broadcast_in_dim3A_776 : f32 to vector<16xf32>
      %swap3A_778 = arith.index_cast %scan3A_754 : i32 to index
      %swap3A_779 = arith.constant 48 : index
      %swap3A_780 = tpu.vector_load %arg14[%swap3A_778, %swap3A_779] {strides = array<i32>} : memref<64x128xf32, #tpu.memory_space<vmem>>, vector<1x16xf32>,
      %swap3A_781 = vector.shape_cast %swap3A_780 : vector<1x16xf32> to vector<16xf32>
      %swap3A_782 = vector.shape_cast %broadcast_in_dim3A_777 : vector<16xf32> to vector<1x16xf32>
      tpu.vector_store %arg14[%swap3A_778, %swap3A_779], %swap3A_782 {strides = array<i32>} : memref<64x128xf32, #tpu.memory_space<vmem>>, vector<1x16xf32>,
      %broadcast_in_dim3A_783 = arith.constant 0.000000e+00 : f32
      %broadcast_in_dim3A_784 = vector.broadcast %broadcast_in_dim3A_783 : f32 to vector<16xf32>
      %swap3A_785 = arith.index_cast %scan3A_754 : i32 to index
      %swap3A_786 = arith.constant 64 : index
      %swap3A_787 = tpu.vector_load %arg14[%swap3A_785, %swap3A_786] {strides = array<i32>} : memref<64x128xf32, #tpu.memory_space<vmem>>, vector<1x16xf32>,
      %swap3A_788 = vector.shape_cast %swap3A_787 : vector<1x16xf32> to vector<16xf32>
      %swap3A_789 = vector.shape_cast %broadcast_in_dim3A_784 : vector<16xf32> to vector<1x16xf32>
      tpu.vector_store %arg14[%swap3A_785, %swap3A_786], %swap3A_789 {strides = array<i32>} : memref<64x128xf32, #tpu.memory_space<vmem>>, vector<1x16xf32>,
      %broadcast_in_dim3A_790 = arith.constant 0.000000e+00 : f32
      %broadcast_in_dim3A_791 = vector.broadcast %broadcast_in_dim3A_790 : f32 to vector<16xf32>
      %swap3A_792 = arith.index_cast %scan3A_754 : i32 to index
      %swap3A_793 = arith.constant 80 : index
      %swap3A_794 = tpu.vector_load %arg14[%swap3A_792, %swap3A_793] {strides = array<i32>} : memref<64x128xf32, #tpu.memory_space<vmem>>, vector<1x16xf32>,
      %swap3A_795 = vector.shape_cast %swap3A_794 : vector<1x16xf32> to vector<16xf32>
      %swap3A_796 = vector.shape_cast %broadcast_in_dim3A_791 : vector<16xf32> to vector<1x16xf32>
      tpu.vector_store %arg14[%swap3A_792, %swap3A_793], %swap3A_796 {strides = array<i32>} : memref<64x128xf32, #tpu.memory_space<vmem>>, vector<1x16xf32>,
      %broadcast_in_dim3A_797 = arith.constant 0.000000e+00 : f32
      %broadcast_in_dim3A_798 = vector.broadcast %broadcast_in_dim3A_797 : f32 to vector<16xf32>
      %swap3A_799 = arith.index_cast %scan3A_754 : i32 to index
      %swap3A_800 = arith.constant 96 : index
      %swap3A_801 = tpu.vector_load %arg14[%swap3A_799, %swap3A_800] {strides = array<i32>} : memref<64x128xf32, #tpu.memory_space<vmem>>, vector<1x16xf32>,
      %swap3A_802 = vector.shape_cast %swap3A_801 : vector<1x16xf32> to vector<16xf32>
      %swap3A_803 = vector.shape_cast %broadcast_in_dim3A_798 : vector<16xf32> to vector<1x16xf32>
      tpu.vector_store %arg14[%swap3A_799, %swap3A_800], %swap3A_803 {strides = array<i32>} : memref<64x128xf32, #tpu.memory_space<vmem>>, vector<1x16xf32>,
      %broadcast_in_dim3A_804 = arith.constant 0.000000e+00 : f32
      %broadcast_in_dim3A_805 = vector.broadcast %broadcast_in_dim3A_804 : f32 to vector<16xf32>
      %swap3A_806 = arith.index_cast %scan3A_754 : i32 to index
      %swap3A_807 = arith.constant 112 : index
      %swap3A_808 = tpu.vector_load %arg14[%swap3A_806, %swap3A_807] {strides = array<i32>} : memref<64x128xf32, #tpu.memory_space<vmem>>, vector<1x16xf32>,
      %swap3A_809 = vector.shape_cast %swap3A_808 : vector<1x16xf32> to vector<16xf32>
      %swap3A_810 = vector.shape_cast %broadcast_in_dim3A_805 : vector<16xf32> to vector<1x16xf32>
      tpu.vector_store %arg14[%swap3A_806, %swap3A_807], %swap3A_810 {strides = array<i32>} : memref<64x128xf32, #tpu.memory_space<vmem>>, vector<1x16xf32>,
    }
    %scan3A_425 = arith.constant 40 : i32
    %scan3A_426 = arith.constant 0 : i32
    %scan3A_427 = arith.constant 0 : i32
    %scan3A_428 = arith.constant 64 : i32
    %scan3A_429 = arith.addi %scan3A_427, %scan3A_428 : i32
    %scan3A_430 = arith.constant 1 : i32
    scf.for %scan3A_754 = %scan3A_427 to %scan3A_429 step %scan3A_430  : i32 {
      %broadcast_in_dim3A_755 = arith.constant 0.000000e+00 : f32
      %broadcast_in_dim3A_756 = vector.broadcast %broadcast_in_dim3A_755 : f32 to vector<16xf32>
      %swap3A_757 = arith.index_cast %scan3A_754 : i32 to index
      %swap3A_758 = arith.constant 0 : index
      %swap3A_759 = tpu.vector_load %arg17[%swap3A_757, %swap3A_758] {strides = array<i32>} : memref<64x128xf32, #tpu.memory_space<vmem>>, vector<1x16xf32>,
      %swap3A_760 = vector.shape_cast %swap3A_759 : vector<1x16xf32> to vector<16xf32>
      %swap3A_761 = vector.shape_cast %broadcast_in_dim3A_756 : vector<16xf32> to vector<1x16xf32>
      tpu.vector_store %arg17[%swap3A_757, %swap3A_758], %swap3A_761 {strides = array<i32>} : memref<64x128xf32, #tpu.memory_space<vmem>>, vector<1x16xf32>,
      %broadcast_in_dim3A_762 = arith.constant 0.000000e+00 : f32
      %broadcast_in_dim3A_763 = vector.broadcast %broadcast_in_dim3A_762 : f32 to vector<16xf32>
      %swap3A_764 = arith.index_cast %scan3A_754 : i32 to index
      %swap3A_765 = arith.constant 16 : index
      %swap3A_766 = tpu.vector_load %arg17[%swap3A_764, %swap3A_765] {strides = array<i32>} : memref<64x128xf32, #tpu.memory_space<vmem>>, vector<1x16xf32>,
      %swap3A_767 = vector.shape_cast %swap3A_766 : vector<1x16xf32> to vector<16xf32>
      %swap3A_768 = vector.shape_cast %broadcast_in_dim3A_763 : vector<16xf32> to vector<1x16xf32>
      tpu.vector_store %arg17[%swap3A_764, %swap3A_765], %swap3A_768 {strides = array<i32>} : memref<64x128xf32, #tpu.memory_space<vmem>>, vector<1x16xf32>,
      %broadcast_in_dim3A_769 = arith.constant 0.000000e+00 : f32
      %broadcast_in_dim3A_770 = vector.broadcast %broadcast_in_dim3A_769 : f32 to vector<16xf32>
      %swap3A_771 = arith.index_cast %scan3A_754 : i32 to index
      %swap3A_772 = arith.constant 32 : index
      %swap3A_773 = tpu.vector_load %arg17[%swap3A_771, %swap3A_772] {strides = array<i32>} : memref<64x128xf32, #tpu.memory_space<vmem>>, vector<1x16xf32>,
      %swap3A_774 = vector.shape_cast %swap3A_773 : vector<1x16xf32> to vector<16xf32>
      %swap3A_775 = vector.shape_cast %broadcast_in_dim3A_770 : vector<16xf32> to vector<1x16xf32>
      tpu.vector_store %arg17[%swap3A_771, %swap3A_772], %swap3A_775 {strides = array<i32>} : memref<64x128xf32, #tpu.memory_space<vmem>>, vector<1x16xf32>,
      %broadcast_in_dim3A_776 = arith.constant 0.000000e+00 : f32
      %broadcast_in_dim3A_777 = vector.broadcast %broadcast_in_dim3A_776 : f32 to vector<16xf32>
      %swap3A_778 = arith.index_cast %scan3A_754 : i32 to index
      %swap3A_779 = arith.constant 48 : index
      %swap3A_780 = tpu.vector_load %arg17[%swap3A_778, %swap3A_779] {strides = array<i32>} : memref<64x128xf32, #tpu.memory_space<vmem>>, vector<1x16xf32>,
      %swap3A_781 = vector.shape_cast %swap3A_780 : vector<1x16xf32> to vector<16xf32>
      %swap3A_782 = vector.shape_cast %broadcast_in_dim3A_777 : vector<16xf32> to vector<1x16xf32>
      tpu.vector_store %arg17[%swap3A_778, %swap3A_779], %swap3A_782 {strides = array<i32>} : memref<64x128xf32, #tpu.memory_space<vmem>>, vector<1x16xf32>,
      %broadcast_in_dim3A_783 = arith.constant 0.000000e+00 : f32
      %broadcast_in_dim3A_784 = vector.broadcast %broadcast_in_dim3A_783 : f32 to vector<16xf32>
      %swap3A_785 = arith.index_cast %scan3A_754 : i32 to index
      %swap3A_786 = arith.constant 64 : index
      %swap3A_787 = tpu.vector_load %arg17[%swap3A_785, %swap3A_786] {strides = array<i32>} : memref<64x128xf32, #tpu.memory_space<vmem>>, vector<1x16xf32>,
      %swap3A_788 = vector.shape_cast %swap3A_787 : vector<1x16xf32> to vector<16xf32>
      %swap3A_789 = vector.shape_cast %broadcast_in_dim3A_784 : vector<16xf32> to vector<1x16xf32>
      tpu.vector_store %arg17[%swap3A_785, %swap3A_786], %swap3A_789 {strides = array<i32>} : memref<64x128xf32, #tpu.memory_space<vmem>>, vector<1x16xf32>,
      %broadcast_in_dim3A_790 = arith.constant 0.000000e+00 : f32
      %broadcast_in_dim3A_791 = vector.broadcast %broadcast_in_dim3A_790 : f32 to vector<16xf32>
      %swap3A_792 = arith.index_cast %scan3A_754 : i32 to index
      %swap3A_793 = arith.constant 80 : index
      %swap3A_794 = tpu.vector_load %arg17[%swap3A_792, %swap3A_793] {strides = array<i32>} : memref<64x128xf32, #tpu.memory_space<vmem>>, vector<1x16xf32>,
      %swap3A_795 = vector.shape_cast %swap3A_794 : vector<1x16xf32> to vector<16xf32>
      %swap3A_796 = vector.shape_cast %broadcast_in_dim3A_791 : vector<16xf32> to vector<1x16xf32>
      tpu.vector_store %arg17[%swap3A_792, %swap3A_793], %swap3A_796 {strides = array<i32>} : memref<64x128xf32, #tpu.memory_space<vmem>>, vector<1x16xf32>,
      %broadcast_in_dim3A_797 = arith.constant 0.000000e+00 : f32
      %broadcast_in_dim3A_798 = vector.broadcast %broadcast_in_dim3A_797 : f32 to vector<16xf32>
      %swap3A_799 = arith.index_cast %scan3A_754 : i32 to index
      %swap3A_800 = arith.constant 96 : index
      %swap3A_801 = tpu.vector_load %arg17[%swap3A_799, %swap3A_800] {strides = array<i32>} : memref<64x128xf32, #tpu.memory_space<vmem>>, vector<1x16xf32>,
      %swap3A_802 = vector.shape_cast %swap3A_801 : vector<1x16xf32> to vector<16xf32>
      %swap3A_803 = vector.shape_cast %broadcast_in_dim3A_798 : vector<16xf32> to vector<1x16xf32>
      tpu.vector_store %arg17[%swap3A_799, %swap3A_800], %swap3A_803 {strides = array<i32>} : memref<64x128xf32, #tpu.memory_space<vmem>>, vector<1x16xf32>,
      %broadcast_in_dim3A_804 = arith.constant 0.000000e+00 : f32
      %broadcast_in_dim3A_805 = vector.broadcast %broadcast_in_dim3A_804 : f32 to vector<16xf32>
      %swap3A_806 = arith.index_cast %scan3A_754 : i32 to index
      %swap3A_807 = arith.constant 112 : index
      %swap3A_808 = tpu.vector_load %arg17[%swap3A_806, %swap3A_807] {strides = array<i32>} : memref<64x128xf32, #tpu.memory_space<vmem>>, vector<1x16xf32>,
      %swap3A_809 = vector.shape_cast %swap3A_808 : vector<1x16xf32> to vector<16xf32>
      %swap3A_810 = vector.shape_cast %broadcast_in_dim3A_805 : vector<16xf32> to vector<1x16xf32>
      tpu.vector_store %arg17[%swap3A_806, %swap3A_807], %swap3A_810 {strides = array<i32>} : memref<64x128xf32, #tpu.memory_space<vmem>>, vector<1x16xf32>,
    }
    %scan3A_431 = arith.constant 64 : i32
    %while3A_432 = arith.constant 0 : i32
    %while3A_433 = arith.constant 0 : i32
    %while3A_434 = arith.subi %select_n3A, %while3A_433 : i32
    %while3A_435 = arith.addi %while3A_433, %while3A_434 : i32
    %while3A_436 = arith.constant 1 : i32
    %while3A_437 = arith.divsi %while3A_434, %while3A_436 : i32
    %while3A_438 = arith.muli %while3A_437, %while3A_436 : i32
    %while3A_439 = arith.addi %while3A_433, %while3A_438 : i32
    %while3A_440 = arith.constant 1 : i32
    scf.for %while3A_754 = %while3A_433 to %while3A_439 step %while3A_440  : i32 {
      %mul3A_755 = arith.constant 40 : i32
      %mul3A_756 = arith.muli %while3A_754, %mul3A_755 : i32
      %add3A_757 = arith.addi %mul3A_0, %mul3A_756 : i32
      "tpu.region"() ({
        %run_scoped3A = tpu.sem_alloc : memref<!tpu.dma_semaphore, #tpu.memory_space<semaphore_mem>>
        %dma_start3A_758 = arith.constant 0 : i32
        %dma_start3A_759 = arith.constant 0 : i32
        %dma_start3A_760 = tpu.memref_slice %arg14[%dma_start3A_758, %dma_start3A_759] : memref<64x128xf32, #tpu.memory_space<vmem>> -> memref<40x128xf32, #tpu.memory_space<vmem>>
        %dma_start3A_761 = arith.constant 0 : i32
        %dma_start3A_762 = tpu.memref_slice %arg18[%add3A_757, %dma_start3A_761] : memref<10008x128xf32, #tpu.memory_space<vmem_shared>> -> memref<40x128xf32, #tpu.memory_space<vmem_shared>>
        %dma_start3A_763 = arith.constant 0 : i32
        %dma_start3A_764 = tpu.memref_slice %arg18[%add3A_757, %dma_start3A_763] : memref<10008x128xf32, #tpu.memory_space<vmem_shared>> -> memref<40x128xf32, #tpu.memory_space<vmem_shared>>
        %dma_start3A_765 = arith.constant 0 : i32
        %dma_start3A_766 = arith.constant 0 : i32
        %dma_start3A_767 = tpu.memref_slice %arg14[%dma_start3A_765, %dma_start3A_766] : memref<64x128xf32, #tpu.memory_space<vmem>> -> memref<40x128xf32, #tpu.memory_space<vmem>>
        tpu.enqueue_dma source(%dma_start3A_767 : memref<40x128xf32, #tpu.memory_space<vmem>>) target(%dma_start3A_764 : memref<40x128xf32, #tpu.memory_space<vmem_shared>>) target_semaphore(%run_scoped3A : memref<!tpu.dma_semaphore, #tpu.memory_space<semaphore_mem>>)
        %dma_wait3A_768 = arith.constant 0 : i32
        %dma_wait3A_769 = arith.constant 0 : i32
        %dma_wait3A_770 = tpu.memref_slice %arg14[%dma_wait3A_768, %dma_wait3A_769] : memref<64x128xf32, #tpu.memory_space<vmem>> -> memref<40x128xf32, #tpu.memory_space<vmem>>
        %dma_wait3A_771 = arith.constant 0 : i32
        %dma_wait3A_772 = tpu.memref_slice %arg18[%add3A_757, %dma_wait3A_771] : memref<10008x128xf32, #tpu.memory_space<vmem_shared>> -> memref<40x128xf32, #tpu.memory_space<vmem_shared>>
        %dma_wait3A_773 = arith.constant 0 : i32
        %dma_wait3A_774 = tpu.memref_slice %arg18[%add3A_757, %dma_wait3A_773] : memref<10008x128xf32, #tpu.memory_space<vmem_shared>> -> memref<40x128xf32, #tpu.memory_space<vmem_shared>>
        %dma_wait3A_775 = arith.constant 0 : i32
        %dma_wait3A_776 = arith.constant 0 : i32
        %dma_wait3A_777 = tpu.memref_slice %arg14[%dma_wait3A_775, %dma_wait3A_776] : memref<64x128xf32, #tpu.memory_space<vmem>> -> memref<40x128xf32, #tpu.memory_space<vmem>>
        tpu.wait_dma2 semaphore(%run_scoped3A : memref<!tpu.dma_semaphore, #tpu.memory_space<semaphore_mem>>) src(%dma_wait3A_777 : memref<40x128xf32, #tpu.memory_space<vmem>>) dst(%dma_wait3A_774 : memref<40x128xf32, #tpu.memory_space<vmem_shared>>)
        tpu.yield
      }) : () -> ()
    }
    %while3A_441 = arith.constant 1 : i32
    scf.for %while3A_754 = %while3A_439 to %while3A_435 step %while3A_441  : i32 {
      %mul3A_755 = arith.constant 40 : i32
      %mul3A_756 = arith.muli %while3A_754, %mul3A_755 : i32
      %add3A_757 = arith.addi %mul3A_0, %mul3A_756 : i32
      "tpu.region"() ({
        %run_scoped3A = tpu.sem_alloc : memref<!tpu.dma_semaphore, #tpu.memory_space<semaphore_mem>>
        %dma_start3A_758 = arith.constant 0 : i32
        %dma_start3A_759 = arith.constant 0 : i32
        %dma_start3A_760 = tpu.memref_slice %arg14[%dma_start3A_758, %dma_start3A_759] : memref<64x128xf32, #tpu.memory_space<vmem>> -> memref<40x128xf32, #tpu.memory_space<vmem>>
        %dma_start3A_761 = arith.constant 0 : i32
        %dma_start3A_762 = tpu.memref_slice %arg18[%add3A_757, %dma_start3A_761] : memref<10008x128xf32, #tpu.memory_space<vmem_shared>> -> memref<40x128xf32, #tpu.memory_space<vmem_shared>>
        %dma_start3A_763 = arith.constant 0 : i32
        %dma_start3A_764 = tpu.memref_slice %arg18[%add3A_757, %dma_start3A_763] : memref<10008x128xf32, #tpu.memory_space<vmem_shared>> -> memref<40x128xf32, #tpu.memory_space<vmem_shared>>
        %dma_start3A_765 = arith.constant 0 : i32
        %dma_start3A_766 = arith.constant 0 : i32
        %dma_start3A_767 = tpu.memref_slice %arg14[%dma_start3A_765, %dma_start3A_766] : memref<64x128xf32, #tpu.memory_space<vmem>> -> memref<40x128xf32, #tpu.memory_space<vmem>>
        tpu.enqueue_dma source(%dma_start3A_767 : memref<40x128xf32, #tpu.memory_space<vmem>>) target(%dma_start3A_764 : memref<40x128xf32, #tpu.memory_space<vmem_shared>>) target_semaphore(%run_scoped3A : memref<!tpu.dma_semaphore, #tpu.memory_space<semaphore_mem>>)
        %dma_wait3A_768 = arith.constant 0 : i32
        %dma_wait3A_769 = arith.constant 0 : i32
        %dma_wait3A_770 = tpu.memref_slice %arg14[%dma_wait3A_768, %dma_wait3A_769] : memref<64x128xf32, #tpu.memory_space<vmem>> -> memref<40x128xf32, #tpu.memory_space<vmem>>
        %dma_wait3A_771 = arith.constant 0 : i32
        %dma_wait3A_772 = tpu.memref_slice %arg18[%add3A_757, %dma_wait3A_771] : memref<10008x128xf32, #tpu.memory_space<vmem_shared>> -> memref<40x128xf32, #tpu.memory_space<vmem_shared>>
        %dma_wait3A_773 = arith.constant 0 : i32
        %dma_wait3A_774 = tpu.memref_slice %arg18[%add3A_757, %dma_wait3A_773] : memref<10008x128xf32, #tpu.memory_space<vmem_shared>> -> memref<40x128xf32, #tpu.memory_space<vmem_shared>>
        %dma_wait3A_775 = arith.constant 0 : i32
        %dma_wait3A_776 = arith.constant 0 : i32
        %dma_wait3A_777 = tpu.memref_slice %arg14[%dma_wait3A_775, %dma_wait3A_776] : memref<64x128xf32, #tpu.memory_space<vmem>> -> memref<40x128xf32, #tpu.memory_space<vmem>>
        tpu.wait_dma2 semaphore(%run_scoped3A : memref<!tpu.dma_semaphore, #tpu.memory_space<semaphore_mem>>) src(%dma_wait3A_777 : memref<40x128xf32, #tpu.memory_space<vmem>>) dst(%dma_wait3A_774 : memref<40x128xf32, #tpu.memory_space<vmem_shared>>)
        tpu.yield
      }) : () -> ()
    }
    %barrier3A_442 = arith.constant 0 : index
    tpu.barrier barrier_id(%barrier3A_442)
    %shift_right_logical3A_443 = arith.constant 0 : i32
    %shift_right_logical3A_444 = arith.constant 1 : i32
    %shift_right_logical3A_445 = arith.shrui %shift_right_logical3A_443, %shift_right_logical3A_444 : i32
    %min3A_446 = arith.constant 78 : i32
    %min3A_447 = arith.minsi %shift_right_logical3A_445, %min3A_446 : i32
    %shift_right_logical3A_448 = arith.constant 0 : i32
    %shift_right_logical3A_449 = arith.constant 1 : i32
    %shift_right_logical3A_450 = arith.shrui %shift_right_logical3A_448, %shift_right_logical3A_449 : i32
    %mul3A_451 = arith.constant 2 : i32
    %mul3A_452 = arith.muli %mul3A_451, %shift_right_logical3A_450 : i32
    %sub3A_453 = arith.constant 0 : i32
    %sub3A_454 = arith.subi %sub3A_453, %mul3A_452 : i32
    %mul3A_455 = arith.constant 64 : i32
    %mul3A_456 = arith.muli %sub3A_454, %mul3A_455 : i32
    %add3A_457 = arith.constant 0 : i32
    %add3A_458 = arith.addi %mul3A_456, %add3A_457 : i32
    %get3A_459 = arith.index_cast %min3A_447 : i32 to index
    %get3A_460 = arith.index_cast %add3A_458 : i32 to index
    %get3A_461 = tpu.vector_load %arg7[%get3A_459, %get3A_460] {strides = array<i32>} : memref<80x128xi32, #tpu.memory_space<vmem>>, vector<1x16xi32>,
    %get3A_462 = vector.shape_cast %get3A_461 : vector<1x16xi32> to vector<16xi32>
    %shift_right_logical3A_463 = arith.constant 16 : i32
    %shift_right_logical3A_464 = vector.broadcast %shift_right_logical3A_463 : i32 to vector<16xi32>
    %shift_right_logical3A_465 = arith.shrui %get3A_462, %shift_right_logical3A_464 : vector<16xi32>
    %mul3A_466 = arith.constant 10000 : i32
    %mul3A_467 = arith.muli %add3A_419, %mul3A_466 : i32
    %add3A_468 = vector.broadcast %mul3A_467 : i32 to vector<16xi32>
    %add3A_469 = arith.addi %shift_right_logical3A_465, %add3A_468 : vector<16xi32>
    %swap3A_470 = arith.constant 0 : i32
    %swap3A_471 = arith.index_cast %swap3A_470 : i32 to index
    %swap3A_472 = arith.constant 0 : index
    %swap3A_473 = tpu.vector_load %arg8[%swap3A_471, %swap3A_472] {strides = array<i32>} : memref<1x64xi32, #tpu.memory_space<vmem>>, vector<1x16xi32>,
    %swap3A_474 = vector.shape_cast %swap3A_473 : vector<1x16xi32> to vector<16xi32>
    %swap3A_475 = vector.shape_cast %add3A_469 : vector<16xi32> to vector<1x16xi32>
    tpu.vector_store %arg8[%swap3A_471, %swap3A_472], %swap3A_475 {strides = array<i32>} : memref<1x64xi32, #tpu.memory_space<vmem>>, vector<1x16xi32>,
    %mul3A_476 = arith.constant 65536 : i32
    %mul3A_477 = vector.broadcast %mul3A_476 : i32 to vector<16xi32>
    %mul3A_478 = arith.muli %shift_right_logical3A_465, %mul3A_477 : vector<16xi32>
    %sub3A_479 = arith.subi %get3A_462, %mul3A_478 : vector<16xi32>
    %swap3A_480 = arith.constant 0 : i32
    %swap3A_481 = arith.index_cast %swap3A_480 : i32 to index
    %swap3A_482 = arith.constant 0 : index
    %swap3A_483 = tpu.vector_load %arg10[%swap3A_481, %swap3A_482] {strides = array<i32>} : memref<1x64xi32, #tpu.memory_space<vmem>>, vector<1x16xi32>,
    %swap3A_484 = vector.shape_cast %swap3A_483 : vector<1x16xi32> to vector<16xi32>
    %swap3A_485 = vector.shape_cast %sub3A_479 : vector<16xi32> to vector<1x16xi32>
    tpu.vector_store %arg10[%swap3A_481, %swap3A_482], %swap3A_485 {strides = array<i32>} : memref<1x64xi32, #tpu.memory_space<vmem>>, vector<1x16xi32>,
    %mul3A_486 = arith.constant 160000 : i32
    %mul3A_487 = arith.muli %add3A_419, %mul3A_486 : i32
    %mul3A_488 = arith.constant 0 : i32
    %mul3A_489 = arith.constant 64 : i32
    %mul3A_490 = arith.muli %mul3A_488, %mul3A_489 : i32
    %add3A_491 = arith.addi %mul3A_4, %mul3A_490 : i32
    %add3A_492 = arith.constant 0 : i32
    %add3A_493 = arith.addi %add3A_491, %add3A_492 : i32
    %add3A_494 = vector.broadcast %add3A_493 : i32 to vector<16xi32>
    %add3A_495 = arith.addi %iota3A, %add3A_494 : vector<16xi32>
    %min3A_496 = arith.constant 159999 : i32
    %min3A_497 = vector.broadcast %min3A_496 : i32 to vector<16xi32>
    %min3A_498 = arith.minsi %add3A_495, %min3A_497 : vector<16xi32>
    %add3A_499 = vector.broadcast %mul3A_487 : i32 to vector<16xi32>
    %add3A_500 = arith.addi %add3A_499, %min3A_498 : vector<16xi32>
    %swap3A_501 = arith.constant 0 : i32
    %swap3A_502 = arith.index_cast %swap3A_501 : i32 to index
    %swap3A_503 = arith.constant 0 : index
    %swap3A_504 = tpu.vector_load %arg12[%swap3A_502, %swap3A_503] {strides = array<i32>} : memref<1x64xi32, #tpu.memory_space<vmem>>, vector<1x16xi32>,
    %swap3A_505 = vector.shape_cast %swap3A_504 : vector<1x16xi32> to vector<16xi32>
    %swap3A_506 = vector.shape_cast %add3A_500 : vector<16xi32> to vector<1x16xi32>
    tpu.vector_store %arg12[%swap3A_502, %swap3A_503], %swap3A_506 {strides = array<i32>} : memref<1x64xi32, #tpu.memory_space<vmem>>, vector<1x16xi32>,
    %mul3A_507 = arith.constant 64 : i32
    %mul3A_508 = arith.muli %sub3A_454, %mul3A_507 : i32
    %add3A_509 = arith.constant 16 : i32
    %add3A_510 = arith.addi %mul3A_508, %add3A_509 : i32
    %get3A_511 = arith.index_cast %min3A_447 : i32 to index
    %get3A_512 = arith.index_cast %add3A_510 : i32 to index
    %get3A_513 = tpu.vector_load %arg7[%get3A_511, %get3A_512] {strides = array<i32>} : memref<80x128xi32, #tpu.memory_space<vmem>>, vector<1x16xi32>,
    %get3A_514 = vector.shape_cast %get3A_513 : vector<1x16xi32> to vector<16xi32>
    %shift_right_logical3A_515 = arith.constant 16 : i32
    %shift_right_logical3A_516 = vector.broadcast %shift_right_logical3A_515 : i32 to vector<16xi32>
    %shift_right_logical3A_517 = arith.shrui %get3A_514, %shift_right_logical3A_516 : vector<16xi32>
    %mul3A_518 = arith.constant 10000 : i32
    %mul3A_519 = arith.muli %add3A_419, %mul3A_518 : i32
    %add3A_520 = vector.broadcast %mul3A_519 : i32 to vector<16xi32>
    %add3A_521 = arith.addi %shift_right_logical3A_517, %add3A_520 : vector<16xi32>
    %swap3A_522 = arith.constant 0 : i32
    %swap3A_523 = arith.index_cast %swap3A_522 : i32 to index
    %swap3A_524 = arith.constant 16 : index
    %swap3A_525 = tpu.vector_load %arg8[%swap3A_523, %swap3A_524] {strides = array<i32>} : memref<1x64xi32, #tpu.memory_space<vmem>>, vector<1x16xi32>,
    %swap3A_526 = vector.shape_cast %swap3A_525 : vector<1x16xi32> to vector<16xi32>
    %swap3A_527 = vector.shape_cast %add3A_521 : vector<16xi32> to vector<1x16xi32>
    tpu.vector_store %arg8[%swap3A_523, %swap3A_524], %swap3A_527 {strides = array<i32>} : memref<1x64xi32, #tpu.memory_space<vmem>>, vector<1x16xi32>,
    %mul3A_528 = arith.constant 65536 : i32
    %mul3A_529 = vector.broadcast %mul3A_528 : i32 to vector<16xi32>
    %mul3A_530 = arith.muli %shift_right_logical3A_517, %mul3A_529 : vector<16xi32>
    %sub3A_531 = arith.subi %get3A_514, %mul3A_530 : vector<16xi32>
    %swap3A_532 = arith.constant 0 : i32
    %swap3A_533 = arith.index_cast %swap3A_532 : i32 to index
    %swap3A_534 = arith.constant 16 : index
    %swap3A_535 = tpu.vector_load %arg10[%swap3A_533, %swap3A_534] {strides = array<i32>} : memref<1x64xi32, #tpu.memory_space<vmem>>, vector<1x16xi32>,
    %swap3A_536 = vector.shape_cast %swap3A_535 : vector<1x16xi32> to vector<16xi32>
    %swap3A_537 = vector.shape_cast %sub3A_531 : vector<16xi32> to vector<1x16xi32>
    tpu.vector_store %arg10[%swap3A_533, %swap3A_534], %swap3A_537 {strides = array<i32>} : memref<1x64xi32, #tpu.memory_space<vmem>>, vector<1x16xi32>,
    %mul3A_538 = arith.constant 160000 : i32
    %mul3A_539 = arith.muli %add3A_419, %mul3A_538 : i32
    %mul3A_540 = arith.constant 0 : i32
    %mul3A_541 = arith.constant 64 : i32
    %mul3A_542 = arith.muli %mul3A_540, %mul3A_541 : i32
    %add3A_543 = arith.addi %mul3A_4, %mul3A_542 : i32
    %add3A_544 = arith.constant 16 : i32
    %add3A_545 = arith.addi %add3A_543, %add3A_544 : i32
    %add3A_546 = vector.broadcast %add3A_545 : i32 to vector<16xi32>
    %add3A_547 = arith.addi %iota3A, %add3A_546 : vector<16xi32>
    %min3A_548 = arith.constant 159999 : i32
    %min3A_549 = vector.broadcast %min3A_548 : i32 to vector<16xi32>
    %min3A_550 = arith.minsi %add3A_547, %min3A_549 : vector<16xi32>
    %add3A_551 = vector.broadcast %mul3A_539 : i32 to vector<16xi32>
    %add3A_552 = arith.addi %add3A_551, %min3A_550 : vector<16xi32>
    %swap3A_553 = arith.constant 0 : i32
    %swap3A_554 = arith.index_cast %swap3A_553 : i32 to index
    %swap3A_555 = arith.constant 16 : index
    %swap3A_556 = tpu.vector_load %arg12[%swap3A_554, %swap3A_555] {strides = array<i32>} : memref<1x64xi32, #tpu.memory_space<vmem>>, vector<1x16xi32>,
    %swap3A_557 = vector.shape_cast %swap3A_556 : vector<1x16xi32> to vector<16xi32>
    %swap3A_558 = vector.shape_cast %add3A_552 : vector<16xi32> to vector<1x16xi32>
    tpu.vector_store %arg12[%swap3A_554, %swap3A_555], %swap3A_558 {strides = array<i32>} : memref<1x64xi32, #tpu.memory_space<vmem>>, vector<1x16xi32>,
    %mul3A_559 = arith.constant 64 : i32
    %mul3A_560 = arith.muli %sub3A_454, %mul3A_559 : i32
    %add3A_561 = arith.constant 32 : i32
    %add3A_562 = arith.addi %mul3A_560, %add3A_561 : i32
    %get3A_563 = arith.index_cast %min3A_447 : i32 to index
    %get3A_564 = arith.index_cast %add3A_562 : i32 to index
    %get3A_565 = tpu.vector_load %arg7[%get3A_563, %get3A_564] {strides = array<i32>} : memref<80x128xi32, #tpu.memory_space<vmem>>, vector<1x16xi32>,
    %get3A_566 = vector.shape_cast %get3A_565 : vector<1x16xi32> to vector<16xi32>
    %shift_right_logical3A_567 = arith.constant 16 : i32
    %shift_right_logical3A_568 = vector.broadcast %shift_right_logical3A_567 : i32 to vector<16xi32>
    %shift_right_logical3A_569 = arith.shrui %get3A_566, %shift_right_logical3A_568 : vector<16xi32>
    %mul3A_570 = arith.constant 10000 : i32
    %mul3A_571 = arith.muli %add3A_419, %mul3A_570 : i32
    %add3A_572 = vector.broadcast %mul3A_571 : i32 to vector<16xi32>
    %add3A_573 = arith.addi %shift_right_logical3A_569, %add3A_572 : vector<16xi32>
    %swap3A_574 = arith.constant 0 : i32
    %swap3A_575 = arith.index_cast %swap3A_574 : i32 to index
    %swap3A_576 = arith.constant 32 : index
    %swap3A_577 = tpu.vector_load %arg8[%swap3A_575, %swap3A_576] {strides = array<i32>} : memref<1x64xi32, #tpu.memory_space<vmem>>, vector<1x16xi32>,
    %swap3A_578 = vector.shape_cast %swap3A_577 : vector<1x16xi32> to vector<16xi32>
    %swap3A_579 = vector.shape_cast %add3A_573 : vector<16xi32> to vector<1x16xi32>
    tpu.vector_store %arg8[%swap3A_575, %swap3A_576], %swap3A_579 {strides = array<i32>} : memref<1x64xi32, #tpu.memory_space<vmem>>, vector<1x16xi32>,
    %mul3A_580 = arith.constant 65536 : i32
    %mul3A_581 = vector.broadcast %mul3A_580 : i32 to vector<16xi32>
    %mul3A_582 = arith.muli %shift_right_logical3A_569, %mul3A_581 : vector<16xi32>
    %sub3A_583 = arith.subi %get3A_566, %mul3A_582 : vector<16xi32>
    %swap3A_584 = arith.constant 0 : i32
    %swap3A_585 = arith.index_cast %swap3A_584 : i32 to index
    %swap3A_586 = arith.constant 32 : index
    %swap3A_587 = tpu.vector_load %arg10[%swap3A_585, %swap3A_586] {strides = array<i32>} : memref<1x64xi32, #tpu.memory_space<vmem>>, vector<1x16xi32>,
    %swap3A_588 = vector.shape_cast %swap3A_587 : vector<1x16xi32> to vector<16xi32>
    %swap3A_589 = vector.shape_cast %sub3A_583 : vector<16xi32> to vector<1x16xi32>
    tpu.vector_store %arg10[%swap3A_585, %swap3A_586], %swap3A_589 {strides = array<i32>} : memref<1x64xi32, #tpu.memory_space<vmem>>, vector<1x16xi32>,
    %mul3A_590 = arith.constant 160000 : i32
    %mul3A_591 = arith.muli %add3A_419, %mul3A_590 : i32
    %mul3A_592 = arith.constant 0 : i32
    %mul3A_593 = arith.constant 64 : i32
    %mul3A_594 = arith.muli %mul3A_592, %mul3A_593 : i32
    %add3A_595 = arith.addi %mul3A_4, %mul3A_594 : i32
    %add3A_596 = arith.constant 32 : i32
    %add3A_597 = arith.addi %add3A_595, %add3A_596 : i32
    %add3A_598 = vector.broadcast %add3A_597 : i32 to vector<16xi32>
    %add3A_599 = arith.addi %iota3A, %add3A_598 : vector<16xi32>
    %min3A_600 = arith.constant 159999 : i32
    %min3A_601 = vector.broadcast %min3A_600 : i32 to vector<16xi32>
    %min3A_602 = arith.minsi %add3A_599, %min3A_601 : vector<16xi32>
    %add3A_603 = vector.broadcast %mul3A_591 : i32 to vector<16xi32>
    %add3A_604 = arith.addi %add3A_603, %min3A_602 : vector<16xi32>
    %swap3A_605 = arith.constant 0 : i32
    %swap3A_606 = arith.index_cast %swap3A_605 : i32 to index
    %swap3A_607 = arith.constant 32 : index
    %swap3A_608 = tpu.vector_load %arg12[%swap3A_606, %swap3A_607] {strides = array<i32>} : memref<1x64xi32, #tpu.memory_space<vmem>>, vector<1x16xi32>,
    %swap3A_609 = vector.shape_cast %swap3A_608 : vector<1x16xi32> to vector<16xi32>
    %swap3A_610 = vector.shape_cast %add3A_604 : vector<16xi32> to vector<1x16xi32>
    tpu.vector_store %arg12[%swap3A_606, %swap3A_607], %swap3A_610 {strides = array<i32>} : memref<1x64xi32, #tpu.memory_space<vmem>>, vector<1x16xi32>,
    %mul3A_611 = arith.constant 64 : i32
    %mul3A_612 = arith.muli %sub3A_454, %mul3A_611 : i32
    %add3A_613 = arith.constant 48 : i32
    %add3A_614 = arith.addi %mul3A_612, %add3A_613 : i32
    %get3A_615 = arith.index_cast %min3A_447 : i32 to index
    %get3A_616 = arith.index_cast %add3A_614 : i32 to index
    %get3A_617 = tpu.vector_load %arg7[%get3A_615, %get3A_616] {strides = array<i32>} : memref<80x128xi32, #tpu.memory_space<vmem>>, vector<1x16xi32>,
    %get3A_618 = vector.shape_cast %get3A_617 : vector<1x16xi32> to vector<16xi32>
    %shift_right_logical3A_619 = arith.constant 16 : i32
    %shift_right_logical3A_620 = vector.broadcast %shift_right_logical3A_619 : i32 to vector<16xi32>
    %shift_right_logical3A_621 = arith.shrui %get3A_618, %shift_right_logical3A_620 : vector<16xi32>
    %mul3A_622 = arith.constant 10000 : i32
    %mul3A_623 = arith.muli %add3A_419, %mul3A_622 : i32
    %add3A_624 = vector.broadcast %mul3A_623 : i32 to vector<16xi32>
    %add3A_625 = arith.addi %shift_right_logical3A_621, %add3A_624 : vector<16xi32>
    %swap3A_626 = arith.constant 0 : i32
    %swap3A_627 = arith.index_cast %swap3A_626 : i32 to index
    %swap3A_628 = arith.constant 48 : index
    %swap3A_629 = tpu.vector_load %arg8[%swap3A_627, %swap3A_628] {strides = array<i32>} : memref<1x64xi32, #tpu.memory_space<vmem>>, vector<1x16xi32>,
    %swap3A_630 = vector.shape_cast %swap3A_629 : vector<1x16xi32> to vector<16xi32>
    %swap3A_631 = vector.shape_cast %add3A_625 : vector<16xi32> to vector<1x16xi32>
    tpu.vector_store %arg8[%swap3A_627, %swap3A_628], %swap3A_631 {strides = array<i32>} : memref<1x64xi32, #tpu.memory_space<vmem>>, vector<1x16xi32>,
    %mul3A_632 = arith.constant 65536 : i32
    %mul3A_633 = vector.broadcast %mul3A_632 : i32 to vector<16xi32>
    %mul3A_634 = arith.muli %shift_right_logical3A_621, %mul3A_633 : vector<16xi32>
    %sub3A_635 = arith.subi %get3A_618, %mul3A_634 : vector<16xi32>
    %swap3A_636 = arith.constant 0 : i32
    %swap3A_637 = arith.index_cast %swap3A_636 : i32 to index
    %swap3A_638 = arith.constant 48 : index
    %swap3A_639 = tpu.vector_load %arg10[%swap3A_637, %swap3A_638] {strides = array<i32>} : memref<1x64xi32, #tpu.memory_space<vmem>>, vector<1x16xi32>,
    %swap3A_640 = vector.shape_cast %swap3A_639 : vector<1x16xi32> to vector<16xi32>
    %swap3A_641 = vector.shape_cast %sub3A_635 : vector<16xi32> to vector<1x16xi32>
    tpu.vector_store %arg10[%swap3A_637, %swap3A_638], %swap3A_641 {strides = array<i32>} : memref<1x64xi32, #tpu.memory_space<vmem>>, vector<1x16xi32>,
    %mul3A_642 = arith.constant 160000 : i32
    %mul3A_643 = arith.muli %add3A_419, %mul3A_642 : i32
    %mul3A_644 = arith.constant 0 : i32
    %mul3A_645 = arith.constant 64 : i32
    %mul3A_646 = arith.muli %mul3A_644, %mul3A_645 : i32
    %add3A_647 = arith.addi %mul3A_4, %mul3A_646 : i32
    %add3A_648 = arith.constant 48 : i32
    %add3A_649 = arith.addi %add3A_647, %add3A_648 : i32
    %add3A_650 = vector.broadcast %add3A_649 : i32 to vector<16xi32>
    %add3A_651 = arith.addi %iota3A, %add3A_650 : vector<16xi32>
    %min3A_652 = arith.constant 159999 : i32
    %min3A_653 = vector.broadcast %min3A_652 : i32 to vector<16xi32>
    %min3A_654 = arith.minsi %add3A_651, %min3A_653 : vector<16xi32>
    %add3A_655 = vector.broadcast %mul3A_643 : i32 to vector<16xi32>
    %add3A_656 = arith.addi %add3A_655, %min3A_654 : vector<16xi32>
    %swap3A_657 = arith.constant 0 : i32
    %swap3A_658 = arith.index_cast %swap3A_657 : i32 to index
    %swap3A_659 = arith.constant 48 : index
    %swap3A_660 = tpu.vector_load %arg12[%swap3A_658, %swap3A_659] {strides = array<i32>} : memref<1x64xi32, #tpu.memory_space<vmem>>, vector<1x16xi32>,
    %swap3A_661 = vector.shape_cast %swap3A_660 : vector<1x16xi32> to vector<16xi32>
    %swap3A_662 = vector.shape_cast %add3A_656 : vector<16xi32> to vector<1x16xi32>
    tpu.vector_store %arg12[%swap3A_658, %swap3A_659], %swap3A_662 {strides = array<i32>} : memref<1x64xi32, #tpu.memory_space<vmem>>, vector<1x16xi32>,
    %dma_start3A_663 = arith.constant 0 : i32
    %dma_start3A_664 = arith.constant 0 : i32
    %dma_start3A_665 = tpu.memref_slice %arg12[%dma_start3A_663, %dma_start3A_664] : memref<1x64xi32, #tpu.memory_space<vmem>> -> memref<1x64xi32, #tpu.memory_space<vmem>>
    %dma_start3A_666 = tpu.memref_squeeze %dma_start3A_665 : memref<1x64xi32, #tpu.memory_space<vmem>> -> memref<64xi32, #tpu.memory_space<vmem>>
    %dma_start3A_667 = arith.constant 0 : i32
    %dma_start3A_668 = arith.constant 0 : i32
    %dma_start3A_669 = tpu.memref_slice %arg3[%dma_start3A_667, %dma_start3A_668] : memref<640000x128xf32, #tpu.memory_space<hbm>> -> memref<640000x128xf32, #tpu.memory_space<hbm>>
    tpu.enqueue_indirect_dma source(%dma_start3A_669 : memref<640000x128xf32, #tpu.memory_space<hbm>>) target(%arg16 : memref<64x128xf32, #tpu.memory_space<vmem>>) offsets(%dma_start3A_666 : memref<64xi32, #tpu.memory_space<vmem>>) semaphore(%arg19 : memref<!tpu.dma_semaphore, #tpu.memory_space<semaphore_mem>>)
    %dma_start3A_670 = arith.constant 0 : i32
    %dma_start3A_671 = arith.constant 0 : i32
    %dma_start3A_672 = tpu.memref_slice %arg8[%dma_start3A_670, %dma_start3A_671] : memref<1x64xi32, #tpu.memory_space<vmem>> -> memref<1x64xi32, #tpu.memory_space<vmem>>
    %dma_start3A_673 = tpu.memref_squeeze %dma_start3A_672 : memref<1x64xi32, #tpu.memory_space<vmem>> -> memref<64xi32, #tpu.memory_space<vmem>>
    %dma_start3A_674 = arith.constant 0 : i32
    %dma_start3A_675 = arith.constant 0 : i32
    %dma_start3A_676 = tpu.memref_slice %arg2[%dma_start3A_674, %dma_start3A_675] : memref<40000x128xf32, #tpu.memory_space<hbm>> -> memref<40000x128xf32, #tpu.memory_space<hbm>>
    tpu.enqueue_indirect_dma source(%dma_start3A_676 : memref<40000x128xf32, #tpu.memory_space<hbm>>) target(%arg14 : memref<64x128xf32, #tpu.memory_space<vmem>>) offsets(%dma_start3A_673 : memref<64xi32, #tpu.memory_space<vmem>>) semaphore(%arg19 : memref<!tpu.dma_semaphore, #tpu.memory_space<semaphore_mem>>)
    %broadcast_in_dim3A_677 = arith.constant 10000 : i32
    %broadcast_in_dim3A_678 = vector.broadcast %broadcast_in_dim3A_677 : i32 to vector<16xi32>
    %swap3A_679 = arith.constant 0 : i32
    %swap3A_680 = arith.index_cast %swap3A_679 : i32 to index
    %swap3A_681 = arith.constant 0 : index
    %swap3A_682 = tpu.vector_load %arg11[%swap3A_680, %swap3A_681] {strides = array<i32>} : memref<1x64xi32, #tpu.memory_space<vmem>>, vector<1x16xi32>,
    %swap3A_683 = vector.shape_cast %swap3A_682 : vector<1x16xi32> to vector<16xi32>
    %swap3A_684 = vector.shape_cast %broadcast_in_dim3A_678 : vector<16xi32> to vector<1x16xi32>
    tpu.vector_store %arg11[%swap3A_680, %swap3A_681], %swap3A_684 {strides = array<i32>} : memref<1x64xi32, #tpu.memory_space<vmem>>, vector<1x16xi32>,
    %broadcast_in_dim3A_685 = arith.constant 10000 : i32
    %broadcast_in_dim3A_686 = vector.broadcast %broadcast_in_dim3A_685 : i32 to vector<16xi32>
    %swap3A_687 = arith.constant 0 : i32
    %swap3A_688 = arith.index_cast %swap3A_687 : i32 to index
    %swap3A_689 = arith.constant 16 : index
    %swap3A_690 = tpu.vector_load %arg11[%swap3A_688, %swap3A_689] {strides = array<i32>} : memref<1x64xi32, #tpu.memory_space<vmem>>, vector<1x16xi32>,
    %swap3A_691 = vector.shape_cast %swap3A_690 : vector<1x16xi32> to vector<16xi32>
    %swap3A_692 = vector.shape_cast %broadcast_in_dim3A_686 : vector<16xi32> to vector<1x16xi32>
    tpu.vector_store %arg11[%swap3A_688, %swap3A_689], %swap3A_692 {strides = array<i32>} : memref<1x64xi32, #tpu.memory_space<vmem>>, vector<1x16xi32>,
    %broadcast_in_dim3A_693 = arith.constant 10000 : i32
    %broadcast_in_dim3A_694 = vector.broadcast %broadcast_in_dim3A_693 : i32 to vector<16xi32>
    %swap3A_695 = arith.constant 0 : i32
    %swap3A_696 = arith.index_cast %swap3A_695 : i32 to index
    %swap3A_697 = arith.constant 32 : index
    %swap3A_698 = tpu.vector_load %arg11[%swap3A_696, %swap3A_697] {strides = array<i32>} : memref<1x64xi32, #tpu.memory_space<vmem>>, vector<1x16xi32>,
    %swap3A_699 = vector.shape_cast %swap3A_698 : vector<1x16xi32> to vector<16xi32>
    %swap3A_700 = vector.shape_cast %broadcast_in_dim3A_694 : vector<16xi32> to vector<1x16xi32>
    tpu.vector_store %arg11[%swap3A_696, %swap3A_697], %swap3A_700 {strides = array<i32>} : memref<1x64xi32, #tpu.memory_space<vmem>>, vector<1x16xi32>,
    %broadcast_in_dim3A_701 = arith.constant 10000 : i32
    %broadcast_in_dim3A_702 = vector.broadcast %broadcast_in_dim3A_701 : i32 to vector<16xi32>
    %swap3A_703 = arith.constant 0 : i32
    %swap3A_704 = arith.index_cast %swap3A_703 : i32 to index
    %swap3A_705 = arith.constant 48 : index
    %swap3A_706 = tpu.vector_load %arg11[%swap3A_704, %swap3A_705] {strides = array<i32>} : memref<1x64xi32, #tpu.memory_space<vmem>>, vector<1x16xi32>,
    %swap3A_707 = vector.shape_cast %swap3A_706 : vector<1x16xi32> to vector<16xi32>
    %swap3A_708 = vector.shape_cast %broadcast_in_dim3A_702 : vector<16xi32> to vector<1x16xi32>
    tpu.vector_store %arg11[%swap3A_704, %swap3A_705], %swap3A_708 {strides = array<i32>} : memref<1x64xi32, #tpu.memory_space<vmem>>, vector<1x16xi32>,
    %dma_start3A_709 = arith.constant 0 : i32
    %dma_start3A_710 = arith.constant 0 : i32
    %dma_start3A_711 = tpu.memref_slice %arg11[%dma_start3A_709, %dma_start3A_710] : memref<1x64xi32, #tpu.memory_space<vmem>> -> memref<1x64xi32, #tpu.memory_space<vmem>>
    %dma_start3A_712 = tpu.memref_squeeze %dma_start3A_711 : memref<1x64xi32, #tpu.memory_space<vmem>> -> memref<64xi32, #tpu.memory_space<vmem>>
    %dma_start3A_713 = arith.constant 0 : i32
    %dma_start3A_714 = arith.constant 0 : i32
    %dma_start3A_715 = tpu.memref_slice %arg18[%dma_start3A_713, %dma_start3A_714] : memref<10008x128xf32, #tpu.memory_space<vmem_shared>> -> memref<10008x128xf32, #tpu.memory_space<vmem_shared>>
    tpu.enqueue_indirect_dma source(%arg17 : memref<64x128xf32, #tpu.memory_space<vmem>>) target(%dma_start3A_715 : memref<10008x128xf32, #tpu.memory_space<vmem_shared>>) offsets(%dma_start3A_712 : memref<64xi32, #tpu.memory_space<vmem>>) semaphore(%arg20 : memref<!tpu.dma_semaphore, #tpu.memory_space<semaphore_mem>>) {add = true}
    %scan3A_716 = arith.constant 0 : i32
    %scan3A_717 = arith.constant 0 : i32
    %scan3A_718 = arith.constant 79 : i32
    %scan3A_719 = arith.addi %scan3A_717, %scan3A_718 : i32
    %scan3A_720 = arith.constant 1 : i32
    scf.for %scan3A_754 = %scan3A_717 to %scan3A_719 step %scan3A_720  : i32 {
      %mul3A_755 = arith.constant 2 : i32
      %mul3A_756 = arith.muli %mul3A_755, %scan3A_754 : i32
      %add3A_757 = arith.constant 0 : i32
      %add3A_758 = arith.addi %mul3A_756, %add3A_757 : i32
      %dma_wait3A_759 = arith.constant 0 : i32
      %dma_wait3A_760 = arith.constant 0 : i32
      %dma_wait3A_761 = tpu.memref_slice %arg12[%dma_wait3A_759, %dma_wait3A_760] : memref<1x64xi32, #tpu.memory_space<vmem>> -> memref<1x64xi32, #tpu.memory_space<vmem>>
      %dma_wait3A_762 = tpu.memref_squeeze %dma_wait3A_761 : memref<1x64xi32, #tpu.memory_space<vmem>> -> memref<64xi32, #tpu.memory_space<vmem>>
      %dma_wait3A_763 = arith.constant 0 : i32
      %dma_wait3A_764 = arith.constant 0 : i32
      %dma_wait3A_765 = tpu.memref_slice %arg3[%dma_wait3A_763, %dma_wait3A_764] : memref<640000x128xf32, #tpu.memory_space<hbm>> -> memref<640000x128xf32, #tpu.memory_space<hbm>>
      tpu.wait_indirect_dma semaphore(%arg19 : memref<!tpu.dma_semaphore, #tpu.memory_space<semaphore_mem>>) src(%dma_wait3A_765 : memref<640000x128xf32, #tpu.memory_space<hbm>>) dst(%arg16 : memref<64x128xf32, #tpu.memory_space<vmem>>)
      %dma_wait3A_766 = arith.constant 0 : i32
      %dma_wait3A_767 = arith.constant 0 : i32
      %dma_wait3A_768 = tpu.memref_slice %arg8[%dma_wait3A_766, %dma_wait3A_767] : memref<1x64xi32, #tpu.memory_space<vmem>> -> memref<1x64xi32, #tpu.memory_space<vmem>>
      %dma_wait3A_769 = tpu.memref_squeeze %dma_wait3A_768 : memref<1x64xi32, #tpu.memory_space<vmem>> -> memref<64xi32, #tpu.memory_space<vmem>>
      %dma_wait3A_770 = arith.constant 0 : i32
      %dma_wait3A_771 = arith.constant 0 : i32
      %dma_wait3A_772 = tpu.memref_slice %arg2[%dma_wait3A_770, %dma_wait3A_771] : memref<40000x128xf32, #tpu.memory_space<hbm>> -> memref<40000x128xf32, #tpu.memory_space<hbm>>
      tpu.wait_indirect_dma semaphore(%arg19 : memref<!tpu.dma_semaphore, #tpu.memory_space<semaphore_mem>>) src(%dma_wait3A_772 : memref<40000x128xf32, #tpu.memory_space<hbm>>) dst(%arg14 : memref<64x128xf32, #tpu.memory_space<vmem>>)
      %dma_wait3A_773 = arith.constant 0 : i32
      %dma_wait3A_774 = arith.constant 0 : i32
      %dma_wait3A_775 = tpu.memref_slice %arg11[%dma_wait3A_773, %dma_wait3A_774] : memref<1x64xi32, #tpu.memory_space<vmem>> -> memref<1x64xi32, #tpu.memory_space<vmem>>
      %dma_wait3A_776 = tpu.memref_squeeze %dma_wait3A_775 : memref<1x64xi32, #tpu.memory_space<vmem>> -> memref<64xi32, #tpu.memory_space<vmem>>
      %dma_wait3A_777 = arith.constant 0 : i32
      %dma_wait3A_778 = arith.constant 0 : i32
      %dma_wait3A_779 = tpu.memref_slice %arg18[%dma_wait3A_777, %dma_wait3A_778] : memref<10008x128xf32, #tpu.memory_space<vmem_shared>> -> memref<10008x128xf32, #tpu.memory_space<vmem_shared>>
      tpu.wait_indirect_dma semaphore(%arg20 : memref<!tpu.dma_semaphore, #tpu.memory_space<semaphore_mem>>) src(%arg15 : memref<64x128xf32, #tpu.memory_space<vmem>>) dst(%dma_wait3A_779 : memref<10008x128xf32, #tpu.memory_space<vmem_shared>>)
      %add3A_780 = arith.constant 1 : i32
      %add3A_781 = arith.addi %add3A_758, %add3A_780 : i32
      %shift_right_logical3A_782 = arith.constant 1 : i32
      %shift_right_logical3A_783 = arith.shrui %add3A_781, %shift_right_logical3A_782 : i32
      %min3A_784 = arith.constant 78 : i32
      %min3A_785 = arith.minsi %shift_right_logical3A_783, %min3A_784 : i32
      %shift_right_logical3A_786 = arith.constant 1 : i32
      %shift_right_logical3A_787 = arith.shrui %add3A_781, %shift_right_logical3A_786 : i32
      %mul3A_788 = arith.constant 2 : i32
      %mul3A_789 = arith.muli %mul3A_788, %shift_right_logical3A_787 : i32
      %sub3A_790 = arith.subi %add3A_781, %mul3A_789 : i32
      %mul3A_791 = arith.constant 64 : i32
      %mul3A_792 = arith.muli %sub3A_790, %mul3A_791 : i32
      %add3A_793 = arith.constant 0 : i32
      %add3A_794 = arith.addi %mul3A_792, %add3A_793 : i32
      %get3A_795 = arith.index_cast %min3A_785 : i32 to index
      %get3A_796 = arith.index_cast %add3A_794 : i32 to index
      %get3A_797 = tpu.vector_load %arg7[%get3A_795, %get3A_796] {strides = array<i32>} : memref<80x128xi32, #tpu.memory_space<vmem>>, vector<1x16xi32>,
      %get3A_798 = vector.shape_cast %get3A_797 : vector<1x16xi32> to vector<16xi32>
      %shift_right_logical3A_799 = arith.constant 16 : i32
      %shift_right_logical3A_800 = vector.broadcast %shift_right_logical3A_799 : i32 to vector<16xi32>
      %shift_right_logical3A_801 = arith.shrui %get3A_798, %shift_right_logical3A_800 : vector<16xi32>
      %mul3A_802 = arith.constant 10000 : i32
      %mul3A_803 = arith.muli %add3A_419, %mul3A_802 : i32
      %add3A_804 = vector.broadcast %mul3A_803 : i32 to vector<16xi32>
      %add3A_805 = arith.addi %shift_right_logical3A_801, %add3A_804 : vector<16xi32>
      %swap3A_806 = arith.constant 0 : i32
      %swap3A_807 = arith.index_cast %swap3A_806 : i32 to index
      %swap3A_808 = arith.constant 0 : index
      %swap3A_809 = tpu.vector_load %arg9[%swap3A_807, %swap3A_808] {strides = array<i32>} : memref<1x64xi32, #tpu.memory_space<vmem>>, vector<1x16xi32>,
      %swap3A_810 = vector.shape_cast %swap3A_809 : vector<1x16xi32> to vector<16xi32>
      %swap3A_811 = vector.shape_cast %add3A_805 : vector<16xi32> to vector<1x16xi32>
      tpu.vector_store %arg9[%swap3A_807, %swap3A_808], %swap3A_811 {strides = array<i32>} : memref<1x64xi32, #tpu.memory_space<vmem>>, vector<1x16xi32>,
      %mul3A_812 = arith.constant 65536 : i32
      %mul3A_813 = vector.broadcast %mul3A_812 : i32 to vector<16xi32>
      %mul3A_814 = arith.muli %shift_right_logical3A_801, %mul3A_813 : vector<16xi32>
      %sub3A_815 = arith.subi %get3A_798, %mul3A_814 : vector<16xi32>
      %swap3A_816 = arith.constant 0 : i32
      %swap3A_817 = arith.index_cast %swap3A_816 : i32 to index
      %swap3A_818 = arith.constant 0 : index
      %swap3A_819 = tpu.vector_load %arg11[%swap3A_817, %swap3A_818] {strides = array<i32>} : memref<1x64xi32, #tpu.memory_space<vmem>>, vector<1x16xi32>,
      %swap3A_820 = vector.shape_cast %swap3A_819 : vector<1x16xi32> to vector<16xi32>
      %swap3A_821 = vector.shape_cast %sub3A_815 : vector<16xi32> to vector<1x16xi32>
      tpu.vector_store %arg11[%swap3A_817, %swap3A_818], %swap3A_821 {strides = array<i32>} : memref<1x64xi32, #tpu.memory_space<vmem>>, vector<1x16xi32>,
      %mul3A_822 = arith.constant 160000 : i32
      %mul3A_823 = arith.muli %add3A_419, %mul3A_822 : i32
      %mul3A_824 = arith.constant 64 : i32
      %mul3A_825 = arith.muli %add3A_781, %mul3A_824 : i32
      %add3A_826 = arith.addi %mul3A_4, %mul3A_825 : i32
      %add3A_827 = arith.constant 0 : i32
      %add3A_828 = arith.addi %add3A_826, %add3A_827 : i32
      %add3A_829 = vector.broadcast %add3A_828 : i32 to vector<16xi32>
      %add3A_830 = arith.addi %iota3A, %add3A_829 : vector<16xi32>
      %min3A_831 = arith.constant 159999 : i32
      %min3A_832 = vector.broadcast %min3A_831 : i32 to vector<16xi32>
      %min3A_833 = arith.minsi %add3A_830, %min3A_832 : vector<16xi32>
      %add3A_834 = vector.broadcast %mul3A_823 : i32 to vector<16xi32>
      %add3A_835 = arith.addi %add3A_834, %min3A_833 : vector<16xi32>
      %swap3A_836 = arith.constant 0 : i32
      %swap3A_837 = arith.index_cast %swap3A_836 : i32 to index
      %swap3A_838 = arith.constant 0 : index
      %swap3A_839 = tpu.vector_load %arg13[%swap3A_837, %swap3A_838] {strides = array<i32>} : memref<1x64xi32, #tpu.memory_space<vmem>>, vector<1x16xi32>,
      %swap3A_840 = vector.shape_cast %swap3A_839 : vector<1x16xi32> to vector<16xi32>
      %swap3A_841 = vector.shape_cast %add3A_835 : vector<16xi32> to vector<1x16xi32>
      tpu.vector_store %arg13[%swap3A_837, %swap3A_838], %swap3A_841 {strides = array<i32>} : memref<1x64xi32, #tpu.memory_space<vmem>>, vector<1x16xi32>,
      %mul3A_842 = arith.constant 64 : i32
      %mul3A_843 = arith.muli %sub3A_790, %mul3A_842 : i32
      %add3A_844 = arith.constant 16 : i32
      %add3A_845 = arith.addi %mul3A_843, %add3A_844 : i32
      %get3A_846 = arith.index_cast %min3A_785 : i32 to index
      %get3A_847 = arith.index_cast %add3A_845 : i32 to index
      %get3A_848 = tpu.vector_load %arg7[%get3A_846, %get3A_847] {strides = array<i32>} : memref<80x128xi32, #tpu.memory_space<vmem>>, vector<1x16xi32>,
      %get3A_849 = vector.shape_cast %get3A_848 : vector<1x16xi32> to vector<16xi32>
      %shift_right_logical3A_850 = arith.constant 16 : i32
      %shift_right_logical3A_851 = vector.broadcast %shift_right_logical3A_850 : i32 to vector<16xi32>
      %shift_right_logical3A_852 = arith.shrui %get3A_849, %shift_right_logical3A_851 : vector<16xi32>
      %mul3A_853 = arith.constant 10000 : i32
      %mul3A_854 = arith.muli %add3A_419, %mul3A_853 : i32
      %add3A_855 = vector.broadcast %mul3A_854 : i32 to vector<16xi32>
      %add3A_856 = arith.addi %shift_right_logical3A_852, %add3A_855 : vector<16xi32>
      %swap3A_857 = arith.constant 0 : i32
      %swap3A_858 = arith.index_cast %swap3A_857 : i32 to index
      %swap3A_859 = arith.constant 16 : index
      %swap3A_860 = tpu.vector_load %arg9[%swap3A_858, %swap3A_859] {strides = array<i32>} : memref<1x64xi32, #tpu.memory_space<vmem>>, vector<1x16xi32>,
      %swap3A_861 = vector.shape_cast %swap3A_860 : vector<1x16xi32> to vector<16xi32>
      %swap3A_862 = vector.shape_cast %add3A_856 : vector<16xi32> to vector<1x16xi32>
      tpu.vector_store %arg9[%swap3A_858, %swap3A_859], %swap3A_862 {strides = array<i32>} : memref<1x64xi32, #tpu.memory_space<vmem>>, vector<1x16xi32>,
      %mul3A_863 = arith.constant 65536 : i32
      %mul3A_864 = vector.broadcast %mul3A_863 : i32 to vector<16xi32>
      %mul3A_865 = arith.muli %shift_right_logical3A_852, %mul3A_864 : vector<16xi32>
      %sub3A_866 = arith.subi %get3A_849, %mul3A_865 : vector<16xi32>
      %swap3A_867 = arith.constant 0 : i32
      %swap3A_868 = arith.index_cast %swap3A_867 : i32 to index
      %swap3A_869 = arith.constant 16 : index
      %swap3A_870 = tpu.vector_load %arg11[%swap3A_868, %swap3A_869] {strides = array<i32>} : memref<1x64xi32, #tpu.memory_space<vmem>>, vector<1x16xi32>,
      %swap3A_871 = vector.shape_cast %swap3A_870 : vector<1x16xi32> to vector<16xi32>
      %swap3A_872 = vector.shape_cast %sub3A_866 : vector<16xi32> to vector<1x16xi32>
      tpu.vector_store %arg11[%swap3A_868, %swap3A_869], %swap3A_872 {strides = array<i32>} : memref<1x64xi32, #tpu.memory_space<vmem>>, vector<1x16xi32>,
      %mul3A_873 = arith.constant 160000 : i32
      %mul3A_874 = arith.muli %add3A_419, %mul3A_873 : i32
      %mul3A_875 = arith.constant 64 : i32
      %mul3A_876 = arith.muli %add3A_781, %mul3A_875 : i32
      %add3A_877 = arith.addi %mul3A_4, %mul3A_876 : i32
      %add3A_878 = arith.constant 16 : i32
      %add3A_879 = arith.addi %add3A_877, %add3A_878 : i32
      %add3A_880 = vector.broadcast %add3A_879 : i32 to vector<16xi32>
      %add3A_881 = arith.addi %iota3A, %add3A_880 : vector<16xi32>
      %min3A_882 = arith.constant 159999 : i32
      %min3A_883 = vector.broadcast %min3A_882 : i32 to vector<16xi32>
      %min3A_884 = arith.minsi %add3A_881, %min3A_883 : vector<16xi32>
      %add3A_885 = vector.broadcast %mul3A_874 : i32 to vector<16xi32>
      %add3A_886 = arith.addi %add3A_885, %min3A_884 : vector<16xi32>
      %swap3A_887 = arith.constant 0 : i32
      %swap3A_888 = arith.index_cast %swap3A_887 : i32 to index
      %swap3A_889 = arith.constant 16 : index
      %swap3A_890 = tpu.vector_load %arg13[%swap3A_888, %swap3A_889] {strides = array<i32>} : memref<1x64xi32, #tpu.memory_space<vmem>>, vector<1x16xi32>,
      %swap3A_891 = vector.shape_cast %swap3A_890 : vector<1x16xi32> to vector<16xi32>
      %swap3A_892 = vector.shape_cast %add3A_886 : vector<16xi32> to vector<1x16xi32>
      tpu.vector_store %arg13[%swap3A_888, %swap3A_889], %swap3A_892 {strides = array<i32>} : memref<1x64xi32, #tpu.memory_space<vmem>>, vector<1x16xi32>,
      %mul3A_893 = arith.constant 64 : i32
      %mul3A_894 = arith.muli %sub3A_790, %mul3A_893 : i32
      %add3A_895 = arith.constant 32 : i32
      %add3A_896 = arith.addi %mul3A_894, %add3A_895 : i32
      %get3A_897 = arith.index_cast %min3A_785 : i32 to index
      %get3A_898 = arith.index_cast %add3A_896 : i32 to index
      %get3A_899 = tpu.vector_load %arg7[%get3A_897, %get3A_898] {strides = array<i32>} : memref<80x128xi32, #tpu.memory_space<vmem>>, vector<1x16xi32>,
      %get3A_900 = vector.shape_cast %get3A_899 : vector<1x16xi32> to vector<16xi32>
      %shift_right_logical3A_901 = arith.constant 16 : i32
      %shift_right_logical3A_902 = vector.broadcast %shift_right_logical3A_901 : i32 to vector<16xi32>
      %shift_right_logical3A_903 = arith.shrui %get3A_900, %shift_right_logical3A_902 : vector<16xi32>
      %mul3A_904 = arith.constant 10000 : i32
      %mul3A_905 = arith.muli %add3A_419, %mul3A_904 : i32
      %add3A_906 = vector.broadcast %mul3A_905 : i32 to vector<16xi32>
      %add3A_907 = arith.addi %shift_right_logical3A_903, %add3A_906 : vector<16xi32>
      %swap3A_908 = arith.constant 0 : i32
      %swap3A_909 = arith.index_cast %swap3A_908 : i32 to index
      %swap3A_910 = arith.constant 32 : index
      %swap3A_911 = tpu.vector_load %arg9[%swap3A_909, %swap3A_910] {strides = array<i32>} : memref<1x64xi32, #tpu.memory_space<vmem>>, vector<1x16xi32>,
      %swap3A_912 = vector.shape_cast %swap3A_911 : vector<1x16xi32> to vector<16xi32>
      %swap3A_913 = vector.shape_cast %add3A_907 : vector<16xi32> to vector<1x16xi32>
      tpu.vector_store %arg9[%swap3A_909, %swap3A_910], %swap3A_913 {strides = array<i32>} : memref<1x64xi32, #tpu.memory_space<vmem>>, vector<1x16xi32>,
      %mul3A_914 = arith.constant 65536 : i32
      %mul3A_915 = vector.broadcast %mul3A_914 : i32 to vector<16xi32>
      %mul3A_916 = arith.muli %shift_right_logical3A_903, %mul3A_915 : vector<16xi32>
      %sub3A_917 = arith.subi %get3A_900, %mul3A_916 : vector<16xi32>
      %swap3A_918 = arith.constant 0 : i32
      %swap3A_919 = arith.index_cast %swap3A_918 : i32 to index
      %swap3A_920 = arith.constant 32 : index
      %swap3A_921 = tpu.vector_load %arg11[%swap3A_919, %swap3A_920] {strides = array<i32>} : memref<1x64xi32, #tpu.memory_space<vmem>>, vector<1x16xi32>,
      %swap3A_922 = vector.shape_cast %swap3A_921 : vector<1x16xi32> to vector<16xi32>
      %swap3A_923 = vector.shape_cast %sub3A_917 : vector<16xi32> to vector<1x16xi32>
      tpu.vector_store %arg11[%swap3A_919, %swap3A_920], %swap3A_923 {strides = array<i32>} : memref<1x64xi32, #tpu.memory_space<vmem>>, vector<1x16xi32>,
      %mul3A_924 = arith.constant 160000 : i32
      %mul3A_925 = arith.muli %add3A_419, %mul3A_924 : i32
      %mul3A_926 = arith.constant 64 : i32
      %mul3A_927 = arith.muli %add3A_781, %mul3A_926 : i32
      %add3A_928 = arith.addi %mul3A_4, %mul3A_927 : i32
      %add3A_929 = arith.constant 32 : i32
      %add3A_930 = arith.addi %add3A_928, %add3A_929 : i32
      %add3A_931 = vector.broadcast %add3A_930 : i32 to vector<16xi32>
      %add3A_932 = arith.addi %iota3A, %add3A_931 : vector<16xi32>
      %min3A_933 = arith.constant 159999 : i32
      %min3A_934 = vector.broadcast %min3A_933 : i32 to vector<16xi32>
      %min3A_935 = arith.minsi %add3A_932, %min3A_934 : vector<16xi32>
      %add3A_936 = vector.broadcast %mul3A_925 : i32 to vector<16xi32>
      %add3A_937 = arith.addi %add3A_936, %min3A_935 : vector<16xi32>
      %swap3A_938 = arith.constant 0 : i32
      %swap3A_939 = arith.index_cast %swap3A_938 : i32 to index
      %swap3A_940 = arith.constant 32 : index
      %swap3A_941 = tpu.vector_load %arg13[%swap3A_939, %swap3A_940] {strides = array<i32>} : memref<1x64xi32, #tpu.memory_space<vmem>>, vector<1x16xi32>,
      %swap3A_942 = vector.shape_cast %swap3A_941 : vector<1x16xi32> to vector<16xi32>
      %swap3A_943 = vector.shape_cast %add3A_937 : vector<16xi32> to vector<1x16xi32>
      tpu.vector_store %arg13[%swap3A_939, %swap3A_940], %swap3A_943 {strides = array<i32>} : memref<1x64xi32, #tpu.memory_space<vmem>>, vector<1x16xi32>,
      %mul3A_944 = arith.constant 64 : i32
      %mul3A_945 = arith.muli %sub3A_790, %mul3A_944 : i32
      %add3A_946 = arith.constant 48 : i32
      %add3A_947 = arith.addi %mul3A_945, %add3A_946 : i32
      %get3A_948 = arith.index_cast %min3A_785 : i32 to index
      %get3A_949 = arith.index_cast %add3A_947 : i32 to index
      %get3A_950 = tpu.vector_load %arg7[%get3A_948, %get3A_949] {strides = array<i32>} : memref<80x128xi32, #tpu.memory_space<vmem>>, vector<1x16xi32>,
      %get3A_951 = vector.shape_cast %get3A_950 : vector<1x16xi32> to vector<16xi32>
      %shift_right_logical3A_952 = arith.constant 16 : i32
      %shift_right_logical3A_953 = vector.broadcast %shift_right_logical3A_952 : i32 to vector<16xi32>
      %shift_right_logical3A_954 = arith.shrui %get3A_951, %shift_right_logical3A_953 : vector<16xi32>
      %mul3A_955 = arith.constant 10000 : i32
      %mul3A_956 = arith.muli %add3A_419, %mul3A_955 : i32
      %add3A_957 = vector.broadcast %mul3A_956 : i32 to vector<16xi32>
      %add3A_958 = arith.addi %shift_right_logical3A_954, %add3A_957 : vector<16xi32>
      %swap3A_959 = arith.constant 0 : i32
      %swap3A_960 = arith.index_cast %swap3A_959 : i32 to index
      %swap3A_961 = arith.constant 48 : index
      %swap3A_962 = tpu.vector_load %arg9[%swap3A_960, %swap3A_961] {strides = array<i32>} : memref<1x64xi32, #tpu.memory_space<vmem>>, vector<1x16xi32>,
      %swap3A_963 = vector.shape_cast %swap3A_962 : vector<1x16xi32> to vector<16xi32>
      %swap3A_964 = vector.shape_cast %add3A_958 : vector<16xi32> to vector<1x16xi32>
      tpu.vector_store %arg9[%swap3A_960, %swap3A_961], %swap3A_964 {strides = array<i32>} : memref<1x64xi32, #tpu.memory_space<vmem>>, vector<1x16xi32>,
      %mul3A_965 = arith.constant 65536 : i32
      %mul3A_966 = vector.broadcast %mul3A_965 : i32 to vector<16xi32>
      %mul3A_967 = arith.muli %shift_right_logical3A_954, %mul3A_966 : vector<16xi32>
      %sub3A_968 = arith.subi %get3A_951, %mul3A_967 : vector<16xi32>
      %swap3A_969 = arith.constant 0 : i32
      %swap3A_970 = arith.index_cast %swap3A_969 : i32 to index
      %swap3A_971 = arith.constant 48 : index
      %swap3A_972 = tpu.vector_load %arg11[%swap3A_970, %swap3A_971] {strides = array<i32>} : memref<1x64xi32, #tpu.memory_space<vmem>>, vector<1x16xi32>,
      %swap3A_973 = vector.shape_cast %swap3A_972 : vector<1x16xi32> to vector<16xi32>
      %swap3A_974 = vector.shape_cast %sub3A_968 : vector<16xi32> to vector<1x16xi32>
      tpu.vector_store %arg11[%swap3A_970, %swap3A_971], %swap3A_974 {strides = array<i32>} : memref<1x64xi32, #tpu.memory_space<vmem>>, vector<1x16xi32>,
      %mul3A_975 = arith.constant 160000 : i32
      %mul3A_976 = arith.muli %add3A_419, %mul3A_975 : i32
      %mul3A_977 = arith.constant 64 : i32
      %mul3A_978 = arith.muli %add3A_781, %mul3A_977 : i32
      %add3A_979 = arith.addi %mul3A_4, %mul3A_978 : i32
      %add3A_980 = arith.constant 48 : i32
      %add3A_981 = arith.addi %add3A_979, %add3A_980 : i32
      %add3A_982 = vector.broadcast %add3A_981 : i32 to vector<16xi32>
      %add3A_983 = arith.addi %iota3A, %add3A_982 : vector<16xi32>
      %min3A_984 = arith.constant 159999 : i32
      %min3A_985 = vector.broadcast %min3A_984 : i32 to vector<16xi32>
      %min3A_986 = arith.minsi %add3A_983, %min3A_985 : vector<16xi32>
      %add3A_987 = vector.broadcast %mul3A_976 : i32 to vector<16xi32>
      %add3A_988 = arith.addi %add3A_987, %min3A_986 : vector<16xi32>
      %swap3A_989 = arith.constant 0 : i32
      %swap3A_990 = arith.index_cast %swap3A_989 : i32 to index
      %swap3A_991 = arith.constant 48 : index
      %swap3A_992 = tpu.vector_load %arg13[%swap3A_990, %swap3A_991] {strides = array<i32>} : memref<1x64xi32, #tpu.memory_space<vmem>>, vector<1x16xi32>,
      %swap3A_993 = vector.shape_cast %swap3A_992 : vector<1x16xi32> to vector<16xi32>
      %swap3A_994 = vector.shape_cast %add3A_988 : vector<16xi32> to vector<1x16xi32>
      tpu.vector_store %arg13[%swap3A_990, %swap3A_991], %swap3A_994 {strides = array<i32>} : memref<1x64xi32, #tpu.memory_space<vmem>>, vector<1x16xi32>,
      %dma_start3A_995 = arith.constant 0 : i32
      %dma_start3A_996 = arith.constant 0 : i32
      %dma_start3A_997 = tpu.memref_slice %arg13[%dma_start3A_995, %dma_start3A_996] : memref<1x64xi32, #tpu.memory_space<vmem>> -> memref<1x64xi32, #tpu.memory_space<vmem>>
      %dma_start3A_998 = tpu.memref_squeeze %dma_start3A_997 : memref<1x64xi32, #tpu.memory_space<vmem>> -> memref<64xi32, #tpu.memory_space<vmem>>
      %dma_start3A_999 = arith.constant 0 : i32
      %dma_start3A_1000 = arith.constant 0 : i32
      %dma_start3A_1001 = tpu.memref_slice %arg3[%dma_start3A_999, %dma_start3A_1000] : memref<640000x128xf32, #tpu.memory_space<hbm>> -> memref<640000x128xf32, #tpu.memory_space<hbm>>
      tpu.enqueue_indirect_dma source(%dma_start3A_1001 : memref<640000x128xf32, #tpu.memory_space<hbm>>) target(%arg17 : memref<64x128xf32, #tpu.memory_space<vmem>>) offsets(%dma_start3A_998 : memref<64xi32, #tpu.memory_space<vmem>>) semaphore(%arg19 : memref<!tpu.dma_semaphore, #tpu.memory_space<semaphore_mem>>)
      %dma_start3A_1002 = arith.constant 0 : i32
      %dma_start3A_1003 = arith.constant 0 : i32
      %dma_start3A_1004 = tpu.memref_slice %arg9[%dma_start3A_1002, %dma_start3A_1003] : memref<1x64xi32, #tpu.memory_space<vmem>> -> memref<1x64xi32, #tpu.memory_space<vmem>>
      %dma_start3A_1005 = tpu.memref_squeeze %dma_start3A_1004 : memref<1x64xi32, #tpu.memory_space<vmem>> -> memref<64xi32, #tpu.memory_space<vmem>>
      %dma_start3A_1006 = arith.constant 0 : i32
      %dma_start3A_1007 = arith.constant 0 : i32
      %dma_start3A_1008 = tpu.memref_slice %arg2[%dma_start3A_1006, %dma_start3A_1007] : memref<40000x128xf32, #tpu.memory_space<hbm>> -> memref<40000x128xf32, #tpu.memory_space<hbm>>
      tpu.enqueue_indirect_dma source(%dma_start3A_1008 : memref<40000x128xf32, #tpu.memory_space<hbm>>) target(%arg15 : memref<64x128xf32, #tpu.memory_space<vmem>>) offsets(%dma_start3A_1005 : memref<64xi32, #tpu.memory_space<vmem>>) semaphore(%arg19 : memref<!tpu.dma_semaphore, #tpu.memory_space<semaphore_mem>>)
      %scan3A_1009 = arith.constant 0 : i32
      %scan3A_1010 = arith.constant 0 : i32
      %scan3A_1011 = arith.constant 64 : i32
      %scan3A_1012 = arith.addi %scan3A_1010, %scan3A_1011 : i32
      %scan3A_1013 = arith.constant 1 : i32
      scf.for %scan3A_1289 = %scan3A_1010 to %scan3A_1012 step %scan3A_1013  : i32 {
        %get3A_1290 = arith.index_cast %scan3A_1289 : i32 to index
        %get3A_1291 = arith.constant 0 : index
        %get3A_1292 = tpu.vector_load %arg14[%get3A_1290, %get3A_1291] {strides = array<i32>} : memref<64x128xf32, #tpu.memory_space<vmem>>, vector<1x16xf32>,
        %get3A_1293 = vector.shape_cast %get3A_1292 : vector<1x16xf32> to vector<16xf32>
        %get3A_1294 = arith.index_cast %scan3A_1289 : i32 to index
        %get3A_1295 = arith.constant 0 : index
        %get3A_1296 = tpu.vector_load %arg16[%get3A_1294, %get3A_1295] {strides = array<i32>} : memref<64x128xf32, #tpu.memory_space<vmem>>, vector<1x16xf32>,
        %get3A_1297 = vector.shape_cast %get3A_1296 : vector<1x16xf32> to vector<16xf32>
        %add3A_1298 = arith.addf %get3A_1293, %get3A_1297 : vector<16xf32>
        %max3A = arith.constant 0.000000e+00 : f32
        %max3A_1299 = vector.broadcast %max3A : f32 to vector<16xf32>
        %max3A_1300 = arith.maximumf %add3A_1298, %max3A_1299 : vector<16xf32>
        %swap3A_1301 = arith.index_cast %scan3A_1289 : i32 to index
        %swap3A_1302 = arith.constant 0 : index
        %swap3A_1303 = tpu.vector_load %arg14[%swap3A_1301, %swap3A_1302] {strides = array<i32>} : memref<64x128xf32, #tpu.memory_space<vmem>>, vector<1x16xf32>,
        %swap3A_1304 = vector.shape_cast %swap3A_1303 : vector<1x16xf32> to vector<16xf32>
        %swap3A_1305 = vector.shape_cast %max3A_1300 : vector<16xf32> to vector<1x16xf32>
        tpu.vector_store %arg14[%swap3A_1301, %swap3A_1302], %swap3A_1305 {strides = array<i32>} : memref<64x128xf32, #tpu.memory_space<vmem>>, vector<1x16xf32>,
        %get3A_1306 = arith.index_cast %scan3A_1289 : i32 to index
        %get3A_1307 = arith.constant 16 : index
        %get3A_1308 = tpu.vector_load %arg14[%get3A_1306, %get3A_1307] {strides = array<i32>} : memref<64x128xf32, #tpu.memory_space<vmem>>, vector<1x16xf32>,
        %get3A_1309 = vector.shape_cast %get3A_1308 : vector<1x16xf32> to vector<16xf32>
        %get3A_1310 = arith.index_cast %scan3A_1289 : i32 to index
        %get3A_1311 = arith.constant 16 : index
        %get3A_1312 = tpu.vector_load %arg16[%get3A_1310, %get3A_1311] {strides = array<i32>} : memref<64x128xf32, #tpu.memory_space<vmem>>, vector<1x16xf32>,
        %get3A_1313 = vector.shape_cast %get3A_1312 : vector<1x16xf32> to vector<16xf32>
        %add3A_1314 = arith.addf %get3A_1309, %get3A_1313 : vector<16xf32>
        %max3A_1315 = arith.constant 0.000000e+00 : f32
        %max3A_1316 = vector.broadcast %max3A_1315 : f32 to vector<16xf32>
        %max3A_1317 = arith.maximumf %add3A_1314, %max3A_1316 : vector<16xf32>
        %swap3A_1318 = arith.index_cast %scan3A_1289 : i32 to index
        %swap3A_1319 = arith.constant 16 : index
        %swap3A_1320 = tpu.vector_load %arg14[%swap3A_1318, %swap3A_1319] {strides = array<i32>} : memref<64x128xf32, #tpu.memory_space<vmem>>, vector<1x16xf32>,
        %swap3A_1321 = vector.shape_cast %swap3A_1320 : vector<1x16xf32> to vector<16xf32>
        %swap3A_1322 = vector.shape_cast %max3A_1317 : vector<16xf32> to vector<1x16xf32>
        tpu.vector_store %arg14[%swap3A_1318, %swap3A_1319], %swap3A_1322 {strides = array<i32>} : memref<64x128xf32, #tpu.memory_space<vmem>>, vector<1x16xf32>,
        %get3A_1323 = arith.index_cast %scan3A_1289 : i32 to index
        %get3A_1324 = arith.constant 32 : index
        %get3A_1325 = tpu.vector_load %arg14[%get3A_1323, %get3A_1324] {strides = array<i32>} : memref<64x128xf32, #tpu.memory_space<vmem>>, vector<1x16xf32>,
        %get3A_1326 = vector.shape_cast %get3A_1325 : vector<1x16xf32> to vector<16xf32>
        %get3A_1327 = arith.index_cast %scan3A_1289 : i32 to index
        %get3A_1328 = arith.constant 32 : index
        %get3A_1329 = tpu.vector_load %arg16[%get3A_1327, %get3A_1328] {strides = array<i32>} : memref<64x128xf32, #tpu.memory_space<vmem>>, vector<1x16xf32>,
        %get3A_1330 = vector.shape_cast %get3A_1329 : vector<1x16xf32> to vector<16xf32>
        %add3A_1331 = arith.addf %get3A_1326, %get3A_1330 : vector<16xf32>
        %max3A_1332 = arith.constant 0.000000e+00 : f32
        %max3A_1333 = vector.broadcast %max3A_1332 : f32 to vector<16xf32>
        %max3A_1334 = arith.maximumf %add3A_1331, %max3A_1333 : vector<16xf32>
        %swap3A_1335 = arith.index_cast %scan3A_1289 : i32 to index
        %swap3A_1336 = arith.constant 32 : index
        %swap3A_1337 = tpu.vector_load %arg14[%swap3A_1335, %swap3A_1336] {strides = array<i32>} : memref<64x128xf32, #tpu.memory_space<vmem>>, vector<1x16xf32>,
        %swap3A_1338 = vector.shape_cast %swap3A_1337 : vector<1x16xf32> to vector<16xf32>
        %swap3A_1339 = vector.shape_cast %max3A_1334 : vector<16xf32> to vector<1x16xf32>
        tpu.vector_store %arg14[%swap3A_1335, %swap3A_1336], %swap3A_1339 {strides = array<i32>} : memref<64x128xf32, #tpu.memory_space<vmem>>, vector<1x16xf32>,
        %get3A_1340 = arith.index_cast %scan3A_1289 : i32 to index
        %get3A_1341 = arith.constant 48 : index
        %get3A_1342 = tpu.vector_load %arg14[%get3A_1340, %get3A_1341] {strides = array<i32>} : memref<64x128xf32, #tpu.memory_space<vmem>>, vector<1x16xf32>,
        %get3A_1343 = vector.shape_cast %get3A_1342 : vector<1x16xf32> to vector<16xf32>
        %get3A_1344 = arith.index_cast %scan3A_1289 : i32 to index
        %get3A_1345 = arith.constant 48 : index
        %get3A_1346 = tpu.vector_load %arg16[%get3A_1344, %get3A_1345] {strides = array<i32>} : memref<64x128xf32, #tpu.memory_space<vmem>>, vector<1x16xf32>,
        %get3A_1347 = vector.shape_cast %get3A_1346 : vector<1x16xf32> to vector<16xf32>
        %add3A_1348 = arith.addf %get3A_1343, %get3A_1347 : vector<16xf32>
        %max3A_1349 = arith.constant 0.000000e+00 : f32
        %max3A_1350 = vector.broadcast %max3A_1349 : f32 to vector<16xf32>
        %max3A_1351 = arith.maximumf %add3A_1348, %max3A_1350 : vector<16xf32>
        %swap3A_1352 = arith.index_cast %scan3A_1289 : i32 to index
        %swap3A_1353 = arith.constant 48 : index
        %swap3A_1354 = tpu.vector_load %arg14[%swap3A_1352, %swap3A_1353] {strides = array<i32>} : memref<64x128xf32, #tpu.memory_space<vmem>>, vector<1x16xf32>,
        %swap3A_1355 = vector.shape_cast %swap3A_1354 : vector<1x16xf32> to vector<16xf32>
        %swap3A_1356 = vector.shape_cast %max3A_1351 : vector<16xf32> to vector<1x16xf32>
        tpu.vector_store %arg14[%swap3A_1352, %swap3A_1353], %swap3A_1356 {strides = array<i32>} : memref<64x128xf32, #tpu.memory_space<vmem>>, vector<1x16xf32>,
        %get3A_1357 = arith.index_cast %scan3A_1289 : i32 to index
        %get3A_1358 = arith.constant 64 : index
        %get3A_1359 = tpu.vector_load %arg14[%get3A_1357, %get3A_1358] {strides = array<i32>} : memref<64x128xf32, #tpu.memory_space<vmem>>, vector<1x16xf32>,
        %get3A_1360 = vector.shape_cast %get3A_1359 : vector<1x16xf32> to vector<16xf32>
        %get3A_1361 = arith.index_cast %scan3A_1289 : i32 to index
        %get3A_1362 = arith.constant 64 : index
        %get3A_1363 = tpu.vector_load %arg16[%get3A_1361, %get3A_1362] {strides = array<i32>} : memref<64x128xf32, #tpu.memory_space<vmem>>, vector<1x16xf32>,
        %get3A_1364 = vector.shape_cast %get3A_1363 : vector<1x16xf32> to vector<16xf32>
        %add3A_1365 = arith.addf %get3A_1360, %get3A_1364 : vector<16xf32>
        %max3A_1366 = arith.constant 0.000000e+00 : f32
        %max3A_1367 = vector.broadcast %max3A_1366 : f32 to vector<16xf32>
        %max3A_1368 = arith.maximumf %add3A_1365, %max3A_1367 : vector<16xf32>
        %swap3A_1369 = arith.index_cast %scan3A_1289 : i32 to index
        %swap3A_1370 = arith.constant 64 : index
        %swap3A_1371 = tpu.vector_load %arg14[%swap3A_1369, %swap3A_1370] {strides = array<i32>} : memref<64x128xf32, #tpu.memory_space<vmem>>, vector<1x16xf32>,
        %swap3A_1372 = vector.shape_cast %swap3A_1371 : vector<1x16xf32> to vector<16xf32>
        %swap3A_1373 = vector.shape_cast %max3A_1368 : vector<16xf32> to vector<1x16xf32>
        tpu.vector_store %arg14[%swap3A_1369, %swap3A_1370], %swap3A_1373 {strides = array<i32>} : memref<64x128xf32, #tpu.memory_space<vmem>>, vector<1x16xf32>,
        %get3A_1374 = arith.index_cast %scan3A_1289 : i32 to index
        %get3A_1375 = arith.constant 80 : index
        %get3A_1376 = tpu.vector_load %arg14[%get3A_1374, %get3A_1375] {strides = array<i32>} : memref<64x128xf32, #tpu.memory_space<vmem>>, vector<1x16xf32>,
        %get3A_1377 = vector.shape_cast %get3A_1376 : vector<1x16xf32> to vector<16xf32>
        %get3A_1378 = arith.index_cast %scan3A_1289 : i32 to index
        %get3A_1379 = arith.constant 80 : index
        %get3A_1380 = tpu.vector_load %arg16[%get3A_1378, %get3A_1379] {strides = array<i32>} : memref<64x128xf32, #tpu.memory_space<vmem>>, vector<1x16xf32>,
        %get3A_1381 = vector.shape_cast %get3A_1380 : vector<1x16xf32> to vector<16xf32>
        %add3A_1382 = arith.addf %get3A_1377, %get3A_1381 : vector<16xf32>
        %max3A_1383 = arith.constant 0.000000e+00 : f32
        %max3A_1384 = vector.broadcast %max3A_1383 : f32 to vector<16xf32>
        %max3A_1385 = arith.maximumf %add3A_1382, %max3A_1384 : vector<16xf32>
        %swap3A_1386 = arith.index_cast %scan3A_1289 : i32 to index
        %swap3A_1387 = arith.constant 80 : index
        %swap3A_1388 = tpu.vector_load %arg14[%swap3A_1386, %swap3A_1387] {strides = array<i32>} : memref<64x128xf32, #tpu.memory_space<vmem>>, vector<1x16xf32>,
        %swap3A_1389 = vector.shape_cast %swap3A_1388 : vector<1x16xf32> to vector<16xf32>
        %swap3A_1390 = vector.shape_cast %max3A_1385 : vector<16xf32> to vector<1x16xf32>
        tpu.vector_store %arg14[%swap3A_1386, %swap3A_1387], %swap3A_1390 {strides = array<i32>} : memref<64x128xf32, #tpu.memory_space<vmem>>, vector<1x16xf32>,
        %get3A_1391 = arith.index_cast %scan3A_1289 : i32 to index
        %get3A_1392 = arith.constant 96 : index
        %get3A_1393 = tpu.vector_load %arg14[%get3A_1391, %get3A_1392] {strides = array<i32>} : memref<64x128xf32, #tpu.memory_space<vmem>>, vector<1x16xf32>,
        %get3A_1394 = vector.shape_cast %get3A_1393 : vector<1x16xf32> to vector<16xf32>
        %get3A_1395 = arith.index_cast %scan3A_1289 : i32 to index
        %get3A_1396 = arith.constant 96 : index
        %get3A_1397 = tpu.vector_load %arg16[%get3A_1395, %get3A_1396] {strides = array<i32>} : memref<64x128xf32, #tpu.memory_space<vmem>>, vector<1x16xf32>,
        %get3A_1398 = vector.shape_cast %get3A_1397 : vector<1x16xf32> to vector<16xf32>
        %add3A_1399 = arith.addf %get3A_1394, %get3A_1398 : vector<16xf32>
        %max3A_1400 = arith.constant 0.000000e+00 : f32
        %max3A_1401 = vector.broadcast %max3A_1400 : f32 to vector<16xf32>
        %max3A_1402 = arith.maximumf %add3A_1399, %max3A_1401 : vector<16xf32>
        %swap3A_1403 = arith.index_cast %scan3A_1289 : i32 to index
        %swap3A_1404 = arith.constant 96 : index
        %swap3A_1405 = tpu.vector_load %arg14[%swap3A_1403, %swap3A_1404] {strides = array<i32>} : memref<64x128xf32, #tpu.memory_space<vmem>>, vector<1x16xf32>,
        %swap3A_1406 = vector.shape_cast %swap3A_1405 : vector<1x16xf32> to vector<16xf32>
        %swap3A_1407 = vector.shape_cast %max3A_1402 : vector<16xf32> to vector<1x16xf32>
        tpu.vector_store %arg14[%swap3A_1403, %swap3A_1404], %swap3A_1407 {strides = array<i32>} : memref<64x128xf32, #tpu.memory_space<vmem>>, vector<1x16xf32>,
        %get3A_1408 = arith.index_cast %scan3A_1289 : i32 to index
        %get3A_1409 = arith.constant 112 : index
        %get3A_1410 = tpu.vector_load %arg14[%get3A_1408, %get3A_1409] {strides = array<i32>} : memref<64x128xf32, #tpu.memory_space<vmem>>, vector<1x16xf32>,
        %get3A_1411 = vector.shape_cast %get3A_1410 : vector<1x16xf32> to vector<16xf32>
        %get3A_1412 = arith.index_cast %scan3A_1289 : i32 to index
        %get3A_1413 = arith.constant 112 : index
        %get3A_1414 = tpu.vector_load %arg16[%get3A_1412, %get3A_1413] {strides = array<i32>} : memref<64x128xf32, #tpu.memory_space<vmem>>, vector<1x16xf32>,
        %get3A_1415 = vector.shape_cast %get3A_1414 : vector<1x16xf32> to vector<16xf32>
        %add3A_1416 = arith.addf %get3A_1411, %get3A_1415 : vector<16xf32>
        %max3A_1417 = arith.constant 0.000000e+00 : f32
        %max3A_1418 = vector.broadcast %max3A_1417 : f32 to vector<16xf32>
        %max3A_1419 = arith.maximumf %add3A_1416, %max3A_1418 : vector<16xf32>
        %swap3A_1420 = arith.index_cast %scan3A_1289 : i32 to index
        %swap3A_1421 = arith.constant 112 : index
        %swap3A_1422 = tpu.vector_load %arg14[%swap3A_1420, %swap3A_1421] {strides = array<i32>} : memref<64x128xf32, #tpu.memory_space<vmem>>, vector<1x16xf32>,
        %swap3A_1423 = vector.shape_cast %swap3A_1422 : vector<1x16xf32> to vector<16xf32>
        %swap3A_1424 = vector.shape_cast %max3A_1419 : vector<16xf32> to vector<1x16xf32>
        tpu.vector_store %arg14[%swap3A_1420, %swap3A_1421], %swap3A_1424 {strides = array<i32>} : memref<64x128xf32, #tpu.memory_space<vmem>>, vector<1x16xf32>,
      }
      %scan3A_1014 = arith.constant 64 : i32
      %dma_start3A_1015 = arith.constant 0 : i32
      %dma_start3A_1016 = arith.constant 0 : i32
      %dma_start3A_1017 = tpu.memref_slice %arg10[%dma_start3A_1015, %dma_start3A_1016] : memref<1x64xi32, #tpu.memory_space<vmem>> -> memref<1x64xi32, #tpu.memory_space<vmem>>
      %dma_start3A_1018 = tpu.memref_squeeze %dma_start3A_1017 : memref<1x64xi32, #tpu.memory_space<vmem>> -> memref<64xi32, #tpu.memory_space<vmem>>
      %dma_start3A_1019 = arith.constant 0 : i32
      %dma_start3A_1020 = arith.constant 0 : i32
      %dma_start3A_1021 = tpu.memref_slice %arg18[%dma_start3A_1019, %dma_start3A_1020] : memref<10008x128xf32, #tpu.memory_space<vmem_shared>> -> memref<10008x128xf32, #tpu.memory_space<vmem_shared>>
      tpu.enqueue_indirect_dma source(%arg14 : memref<64x128xf32, #tpu.memory_space<vmem>>) target(%dma_start3A_1021 : memref<10008x128xf32, #tpu.memory_space<vmem_shared>>) offsets(%dma_start3A_1018 : memref<64xi32, #tpu.memory_space<vmem>>) semaphore(%arg20 : memref<!tpu.dma_semaphore, #tpu.memory_space<semaphore_mem>>) {add = true}
      %mul3A_1022 = arith.constant 2 : i32
      %mul3A_1023 = arith.muli %mul3A_1022, %scan3A_754 : i32
      %add3A_1024 = arith.constant 1 : i32
      %add3A_1025 = arith.addi %mul3A_1023, %add3A_1024 : i32
      %dma_wait3A_1026 = arith.constant 0 : i32
      %dma_wait3A_1027 = arith.constant 0 : i32
      %dma_wait3A_1028 = tpu.memref_slice %arg13[%dma_wait3A_1026, %dma_wait3A_1027] : memref<1x64xi32, #tpu.memory_space<vmem>> -> memref<1x64xi32, #tpu.memory_space<vmem>>
      %dma_wait3A_1029 = tpu.memref_squeeze %dma_wait3A_1028 : memref<1x64xi32, #tpu.memory_space<vmem>> -> memref<64xi32, #tpu.memory_space<vmem>>
      %dma_wait3A_1030 = arith.constant 0 : i32
      %dma_wait3A_1031 = arith.constant 0 : i32
      %dma_wait3A_1032 = tpu.memref_slice %arg3[%dma_wait3A_1030, %dma_wait3A_1031] : memref<640000x128xf32, #tpu.memory_space<hbm>> -> memref<640000x128xf32, #tpu.memory_space<hbm>>
      tpu.wait_indirect_dma semaphore(%arg19 : memref<!tpu.dma_semaphore, #tpu.memory_space<semaphore_mem>>) src(%dma_wait3A_1032 : memref<640000x128xf32, #tpu.memory_space<hbm>>) dst(%arg17 : memref<64x128xf32, #tpu.memory_space<vmem>>)
      %dma_wait3A_1033 = arith.constant 0 : i32
      %dma_wait3A_1034 = arith.constant 0 : i32
      %dma_wait3A_1035 = tpu.memref_slice %arg9[%dma_wait3A_1033, %dma_wait3A_1034] : memref<1x64xi32, #tpu.memory_space<vmem>> -> memref<1x64xi32, #tpu.memory_space<vmem>>
      %dma_wait3A_1036 = tpu.memref_squeeze %dma_wait3A_1035 : memref<1x64xi32, #tpu.memory_space<vmem>> -> memref<64xi32, #tpu.memory_space<vmem>>
      %dma_wait3A_1037 = arith.constant 0 : i32
      %dma_wait3A_1038 = arith.constant 0 : i32
      %dma_wait3A_1039 = tpu.memref_slice %arg2[%dma_wait3A_1037, %dma_wait3A_1038] : memref<40000x128xf32, #tpu.memory_space<hbm>> -> memref<40000x128xf32, #tpu.memory_space<hbm>>
      tpu.wait_indirect_dma semaphore(%arg19 : memref<!tpu.dma_semaphore, #tpu.memory_space<semaphore_mem>>) src(%dma_wait3A_1039 : memref<40000x128xf32, #tpu.memory_space<hbm>>) dst(%arg15 : memref<64x128xf32, #tpu.memory_space<vmem>>)
      %dma_wait3A_1040 = arith.constant 0 : i32
      %dma_wait3A_1041 = arith.constant 0 : i32
      %dma_wait3A_1042 = tpu.memref_slice %arg10[%dma_wait3A_1040, %dma_wait3A_1041] : memref<1x64xi32, #tpu.memory_space<vmem>> -> memref<1x64xi32, #tpu.memory_space<vmem>>
      %dma_wait3A_1043 = tpu.memref_squeeze %dma_wait3A_1042 : memref<1x64xi32, #tpu.memory_space<vmem>> -> memref<64xi32, #tpu.memory_space<vmem>>
      %dma_wait3A_1044 = arith.constant 0 : i32
      %dma_wait3A_1045 = arith.constant 0 : i32
      %dma_wait3A_1046 = tpu.memref_slice %arg18[%dma_wait3A_1044, %dma_wait3A_1045] : memref<10008x128xf32, #tpu.memory_space<vmem_shared>> -> memref<10008x128xf32, #tpu.memory_space<vmem_shared>>
      tpu.wait_indirect_dma semaphore(%arg20 : memref<!tpu.dma_semaphore, #tpu.memory_space<semaphore_mem>>) src(%arg14 : memref<64x128xf32, #tpu.memory_space<vmem>>) dst(%dma_wait3A_1046 : memref<10008x128xf32, #tpu.memory_space<vmem_shared>>)
      %add3A_1047 = arith.constant 1 : i32
      %add3A_1048 = arith.addi %add3A_1025, %add3A_1047 : i32
      %shift_right_logical3A_1049 = arith.constant 1 : i32
      %shift_right_logical3A_1050 = arith.shrui %add3A_1048, %shift_right_logical3A_1049 : i32
      %min3A_1051 = arith.constant 78 : i32
      %min3A_1052 = arith.minsi %shift_right_logical3A_1050, %min3A_1051 : i32
      %shift_right_logical3A_1053 = arith.constant 1 : i32
      %shift_right_logical3A_1054 = arith.shrui %add3A_1048, %shift_right_logical3A_1053 : i32
      %mul3A_1055 = arith.constant 2 : i32
      %mul3A_1056 = arith.muli %mul3A_1055, %shift_right_logical3A_1054 : i32
      %sub3A_1057 = arith.subi %add3A_1048, %mul3A_1056 : i32
      %mul3A_1058 = arith.constant 64 : i32
      %mul3A_1059 = arith.muli %sub3A_1057, %mul3A_1058 : i32
      %add3A_1060 = arith.constant 0 : i32
      %add3A_1061 = arith.addi %mul3A_1059, %add3A_1060 : i32
      %get3A_1062 = arith.index_cast %min3A_1052 : i32 to index
      %get3A_1063 = arith.index_cast %add3A_1061 : i32 to index
      %get3A_1064 = tpu.vector_load %arg7[%get3A_1062, %get3A_1063] {strides = array<i32>} : memref<80x128xi32, #tpu.memory_space<vmem>>, vector<1x16xi32>,
      %get3A_1065 = vector.shape_cast %get3A_1064 : vector<1x16xi32> to vector<16xi32>
      %shift_right_logical3A_1066 = arith.constant 16 : i32
      %shift_right_logical3A_1067 = vector.broadcast %shift_right_logical3A_1066 : i32 to vector<16xi32>
      %shift_right_logical3A_1068 = arith.shrui %get3A_1065, %shift_right_logical3A_1067 : vector<16xi32>
      %mul3A_1069 = arith.constant 10000 : i32
      %mul3A_1070 = arith.muli %add3A_419, %mul3A_1069 : i32
      %add3A_1071 = vector.broadcast %mul3A_1070 : i32 to vector<16xi32>
      %add3A_1072 = arith.addi %shift_right_logical3A_1068, %add3A_1071 : vector<16xi32>
      %swap3A_1073 = arith.constant 0 : i32
      %swap3A_1074 = arith.index_cast %swap3A_1073 : i32 to index
      %swap3A_1075 = arith.constant 0 : index
      %swap3A_1076 = tpu.vector_load %arg8[%swap3A_1074, %swap3A_1075] {strides = array<i32>} : memref<1x64xi32, #tpu.memory_space<vmem>>, vector<1x16xi32>,
      %swap3A_1077 = vector.shape_cast %swap3A_1076 : vector<1x16xi32> to vector<16xi32>
      %swap3A_1078 = vector.shape_cast %add3A_1072 : vector<16xi32> to vector<1x16xi32>
      tpu.vector_store %arg8[%swap3A_1074, %swap3A_1075], %swap3A_1078 {strides = array<i32>} : memref<1x64xi32, #tpu.memory_space<vmem>>, vector<1x16xi32>,
      %mul3A_1079 = arith.constant 65536 : i32
      %mul3A_1080 = vector.broadcast %mul3A_1079 : i32 to vector<16xi32>
      %mul3A_1081 = arith.muli %shift_right_logical3A_1068, %mul3A_1080 : vector<16xi32>
      %sub3A_1082 = arith.subi %get3A_1065, %mul3A_1081 : vector<16xi32>
      %swap3A_1083 = arith.constant 0 : i32
      %swap3A_1084 = arith.index_cast %swap3A_1083 : i32 to index
      %swap3A_1085 = arith.constant 0 : index
      %swap3A_1086 = tpu.vector_load %arg10[%swap3A_1084, %swap3A_1085] {strides = array<i32>} : memref<1x64xi32, #tpu.memory_space<vmem>>, vector<1x16xi32>,
      %swap3A_1087 = vector.shape_cast %swap3A_1086 : vector<1x16xi32> to vector<16xi32>
      %swap3A_1088 = vector.shape_cast %sub3A_1082 : vector<16xi32> to vector<1x16xi32>
      tpu.vector_store %arg10[%swap3A_1084, %swap3A_1085], %swap3A_1088 {strides = array<i32>} : memref<1x64xi32, #tpu.memory_space<vmem>>, vector<1x16xi32>,
      %mul3A_1089 = arith.constant 160000 : i32
      %mul3A_1090 = arith.muli %add3A_419, %mul3A_1089 : i32
      %mul3A_1091 = arith.constant 64 : i32
      %mul3A_1092 = arith.muli %add3A_1048, %mul3A_1091 : i32
      %add3A_1093 = arith.addi %mul3A_4, %mul3A_1092 : i32
      %add3A_1094 = arith.constant 0 : i32
      %add3A_1095 = arith.addi %add3A_1093, %add3A_1094 : i32
      %add3A_1096 = vector.broadcast %add3A_1095 : i32 to vector<16xi32>
      %add3A_1097 = arith.addi %iota3A, %add3A_1096 : vector<16xi32>
      %min3A_1098 = arith.constant 159999 : i32
      %min3A_1099 = vector.broadcast %min3A_1098 : i32 to vector<16xi32>
      %min3A_1100 = arith.minsi %add3A_1097, %min3A_1099 : vector<16xi32>
      %add3A_1101 = vector.broadcast %mul3A_1090 : i32 to vector<16xi32>
      %add3A_1102 = arith.addi %add3A_1101, %min3A_1100 : vector<16xi32>
      %swap3A_1103 = arith.constant 0 : i32
      %swap3A_1104 = arith.index_cast %swap3A_1103 : i32 to index
      %swap3A_1105 = arith.constant 0 : index
      %swap3A_1106 = tpu.vector_load %arg12[%swap3A_1104, %swap3A_1105] {strides = array<i32>} : memref<1x64xi32, #tpu.memory_space<vmem>>, vector<1x16xi32>,
      %swap3A_1107 = vector.shape_cast %swap3A_1106 : vector<1x16xi32> to vector<16xi32>
      %swap3A_1108 = vector.shape_cast %add3A_1102 : vector<16xi32> to vector<1x16xi32>
      tpu.vector_store %arg12[%swap3A_1104, %swap3A_1105], %swap3A_1108 {strides = array<i32>} : memref<1x64xi32, #tpu.memory_space<vmem>>, vector<1x16xi32>,
      %mul3A_1109 = arith.constant 64 : i32
      %mul3A_1110 = arith.muli %sub3A_1057, %mul3A_1109 : i32
      %add3A_1111 = arith.constant 16 : i32
      %add3A_1112 = arith.addi %mul3A_1110, %add3A_1111 : i32
      %get3A_1113 = arith.index_cast %min3A_1052 : i32 to index
      %get3A_1114 = arith.index_cast %add3A_1112 : i32 to index
      %get3A_1115 = tpu.vector_load %arg7[%get3A_1113, %get3A_1114] {strides = array<i32>} : memref<80x128xi32, #tpu.memory_space<vmem>>, vector<1x16xi32>,
      %get3A_1116 = vector.shape_cast %get3A_1115 : vector<1x16xi32> to vector<16xi32>
      %shift_right_logical3A_1117 = arith.constant 16 : i32
      %shift_right_logical3A_1118 = vector.broadcast %shift_right_logical3A_1117 : i32 to vector<16xi32>
      %shift_right_logical3A_1119 = arith.shrui %get3A_1116, %shift_right_logical3A_1118 : vector<16xi32>
      %mul3A_1120 = arith.constant 10000 : i32
      %mul3A_1121 = arith.muli %add3A_419, %mul3A_1120 : i32
      %add3A_1122 = vector.broadcast %mul3A_1121 : i32 to vector<16xi32>
      %add3A_1123 = arith.addi %shift_right_logical3A_1119, %add3A_1122 : vector<16xi32>
      %swap3A_1124 = arith.constant 0 : i32
      %swap3A_1125 = arith.index_cast %swap3A_1124 : i32 to index
      %swap3A_1126 = arith.constant 16 : index
      %swap3A_1127 = tpu.vector_load %arg8[%swap3A_1125, %swap3A_1126] {strides = array<i32>} : memref<1x64xi32, #tpu.memory_space<vmem>>, vector<1x16xi32>,
      %swap3A_1128 = vector.shape_cast %swap3A_1127 : vector<1x16xi32> to vector<16xi32>
      %swap3A_1129 = vector.shape_cast %add3A_1123 : vector<16xi32> to vector<1x16xi32>
      tpu.vector_store %arg8[%swap3A_1125, %swap3A_1126], %swap3A_1129 {strides = array<i32>} : memref<1x64xi32, #tpu.memory_space<vmem>>, vector<1x16xi32>,
      %mul3A_1130 = arith.constant 65536 : i32
      %mul3A_1131 = vector.broadcast %mul3A_1130 : i32 to vector<16xi32>
      %mul3A_1132 = arith.muli %shift_right_logical3A_1119, %mul3A_1131 : vector<16xi32>
      %sub3A_1133 = arith.subi %get3A_1116, %mul3A_1132 : vector<16xi32>
      %swap3A_1134 = arith.constant 0 : i32
      %swap3A_1135 = arith.index_cast %swap3A_1134 : i32 to index
      %swap3A_1136 = arith.constant 16 : index
      %swap3A_1137 = tpu.vector_load %arg10[%swap3A_1135, %swap3A_1136] {strides = array<i32>} : memref<1x64xi32, #tpu.memory_space<vmem>>, vector<1x16xi32>,
      %swap3A_1138 = vector.shape_cast %swap3A_1137 : vector<1x16xi32> to vector<16xi32>
      %swap3A_1139 = vector.shape_cast %sub3A_1133 : vector<16xi32> to vector<1x16xi32>
      tpu.vector_store %arg10[%swap3A_1135, %swap3A_1136], %swap3A_1139 {strides = array<i32>} : memref<1x64xi32, #tpu.memory_space<vmem>>, vector<1x16xi32>,
      %mul3A_1140 = arith.constant 160000 : i32
      %mul3A_1141 = arith.muli %add3A_419, %mul3A_1140 : i32
      %mul3A_1142 = arith.constant 64 : i32
      %mul3A_1143 = arith.muli %add3A_1048, %mul3A_1142 : i32
      %add3A_1144 = arith.addi %mul3A_4, %mul3A_1143 : i32
      %add3A_1145 = arith.constant 16 : i32
      %add3A_1146 = arith.addi %add3A_1144, %add3A_1145 : i32
      %add3A_1147 = vector.broadcast %add3A_1146 : i32 to vector<16xi32>
      %add3A_1148 = arith.addi %iota3A, %add3A_1147 : vector<16xi32>
      %min3A_1149 = arith.constant 159999 : i32
      %min3A_1150 = vector.broadcast %min3A_1149 : i32 to vector<16xi32>
      %min3A_1151 = arith.minsi %add3A_1148, %min3A_1150 : vector<16xi32>
      %add3A_1152 = vector.broadcast %mul3A_1141 : i32 to vector<16xi32>
      %add3A_1153 = arith.addi %add3A_1152, %min3A_1151 : vector<16xi32>
      %swap3A_1154 = arith.constant 0 : i32
      %swap3A_1155 = arith.index_cast %swap3A_1154 : i32 to index
      %swap3A_1156 = arith.constant 16 : index
      %swap3A_1157 = tpu.vector_load %arg12[%swap3A_1155, %swap3A_1156] {strides = array<i32>} : memref<1x64xi32, #tpu.memory_space<vmem>>, vector<1x16xi32>,
      %swap3A_1158 = vector.shape_cast %swap3A_1157 : vector<1x16xi32> to vector<16xi32>
      %swap3A_1159 = vector.shape_cast %add3A_1153 : vector<16xi32> to vector<1x16xi32>
      tpu.vector_store %arg12[%swap3A_1155, %swap3A_1156], %swap3A_1159 {strides = array<i32>} : memref<1x64xi32, #tpu.memory_space<vmem>>, vector<1x16xi32>,
      %mul3A_1160 = arith.constant 64 : i32
      %mul3A_1161 = arith.muli %sub3A_1057, %mul3A_1160 : i32
      %add3A_1162 = arith.constant 32 : i32
      %add3A_1163 = arith.addi %mul3A_1161, %add3A_1162 : i32
      %get3A_1164 = arith.index_cast %min3A_1052 : i32 to index
      %get3A_1165 = arith.index_cast %add3A_1163 : i32 to index
      %get3A_1166 = tpu.vector_load %arg7[%get3A_1164, %get3A_1165] {strides = array<i32>} : memref<80x128xi32, #tpu.memory_space<vmem>>, vector<1x16xi32>,
      %get3A_1167 = vector.shape_cast %get3A_1166 : vector<1x16xi32> to vector<16xi32>
      %shift_right_logical3A_1168 = arith.constant 16 : i32
      %shift_right_logical3A_1169 = vector.broadcast %shift_right_logical3A_1168 : i32 to vector<16xi32>
      %shift_right_logical3A_1170 = arith.shrui %get3A_1167, %shift_right_logical3A_1169 : vector<16xi32>
      %mul3A_1171 = arith.constant 10000 : i32
      %mul3A_1172 = arith.muli %add3A_419, %mul3A_1171 : i32
      %add3A_1173 = vector.broadcast %mul3A_1172 : i32 to vector<16xi32>
      %add3A_1174 = arith.addi %shift_right_logical3A_1170, %add3A_1173 : vector<16xi32>
      %swap3A_1175 = arith.constant 0 : i32
      %swap3A_1176 = arith.index_cast %swap3A_1175 : i32 to index
      %swap3A_1177 = arith.constant 32 : index
      %swap3A_1178 = tpu.vector_load %arg8[%swap3A_1176, %swap3A_1177] {strides = array<i32>} : memref<1x64xi32, #tpu.memory_space<vmem>>, vector<1x16xi32>,
      %swap3A_1179 = vector.shape_cast %swap3A_1178 : vector<1x16xi32> to vector<16xi32>
      %swap3A_1180 = vector.shape_cast %add3A_1174 : vector<16xi32> to vector<1x16xi32>
      tpu.vector_store %arg8[%swap3A_1176, %swap3A_1177], %swap3A_1180 {strides = array<i32>} : memref<1x64xi32, #tpu.memory_space<vmem>>, vector<1x16xi32>,
      %mul3A_1181 = arith.constant 65536 : i32
      %mul3A_1182 = vector.broadcast %mul3A_1181 : i32 to vector<16xi32>
      %mul3A_1183 = arith.muli %shift_right_logical3A_1170, %mul3A_1182 : vector<16xi32>
      %sub3A_1184 = arith.subi %get3A_1167, %mul3A_1183 : vector<16xi32>
      %swap3A_1185 = arith.constant 0 : i32
      %swap3A_1186 = arith.index_cast %swap3A_1185 : i32 to index
      %swap3A_1187 = arith.constant 32 : index
      %swap3A_1188 = tpu.vector_load %arg10[%swap3A_1186, %swap3A_1187] {strides = array<i32>} : memref<1x64xi32, #tpu.memory_space<vmem>>, vector<1x16xi32>,
      %swap3A_1189 = vector.shape_cast %swap3A_1188 : vector<1x16xi32> to vector<16xi32>
      %swap3A_1190 = vector.shape_cast %sub3A_1184 : vector<16xi32> to vector<1x16xi32>
      tpu.vector_store %arg10[%swap3A_1186, %swap3A_1187], %swap3A_1190 {strides = array<i32>} : memref<1x64xi32, #tpu.memory_space<vmem>>, vector<1x16xi32>,
      %mul3A_1191 = arith.constant 160000 : i32
      %mul3A_1192 = arith.muli %add3A_419, %mul3A_1191 : i32
      %mul3A_1193 = arith.constant 64 : i32
      %mul3A_1194 = arith.muli %add3A_1048, %mul3A_1193 : i32
      %add3A_1195 = arith.addi %mul3A_4, %mul3A_1194 : i32
      %add3A_1196 = arith.constant 32 : i32
      %add3A_1197 = arith.addi %add3A_1195, %add3A_1196 : i32
      %add3A_1198 = vector.broadcast %add3A_1197 : i32 to vector<16xi32>
      %add3A_1199 = arith.addi %iota3A, %add3A_1198 : vector<16xi32>
      %min3A_1200 = arith.constant 159999 : i32
      %min3A_1201 = vector.broadcast %min3A_1200 : i32 to vector<16xi32>
      %min3A_1202 = arith.minsi %add3A_1199, %min3A_1201 : vector<16xi32>
      %add3A_1203 = vector.broadcast %mul3A_1192 : i32 to vector<16xi32>
      %add3A_1204 = arith.addi %add3A_1203, %min3A_1202 : vector<16xi32>
      %swap3A_1205 = arith.constant 0 : i32
      %swap3A_1206 = arith.index_cast %swap3A_1205 : i32 to index
      %swap3A_1207 = arith.constant 32 : index
      %swap3A_1208 = tpu.vector_load %arg12[%swap3A_1206, %swap3A_1207] {strides = array<i32>} : memref<1x64xi32, #tpu.memory_space<vmem>>, vector<1x16xi32>,
      %swap3A_1209 = vector.shape_cast %swap3A_1208 : vector<1x16xi32> to vector<16xi32>
      %swap3A_1210 = vector.shape_cast %add3A_1204 : vector<16xi32> to vector<1x16xi32>
      tpu.vector_store %arg12[%swap3A_1206, %swap3A_1207], %swap3A_1210 {strides = array<i32>} : memref<1x64xi32, #tpu.memory_space<vmem>>, vector<1x16xi32>,
      %mul3A_1211 = arith.constant 64 : i32
      %mul3A_1212 = arith.muli %sub3A_1057, %mul3A_1211 : i32
      %add3A_1213 = arith.constant 48 : i32
      %add3A_1214 = arith.addi %mul3A_1212, %add3A_1213 : i32
      %get3A_1215 = arith.index_cast %min3A_1052 : i32 to index
      %get3A_1216 = arith.index_cast %add3A_1214 : i32 to index
      %get3A_1217 = tpu.vector_load %arg7[%get3A_1215, %get3A_1216] {strides = array<i32>} : memref<80x128xi32, #tpu.memory_space<vmem>>, vector<1x16xi32>,
      %get3A_1218 = vector.shape_cast %get3A_1217 : vector<1x16xi32> to vector<16xi32>
      %shift_right_logical3A_1219 = arith.constant 16 : i32
      %shift_right_logical3A_1220 = vector.broadcast %shift_right_logical3A_1219 : i32 to vector<16xi32>
      %shift_right_logical3A_1221 = arith.shrui %get3A_1218, %shift_right_logical3A_1220 : vector<16xi32>
      %mul3A_1222 = arith.constant 10000 : i32
      %mul3A_1223 = arith.muli %add3A_419, %mul3A_1222 : i32
      %add3A_1224 = vector.broadcast %mul3A_1223 : i32 to vector<16xi32>
      %add3A_1225 = arith.addi %shift_right_logical3A_1221, %add3A_1224 : vector<16xi32>
      %swap3A_1226 = arith.constant 0 : i32
      %swap3A_1227 = arith.index_cast %swap3A_1226 : i32 to index
      %swap3A_1228 = arith.constant 48 : index
      %swap3A_1229 = tpu.vector_load %arg8[%swap3A_1227, %swap3A_1228] {strides = array<i32>} : memref<1x64xi32, #tpu.memory_space<vmem>>, vector<1x16xi32>,
      %swap3A_1230 = vector.shape_cast %swap3A_1229 : vector<1x16xi32> to vector<16xi32>
      %swap3A_1231 = vector.shape_cast %add3A_1225 : vector<16xi32> to vector<1x16xi32>
      tpu.vector_store %arg8[%swap3A_1227, %swap3A_1228], %swap3A_1231 {strides = array<i32>} : memref<1x64xi32, #tpu.memory_space<vmem>>, vector<1x16xi32>,
      %mul3A_1232 = arith.constant 65536 : i32
      %mul3A_1233 = vector.broadcast %mul3A_1232 : i32 to vector<16xi32>
      %mul3A_1234 = arith.muli %shift_right_logical3A_1221, %mul3A_1233 : vector<16xi32>
      %sub3A_1235 = arith.subi %get3A_1218, %mul3A_1234 : vector<16xi32>
      %swap3A_1236 = arith.constant 0 : i32
      %swap3A_1237 = arith.index_cast %swap3A_1236 : i32 to index
      %swap3A_1238 = arith.constant 48 : index
      %swap3A_1239 = tpu.vector_load %arg10[%swap3A_1237, %swap3A_1238] {strides = array<i32>} : memref<1x64xi32, #tpu.memory_space<vmem>>, vector<1x16xi32>,
      %swap3A_1240 = vector.shape_cast %swap3A_1239 : vector<1x16xi32> to vector<16xi32>
      %swap3A_1241 = vector.shape_cast %sub3A_1235 : vector<16xi32> to vector<1x16xi32>
      tpu.vector_store %arg10[%swap3A_1237, %swap3A_1238], %swap3A_1241 {strides = array<i32>} : memref<1x64xi32, #tpu.memory_space<vmem>>, vector<1x16xi32>,
      %mul3A_1242 = arith.constant 160000 : i32
      %mul3A_1243 = arith.muli %add3A_419, %mul3A_1242 : i32
      %mul3A_1244 = arith.constant 64 : i32
      %mul3A_1245 = arith.muli %add3A_1048, %mul3A_1244 : i32
      %add3A_1246 = arith.addi %mul3A_4, %mul3A_1245 : i32
      %add3A_1247 = arith.constant 48 : i32
      %add3A_1248 = arith.addi %add3A_1246, %add3A_1247 : i32
      %add3A_1249 = vector.broadcast %add3A_1248 : i32 to vector<16xi32>
      %add3A_1250 = arith.addi %iota3A, %add3A_1249 : vector<16xi32>
      %min3A_1251 = arith.constant 159999 : i32
      %min3A_1252 = vector.broadcast %min3A_1251 : i32 to vector<16xi32>
      %min3A_1253 = arith.minsi %add3A_1250, %min3A_1252 : vector<16xi32>
      %add3A_1254 = vector.broadcast %mul3A_1243 : i32 to vector<16xi32>
      %add3A_1255 = arith.addi %add3A_1254, %min3A_1253 : vector<16xi32>
      %swap3A_1256 = arith.constant 0 : i32
      %swap3A_1257 = arith.index_cast %swap3A_1256 : i32 to index
      %swap3A_1258 = arith.constant 48 : index
      %swap3A_1259 = tpu.vector_load %arg12[%swap3A_1257, %swap3A_1258] {strides = array<i32>} : memref<1x64xi32, #tpu.memory_space<vmem>>, vector<1x16xi32>,
      %swap3A_1260 = vector.shape_cast %swap3A_1259 : vector<1x16xi32> to vector<16xi32>
      %swap3A_1261 = vector.shape_cast %add3A_1255 : vector<16xi32> to vector<1x16xi32>
      tpu.vector_store %arg12[%swap3A_1257, %swap3A_1258], %swap3A_1261 {strides = array<i32>} : memref<1x64xi32, #tpu.memory_space<vmem>>, vector<1x16xi32>,
      %dma_start3A_1262 = arith.constant 0 : i32
      %dma_start3A_1263 = arith.constant 0 : i32
      %dma_start3A_1264 = tpu.memref_slice %arg12[%dma_start3A_1262, %dma_start3A_1263] : memref<1x64xi32, #tpu.memory_space<vmem>> -> memref<1x64xi32, #tpu.memory_space<vmem>>
      %dma_start3A_1265 = tpu.memref_squeeze %dma_start3A_1264 : memref<1x64xi32, #tpu.memory_space<vmem>> -> memref<64xi32, #tpu.memory_space<vmem>>
      %dma_start3A_1266 = arith.constant 0 : i32
      %dma_start3A_1267 = arith.constant 0 : i32
      %dma_start3A_1268 = tpu.memref_slice %arg3[%dma_start3A_1266, %dma_start3A_1267] : memref<640000x128xf32, #tpu.memory_space<hbm>> -> memref<640000x128xf32, #tpu.memory_space<hbm>>
      tpu.enqueue_indirect_dma source(%dma_start3A_1268 : memref<640000x128xf32, #tpu.memory_space<hbm>>) target(%arg16 : memref<64x128xf32, #tpu.memory_space<vmem>>) offsets(%dma_start3A_1265 : memref<64xi32, #tpu.memory_space<vmem>>) semaphore(%arg19 : memref<!tpu.dma_semaphore, #tpu.memory_space<semaphore_mem>>)
      %dma_start3A_1269 = arith.constant 0 : i32
      %dma_start3A_1270 = arith.constant 0 : i32
      %dma_start3A_1271 = tpu.memref_slice %arg8[%dma_start3A_1269, %dma_start3A_1270] : memref<1x64xi32, #tpu.memory_space<vmem>> -> memref<1x64xi32, #tpu.memory_space<vmem>>
      %dma_start3A_1272 = tpu.memref_squeeze %dma_start3A_1271 : memref<1x64xi32, #tpu.memory_space<vmem>> -> memref<64xi32, #tpu.memory_space<vmem>>
      %dma_start3A_1273 = arith.constant 0 : i32
      %dma_start3A_1274 = arith.constant 0 : i32
      %dma_start3A_1275 = tpu.memref_slice %arg2[%dma_start3A_1273, %dma_start3A_1274] : memref<40000x128xf32, #tpu.memory_space<hbm>> -> memref<40000x128xf32, #tpu.memory_space<hbm>>
      tpu.enqueue_indirect_dma source(%dma_start3A_1275 : memref<40000x128xf32, #tpu.memory_space<hbm>>) target(%arg14 : memref<64x128xf32, #tpu.memory_space<vmem>>) offsets(%dma_start3A_1272 : memref<64xi32, #tpu.memory_space<vmem>>) semaphore(%arg19 : memref<!tpu.dma_semaphore, #tpu.memory_space<semaphore_mem>>)
      %scan3A_1276 = arith.constant 0 : i32
      %scan3A_1277 = arith.constant 0 : i32
      %scan3A_1278 = arith.constant 64 : i32
      %scan3A_1279 = arith.addi %scan3A_1277, %scan3A_1278 : i32
      %scan3A_1280 = arith.constant 1 : i32
      scf.for %scan3A_1289 = %scan3A_1277 to %scan3A_1279 step %scan3A_1280  : i32 {
        %get3A_1290 = arith.index_cast %scan3A_1289 : i32 to index
        %get3A_1291 = arith.constant 0 : index
        %get3A_1292 = tpu.vector_load %arg15[%get3A_1290, %get3A_1291] {strides = array<i32>} : memref<64x128xf32, #tpu.memory_space<vmem>>, vector<1x16xf32>,
        %get3A_1293 = vector.shape_cast %get3A_1292 : vector<1x16xf32> to vector<16xf32>
        %get3A_1294 = arith.index_cast %scan3A_1289 : i32 to index
        %get3A_1295 = arith.constant 0 : index
        %get3A_1296 = tpu.vector_load %arg17[%get3A_1294, %get3A_1295] {strides = array<i32>} : memref<64x128xf32, #tpu.memory_space<vmem>>, vector<1x16xf32>,
        %get3A_1297 = vector.shape_cast %get3A_1296 : vector<1x16xf32> to vector<16xf32>
        %add3A_1298 = arith.addf %get3A_1293, %get3A_1297 : vector<16xf32>
        %max3A = arith.constant 0.000000e+00 : f32
        %max3A_1299 = vector.broadcast %max3A : f32 to vector<16xf32>
        %max3A_1300 = arith.maximumf %add3A_1298, %max3A_1299 : vector<16xf32>
        %swap3A_1301 = arith.index_cast %scan3A_1289 : i32 to index
        %swap3A_1302 = arith.constant 0 : index
        %swap3A_1303 = tpu.vector_load %arg15[%swap3A_1301, %swap3A_1302] {strides = array<i32>} : memref<64x128xf32, #tpu.memory_space<vmem>>, vector<1x16xf32>,
        %swap3A_1304 = vector.shape_cast %swap3A_1303 : vector<1x16xf32> to vector<16xf32>
        %swap3A_1305 = vector.shape_cast %max3A_1300 : vector<16xf32> to vector<1x16xf32>
        tpu.vector_store %arg15[%swap3A_1301, %swap3A_1302], %swap3A_1305 {strides = array<i32>} : memref<64x128xf32, #tpu.memory_space<vmem>>, vector<1x16xf32>,
        %get3A_1306 = arith.index_cast %scan3A_1289 : i32 to index
        %get3A_1307 = arith.constant 16 : index
        %get3A_1308 = tpu.vector_load %arg15[%get3A_1306, %get3A_1307] {strides = array<i32>} : memref<64x128xf32, #tpu.memory_space<vmem>>, vector<1x16xf32>,
        %get3A_1309 = vector.shape_cast %get3A_1308 : vector<1x16xf32> to vector<16xf32>
        %get3A_1310 = arith.index_cast %scan3A_1289 : i32 to index
        %get3A_1311 = arith.constant 16 : index
        %get3A_1312 = tpu.vector_load %arg17[%get3A_1310, %get3A_1311] {strides = array<i32>} : memref<64x128xf32, #tpu.memory_space<vmem>>, vector<1x16xf32>,
        %get3A_1313 = vector.shape_cast %get3A_1312 : vector<1x16xf32> to vector<16xf32>
        %add3A_1314 = arith.addf %get3A_1309, %get3A_1313 : vector<16xf32>
        %max3A_1315 = arith.constant 0.000000e+00 : f32
        %max3A_1316 = vector.broadcast %max3A_1315 : f32 to vector<16xf32>
        %max3A_1317 = arith.maximumf %add3A_1314, %max3A_1316 : vector<16xf32>
        %swap3A_1318 = arith.index_cast %scan3A_1289 : i32 to index
        %swap3A_1319 = arith.constant 16 : index
        %swap3A_1320 = tpu.vector_load %arg15[%swap3A_1318, %swap3A_1319] {strides = array<i32>} : memref<64x128xf32, #tpu.memory_space<vmem>>, vector<1x16xf32>,
        %swap3A_1321 = vector.shape_cast %swap3A_1320 : vector<1x16xf32> to vector<16xf32>
        %swap3A_1322 = vector.shape_cast %max3A_1317 : vector<16xf32> to vector<1x16xf32>
        tpu.vector_store %arg15[%swap3A_1318, %swap3A_1319], %swap3A_1322 {strides = array<i32>} : memref<64x128xf32, #tpu.memory_space<vmem>>, vector<1x16xf32>,
        %get3A_1323 = arith.index_cast %scan3A_1289 : i32 to index
        %get3A_1324 = arith.constant 32 : index
        %get3A_1325 = tpu.vector_load %arg15[%get3A_1323, %get3A_1324] {strides = array<i32>} : memref<64x128xf32, #tpu.memory_space<vmem>>, vector<1x16xf32>,
        %get3A_1326 = vector.shape_cast %get3A_1325 : vector<1x16xf32> to vector<16xf32>
        %get3A_1327 = arith.index_cast %scan3A_1289 : i32 to index
        %get3A_1328 = arith.constant 32 : index
        %get3A_1329 = tpu.vector_load %arg17[%get3A_1327, %get3A_1328] {strides = array<i32>} : memref<64x128xf32, #tpu.memory_space<vmem>>, vector<1x16xf32>,
        %get3A_1330 = vector.shape_cast %get3A_1329 : vector<1x16xf32> to vector<16xf32>
        %add3A_1331 = arith.addf %get3A_1326, %get3A_1330 : vector<16xf32>
        %max3A_1332 = arith.constant 0.000000e+00 : f32
        %max3A_1333 = vector.broadcast %max3A_1332 : f32 to vector<16xf32>
        %max3A_1334 = arith.maximumf %add3A_1331, %max3A_1333 : vector<16xf32>
        %swap3A_1335 = arith.index_cast %scan3A_1289 : i32 to index
        %swap3A_1336 = arith.constant 32 : index
        %swap3A_1337 = tpu.vector_load %arg15[%swap3A_1335, %swap3A_1336] {strides = array<i32>} : memref<64x128xf32, #tpu.memory_space<vmem>>, vector<1x16xf32>,
        %swap3A_1338 = vector.shape_cast %swap3A_1337 : vector<1x16xf32> to vector<16xf32>
        %swap3A_1339 = vector.shape_cast %max3A_1334 : vector<16xf32> to vector<1x16xf32>
        tpu.vector_store %arg15[%swap3A_1335, %swap3A_1336], %swap3A_1339 {strides = array<i32>} : memref<64x128xf32, #tpu.memory_space<vmem>>, vector<1x16xf32>,
        %get3A_1340 = arith.index_cast %scan3A_1289 : i32 to index
        %get3A_1341 = arith.constant 48 : index
        %get3A_1342 = tpu.vector_load %arg15[%get3A_1340, %get3A_1341] {strides = array<i32>} : memref<64x128xf32, #tpu.memory_space<vmem>>, vector<1x16xf32>,
        %get3A_1343 = vector.shape_cast %get3A_1342 : vector<1x16xf32> to vector<16xf32>
        %get3A_1344 = arith.index_cast %scan3A_1289 : i32 to index
        %get3A_1345 = arith.constant 48 : index
        %get3A_1346 = tpu.vector_load %arg17[%get3A_1344, %get3A_1345] {strides = array<i32>} : memref<64x128xf32, #tpu.memory_space<vmem>>, vector<1x16xf32>,
        %get3A_1347 = vector.shape_cast %get3A_1346 : vector<1x16xf32> to vector<16xf32>
        %add3A_1348 = arith.addf %get3A_1343, %get3A_1347 : vector<16xf32>
        %max3A_1349 = arith.constant 0.000000e+00 : f32
        %max3A_1350 = vector.broadcast %max3A_1349 : f32 to vector<16xf32>
        %max3A_1351 = arith.maximumf %add3A_1348, %max3A_1350 : vector<16xf32>
        %swap3A_1352 = arith.index_cast %scan3A_1289 : i32 to index
        %swap3A_1353 = arith.constant 48 : index
        %swap3A_1354 = tpu.vector_load %arg15[%swap3A_1352, %swap3A_1353] {strides = array<i32>} : memref<64x128xf32, #tpu.memory_space<vmem>>, vector<1x16xf32>,
        %swap3A_1355 = vector.shape_cast %swap3A_1354 : vector<1x16xf32> to vector<16xf32>
        %swap3A_1356 = vector.shape_cast %max3A_1351 : vector<16xf32> to vector<1x16xf32>
        tpu.vector_store %arg15[%swap3A_1352, %swap3A_1353], %swap3A_1356 {strides = array<i32>} : memref<64x128xf32, #tpu.memory_space<vmem>>, vector<1x16xf32>,
        %get3A_1357 = arith.index_cast %scan3A_1289 : i32 to index
        %get3A_1358 = arith.constant 64 : index
        %get3A_1359 = tpu.vector_load %arg15[%get3A_1357, %get3A_1358] {strides = array<i32>} : memref<64x128xf32, #tpu.memory_space<vmem>>, vector<1x16xf32>,
        %get3A_1360 = vector.shape_cast %get3A_1359 : vector<1x16xf32> to vector<16xf32>
        %get3A_1361 = arith.index_cast %scan3A_1289 : i32 to index
        %get3A_1362 = arith.constant 64 : index
        %get3A_1363 = tpu.vector_load %arg17[%get3A_1361, %get3A_1362] {strides = array<i32>} : memref<64x128xf32, #tpu.memory_space<vmem>>, vector<1x16xf32>,
        %get3A_1364 = vector.shape_cast %get3A_1363 : vector<1x16xf32> to vector<16xf32>
        %add3A_1365 = arith.addf %get3A_1360, %get3A_1364 : vector<16xf32>
        %max3A_1366 = arith.constant 0.000000e+00 : f32
        %max3A_1367 = vector.broadcast %max3A_1366 : f32 to vector<16xf32>
        %max3A_1368 = arith.maximumf %add3A_1365, %max3A_1367 : vector<16xf32>
        %swap3A_1369 = arith.index_cast %scan3A_1289 : i32 to index
        %swap3A_1370 = arith.constant 64 : index
        %swap3A_1371 = tpu.vector_load %arg15[%swap3A_1369, %swap3A_1370] {strides = array<i32>} : memref<64x128xf32, #tpu.memory_space<vmem>>, vector<1x16xf32>,
        %swap3A_1372 = vector.shape_cast %swap3A_1371 : vector<1x16xf32> to vector<16xf32>
        %swap3A_1373 = vector.shape_cast %max3A_1368 : vector<16xf32> to vector<1x16xf32>
        tpu.vector_store %arg15[%swap3A_1369, %swap3A_1370], %swap3A_1373 {strides = array<i32>} : memref<64x128xf32, #tpu.memory_space<vmem>>, vector<1x16xf32>,
        %get3A_1374 = arith.index_cast %scan3A_1289 : i32 to index
        %get3A_1375 = arith.constant 80 : index
        %get3A_1376 = tpu.vector_load %arg15[%get3A_1374, %get3A_1375] {strides = array<i32>} : memref<64x128xf32, #tpu.memory_space<vmem>>, vector<1x16xf32>,
        %get3A_1377 = vector.shape_cast %get3A_1376 : vector<1x16xf32> to vector<16xf32>
        %get3A_1378 = arith.index_cast %scan3A_1289 : i32 to index
        %get3A_1379 = arith.constant 80 : index
        %get3A_1380 = tpu.vector_load %arg17[%get3A_1378, %get3A_1379] {strides = array<i32>} : memref<64x128xf32, #tpu.memory_space<vmem>>, vector<1x16xf32>,
        %get3A_1381 = vector.shape_cast %get3A_1380 : vector<1x16xf32> to vector<16xf32>
        %add3A_1382 = arith.addf %get3A_1377, %get3A_1381 : vector<16xf32>
        %max3A_1383 = arith.constant 0.000000e+00 : f32
        %max3A_1384 = vector.broadcast %max3A_1383 : f32 to vector<16xf32>
        %max3A_1385 = arith.maximumf %add3A_1382, %max3A_1384 : vector<16xf32>
        %swap3A_1386 = arith.index_cast %scan3A_1289 : i32 to index
        %swap3A_1387 = arith.constant 80 : index
        %swap3A_1388 = tpu.vector_load %arg15[%swap3A_1386, %swap3A_1387] {strides = array<i32>} : memref<64x128xf32, #tpu.memory_space<vmem>>, vector<1x16xf32>,
        %swap3A_1389 = vector.shape_cast %swap3A_1388 : vector<1x16xf32> to vector<16xf32>
        %swap3A_1390 = vector.shape_cast %max3A_1385 : vector<16xf32> to vector<1x16xf32>
        tpu.vector_store %arg15[%swap3A_1386, %swap3A_1387], %swap3A_1390 {strides = array<i32>} : memref<64x128xf32, #tpu.memory_space<vmem>>, vector<1x16xf32>,
        %get3A_1391 = arith.index_cast %scan3A_1289 : i32 to index
        %get3A_1392 = arith.constant 96 : index
        %get3A_1393 = tpu.vector_load %arg15[%get3A_1391, %get3A_1392] {strides = array<i32>} : memref<64x128xf32, #tpu.memory_space<vmem>>, vector<1x16xf32>,
        %get3A_1394 = vector.shape_cast %get3A_1393 : vector<1x16xf32> to vector<16xf32>
        %get3A_1395 = arith.index_cast %scan3A_1289 : i32 to index
        %get3A_1396 = arith.constant 96 : index
        %get3A_1397 = tpu.vector_load %arg17[%get3A_1395, %get3A_1396] {strides = array<i32>} : memref<64x128xf32, #tpu.memory_space<vmem>>, vector<1x16xf32>,
        %get3A_1398 = vector.shape_cast %get3A_1397 : vector<1x16xf32> to vector<16xf32>
        %add3A_1399 = arith.addf %get3A_1394, %get3A_1398 : vector<16xf32>
        %max3A_1400 = arith.constant 0.000000e+00 : f32
        %max3A_1401 = vector.broadcast %max3A_1400 : f32 to vector<16xf32>
        %max3A_1402 = arith.maximumf %add3A_1399, %max3A_1401 : vector<16xf32>
        %swap3A_1403 = arith.index_cast %scan3A_1289 : i32 to index
        %swap3A_1404 = arith.constant 96 : index
        %swap3A_1405 = tpu.vector_load %arg15[%swap3A_1403, %swap3A_1404] {strides = array<i32>} : memref<64x128xf32, #tpu.memory_space<vmem>>, vector<1x16xf32>,
        %swap3A_1406 = vector.shape_cast %swap3A_1405 : vector<1x16xf32> to vector<16xf32>
        %swap3A_1407 = vector.shape_cast %max3A_1402 : vector<16xf32> to vector<1x16xf32>
        tpu.vector_store %arg15[%swap3A_1403, %swap3A_1404], %swap3A_1407 {strides = array<i32>} : memref<64x128xf32, #tpu.memory_space<vmem>>, vector<1x16xf32>,
        %get3A_1408 = arith.index_cast %scan3A_1289 : i32 to index
        %get3A_1409 = arith.constant 112 : index
        %get3A_1410 = tpu.vector_load %arg15[%get3A_1408, %get3A_1409] {strides = array<i32>} : memref<64x128xf32, #tpu.memory_space<vmem>>, vector<1x16xf32>,
        %get3A_1411 = vector.shape_cast %get3A_1410 : vector<1x16xf32> to vector<16xf32>
        %get3A_1412 = arith.index_cast %scan3A_1289 : i32 to index
        %get3A_1413 = arith.constant 112 : index
        %get3A_1414 = tpu.vector_load %arg17[%get3A_1412, %get3A_1413] {strides = array<i32>} : memref<64x128xf32, #tpu.memory_space<vmem>>, vector<1x16xf32>,
        %get3A_1415 = vector.shape_cast %get3A_1414 : vector<1x16xf32> to vector<16xf32>
        %add3A_1416 = arith.addf %get3A_1411, %get3A_1415 : vector<16xf32>
        %max3A_1417 = arith.constant 0.000000e+00 : f32
        %max3A_1418 = vector.broadcast %max3A_1417 : f32 to vector<16xf32>
        %max3A_1419 = arith.maximumf %add3A_1416, %max3A_1418 : vector<16xf32>
        %swap3A_1420 = arith.index_cast %scan3A_1289 : i32 to index
        %swap3A_1421 = arith.constant 112 : index
        %swap3A_1422 = tpu.vector_load %arg15[%swap3A_1420, %swap3A_1421] {strides = array<i32>} : memref<64x128xf32, #tpu.memory_space<vmem>>, vector<1x16xf32>,
        %swap3A_1423 = vector.shape_cast %swap3A_1422 : vector<1x16xf32> to vector<16xf32>
        %swap3A_1424 = vector.shape_cast %max3A_1419 : vector<16xf32> to vector<1x16xf32>
        tpu.vector_store %arg15[%swap3A_1420, %swap3A_1421], %swap3A_1424 {strides = array<i32>} : memref<64x128xf32, #tpu.memory_space<vmem>>, vector<1x16xf32>,
      }
      %scan3A_1281 = arith.constant 64 : i32
      %dma_start3A_1282 = arith.constant 0 : i32
      %dma_start3A_1283 = arith.constant 0 : i32
      %dma_start3A_1284 = tpu.memref_slice %arg11[%dma_start3A_1282, %dma_start3A_1283] : memref<1x64xi32, #tpu.memory_space<vmem>> -> memref<1x64xi32, #tpu.memory_space<vmem>>
      %dma_start3A_1285 = tpu.memref_squeeze %dma_start3A_1284 : memref<1x64xi32, #tpu.memory_space<vmem>> -> memref<64xi32, #tpu.memory_space<vmem>>
      %dma_start3A_1286 = arith.constant 0 : i32
      %dma_start3A_1287 = arith.constant 0 : i32
      %dma_start3A_1288 = tpu.memref_slice %arg18[%dma_start3A_1286, %dma_start3A_1287] : memref<10008x128xf32, #tpu.memory_space<vmem_shared>> -> memref<10008x128xf32, #tpu.memory_space<vmem_shared>>
      tpu.enqueue_indirect_dma source(%arg15 : memref<64x128xf32, #tpu.memory_space<vmem>>) target(%dma_start3A_1288 : memref<10008x128xf32, #tpu.memory_space<vmem_shared>>) offsets(%dma_start3A_1285 : memref<64xi32, #tpu.memory_space<vmem>>) semaphore(%arg20 : memref<!tpu.dma_semaphore, #tpu.memory_space<semaphore_mem>>) {add = true}
    }
    %scan3A_721 = arith.constant 79 : i32
    %dma_wait3A_722 = arith.constant 0 : i32
    %dma_wait3A_723 = arith.constant 0 : i32
    %dma_wait3A_724 = tpu.memref_slice %arg12[%dma_wait3A_722, %dma_wait3A_723] : memref<1x64xi32, #tpu.memory_space<vmem>> -> memref<1x64xi32, #tpu.memory_space<vmem>>
    %dma_wait3A_725 = tpu.memref_squeeze %dma_wait3A_724 : memref<1x64xi32, #tpu.memory_space<vmem>> -> memref<64xi32, #tpu.memory_space<vmem>>
    %dma_wait3A_726 = arith.constant 0 : i32
    %dma_wait3A_727 = arith.constant 0 : i32
    %dma_wait3A_728 = tpu.memref_slice %arg3[%dma_wait3A_726, %dma_wait3A_727] : memref<640000x128xf32, #tpu.memory_space<hbm>> -> memref<640000x128xf32, #tpu.memory_space<hbm>>
    tpu.wait_indirect_dma semaphore(%arg19 : memref<!tpu.dma_semaphore, #tpu.memory_space<semaphore_mem>>) src(%dma_wait3A_728 : memref<640000x128xf32, #tpu.memory_space<hbm>>) dst(%arg16 : memref<64x128xf32, #tpu.memory_space<vmem>>)
    %dma_wait3A_729 = arith.constant 0 : i32
    %dma_wait3A_730 = arith.constant 0 : i32
    %dma_wait3A_731 = tpu.memref_slice %arg8[%dma_wait3A_729, %dma_wait3A_730] : memref<1x64xi32, #tpu.memory_space<vmem>> -> memref<1x64xi32, #tpu.memory_space<vmem>>
    %dma_wait3A_732 = tpu.memref_squeeze %dma_wait3A_731 : memref<1x64xi32, #tpu.memory_space<vmem>> -> memref<64xi32, #tpu.memory_space<vmem>>
    %dma_wait3A_733 = arith.constant 0 : i32
    %dma_wait3A_734 = arith.constant 0 : i32
    %dma_wait3A_735 = tpu.memref_slice %arg2[%dma_wait3A_733, %dma_wait3A_734] : memref<40000x128xf32, #tpu.memory_space<hbm>> -> memref<40000x128xf32, #tpu.memory_space<hbm>>
    tpu.wait_indirect_dma semaphore(%arg19 : memref<!tpu.dma_semaphore, #tpu.memory_space<semaphore_mem>>) src(%dma_wait3A_735 : memref<40000x128xf32, #tpu.memory_space<hbm>>) dst(%arg14 : memref<64x128xf32, #tpu.memory_space<vmem>>)
    %dma_wait3A_736 = arith.constant 0 : i32
    %dma_wait3A_737 = arith.constant 0 : i32
    %dma_wait3A_738 = tpu.memref_slice %arg11[%dma_wait3A_736, %dma_wait3A_737] : memref<1x64xi32, #tpu.memory_space<vmem>> -> memref<1x64xi32, #tpu.memory_space<vmem>>
    %dma_wait3A_739 = tpu.memref_squeeze %dma_wait3A_738 : memref<1x64xi32, #tpu.memory_space<vmem>> -> memref<64xi32, #tpu.memory_space<vmem>>
    %dma_wait3A_740 = arith.constant 0 : i32
    %dma_wait3A_741 = arith.constant 0 : i32
    %dma_wait3A_742 = tpu.memref_slice %arg18[%dma_wait3A_740, %dma_wait3A_741] : memref<10008x128xf32, #tpu.memory_space<vmem_shared>> -> memref<10008x128xf32, #tpu.memory_space<vmem_shared>>
    tpu.wait_indirect_dma semaphore(%arg20 : memref<!tpu.dma_semaphore, #tpu.memory_space<semaphore_mem>>) src(%arg15 : memref<64x128xf32, #tpu.memory_space<vmem>>) dst(%dma_wait3A_742 : memref<10008x128xf32, #tpu.memory_space<vmem_shared>>)
    %barrier3A_743 = arith.constant 0 : index
    tpu.barrier barrier_id(%barrier3A_743)
    %while3A_744 = arith.constant 0 : i32
    %while3A_745 = arith.constant 0 : i32
    %while3A_746 = arith.subi %select_n3A, %while3A_745 : i32
    %while3A_747 = arith.addi %while3A_745, %while3A_746 : i32
    %while3A_748 = arith.constant 1 : i32
    %while3A_749 = arith.divsi %while3A_746, %while3A_748 : i32
    %while3A_750 = arith.muli %while3A_749, %while3A_748 : i32
    %while3A_751 = arith.addi %while3A_745, %while3A_750 : i32
    %while3A_752 = arith.constant 1 : i32
    scf.for %while3A_754 = %while3A_745 to %while3A_751 step %while3A_752  : i32 {
      %mul3A_755 = arith.constant 40 : i32
      %mul3A_756 = arith.muli %while3A_754, %mul3A_755 : i32
      %add3A_757 = arith.addi %mul3A_0, %mul3A_756 : i32
      %mul3A_758 = arith.constant 10000 : i32
      %mul3A_759 = arith.muli %add3A_419, %mul3A_758 : i32
      %add3A_760 = arith.addi %mul3A_759, %add3A_757 : i32
      "tpu.region"() ({
        %run_scoped3A = tpu.sem_alloc : memref<!tpu.dma_semaphore, #tpu.memory_space<semaphore_mem>>
        %dma_start3A_761 = arith.constant 0 : i32
        %dma_start3A_762 = tpu.memref_slice %arg5[%add3A_760, %dma_start3A_761] : memref<40000x128xf32, #tpu.memory_space<hbm>> -> memref<40x128xf32, #tpu.memory_space<hbm>>
        %dma_start3A_763 = arith.constant 0 : i32
        %dma_start3A_764 = tpu.memref_slice %arg18[%add3A_757, %dma_start3A_763] : memref<10008x128xf32, #tpu.memory_space<vmem_shared>> -> memref<40x128xf32, #tpu.memory_space<vmem_shared>>
        tpu.enqueue_dma source(%dma_start3A_764 : memref<40x128xf32, #tpu.memory_space<vmem_shared>>) target(%dma_start3A_762 : memref<40x128xf32, #tpu.memory_space<hbm>>) target_semaphore(%run_scoped3A : memref<!tpu.dma_semaphore, #tpu.memory_space<semaphore_mem>>)
        %dma_wait3A_765 = arith.constant 0 : i32
        %dma_wait3A_766 = tpu.memref_slice %arg5[%add3A_760, %dma_wait3A_765] : memref<40000x128xf32, #tpu.memory_space<hbm>> -> memref<40x128xf32, #tpu.memory_space<hbm>>
        %dma_wait3A_767 = arith.constant 0 : i32
        %dma_wait3A_768 = tpu.memref_slice %arg18[%add3A_757, %dma_wait3A_767] : memref<10008x128xf32, #tpu.memory_space<vmem_shared>> -> memref<40x128xf32, #tpu.memory_space<vmem_shared>>
        tpu.wait_dma2 semaphore(%run_scoped3A : memref<!tpu.dma_semaphore, #tpu.memory_space<semaphore_mem>>) src(%dma_wait3A_768 : memref<40x128xf32, #tpu.memory_space<vmem_shared>>) dst(%dma_wait3A_766 : memref<40x128xf32, #tpu.memory_space<hbm>>)
        tpu.yield
      }) : () -> ()
    }
    %while3A_753 = arith.constant 1 : i32
    scf.for %while3A_754 = %while3A_751 to %while3A_747 step %while3A_753  : i32 {
      %mul3A_755 = arith.constant 40 : i32
      %mul3A_756 = arith.muli %while3A_754, %mul3A_755 : i32
      %add3A_757 = arith.addi %mul3A_0, %mul3A_756 : i32
      %mul3A_758 = arith.constant 10000 : i32
      %mul3A_759 = arith.muli %add3A_419, %mul3A_758 : i32
      %add3A_760 = arith.addi %mul3A_759, %add3A_757 : i32
      "tpu.region"() ({
        %run_scoped3A = tpu.sem_alloc : memref<!tpu.dma_semaphore, #tpu.memory_space<semaphore_mem>>
        %dma_start3A_761 = arith.constant 0 : i32
        %dma_start3A_762 = tpu.memref_slice %arg5[%add3A_760, %dma_start3A_761] : memref<40000x128xf32, #tpu.memory_space<hbm>> -> memref<40x128xf32, #tpu.memory_space<hbm>>
        %dma_start3A_763 = arith.constant 0 : i32
        %dma_start3A_764 = tpu.memref_slice %arg18[%add3A_757, %dma_start3A_763] : memref<10008x128xf32, #tpu.memory_space<vmem_shared>> -> memref<40x128xf32, #tpu.memory_space<vmem_shared>>
        tpu.enqueue_dma source(%dma_start3A_764 : memref<40x128xf32, #tpu.memory_space<vmem_shared>>) target(%dma_start3A_762 : memref<40x128xf32, #tpu.memory_space<hbm>>) target_semaphore(%run_scoped3A : memref<!tpu.dma_semaphore, #tpu.memory_space<semaphore_mem>>)
        %dma_wait3A_765 = arith.constant 0 : i32
        %dma_wait3A_766 = tpu.memref_slice %arg5[%add3A_760, %dma_wait3A_765] : memref<40000x128xf32, #tpu.memory_space<hbm>> -> memref<40x128xf32, #tpu.memory_space<hbm>>
        %dma_wait3A_767 = arith.constant 0 : i32
        %dma_wait3A_768 = tpu.memref_slice %arg18[%add3A_757, %dma_wait3A_767] : memref<10008x128xf32, #tpu.memory_space<vmem_shared>> -> memref<40x128xf32, #tpu.memory_space<vmem_shared>>
        tpu.wait_dma2 semaphore(%run_scoped3A : memref<!tpu.dma_semaphore, #tpu.memory_space<semaphore_mem>>) src(%dma_wait3A_768 : memref<40x128xf32, #tpu.memory_space<vmem_shared>>) dst(%dma_wait3A_766 : memref<40x128xf32, #tpu.memory_space<hbm>>)
        tpu.yield
      }) : () -> ()
    }
    return
  }
}

module attributes {stable_mosaic.version = 14 : i64} {
  func.func @body(%arg0: i32, %arg1: i32, %arg2: memref<2000x16xf32, #tpu.memory_space<vmem>>, %arg3: memref<16x128xf32, #tpu.memory_space<vmem>>, %arg4: memref<1x1x128xf32, #tpu.memory_space<vmem>>, %arg5: memref<2000x128xf32, #tpu.memory_space<vmem>>) attributes {dimension_semantics = [#tpu.dimension_semantics<arbitrary>, #tpu.dimension_semantics<arbitrary>], iteration_bounds = array<i64: 2, 80>, scalar_prefetch = 0 : i64, scratch_operands = 0 : i64, tpu.core_type = #tpu.core_type<tc>, window_params = [{transform_indices = @transform_0, window_bounds = array<i64: 2000, 16>}, {transform_indices = @transform_1, window_bounds = array<i64: 16, 128>}, {transform_indices = @transform_2, window_bounds = array<i64: 1, 1, 128>}, {transform_indices = @transform_3, window_bounds = array<i64: 2000, 128>}]} {
    %get3A = arith.constant 0 : index
    %get3A_0 = arith.constant 0 : index
    %get3A_1 = vector.load %arg2[%get3A, %get3A_0] : memref<2000x16xf32, #tpu.memory_space<vmem>>, vector<2000x16xf32>
    %get3A_2 = arith.constant 0 : index
    %get3A_3 = arith.constant 0 : index
    %get3A_4 = vector.load %arg3[%get3A_2, %get3A_3] : memref<16x128xf32, #tpu.memory_space<vmem>>, vector<16x128xf32>
    %dot_general3A = arith.constant dense<0.000000e+00> : vector<2000x128xf32>
    %dot_general3A_5 = tpu.matmul %get3A_1, %get3A_4, %dot_general3A {dimension_numbers = #tpu.dot_dimension_numbers<[1], [0], [0], [1], [0, 0, 1, 1], [], []>, transpose_lhs_hint = false} : vector<2000x16xf32>, vector<16x128xf32>, vector<2000x128xf32> -> vector<2000x128xf32>
    %get3A_6 = arith.constant 0 : index
    %get3A_7 = arith.constant 0 : index
    %get3A_8 = arith.constant 0 : index
    %get3A_9 = vector.load %arg4[%get3A_6, %get3A_7, %get3A_8] : memref<1x1x128xf32, #tpu.memory_space<vmem>>, vector<1x1x128xf32>
    %get3A_10 = vector.shape_cast %get3A_9 : vector<1x1x128xf32> to vector<1x128xf32>
    %add3A = vector.broadcast %get3A_10 : vector<1x128xf32> to vector<2000x128xf32>
    %add3A_11 = arith.addf %dot_general3A_5, %add3A : vector<2000x128xf32>
    %swap3A = arith.constant 0 : index
    %swap3A_12 = arith.constant 0 : index
    %swap3A_13 = vector.load %arg5[%swap3A, %swap3A_12] : memref<2000x128xf32, #tpu.memory_space<vmem>>, vector<2000x128xf32>
    tpu.vector_store %arg5[%swap3A, %swap3A_12], %add3A_11 {strides = array<i32>} : memref<2000x128xf32, #tpu.memory_space<vmem>>, vector<2000x128xf32>,
    return
  }
  func.func @transform_0(%arg0: i32, %arg1: i32) -> (i32, i32) {
    %c0_i32 = arith.constant 0 : i32
    %c0_i32_0 = arith.constant 0 : i32
    return %arg1, %c0_i32 : i32, i32
  }
  func.func @transform_1(%arg0: i32, %arg1: i32) -> (i32, i32) {
    %c0_i32 = arith.constant 0 : i32
    %c0_i32_0 = arith.constant 0 : i32
    return %c0_i32, %arg0 : i32, i32
  }
  func.func @transform_2(%arg0: i32, %arg1: i32) -> (i32, i32, i32) {
    %c0_i32 = arith.constant 0 : i32
    %c0_i32_0 = arith.constant 0 : i32
    %c0_i32_1 = arith.constant 0 : i32
    return %arg0, %c0_i32, %c0_i32_0 : i32, i32, i32
  }
  func.func @transform_3(%arg0: i32, %arg1: i32) -> (i32, i32) {
    %mul3A = arith.constant 80 : i32
    %mul3A_0 = arith.muli %arg0, %mul3A : i32
    %add3A = arith.addi %mul3A_0, %arg1 : i32
    %c0_i32 = arith.constant 0 : i32
    %c0_i32_1 = arith.constant 0 : i32
    return %add3A, %c0_i32 : i32, i32
  }
}

module attributes {stable_mosaic.version = 14 : i64} {
  func.func @body(%arg0: i32, %arg1: i32, %arg2: memref<2000x16xf32, #tpu.memory_space<vmem>>, %arg3: memref<16x128xf32, #tpu.memory_space<vmem>>, %arg4: memref<1x1x128xf32, #tpu.memory_space<vmem>>, %arg5: memref<2000x128xf32, #tpu.memory_space<vmem>>) attributes {dimension_semantics = [#tpu.dimension_semantics<arbitrary>, #tpu.dimension_semantics<arbitrary>], iteration_bounds = array<i64: 4, 80>, scalar_prefetch = 0 : i64, scratch_operands = 0 : i64, tpu.core_type = #tpu.core_type<tc>, window_params = [{transform_indices = @transform_0, window_bounds = array<i64: 2000, 16>}, {transform_indices = @transform_1, window_bounds = array<i64: 16, 128>}, {transform_indices = @transform_2, window_bounds = array<i64: 1, 1, 128>}, {transform_indices = @transform_3, window_bounds = array<i64: 2000, 128>}]} {
    %get3A = arith.constant 0 : index
    %get3A_0 = arith.constant 0 : index
    %get3A_1 = vector.load %arg2[%get3A, %get3A_0] : memref<2000x16xf32, #tpu.memory_space<vmem>>, vector<2000x16xf32>
    %get3A_2 = arith.constant 0 : index
    %get3A_3 = arith.constant 0 : index
    %get3A_4 = vector.load %arg3[%get3A_2, %get3A_3] : memref<16x128xf32, #tpu.memory_space<vmem>>, vector<16x128xf32>
    %dot_general3A = arith.constant dense<0.000000e+00> : vector<2000x128xf32>
    %dot_general3A_5 = tpu.matmul %get3A_1, %get3A_4, %dot_general3A {dimension_numbers = #tpu.dot_dimension_numbers<[1], [0], [0], [1], [0, 0, 1, 1], [], []>, transpose_lhs_hint = false} : vector<2000x16xf32>, vector<16x128xf32>, vector<2000x128xf32> -> vector<2000x128xf32>
    %get3A_6 = arith.constant 0 : index
    %get3A_7 = arith.constant 0 : index
    %get3A_8 = arith.constant 0 : index
    %get3A_9 = vector.load %arg4[%get3A_6, %get3A_7, %get3A_8] : memref<1x1x128xf32, #tpu.memory_space<vmem>>, vector<1x1x128xf32>
    %get3A_10 = vector.shape_cast %get3A_9 : vector<1x1x128xf32> to vector<1x128xf32>
    %add3A = vector.broadcast %get3A_10 : vector<1x128xf32> to vector<2000x128xf32>
    %add3A_11 = arith.addf %dot_general3A_5, %add3A : vector<2000x128xf32>
    %swap3A = arith.constant 0 : index
    %swap3A_12 = arith.constant 0 : index
    %swap3A_13 = vector.load %arg5[%swap3A, %swap3A_12] : memref<2000x128xf32, #tpu.memory_space<vmem>>, vector<2000x128xf32>
    tpu.vector_store %arg5[%swap3A, %swap3A_12], %add3A_11 {strides = array<i32>} : memref<2000x128xf32, #tpu.memory_space<vmem>>, vector<2000x128xf32>,
    return
  }
  func.func @transform_0(%arg0: i32, %arg1: i32) -> (i32, i32) {
    %c0_i32 = arith.constant 0 : i32
    %c0_i32_0 = arith.constant 0 : i32
    return %arg1, %c0_i32 : i32, i32
  }
  func.func @transform_1(%arg0: i32, %arg1: i32) -> (i32, i32) {
    %c0_i32 = arith.constant 0 : i32
    %c0_i32_0 = arith.constant 0 : i32
    return %c0_i32, %arg0 : i32, i32
  }
  func.func @transform_2(%arg0: i32, %arg1: i32) -> (i32, i32, i32) {
    %c0_i32 = arith.constant 0 : i32
    %c0_i32_0 = arith.constant 0 : i32
    %c0_i32_1 = arith.constant 0 : i32
    return %arg0, %c0_i32, %c0_i32_0 : i32, i32, i32
  }
  func.func @transform_3(%arg0: i32, %arg1: i32) -> (i32, i32) {
    %mul3A = arith.constant 80 : i32
    %mul3A_0 = arith.muli %arg0, %mul3A : i32
    %add3A = arith.addi %mul3A_0, %arg1 : i32
    %c0_i32 = arith.constant 0 : i32
    %c0_i32_1 = arith.constant 0 : i32
    return %add3A, %c0_i32 : i32, i32
  }
}

module attributes {stable_mosaic.version = 14 : i64} {
  func.func @body(%arg0: i32, %arg1: memref<1000x256xf32, #tpu.memory_space<vmem>>, %arg2: memref<2x1000x128xf32, #tpu.memory_space<vmem>>, %arg3: memref<256x512xf32, #tpu.memory_space<vmem>>, %arg4: memref<1x512xf32, #tpu.memory_space<vmem>>, %arg5: memref<512x512xf32, #tpu.memory_space<vmem>>, %arg6: memref<1x512xf32, #tpu.memory_space<vmem>>, %arg7: memref<1000x512xf32, #tpu.memory_space<vmem>>, %arg8: memref<8x512xf32, #tpu.memory_space<vmem>>) attributes {dimension_semantics = [#tpu.dimension_semantics<arbitrary>], iteration_bounds = array<i64: 10>, scalar_prefetch = 0 : i64, scratch_operands = 0 : i64, tpu.core_type = #tpu.core_type<tc>, window_params = [{transform_indices = @transform_0, window_bounds = array<i64: 1000, 256>}, {transform_indices = @transform_1, window_bounds = array<i64: 2, 1000, 128>}, {pipeline_mode = #tpu.pipeline_mode<synchronous>, transform_indices = @transform_2, window_bounds = array<i64: 256, 512>}, {pipeline_mode = #tpu.pipeline_mode<synchronous>, transform_indices = @transform_3, window_bounds = array<i64: 1, 512>}, {pipeline_mode = #tpu.pipeline_mode<synchronous>, transform_indices = @transform_4, window_bounds = array<i64: 512, 512>}, {pipeline_mode = #tpu.pipeline_mode<synchronous>, transform_indices = @transform_5, window_bounds = array<i64: 1, 512>}, {transform_indices = @transform_6, window_bounds = array<i64: 1000, 512>}, {pipeline_mode = #tpu.pipeline_mode<synchronous>, transform_indices = @transform_7, window_bounds = array<i64: 8, 512>}]} {
    %get3A = arith.constant 0 : index
    %get3A_0 = arith.constant 0 : index
    %get3A_1 = vector.load %arg1[%get3A, %get3A_0] : memref<1000x256xf32, #tpu.memory_space<vmem>>, vector<1000x256xf32>
    %get3A_2 = arith.constant 0 : index
    %get3A_3 = arith.constant 0 : index
    %get3A_4 = arith.constant 0 : index
    %get3A_5 = vector.load %arg2[%get3A_2, %get3A_3, %get3A_4] : memref<2x1000x128xf32, #tpu.memory_space<vmem>>, vector<1x1000x128xf32>
    %get3A_6 = vector.shape_cast %get3A_5 : vector<1x1000x128xf32> to vector<1000x128xf32>
    %get3A_7 = arith.constant 1 : index
    %get3A_8 = arith.constant 0 : index
    %get3A_9 = arith.constant 0 : index
    %get3A_10 = vector.load %arg2[%get3A_7, %get3A_8, %get3A_9] : memref<2x1000x128xf32, #tpu.memory_space<vmem>>, vector<1x1000x128xf32>
    %get3A_11 = vector.shape_cast %get3A_10 : vector<1x1000x128xf32> to vector<1000x128xf32>
    %concatenate3A = tpu.concatenate %get3A_6, %get3A_11 in 1 : vector<1000x128xf32>, vector<1000x128xf32> -> vector<1000x256xf32>
    %add3A = arith.addf %get3A_1, %concatenate3A : vector<1000x256xf32>
    %get3A_12 = arith.constant 0 : index
    %get3A_13 = arith.constant 0 : index
    %get3A_14 = vector.load %arg3[%get3A_12, %get3A_13] : memref<256x512xf32, #tpu.memory_space<vmem>>, vector<256x512xf32>
    %dot_general3A = arith.constant dense<0.000000e+00> : vector<1000x512xf32>
    %dot_general3A_15 = tpu.matmul %add3A, %get3A_14, %dot_general3A {dimension_numbers = #tpu.dot_dimension_numbers<[1], [0], [0], [1], [0, 0, 1, 1], [], []>, transpose_lhs_hint = false} : vector<1000x256xf32>, vector<256x512xf32>, vector<1000x512xf32> -> vector<1000x512xf32>
    %get3A_16 = arith.constant 0 : index
    %get3A_17 = arith.constant 0 : index
    %get3A_18 = vector.load %arg4[%get3A_16, %get3A_17] : memref<1x512xf32, #tpu.memory_space<vmem>>, vector<1x512xf32>
    %add3A_19 = vector.broadcast %get3A_18 : vector<1x512xf32> to vector<1000x512xf32>
    %add3A_20 = arith.addf %dot_general3A_15, %add3A_19 : vector<1000x512xf32>
    %max3A = arith.constant 0.000000e+00 : f32
    %max3A_21 = vector.broadcast %max3A : f32 to vector<1000x512xf32>
    %max3A_22 = arith.maximumf %add3A_20, %max3A_21 : vector<1000x512xf32>
    %get3A_23 = arith.constant 0 : index
    %get3A_24 = arith.constant 0 : index
    %get3A_25 = vector.load %arg5[%get3A_23, %get3A_24] : memref<512x512xf32, #tpu.memory_space<vmem>>, vector<512x512xf32>
    %dot_general3A_26 = arith.constant dense<0.000000e+00> : vector<1000x512xf32>
    %dot_general3A_27 = tpu.matmul %max3A_22, %get3A_25, %dot_general3A_26 {dimension_numbers = #tpu.dot_dimension_numbers<[1], [0], [0], [1], [0, 0, 1, 1], [], []>, transpose_lhs_hint = false} : vector<1000x512xf32>, vector<512x512xf32>, vector<1000x512xf32> -> vector<1000x512xf32>
    %get3A_28 = arith.constant 0 : index
    %get3A_29 = arith.constant 0 : index
    %get3A_30 = vector.load %arg6[%get3A_28, %get3A_29] : memref<1x512xf32, #tpu.memory_space<vmem>>, vector<1x512xf32>
    %add3A_31 = vector.broadcast %get3A_30 : vector<1x512xf32> to vector<1000x512xf32>
    %add3A_32 = arith.addf %dot_general3A_27, %add3A_31 : vector<1000x512xf32>
    %swap3A = arith.constant 0 : index
    %swap3A_33 = arith.constant 0 : index
    %swap3A_34 = vector.load %arg7[%swap3A, %swap3A_33] : memref<1000x512xf32, #tpu.memory_space<vmem>>, vector<1000x512xf32>
    tpu.vector_store %arg7[%swap3A, %swap3A_33], %add3A_32 {strides = array<i32>} : memref<1000x512xf32, #tpu.memory_space<vmem>>, vector<1000x512xf32>,
    %eq3A = arith.constant 0 : i32
    %eq3A_35 = arith.cmpi eq, %arg0, %eq3A : i32
    %convert_element_type3A = arith.extui %eq3A_35 : i1 to i32
    %cond3A = arith.constant 0 : i32
    %cond3A_36 = arith.cmpi ne, %convert_element_type3A, %cond3A : i32
    scf.if %cond3A_36 {
      %broadcast_in_dim3A_55 = arith.constant 0.000000e+00 : f32
      %broadcast_in_dim3A_56 = vector.broadcast %broadcast_in_dim3A_55 : f32 to vector<8x512xf32>
      %swap3A_57 = arith.constant 0 : index
      %swap3A_58 = arith.constant 0 : index
      %swap3A_59 = vector.load %arg8[%swap3A_57, %swap3A_58] : memref<8x512xf32, #tpu.memory_space<vmem>>, vector<8x512xf32>
      tpu.vector_store %arg8[%swap3A_57, %swap3A_58], %broadcast_in_dim3A_56 {strides = array<i32>} : memref<8x512xf32, #tpu.memory_space<vmem>>, vector<8x512xf32>,
    } else {
    }
    %get3A_37 = arith.constant 0 : index
    %get3A_38 = arith.constant 0 : index
    %get3A_39 = vector.load %arg8[%get3A_37, %get3A_38] : memref<8x512xf32, #tpu.memory_space<vmem>>, vector<1x512xf32>
    %reduce_sum3A = arith.constant dense<0.000000e+00> : vector<512xf32>
    %reduce_sum3A_40 = vector.multi_reduction <add>, %add3A_32, %reduce_sum3A [0] : vector<1000x512xf32> to vector<512xf32>
    %broadcast_in_dim3A = vector.shape_cast %reduce_sum3A_40 : vector<512xf32> to vector<1x512xf32>
    %add3A_41 = arith.addf %get3A_39, %broadcast_in_dim3A : vector<1x512xf32>
    %swap3A_42 = arith.constant 0 : index
    %swap3A_43 = arith.constant 0 : index
    %swap3A_44 = vector.load %arg8[%swap3A_42, %swap3A_43] : memref<8x512xf32, #tpu.memory_space<vmem>>, vector<1x512xf32>
    tpu.vector_store %arg8[%swap3A_42, %swap3A_43], %add3A_41 {strides = array<i32>} : memref<8x512xf32, #tpu.memory_space<vmem>>, vector<1x512xf32>,
    %get3A_45 = arith.constant 1 : index
    %get3A_46 = arith.constant 0 : index
    %get3A_47 = vector.load %arg8[%get3A_45, %get3A_46] : memref<8x512xf32, #tpu.memory_space<vmem>>, vector<1x512xf32>
    %mul3A = arith.mulf %add3A_32, %add3A_32 : vector<1000x512xf32>
    %reduce_sum3A_48 = arith.constant dense<0.000000e+00> : vector<512xf32>
    %reduce_sum3A_49 = vector.multi_reduction <add>, %mul3A, %reduce_sum3A_48 [0] : vector<1000x512xf32> to vector<512xf32>
    %broadcast_in_dim3A_50 = vector.shape_cast %reduce_sum3A_49 : vector<512xf32> to vector<1x512xf32>
    %add3A_51 = arith.addf %get3A_47, %broadcast_in_dim3A_50 : vector<1x512xf32>
    %swap3A_52 = arith.constant 1 : index
    %swap3A_53 = arith.constant 0 : index
    %swap3A_54 = vector.load %arg8[%swap3A_52, %swap3A_53] : memref<8x512xf32, #tpu.memory_space<vmem>>, vector<1x512xf32>
    tpu.vector_store %arg8[%swap3A_52, %swap3A_53], %add3A_51 {strides = array<i32>} : memref<8x512xf32, #tpu.memory_space<vmem>>, vector<1x512xf32>,
    return
  }
  func.func @transform_0(%arg0: i32) -> (i32, i32) {
    %c0_i32 = arith.constant 0 : i32
    %c0_i32_0 = arith.constant 0 : i32
    return %arg0, %c0_i32 : i32, i32
  }
  func.func @transform_1(%arg0: i32) -> (i32, i32, i32) {
    %c0_i32 = arith.constant 0 : i32
    %c0_i32_0 = arith.constant 0 : i32
    %c0_i32_1 = arith.constant 0 : i32
    return %c0_i32, %arg0, %c0_i32_0 : i32, i32, i32
  }
  func.func @transform_2(%arg0: i32) -> (i32, i32) {
    %c0_i32 = arith.constant 0 : i32
    %c0_i32_0 = arith.constant 0 : i32
    %c0_i32_1 = arith.constant 0 : i32
    return %c0_i32, %c0_i32_0 : i32, i32
  }
  func.func @transform_3(%arg0: i32) -> (i32, i32) {
    %c0_i32 = arith.constant 0 : i32
    %c0_i32_0 = arith.constant 0 : i32
    %c0_i32_1 = arith.constant 0 : i32
    return %c0_i32, %c0_i32_0 : i32, i32
  }
  func.func @transform_4(%arg0: i32) -> (i32, i32) {
    %c0_i32 = arith.constant 0 : i32
    %c0_i32_0 = arith.constant 0 : i32
    %c0_i32_1 = arith.constant 0 : i32
    return %c0_i32, %c0_i32_0 : i32, i32
  }
  func.func @transform_5(%arg0: i32) -> (i32, i32) {
    %c0_i32 = arith.constant 0 : i32
    %c0_i32_0 = arith.constant 0 : i32
    %c0_i32_1 = arith.constant 0 : i32
    return %c0_i32, %c0_i32_0 : i32, i32
  }
  func.func @transform_6(%arg0: i32) -> (i32, i32) {
    %c0_i32 = arith.constant 0 : i32
    %c0_i32_0 = arith.constant 0 : i32
    return %arg0, %c0_i32 : i32, i32
  }
  func.func @transform_7(%arg0: i32) -> (i32, i32) {
    %c0_i32 = arith.constant 0 : i32
    %c0_i32_0 = arith.constant 0 : i32
    %c0_i32_1 = arith.constant 0 : i32
    return %c0_i32, %c0_i32_0 : i32, i32
  }
}

module attributes {stable_mosaic.version = 14 : i64} {
  func.func @body(%arg0: i32, %arg1: memref<1000x512xf32, #tpu.memory_space<vmem>>, %arg2: memref<8x512xf32, #tpu.memory_space<vmem>>, %arg3: memref<1x512xf32, #tpu.memory_space<vmem>>, %arg4: memref<1x512xf32, #tpu.memory_space<vmem>>, %arg5: memref<1000x512xf32, #tpu.memory_space<vmem>>) attributes {dimension_semantics = [#tpu.dimension_semantics<arbitrary>], iteration_bounds = array<i64: 10>, scalar_prefetch = 0 : i64, scratch_operands = 0 : i64, tpu.core_type = #tpu.core_type<tc>, window_params = [{transform_indices = @transform_0, window_bounds = array<i64: 1000, 512>}, {pipeline_mode = #tpu.pipeline_mode<synchronous>, transform_indices = @transform_1, window_bounds = array<i64: 8, 512>}, {pipeline_mode = #tpu.pipeline_mode<synchronous>, transform_indices = @transform_2, window_bounds = array<i64: 1, 512>}, {pipeline_mode = #tpu.pipeline_mode<synchronous>, transform_indices = @transform_3, window_bounds = array<i64: 1, 512>}, {transform_indices = @transform_4, window_bounds = array<i64: 1000, 512>}]} {
    %get3A = arith.constant 0 : index
    %get3A_0 = arith.constant 0 : index
    %get3A_1 = vector.load %arg2[%get3A, %get3A_0] : memref<8x512xf32, #tpu.memory_space<vmem>>, vector<1x512xf32>
    %mul3A = arith.constant 9.99999974E-5 : f32
    %mul3A_2 = vector.broadcast %mul3A : f32 to vector<1x512xf32>
    %mul3A_3 = arith.mulf %get3A_1, %mul3A_2 : vector<1x512xf32>
    %get3A_4 = arith.constant 1 : index
    %get3A_5 = arith.constant 0 : index
    %get3A_6 = vector.load %arg2[%get3A_4, %get3A_5] : memref<8x512xf32, #tpu.memory_space<vmem>>, vector<1x512xf32>
    %mul3A_7 = arith.constant 9.99999974E-5 : f32
    %mul3A_8 = vector.broadcast %mul3A_7 : f32 to vector<1x512xf32>
    %mul3A_9 = arith.mulf %get3A_6, %mul3A_8 : vector<1x512xf32>
    %mul3A_10 = arith.mulf %mul3A_3, %mul3A_3 : vector<1x512xf32>
    %sub3A = arith.subf %mul3A_9, %mul3A_10 : vector<1x512xf32>
    %add3A = arith.constant 9.99999974E-6 : f32
    %add3A_11 = vector.broadcast %add3A : f32 to vector<1x512xf32>
    %add3A_12 = arith.addf %sub3A, %add3A_11 : vector<1x512xf32>
    %rsqrt3A = math.rsqrt %add3A_12 : vector<1x512xf32>
    %get3A_13 = arith.constant 0 : index
    %get3A_14 = arith.constant 0 : index
    %get3A_15 = vector.load %arg1[%get3A_13, %get3A_14] : memref<1000x512xf32, #tpu.memory_space<vmem>>, vector<1000x512xf32>
    %sub3A_16 = vector.broadcast %mul3A_3 : vector<1x512xf32> to vector<1000x512xf32>
    %sub3A_17 = arith.subf %get3A_15, %sub3A_16 : vector<1000x512xf32>
    %mul3A_18 = vector.broadcast %rsqrt3A : vector<1x512xf32> to vector<1000x512xf32>
    %mul3A_19 = arith.mulf %sub3A_17, %mul3A_18 : vector<1000x512xf32>
    %get3A_20 = arith.constant 0 : index
    %get3A_21 = arith.constant 0 : index
    %get3A_22 = vector.load %arg3[%get3A_20, %get3A_21] : memref<1x512xf32, #tpu.memory_space<vmem>>, vector<1x512xf32>
    %mul3A_23 = vector.broadcast %get3A_22 : vector<1x512xf32> to vector<1000x512xf32>
    %mul3A_24 = arith.mulf %mul3A_19, %mul3A_23 : vector<1000x512xf32>
    %get3A_25 = arith.constant 0 : index
    %get3A_26 = arith.constant 0 : index
    %get3A_27 = vector.load %arg4[%get3A_25, %get3A_26] : memref<1x512xf32, #tpu.memory_space<vmem>>, vector<1x512xf32>
    %add3A_28 = vector.broadcast %get3A_27 : vector<1x512xf32> to vector<1000x512xf32>
    %add3A_29 = arith.addf %mul3A_24, %add3A_28 : vector<1000x512xf32>
    %max3A = arith.constant 0.000000e+00 : f32
    %max3A_30 = vector.broadcast %max3A : f32 to vector<1000x512xf32>
    %max3A_31 = arith.maximumf %add3A_29, %max3A_30 : vector<1000x512xf32>
    %swap3A = arith.constant 0 : index
    %swap3A_32 = arith.constant 0 : index
    %swap3A_33 = vector.load %arg5[%swap3A, %swap3A_32] : memref<1000x512xf32, #tpu.memory_space<vmem>>, vector<1000x512xf32>
    tpu.vector_store %arg5[%swap3A, %swap3A_32], %max3A_31 {strides = array<i32>} : memref<1000x512xf32, #tpu.memory_space<vmem>>, vector<1000x512xf32>,
    return
  }
  func.func @transform_0(%arg0: i32) -> (i32, i32) {
    %c0_i32 = arith.constant 0 : i32
    %c0_i32_0 = arith.constant 0 : i32
    return %arg0, %c0_i32 : i32, i32
  }
  func.func @transform_1(%arg0: i32) -> (i32, i32) {
    %c0_i32 = arith.constant 0 : i32
    %c0_i32_0 = arith.constant 0 : i32
    %c0_i32_1 = arith.constant 0 : i32
    return %c0_i32, %c0_i32_0 : i32, i32
  }
  func.func @transform_2(%arg0: i32) -> (i32, i32) {
    %c0_i32 = arith.constant 0 : i32
    %c0_i32_0 = arith.constant 0 : i32
    %c0_i32_1 = arith.constant 0 : i32
    return %c0_i32, %c0_i32_0 : i32, i32
  }
  func.func @transform_3(%arg0: i32) -> (i32, i32) {
    %c0_i32 = arith.constant 0 : i32
    %c0_i32_0 = arith.constant 0 : i32
    %c0_i32_1 = arith.constant 0 : i32
    return %c0_i32, %c0_i32_0 : i32, i32
  }
  func.func @transform_4(%arg0: i32) -> (i32, i32) {
    %c0_i32 = arith.constant 0 : i32
    %c0_i32_0 = arith.constant 0 : i32
    return %arg0, %c0_i32 : i32, i32
  }
}

module attributes {stable_mosaic.version = 14 : i64} {
  func.func @body(%arg0: i32, %arg1: memref<1000x512xf32, #tpu.memory_space<vmem>>, %arg2: memref<4x1000x128xf32, #tpu.memory_space<vmem>>, %arg3: memref<512x512xf32, #tpu.memory_space<vmem>>, %arg4: memref<1x512xf32, #tpu.memory_space<vmem>>, %arg5: memref<512x512xf32, #tpu.memory_space<vmem>>, %arg6: memref<1x512xf32, #tpu.memory_space<vmem>>, %arg7: memref<1000x512xf32, #tpu.memory_space<vmem>>, %arg8: memref<8x512xf32, #tpu.memory_space<vmem>>) attributes {dimension_semantics = [#tpu.dimension_semantics<arbitrary>], iteration_bounds = array<i64: 10>, scalar_prefetch = 0 : i64, scratch_operands = 0 : i64, tpu.core_type = #tpu.core_type<tc>, window_params = [{transform_indices = @transform_0, window_bounds = array<i64: 1000, 512>}, {transform_indices = @transform_1, window_bounds = array<i64: 4, 1000, 128>}, {pipeline_mode = #tpu.pipeline_mode<synchronous>, transform_indices = @transform_2, window_bounds = array<i64: 512, 512>}, {pipeline_mode = #tpu.pipeline_mode<synchronous>, transform_indices = @transform_3, window_bounds = array<i64: 1, 512>}, {pipeline_mode = #tpu.pipeline_mode<synchronous>, transform_indices = @transform_4, window_bounds = array<i64: 512, 512>}, {pipeline_mode = #tpu.pipeline_mode<synchronous>, transform_indices = @transform_5, window_bounds = array<i64: 1, 512>}, {transform_indices = @transform_6, window_bounds = array<i64: 1000, 512>}, {pipeline_mode = #tpu.pipeline_mode<synchronous>, transform_indices = @transform_7, window_bounds = array<i64: 8, 512>}]} {
    %get3A = arith.constant 0 : index
    %get3A_0 = arith.constant 0 : index
    %get3A_1 = vector.load %arg1[%get3A, %get3A_0] : memref<1000x512xf32, #tpu.memory_space<vmem>>, vector<1000x512xf32>
    %get3A_2 = arith.constant 0 : index
    %get3A_3 = arith.constant 0 : index
    %get3A_4 = arith.constant 0 : index
    %get3A_5 = vector.load %arg2[%get3A_2, %get3A_3, %get3A_4] : memref<4x1000x128xf32, #tpu.memory_space<vmem>>, vector<1x1000x128xf32>
    %get3A_6 = vector.shape_cast %get3A_5 : vector<1x1000x128xf32> to vector<1000x128xf32>
    %get3A_7 = arith.constant 1 : index
    %get3A_8 = arith.constant 0 : index
    %get3A_9 = arith.constant 0 : index
    %get3A_10 = vector.load %arg2[%get3A_7, %get3A_8, %get3A_9] : memref<4x1000x128xf32, #tpu.memory_space<vmem>>, vector<1x1000x128xf32>
    %get3A_11 = vector.shape_cast %get3A_10 : vector<1x1000x128xf32> to vector<1000x128xf32>
    %get3A_12 = arith.constant 2 : index
    %get3A_13 = arith.constant 0 : index
    %get3A_14 = arith.constant 0 : index
    %get3A_15 = vector.load %arg2[%get3A_12, %get3A_13, %get3A_14] : memref<4x1000x128xf32, #tpu.memory_space<vmem>>, vector<1x1000x128xf32>
    %get3A_16 = vector.shape_cast %get3A_15 : vector<1x1000x128xf32> to vector<1000x128xf32>
    %get3A_17 = arith.constant 3 : index
    %get3A_18 = arith.constant 0 : index
    %get3A_19 = arith.constant 0 : index
    %get3A_20 = vector.load %arg2[%get3A_17, %get3A_18, %get3A_19] : memref<4x1000x128xf32, #tpu.memory_space<vmem>>, vector<1x1000x128xf32>
    %get3A_21 = vector.shape_cast %get3A_20 : vector<1x1000x128xf32> to vector<1000x128xf32>
    %concatenate3A = tpu.concatenate %get3A_6, %get3A_11, %get3A_16, %get3A_21 in 1 : vector<1000x128xf32>, vector<1000x128xf32>, vector<1000x128xf32>, vector<1000x128xf32> -> vector<1000x512xf32>
    %add3A = arith.addf %get3A_1, %concatenate3A : vector<1000x512xf32>
    %get3A_22 = arith.constant 0 : index
    %get3A_23 = arith.constant 0 : index
    %get3A_24 = vector.load %arg3[%get3A_22, %get3A_23] : memref<512x512xf32, #tpu.memory_space<vmem>>, vector<512x512xf32>
    %dot_general3A = arith.constant dense<0.000000e+00> : vector<1000x512xf32>
    %dot_general3A_25 = tpu.matmul %add3A, %get3A_24, %dot_general3A {dimension_numbers = #tpu.dot_dimension_numbers<[1], [0], [0], [1], [0, 0, 1, 1], [], []>, transpose_lhs_hint = false} : vector<1000x512xf32>, vector<512x512xf32>, vector<1000x512xf32> -> vector<1000x512xf32>
    %get3A_26 = arith.constant 0 : index
    %get3A_27 = arith.constant 0 : index
    %get3A_28 = vector.load %arg4[%get3A_26, %get3A_27] : memref<1x512xf32, #tpu.memory_space<vmem>>, vector<1x512xf32>
    %add3A_29 = vector.broadcast %get3A_28 : vector<1x512xf32> to vector<1000x512xf32>
    %add3A_30 = arith.addf %dot_general3A_25, %add3A_29 : vector<1000x512xf32>
    %max3A = arith.constant 0.000000e+00 : f32
    %max3A_31 = vector.broadcast %max3A : f32 to vector<1000x512xf32>
    %max3A_32 = arith.maximumf %add3A_30, %max3A_31 : vector<1000x512xf32>
    %get3A_33 = arith.constant 0 : index
    %get3A_34 = arith.constant 0 : index
    %get3A_35 = vector.load %arg5[%get3A_33, %get3A_34] : memref<512x512xf32, #tpu.memory_space<vmem>>, vector<512x512xf32>
    %dot_general3A_36 = arith.constant dense<0.000000e+00> : vector<1000x512xf32>
    %dot_general3A_37 = tpu.matmul %max3A_32, %get3A_35, %dot_general3A_36 {dimension_numbers = #tpu.dot_dimension_numbers<[1], [0], [0], [1], [0, 0, 1, 1], [], []>, transpose_lhs_hint = false} : vector<1000x512xf32>, vector<512x512xf32>, vector<1000x512xf32> -> vector<1000x512xf32>
    %get3A_38 = arith.constant 0 : index
    %get3A_39 = arith.constant 0 : index
    %get3A_40 = vector.load %arg6[%get3A_38, %get3A_39] : memref<1x512xf32, #tpu.memory_space<vmem>>, vector<1x512xf32>
    %add3A_41 = vector.broadcast %get3A_40 : vector<1x512xf32> to vector<1000x512xf32>
    %add3A_42 = arith.addf %dot_general3A_37, %add3A_41 : vector<1000x512xf32>
    %swap3A = arith.constant 0 : index
    %swap3A_43 = arith.constant 0 : index
    %swap3A_44 = vector.load %arg7[%swap3A, %swap3A_43] : memref<1000x512xf32, #tpu.memory_space<vmem>>, vector<1000x512xf32>
    tpu.vector_store %arg7[%swap3A, %swap3A_43], %add3A_42 {strides = array<i32>} : memref<1000x512xf32, #tpu.memory_space<vmem>>, vector<1000x512xf32>,
    %eq3A = arith.constant 0 : i32
    %eq3A_45 = arith.cmpi eq, %arg0, %eq3A : i32
    %convert_element_type3A = arith.extui %eq3A_45 : i1 to i32
    %cond3A = arith.constant 0 : i32
    %cond3A_46 = arith.cmpi ne, %convert_element_type3A, %cond3A : i32
    scf.if %cond3A_46 {
      %broadcast_in_dim3A_65 = arith.constant 0.000000e+00 : f32
      %broadcast_in_dim3A_66 = vector.broadcast %broadcast_in_dim3A_65 : f32 to vector<8x512xf32>
      %swap3A_67 = arith.constant 0 : index
      %swap3A_68 = arith.constant 0 : index
      %swap3A_69 = vector.load %arg8[%swap3A_67, %swap3A_68] : memref<8x512xf32, #tpu.memory_space<vmem>>, vector<8x512xf32>
      tpu.vector_store %arg8[%swap3A_67, %swap3A_68], %broadcast_in_dim3A_66 {strides = array<i32>} : memref<8x512xf32, #tpu.memory_space<vmem>>, vector<8x512xf32>,
    } else {
    }
    %get3A_47 = arith.constant 0 : index
    %get3A_48 = arith.constant 0 : index
    %get3A_49 = vector.load %arg8[%get3A_47, %get3A_48] : memref<8x512xf32, #tpu.memory_space<vmem>>, vector<1x512xf32>
    %reduce_sum3A = arith.constant dense<0.000000e+00> : vector<512xf32>
    %reduce_sum3A_50 = vector.multi_reduction <add>, %add3A_42, %reduce_sum3A [0] : vector<1000x512xf32> to vector<512xf32>
    %broadcast_in_dim3A = vector.shape_cast %reduce_sum3A_50 : vector<512xf32> to vector<1x512xf32>
    %add3A_51 = arith.addf %get3A_49, %broadcast_in_dim3A : vector<1x512xf32>
    %swap3A_52 = arith.constant 0 : index
    %swap3A_53 = arith.constant 0 : index
    %swap3A_54 = vector.load %arg8[%swap3A_52, %swap3A_53] : memref<8x512xf32, #tpu.memory_space<vmem>>, vector<1x512xf32>
    tpu.vector_store %arg8[%swap3A_52, %swap3A_53], %add3A_51 {strides = array<i32>} : memref<8x512xf32, #tpu.memory_space<vmem>>, vector<1x512xf32>,
    %get3A_55 = arith.constant 1 : index
    %get3A_56 = arith.constant 0 : index
    %get3A_57 = vector.load %arg8[%get3A_55, %get3A_56] : memref<8x512xf32, #tpu.memory_space<vmem>>, vector<1x512xf32>
    %mul3A = arith.mulf %add3A_42, %add3A_42 : vector<1000x512xf32>
    %reduce_sum3A_58 = arith.constant dense<0.000000e+00> : vector<512xf32>
    %reduce_sum3A_59 = vector.multi_reduction <add>, %mul3A, %reduce_sum3A_58 [0] : vector<1000x512xf32> to vector<512xf32>
    %broadcast_in_dim3A_60 = vector.shape_cast %reduce_sum3A_59 : vector<512xf32> to vector<1x512xf32>
    %add3A_61 = arith.addf %get3A_57, %broadcast_in_dim3A_60 : vector<1x512xf32>
    %swap3A_62 = arith.constant 1 : index
    %swap3A_63 = arith.constant 0 : index
    %swap3A_64 = vector.load %arg8[%swap3A_62, %swap3A_63] : memref<8x512xf32, #tpu.memory_space<vmem>>, vector<1x512xf32>
    tpu.vector_store %arg8[%swap3A_62, %swap3A_63], %add3A_61 {strides = array<i32>} : memref<8x512xf32, #tpu.memory_space<vmem>>, vector<1x512xf32>,
    return
  }
  func.func @transform_0(%arg0: i32) -> (i32, i32) {
    %c0_i32 = arith.constant 0 : i32
    %c0_i32_0 = arith.constant 0 : i32
    return %arg0, %c0_i32 : i32, i32
  }
  func.func @transform_1(%arg0: i32) -> (i32, i32, i32) {
    %c0_i32 = arith.constant 0 : i32
    %c0_i32_0 = arith.constant 0 : i32
    %c0_i32_1 = arith.constant 0 : i32
    return %c0_i32, %arg0, %c0_i32_0 : i32, i32, i32
  }
  func.func @transform_2(%arg0: i32) -> (i32, i32) {
    %c0_i32 = arith.constant 0 : i32
    %c0_i32_0 = arith.constant 0 : i32
    %c0_i32_1 = arith.constant 0 : i32
    return %c0_i32, %c0_i32_0 : i32, i32
  }
  func.func @transform_3(%arg0: i32) -> (i32, i32) {
    %c0_i32 = arith.constant 0 : i32
    %c0_i32_0 = arith.constant 0 : i32
    %c0_i32_1 = arith.constant 0 : i32
    return %c0_i32, %c0_i32_0 : i32, i32
  }
  func.func @transform_4(%arg0: i32) -> (i32, i32) {
    %c0_i32 = arith.constant 0 : i32
    %c0_i32_0 = arith.constant 0 : i32
    %c0_i32_1 = arith.constant 0 : i32
    return %c0_i32, %c0_i32_0 : i32, i32
  }
  func.func @transform_5(%arg0: i32) -> (i32, i32) {
    %c0_i32 = arith.constant 0 : i32
    %c0_i32_0 = arith.constant 0 : i32
    %c0_i32_1 = arith.constant 0 : i32
    return %c0_i32, %c0_i32_0 : i32, i32
  }
  func.func @transform_6(%arg0: i32) -> (i32, i32) {
    %c0_i32 = arith.constant 0 : i32
    %c0_i32_0 = arith.constant 0 : i32
    return %arg0, %c0_i32 : i32, i32
  }
  func.func @transform_7(%arg0: i32) -> (i32, i32) {
    %c0_i32 = arith.constant 0 : i32
    %c0_i32_0 = arith.constant 0 : i32
    %c0_i32_1 = arith.constant 0 : i32
    return %c0_i32, %c0_i32_0 : i32, i32
  }
}

module attributes {stable_mosaic.version = 14 : i64} {
  func.func @body(%arg0: i32, %arg1: memref<1000x512xf32, #tpu.memory_space<vmem>>, %arg2: memref<8x512xf32, #tpu.memory_space<vmem>>, %arg3: memref<1x512xf32, #tpu.memory_space<vmem>>, %arg4: memref<1x512xf32, #tpu.memory_space<vmem>>, %arg5: memref<512x5xf32, #tpu.memory_space<vmem>>, %arg6: memref<1x5xf32, #tpu.memory_space<vmem>>, %arg7: memref<1000x4xf32, #tpu.memory_space<vmem>>, %arg8: memref<1000x1xf32, #tpu.memory_space<vmem>>) attributes {dimension_semantics = [#tpu.dimension_semantics<arbitrary>], iteration_bounds = array<i64: 10>, scalar_prefetch = 0 : i64, scratch_operands = 0 : i64, tpu.core_type = #tpu.core_type<tc>, window_params = [{transform_indices = @transform_0, window_bounds = array<i64: 1000, 512>}, {pipeline_mode = #tpu.pipeline_mode<synchronous>, transform_indices = @transform_1, window_bounds = array<i64: 8, 512>}, {pipeline_mode = #tpu.pipeline_mode<synchronous>, transform_indices = @transform_2, window_bounds = array<i64: 1, 512>}, {pipeline_mode = #tpu.pipeline_mode<synchronous>, transform_indices = @transform_3, window_bounds = array<i64: 1, 512>}, {pipeline_mode = #tpu.pipeline_mode<synchronous>, transform_indices = @transform_4, window_bounds = array<i64: 512, 5>}, {pipeline_mode = #tpu.pipeline_mode<synchronous>, transform_indices = @transform_5, window_bounds = array<i64: 1, 5>}, {transform_indices = @transform_6, window_bounds = array<i64: 1000, 4>}, {transform_indices = @transform_7, window_bounds = array<i64: 1000, 1>}]} {
    %get3A = arith.constant 0 : index
    %get3A_0 = arith.constant 0 : index
    %get3A_1 = vector.load %arg2[%get3A, %get3A_0] : memref<8x512xf32, #tpu.memory_space<vmem>>, vector<1x512xf32>
    %mul3A = arith.constant 9.99999974E-5 : f32
    %mul3A_2 = vector.broadcast %mul3A : f32 to vector<1x512xf32>
    %mul3A_3 = arith.mulf %get3A_1, %mul3A_2 : vector<1x512xf32>
    %get3A_4 = arith.constant 1 : index
    %get3A_5 = arith.constant 0 : index
    %get3A_6 = vector.load %arg2[%get3A_4, %get3A_5] : memref<8x512xf32, #tpu.memory_space<vmem>>, vector<1x512xf32>
    %mul3A_7 = arith.constant 9.99999974E-5 : f32
    %mul3A_8 = vector.broadcast %mul3A_7 : f32 to vector<1x512xf32>
    %mul3A_9 = arith.mulf %get3A_6, %mul3A_8 : vector<1x512xf32>
    %mul3A_10 = arith.mulf %mul3A_3, %mul3A_3 : vector<1x512xf32>
    %sub3A = arith.subf %mul3A_9, %mul3A_10 : vector<1x512xf32>
    %add3A = arith.constant 9.99999974E-6 : f32
    %add3A_11 = vector.broadcast %add3A : f32 to vector<1x512xf32>
    %add3A_12 = arith.addf %sub3A, %add3A_11 : vector<1x512xf32>
    %rsqrt3A = math.rsqrt %add3A_12 : vector<1x512xf32>
    %get3A_13 = arith.constant 0 : index
    %get3A_14 = arith.constant 0 : index
    %get3A_15 = vector.load %arg1[%get3A_13, %get3A_14] : memref<1000x512xf32, #tpu.memory_space<vmem>>, vector<1000x512xf32>
    %sub3A_16 = vector.broadcast %mul3A_3 : vector<1x512xf32> to vector<1000x512xf32>
    %sub3A_17 = arith.subf %get3A_15, %sub3A_16 : vector<1000x512xf32>
    %mul3A_18 = vector.broadcast %rsqrt3A : vector<1x512xf32> to vector<1000x512xf32>
    %mul3A_19 = arith.mulf %sub3A_17, %mul3A_18 : vector<1000x512xf32>
    %get3A_20 = arith.constant 0 : index
    %get3A_21 = arith.constant 0 : index
    %get3A_22 = vector.load %arg3[%get3A_20, %get3A_21] : memref<1x512xf32, #tpu.memory_space<vmem>>, vector<1x512xf32>
    %mul3A_23 = vector.broadcast %get3A_22 : vector<1x512xf32> to vector<1000x512xf32>
    %mul3A_24 = arith.mulf %mul3A_19, %mul3A_23 : vector<1000x512xf32>
    %get3A_25 = arith.constant 0 : index
    %get3A_26 = arith.constant 0 : index
    %get3A_27 = vector.load %arg4[%get3A_25, %get3A_26] : memref<1x512xf32, #tpu.memory_space<vmem>>, vector<1x512xf32>
    %add3A_28 = vector.broadcast %get3A_27 : vector<1x512xf32> to vector<1000x512xf32>
    %add3A_29 = arith.addf %mul3A_24, %add3A_28 : vector<1000x512xf32>
    %max3A = arith.constant 0.000000e+00 : f32
    %max3A_30 = vector.broadcast %max3A : f32 to vector<1000x512xf32>
    %max3A_31 = arith.maximumf %add3A_29, %max3A_30 : vector<1000x512xf32>
    %get3A_32 = arith.constant 0 : index
    %get3A_33 = arith.constant 0 : index
    %get3A_34 = vector.load %arg5[%get3A_32, %get3A_33] : memref<512x5xf32, #tpu.memory_space<vmem>>, vector<512x5xf32>
    %dot_general3A = arith.constant dense<0.000000e+00> : vector<1000x5xf32>
    %dot_general3A_35 = tpu.matmul %max3A_31, %get3A_34, %dot_general3A {dimension_numbers = #tpu.dot_dimension_numbers<[1], [0], [0], [1], [0, 0, 1, 1], [], []>, transpose_lhs_hint = false} : vector<1000x512xf32>, vector<512x5xf32>, vector<1000x5xf32> -> vector<1000x5xf32>
    %get3A_36 = arith.constant 0 : index
    %get3A_37 = arith.constant 0 : index
    %get3A_38 = vector.load %arg6[%get3A_36, %get3A_37] : memref<1x5xf32, #tpu.memory_space<vmem>>, vector<1x5xf32>
    %add3A_39 = vector.broadcast %get3A_38 : vector<1x5xf32> to vector<1000x5xf32>
    %add3A_40 = arith.addf %dot_general3A_35, %add3A_39 : vector<1000x5xf32>
    %slice3A = vector.extract_strided_slice %add3A_40 {offsets = [0, 0], sizes = [1000, 4], strides = [1, 1]} : vector<1000x5xf32> to vector<1000x4xf32>
    %swap3A = arith.constant 0 : index
    %swap3A_41 = arith.constant 0 : index
    %swap3A_42 = vector.load %arg7[%swap3A, %swap3A_41] : memref<1000x4xf32, #tpu.memory_space<vmem>>, vector<1000x4xf32>
    tpu.vector_store %arg7[%swap3A, %swap3A_41], %slice3A {strides = array<i32>} : memref<1000x4xf32, #tpu.memory_space<vmem>>, vector<1000x4xf32>,
    %slice3A_43 = vector.extract_strided_slice %add3A_40 {offsets = [0, 4], sizes = [1000, 1], strides = [1, 1]} : vector<1000x5xf32> to vector<1000x1xf32>
    %swap3A_44 = arith.constant 0 : index
    %swap3A_45 = arith.constant 0 : index
    %swap3A_46 = vector.load %arg8[%swap3A_44, %swap3A_45] : memref<1000x1xf32, #tpu.memory_space<vmem>>, vector<1000x1xf32>
    tpu.vector_store %arg8[%swap3A_44, %swap3A_45], %slice3A_43 {strides = array<i32>} : memref<1000x1xf32, #tpu.memory_space<vmem>>, vector<1000x1xf32>,
    return
  }
  func.func @transform_0(%arg0: i32) -> (i32, i32) {
    %c0_i32 = arith.constant 0 : i32
    %c0_i32_0 = arith.constant 0 : i32
    return %arg0, %c0_i32 : i32, i32
  }
  func.func @transform_1(%arg0: i32) -> (i32, i32) {
    %c0_i32 = arith.constant 0 : i32
    %c0_i32_0 = arith.constant 0 : i32
    %c0_i32_1 = arith.constant 0 : i32
    return %c0_i32, %c0_i32_0 : i32, i32
  }
  func.func @transform_2(%arg0: i32) -> (i32, i32) {
    %c0_i32 = arith.constant 0 : i32
    %c0_i32_0 = arith.constant 0 : i32
    %c0_i32_1 = arith.constant 0 : i32
    return %c0_i32, %c0_i32_0 : i32, i32
  }
  func.func @transform_3(%arg0: i32) -> (i32, i32) {
    %c0_i32 = arith.constant 0 : i32
    %c0_i32_0 = arith.constant 0 : i32
    %c0_i32_1 = arith.constant 0 : i32
    return %c0_i32, %c0_i32_0 : i32, i32
  }
  func.func @transform_4(%arg0: i32) -> (i32, i32) {
    %c0_i32 = arith.constant 0 : i32
    %c0_i32_0 = arith.constant 0 : i32
    %c0_i32_1 = arith.constant 0 : i32
    return %c0_i32, %c0_i32_0 : i32, i32
  }
  func.func @transform_5(%arg0: i32) -> (i32, i32) {
    %c0_i32 = arith.constant 0 : i32
    %c0_i32_0 = arith.constant 0 : i32
    %c0_i32_1 = arith.constant 0 : i32
    return %c0_i32, %c0_i32_0 : i32, i32
  }
  func.func @transform_6(%arg0: i32) -> (i32, i32) {
    %c0_i32 = arith.constant 0 : i32
    %c0_i32_0 = arith.constant 0 : i32
    return %arg0, %c0_i32 : i32, i32
  }
  func.func @transform_7(%arg0: i32) -> (i32, i32) {
    %c0_i32 = arith.constant 0 : i32
    %c0_i32_0 = arith.constant 0 : i32
    return %arg0, %c0_i32 : i32, i32
  }
}

</mosaic_0001>

<sc_bundles>
// kernel: kernel.10.cloned.1.call-start
scs
__scs_entry_jumppad:
0x0: {  	(pc) =	sbr.rel $0x88, $3  }
0x1: {  	(tag) =	ssettag $0x0;
	lr =	simm.s32 $0x1  }
0x2: {  	[smem:$0x3F89] =	sst lr;
	_ =	strace $0xD0000000  }
0x3: {  	_ = 	snop  }
0x4: {  	_ = 	snop  }
0x5: {  	_ = 	snop  }
0x6: {  	_ = 	snop  }
0x7: {  	_ = 	snop  }
__scs_overlays_trampoline_lowered:
0x8: {  	[smem:$0x3F98] =	sst s0  }
0x9: {  	[smem:$0x3F99] =	sst s1  }
0xa: {  	[smem:$0x3F9A] =	sst s2  }
0xb: {  	[smem:$0x3F9B] =	sst s3  }
0xc: {  	[smem:$0x3F9C] =	sst s4  }
0xd: {  	[smem:$0x3F9D] =	sst s5  }
0xe: {  	[smem:$0x3F9E] =	sst s6  }
0xf: {  	[smem:$0x3F9F] =	sst s7  }
0x10: {  	[smem:$0x3FA0] =	sst s8  }
0x11: {  	[smem:$0x3FA1] =	sst s9;
	s0 =	simm.s32 @!p0 $0x0  }
0x12: {  	s1 =	sld [smem:$0x3F87];
	s0 =	simm.s32 @p0 $0x1  }
0x13: {  	[smem:$0x3FA2] =	sst s0;
	s0 =	simm.s32 @!p1 $0x0  }
0x14: {  	s2 =	sld [smem:$0x3F86];
	s0 =	simm.s32 @p1 $0x1  }
0x15: {  	[smem:$0x3FA3] =	sst s0;
	s0 =	simm.s32 @!p2 $0x0  }
0x16: {  	s3 =	sld [smem:$0x3FDB];
	s0 =	simm.s32 @p2 $0x1  }
0x17: {  	s4 =	simm.s32 $0x1BF5;
	[smem:$0x3FA5] =	sst s0  }
0x18: {  	s0 =	sld [smem:$0x3F88];
	_ =	swait.ge [sflag:s4], $0x0  }
0x19: {  	s7 =	sld [smem:$0x3F89]  }
0x1a: {  	s8 =	sadd.s32 $0xFFFFE003, lr  }
0x1b: {  	s9 =	sadd.s32 $0xFFFFFEF7, lr;
	s5 =	simm.s32 $0xFFFFFFFF;
	p2 =	slt.u32 s8, $0xFFFFF086  }
0x1c: {  	p1 =	slt.u32 s9, $0xF7A;
	s5 =	simm.s32 @!p2 $0x0  }
0x1d: {  	s5 =	simm.s32 @p1 $0x1;
	p0 =	seq.s32 s7, s2  }
0x1e: {  	s7 =	smul.u32 @!p0 $0xF7A, s2;
	p2 =	seq.s32 @!p0 s5, $0x0  }
0x1f: {  	s9 =	smul.u32 $0xF7A, s1;
	s8 =	simm.s32 @!p0 $0x1BF5;
	p2 =	por !p2, p0  }
0x20: {  	[sflag:s8] =	ssyncset.s32 @!p0 $0xFFFFF086;
	s6 =	sadd.s32 @!p0 s3, s7;
	s7 =	simm.s32 @!p0 $0x108  }
0x21: {  	s3 =	sadd.s32 s3, s9;
	s6 =	sadd.s32 @!p0 $0x88, s6;
	s7 =	simm.s32 @p2 $0x1082  }
0x22: {  	[simem:s7], [sflag:s8] =	dma.local @!p0 [hbm:s6], $0xF7A  }
0x23: {  	s9 =	sor.u32 $0xD0000000, s2;
	s6 =	simm.s32 $0x108;
	_ =	swait.ge @!p0 [sflag:s8], $0x0  }
0x24: {  	s3 =	sadd.s32 $0x88, s3;
	s6 =	simm.s32 @!p1 $0x1082;
	[sflag:s4] =	ssyncset.s32 $0xFFFFF086  }
0x25: {  	[simem:s6], [sflag:s4] =	dma.local [hbm:s3], $0xF7A  }
0x26: {  	[smem:$0x3F89] =	sst s1;
	(tag) =	ssettag s2;
	_ =	strace s9  }
0x27: {  	s1 =	sld [smem:$0x3F99]  }
0x28: {  	s2 =	sld [smem:$0x3F9A]  }
0x29: {  	s4 =	sld [smem:$0x3F9C]  }
0x2a: {  	p0 =	seq.s32 s5, $0x0;
	s5 =	sld [smem:$0x3F9D]  }
0x2b: {  	s6 =	sld [smem:$0x3F9E]  }
0x2c: {  	s7 =	sld [smem:$0x3F9F]  }
0x2d: {  	s3 =	simm.s32 $0x108;
	s8 =	sld [smem:$0x3FA0]  }
0x2e: {  	s3 =	simm.s32 @!p0 $0x1082;
	s9 =	sld [smem:$0x3FA1]  }
0x2f: {  	lr =	sadd.s32 s0, s3;
	s0 =	sld [smem:$0x3F98]  }
0x30: {  	s3 =	sld [smem:$0x3F9B]  }
0x31: {  	[smem:$0x3FA4] =	sst s10  }
0x32: {  	s10 =	sld [smem:$0x3FA2];
	_ =	sdelay $0x3  }
0x33: {  	p0 =	seq.s32 s10, $0x1;
	s10 =	sld [smem:$0x3FA4];
	_ =	sdelay $0x3  }
0x34: {  	[smem:$0x3FA4] =	sst s10  }
0x35: {  	s10 =	sld [smem:$0x3FA3];
	_ =	sdelay $0x3  }
0x36: {  	p1 =	seq.s32 s10, $0x1;
	s10 =	sld [smem:$0x3FA4];
	_ =	sdelay $0x3  }
0x37: {  	[smem:$0x3FA4] =	sst s10  }
0x38: {  	s10 =	sld [smem:$0x3FA5]  }
0x39: {  	_ = 	snop;
	(pc) =	sbr.ind lr, $3  }
0x3a: {  	_ = 	snop  }
0x3b: {  	_ = 	snop  }
0x3c: {  	p2 =	seq.s32 s10, $0x1;
	s10 =	sld [smem:$0x3FA4]  }
0x3d: {  	_ =	shalt  }
0x3e: {  	_ =	shalt  }
0x3f: {  	_ =	shalt  }
0x40: {  	_ =	shalt  }
0x41: {  	_ =	shalt  }
0x42: {  	_ =	shalt  }
0x43: {  	_ =	shalt  }
0x44: {  	_ =	shalt  }
0x45: {  	_ =	shalt  }
0x46: {  	_ =	shalt  }
0x47: {  	_ =	shalt  }
0x48: {  	_ =	shalt  }
0x49: {  	_ =	shalt  }
0x4a: {  	_ =	shalt  }
0x4b: {  	_ =	shalt  }
0x4c: {  	_ =	shalt  }
0x4d: {  	_ =	shalt  }
0x4e: {  	_ =	shalt  }
0x4f: {  	_ =	shalt  }
0x50: {  	_ =	shalt  }
0x51: {  	_ =	shalt  }
0x52: {  	_ =	shalt  }
0x53: {  	_ =	shalt  }
0x54: {  	_ =	shalt  }
0x55: {  	_ =	shalt  }
0x56: {  	_ =	shalt  }
0x57: {  	_ =	shalt  }
0x58: {  	_ =	shalt  }
0x59: {  	_ =	shalt  }
0x5a: {  	_ =	shalt  }
0x5b: {  	_ =	shalt  }
0x5c: {  	_ =	shalt  }
0x5d: {  	_ =	shalt  }
0x5e: {  	_ =	shalt  }
0x5f: {  	_ =	shalt  }
0x60: {  	_ =	shalt  }
0x61: {  	_ =	shalt  }
0x62: {  	_ =	shalt  }
0x63: {  	_ =	shalt  }
0x64: {  	_ =	shalt  }
0x65: {  	_ =	shalt  }
0x66: {  	_ =	shalt  }
0x67: {  	_ =	shalt  }
0x68: {  	_ =	shalt  }
0x69: {  	_ =	shalt  }
0x6a: {  	_ =	shalt  }
0x6b: {  	_ =	shalt  }
0x6c: {  	_ =	shalt  }
0x6d: {  	_ =	shalt  }
0x6e: {  	_ =	shalt  }
0x6f: {  	_ =	shalt  }
0x70: {  	_ =	shalt  }
0x71: {  	_ =	shalt  }
0x72: {  	_ =	shalt  }
0x73: {  	_ =	shalt  }
0x74: {  	_ =	shalt  }
0x75: {  	_ =	shalt  }
0x76: {  	_ =	shalt  }
0x77: {  	_ =	shalt  }
0x78: {  	_ =	shalt  }
0x79: {  	_ =	shalt  }
0x7a: {  	_ =	shalt  }
0x7b: {  	_ =	shalt  }
0x7c: {  	_ =	shalt  }
0x7d: {  	_ =	shalt  }
0x7e: {  	_ =	shalt  }
0x7f: {  	_ =	shalt  }
0x80: {  	_ =	shalt  }
0x81: {  	_ =	shalt  }
0x82: {  	_ =	shalt  }
0x83: {  	_ =	shalt  }
0x84: {  	_ =	shalt  }
0x85: {  	_ =	shalt  }
0x86: {  	_ =	shalt  }
0x87: {  	_ =	shalt  }
.Lfunc_end0:
.L_simem_size_0:
called_computation_lowered:
.L_overlay_start_0:
0x88: {  	s2 =	sld [smem:$0x3FD9]  }
0x89: {  	s3 =	sld [smem:$0x3FFE];
	_ =	sdelay $0x1  }
0x8a: {  	s1 =	srdreg.scid  }
0x8b: {  	s0 =	sand.u32 $0x1, s1  }
0x8c: {  	s16 =	sshll.u32 s0, $0xA;
	s2 =	sadd.s32 s3, s2  }
0x8d: {  	s2 =	sadd.s32 s2, s16  }
0x8e: {  	[smem:$0x3FB0] =	sst s2  }
0x8f: {  	_ = 	snop  }
0x90: {  	(tm) =	ssettm $0x1  }
0x91: {  	s17 =	sld [smem:$0x3FFB];
	_ =	sdelay $0x3  }
0x92: {  	_ =	strace s17  }
0x93: {  	s2 =	sld [smem:$0x3FFC];
	_ =	sdelay $0x3  }
0x94: {  	_ =	strace s2  }
0x95: {  	s2 =	sld [smem:$0x3FFD];
	_ =	sdelay $0x3  }
0x96: {  	_ =	strace s2  }
0x97: {  	_ =	strace $0x8FFFFFFF  }
0x98: {  	s18 =	sld [smem:$0x3FDB];
	_ =	sdelay $0x1  }
0x99: {  	s19 =	simm.s32 $_scs_section_size  }
0x9a: {  	s4 =	simm.s32 $_size__tile_overlayer_lowered;
	s5 =	simm.s32 $_tile_overlayer_lowered  }
0x9b: {  	s22 =	simm.s32 $0x1BFF;
	s21 =	sshll.u32 s5, $0x1;
	s2 =	sadd.s32 s19, s18  }
0x9c: {  	s6 =	simm.s32 $0x0;
	s20 =	sshll.u32 s4, $0x1;
	s4 =	sadd.s32 s21, s2  }
0x9d: {  	[timem:s6], [sflag:s22] =	dma.local [hbm:s4], s20  }
0x9e: {  	_ =	swait.ge [sflag:s22], s20  }
0x9f: {  	s3 =	ssub.s32 $0x0, s20;
	[sflag:s22] =	ssyncset.done $0x0  }
0xa0: {  	[sflag:s22] =	ssyncadd.s32 s3;
	_ =	sdelay $0x1  }
0xa1: {  	s23 =	simm.s32 $0x1B8B  }
0xa2: {  	_ =	swait.ge [sflag:s23], $0x1  }
0xa3: {  	[sflag:s23] =	ssyncset.done $0x0  }
0xa4: {  	s25 =	simm.s32 $0x1B8E;
	s24 =	sld [smem:$0x3FFE];
	[sflag:s23] =	ssyncadd.s32 $0xFFFFFFFF  }
0xa5: {  	s26 =	simm.s32 $execute0_lowered;
	[smem:$0x3FD2] =	sst s25  }
0xa6: {  	s4 =	sshll.u32 s26, $0x1;
	_ =	strace $0x80000046;
	[dreg:$0x1] =	wrdreg $0xFFFFFFFF  }
0xa7: {  	s28 =	simm.s32 $_size_execute0_lowered;
	s2 =	sadd.s32 s2, s4;
	[dreg:$0x0] =	wrdreg $0x0  }
0xa8: {  	s4 =	sshll.u32 s28, $0x1;
	[dreg:$0x2] =	wrdreg s2  }
0xa9: {  	[dreg:$0x3] =	wrdreg s4  }
0xaa: {  	[dreg:$0x4] =	wrdreg $0xC0  }
0xab: {  	_ =	task [dreg:s6], $0x5FFFF  }
0xac: {  	[dreg:$0x1] =	wrdreg $0xFFFFFFFF  }
0xad: {  	[dreg:$0x0] =	wrdreg $0x60  }
0xae: {  	[dreg:$0x2] =	wrdreg s24  }
0xaf: {  	[dreg:$0x3] =	wrdreg $0xAB800  }
0xb0: {  	[dreg:$0x4] =	wrdreg $0x9  }
0xb1: {  	_ =	task.clear_ibuf [dreg:s6], $0x5FFFF;
	_ =	strace $0x90000046  }
0xb2: {  	s29 =	simm.s32 $0x9;
	_ =	strace $0x80000048  }
0xb3: {  	_ =	swait.ge [sflag:s29], $0x1  }
0xb4: {  	[sflag:s29] =	ssyncadd.s32 $0xFFFFFFFF  }
0xb5: {  	_ =	strace $0x90000048  }
0xb6: {  	_ =	sfence  }
0xb7: {  	s30 =	sld [smem:$0x0];
	_ =	sdelay $0x2  }
0xb8: {  	s31 =	sshll.u32 s1, $0xD;
	s1 =	sshrl.u32 s1, $0x2  }
0xb9: {  	s3 =	sand.u32 $0x4000, s31;
	s1 =	sadd.s32 s1, s30  }
0xba: {  	s0 =	sor.u32 s3, s0;
	s1 =	sshll.u32 s1, $0x11  }
0xbb: {  	s0 =	sor.u32 s1, s0  }
0xbc: {  	s0 =	sadd.s32 $0x8F2B, s0  }
0xbd: {  	[sflag:s0] =	ssyncadd.remote.s32 $0x1  }
0xbe: {  	_ =	sfence.sel $0xFFFF  }
0xbf: {  	[dreg:$0x0] =	wrdreg $0xFFFFFFFF;
	(pc) =	sbr.abs _section_cstart, $3  }
0xc0: {  	[dreg:$0x1] =	wrdreg $0xFFFFFFFF  }
0xc1: {  	_ =	task.clear_ibuf [dreg:s6], $0x2FFFF;
	_ =	strace $0x9FFFFFFF  }
0xc2: {  	(tm) =	ssettm $0x7FFFFFFF  }
0xc3: {  	_ =	shalt  }
tec
execute0_lowered:
.L_overlay_start_1:
0x0: {  	(tag) =	ssettag $0x1  }
0x1: {  	s2 =	rddreg [dreg:$0x0]  }
0x2: {  	s1 =	rddreg [dreg:$0x1];
	s0 =	simm.s32 $0x0;
	s25 =	srdreg.scid  }
0x3: {  	s4 =	stileid.u32;
	s7 =	simm.s32 $0xA;
	s21 =	simm.s32 $0x2880  }
0x4: {  	s22 =	simm.s32 $0x2A00;
	s23 =	simm.s32 $0x8B80;
	s24 =	simm.s32 $0x2  }
0x5: {  	s28 =	simm.s32 $0x4B80;
	s29 =	simm.s32 $0x2980;
	s30 =	simm.s32 $0x0  }
0x6: {  	[smem:$0x7FF] =	sst s0;
	s3 =	sadd.s32 $0x279800, s2;
	s11 =	smul.u32 $0x4F, s4  }
0x7: {  	s9 =	sand.u32 $0x1, s25;
	s5 =	sadd.s32 $0x2C7A00, s2;
	s17 =	smul.u32 $0x50000, s4  }
0x8: {  	s6 =	sadd.s32 $0x274800, s2;
	p0 =	seq.s32 s4, $0xF;
	s19 =	smul.u32 $0x2800, s4  }
0x9: {  	v0 =	vlaneseq.u32;
	s25 =	simm.s32 $0x2B00;
	_ =	strace $0x80000047;
	s8 =	ssub.s32 $0x2, s9  }
0xa: {  	v12 =	vimm.f32 $0.0e+00;
	s0 =	smul.u32 $0x27100, s9;
	s10 =	sshrl.u32 s8, $0x1;
	s12 =	sadd.s32 $0x10, s11;
	v1 =	vadd.s32 s11, v0  }
0xb: {  	v13 =	vimm.s32 $0x2710;
	s13 =	sadd.s32 $0x20, s11;
	s14 =	sadd.s32 $0x30, s11;
	s16 =	sadd.s32 $0x40, s11;
	v2 =	vadd.s32 s12, v0;
	v1 =	vmin.u32 v1, $0x4EF  }
0xc: {  	s7 =	simm.s32 @!p0 $0x10;
	s10 =	ssub.s32 s8, s10;
	s8 =	smul.u32 $0x2710, s4;
	v3 =	vadd.s32 s13, v0;
	v4 =	vadd.s32 s14, v0;
	v11 =	vadd.s32 s16, v0  }
0xd: {  	s15 =	smul.u32 $0x2710, s9;
	s31 =	sshrl.u32 s17, $0x2;
	s17 =	simm.s32 $0x3;
	v6 =	vmov s0;
	v2 =	vmin.u32 v2, $0x4EF;
	v3 =	vmin.u32 v3, $0x4EF  }
0xe: {  	s2 =	sadd.s32 s0, s2;
	s11 =	sadd.s32 s31, s1;
	v4 =	vmin.u32 v4, $0x4EF;
	v11 =	vmin.u32 v11, $0x4EF;
	s26 =	sadd.s32 $0x10, s8;
	v5 =	vor.u32 s8, v0  }
0xf: {  	s16 =	simm.s32 $0x2B80;
	s18 =	sadd.s32 $0x20, s8;
	s20 =	sadd.s32 $0x30, s8;
	v7 =	vmin.u32 v5, $0x270FF;
	v5 =	vmov s15;
	v8 =	vor.u32 s26, v0  }
0x10: {  	s10 =	smax.u32 s10, $0x1;
	s2 =	sadd.s32 s19, s2;
	s19 =	simm.s32 $0x2A80;
	v9 =	vor.u32 s18, v0;
	v10 =	vor.u32 s20, v0;
	v7 =	vadd.s32 s0, v7  }
0x11: {  	s9 =	sadd.s32 $0x40, s8;
	s13 =	sadd.s32 $0x7A9A00, s2;
	s15 =	simm.s32 $0x1;
	v8 =	vmin.u32 v8, $0x270FF;
	v9 =	vmin.u32 v9, $0x270FF;
	v10 =	vmin.u32 v10, $0x270FF  }
0x12: {  	s18 =	simm.s32 $0x40;
	s20 =	simm.s32 $0x6B80;
	s26 =	simm.s32 $0x2900;
	v8 =	vadd.s32 s0, v8;
	v9 =	vadd.s32 s0, v9;
	v10 =	vadd.s32 s0, v10  }
.LBB2_1:
0x13: {  	[tilespmem:$0x0] =	vst v1  }
0x14: {  	[tilespmem:$0x10] =	vst v2  }
0x15: {  	[tilespmem:$0x20] =	vst v3  }
0x16: {  	[tilespmem:$0x30] =	vst v4;
	s0 =	simm.s32 $0x0;
	p0 =	por $0x0, $0x0  }
.Ltmp0:
0x17: {  	[tilespmem:$0x40] =	vst v11;
	s2 =	simm.s32 $0x50;
	s12 =	simm.s32 $0x80;
	(pc) =	sbr.rel @p0 .LBB2_3-.Ltmp0, $4  }
0x18: {  	[tilespmem:s12], [sflag:$0x1] =	stream.indirect.gather [hbm4b:s6+s2], $0x80, s0, s2, $0xb8;
	[tilespmem:$0x1E440] =	vst v63  }
0x19: {  	_ =	swait.ge [sflag:s15], $0x2800  }
0x1a: {  	[sflag:s15] =	ssyncset.done $0x0  }
0x1b: {  	s0 =	simm.s32 $0x0;
	s2 =	simm.s32 $0x200;
	[sflag:s15] =	ssyncadd.s32 $0xFFFFD800  }
.LBB2_2:
0x1c: {  	p0 =	seq.s32 s2, $0x4E00;
	[tilespmem:s0+$0x2BF0] =	vst v12  }
0x1d: {  	[tilespmem:s0+$0x2B80] =	vst v12  }
0x1e: {  	[tilespmem:s0+$0x2B90] =	vst v12  }
.Ltmp1:
0x1f: {  	[tilespmem:s0+$0x2BA0] =	vst v12;
	(pc) =	sbr.rel @!p0 .LBB2_2-.Ltmp1, $4  }
0x20: {  	[tilespmem:s0+$0x2BB0] =	vst v12  }
0x21: {  	[tilespmem:s0+$0x2BC0] =	vst v12  }
0x22: {  	[tilespmem:s0+$0x2BD0] =	vst v12  }
0x23: {  	[tilespmem:s0+$0x2BE0] =	vst v12;
	s0 =	sshra.s32 s2, $0x2;
	s2 =	sadd.s32 $0x200, s2  }
.LBB2_3:
0x24: {  	[tilespmem:s0+$0x2BF0] =	vst v12  }
0x25: {  	[tilespmem:s0+$0x2B80] =	vst v12  }
0x26: {  	[tilespmem:s0+$0x2B90] =	vst v12  }
0x27: {  	[tilespmem:s0+$0x2BA0] =	vst v12  }
0x28: {  	[tilespmem:s0+$0x2BB0] =	vst v12  }
0x29: {  	[tilespmem:s0+$0x2BC0] =	vst v12  }
0x2a: {  	[tilespmem:s0+$0x2BD0] =	vst v12  }
0x2b: {  	[tilespmem:s0+$0x2BE0] =	vst v12;
	s0 =	simm.s32 $0x0;
	s2 =	simm.s32 $0x200  }
.LBB2_4:
0x2c: {  	p0 =	seq.s32 s2, $0x7E00;
	[tilespmem:s0+$0x8BF0] =	vst v12  }
0x2d: {  	[tilespmem:s0+$0x8B80] =	vst v12  }
0x2e: {  	[tilespmem:s0+$0x8B90] =	vst v12  }
.Ltmp2:
0x2f: {  	[tilespmem:s0+$0x8BA0] =	vst v12;
	(pc) =	sbr.rel @!p0 .LBB2_4-.Ltmp2, $4  }
0x30: {  	[tilespmem:s0+$0x8BB0] =	vst v12  }
0x31: {  	[tilespmem:s0+$0x8BC0] =	vst v12  }
0x32: {  	[tilespmem:s0+$0x8BD0] =	vst v12  }
0x33: {  	[tilespmem:s0+$0x8BE0] =	vst v12;
	s0 =	sshra.s32 s2, $0x2;
	s2 =	sadd.s32 $0x200, s2  }
0x34: {  	[tilespmem:s0+$0x8BF0] =	vst v12  }
0x35: {  	[tilespmem:s0+$0x8B80] =	vst v12  }
0x36: {  	[tilespmem:s0+$0x8B90] =	vst v12  }
0x37: {  	[tilespmem:s0+$0x8BA0] =	vst v12  }
0x38: {  	[tilespmem:s0+$0x8BB0] =	vst v12  }
0x39: {  	[tilespmem:s0+$0x8BC0] =	vst v12;
	p0 =	sne.s32 s7, $0x1  }
.Ltmp3:
0x3a: {  	[tilespmem:s0+$0x8BD0] =	vst v12;
	(pc) =	sbr.rel @!p0 .LBB2_7-.Ltmp3, $4  }
0x3b: {  	[tilespmem:s0+$0x8BE0] =	vst v12  }
0x3c: {  	[spmem:s11] =	stream.linear.scatter [tilespmem:s16], [sflag:$0x3], $0x1400, $0x38;
	[tilespmem:$0x1E440] =	vst v63  }
0x3d: {  	_ =	swait.ge [sflag:s17], $0x1400  }
0x3e: {  	s0 =	sadd.s32 $0xFFFFFFFF, s7;
	s2 =	smov.u32 s11;
	[sflag:s17] =	ssyncset.done $0x0  }
.LBB2_6:
0x3f: {  	p1 =	sne.s32 s0, $0x1;
	[sflag:s17] =	ssyncadd.s32 $0xFFFFEC00;
	s2 =	sadd.s32 $0x1400, s2  }
.Ltmp4:
0x40: {  	s0 =	sadd.s32 $0xFFFFFFFF, s0;
	(pc) =	sbr.rel @p1 .LBB2_6-.Ltmp4, $4  }
0x41: {  	_ = 	snop  }
0x42: {  	[spmem:s2] =	stream.linear.scatter [tilespmem:s16], [sflag:$0x3], $0x1400, $0x38;
	[tilespmem:$0x1E440] =	vst v63  }
0x43: {  	_ =	swait.ge [sflag:s17], $0x1400  }
0x44: {  	[sflag:s17] =	ssyncset.done $0x0  }
.LBB2_7:
0x45: {  	[sflag:s17] =	ssyncadd.s32 $0xFFFFEC00  }
0x46: {  	[bflag:$0x0] =	sbarrier.arrive $0xFFFF  }
0x47: {  	v14 =	vld [tilespmem:$0x80]  }
0x48: {  	v15 =	vld [tilespmem:$0x90];
	_ =	sdelay $0x1  }
0x49: {  	v16 =	vld [tilespmem:$0xA0];
	[tilespmem:$0x2A80] =	vst v7  }
0x4a: {  	[tilespmem:$0x2A90] =	vst v8  }
0x4b: {  	[tilespmem:$0x2AA0] =	vst v9  }
0x4c: {  	v63 =	vld [tilespmem:$0xB0];
	[tilespmem:$0x2AB0] =	vst v10;
	v17 =	vshrl.u32 v14, $0x10;
	v14 =	vand.u32 $0xFFFF, v14;
	v62 =	vshrl.u32 v15, $0x10  }
0x4d: {  	[tilespmem:$0x2980] =	vst v14;
	v14 =	vadd.s32 v5, v62  }
0x4e: {  	[tilespmem:$0x2890] =	vst v14;
	v14 =	vand.u32 $0xFFFF, v15;
	v15 =	vshrl.u32 v16, $0x10  }
0x4f: {  	[tilespmem:$0x2990] =	vst v14;
	v14 =	vadd.s32 v5, v15  }
0x50: {  	[tilespmem:$0x28A0] =	vst v14;
	v14 =	vand.u32 $0xFFFF, v16  }
0x51: {  	v17 =	vadd.s32 v5, v17;
	[tilespmem:$0x29A0] =	vst v14;
	v14 =	vshrl.u32 v63, $0x10  }
0x52: {  	[tilespmem:$0x2880] =	vst v17;
	v14 =	vadd.s32 v5, v14  }
0x53: {  	[tilespmem:$0x28B0] =	vst v14;
	v14 =	vand.u32 $0xFFFF, v63  }
0x54: {  	[tilespmem:$0x29B0] =	vst v14  }
0x55: {  	[tilespmem:s20], [sflag:$0x1] =	stream.indirect.gather [hbm4b:s5+s18], $0x80, s19, s18, $0xb8;
	[tilespmem:$0x1E440] =	vst v63  }
0x56: {  	_ = 	snop  }
0x57: {  	[tilespmem:s16], [sflag:$0x1] =	stream.indirect.gather [hbm4b:s3+s18], $0x80, s21, s18, $0xb8;
	[tilespmem:$0x1E440] =	vst v63  }
0x58: {  	[tilespmem:$0x2A00] =	vst v13  }
0x59: {  	[tilespmem:$0x2A10] =	vst v13  }
0x5a: {  	[tilespmem:$0x2A20] =	vst v13  }
0x5b: {  	s31 =	simm.s32 $0x0;
	[tilespmem:$0x2A30] =	vst v13  }
0x5c: {  	[spmem:s1] =	stream.indirect.scatter.add.f32 [tilespmem:s23], [sflag:$0x2], $0x80, s22, s18, $0xb8;
	[tilespmem:$0x1E440] =	vst v63  }
.LBB2_8:
0x5d: {  	_ =	swait.ge [sflag:s15], $0x2000  }
0x5e: {  	[sflag:s15] =	ssyncset.done $0x0  }
0x5f: {  	[sflag:s15] =	ssyncadd.s32 $0xFFFFE000  }
0x60: {  	_ =	swait.ge [sflag:s15], $0x2000  }
0x61: {  	[sflag:s15] =	ssyncset.done $0x0  }
0x62: {  	[sflag:s15] =	ssyncadd.s32 $0xFFFFE000  }
0x63: {  	_ =	swait.ge [sflag:s24], $0x2000  }
0x64: {  	s0 =	sshll.u32 s31, $0x7;
	[sflag:s24] =	ssyncset.done $0x0  }
0x65: {  	s2 =	sand.u32 $0x3FFFFF80, s0;
	[sflag:s24] =	ssyncadd.s32 $0xFFFFE000  }
0x66: {  	v14 =	vld [tilespmem:s2+$0xC0];
	_ =	sdelay $0x4  }
0x67: {  	s0 =	sadd.s32 s0, s9;
	v15 =	vshrl.u32 v14, $0x10  }
0x68: {  	v16 =	vor.u32 s0, v0;
	v15 =	vadd.s32 v5, v15  }
0x69: {  	v14 =	vand.u32 $0xFFFF, v14;
	[tilespmem:$0x2900] =	vst v15;
	v15 =	vmin.u32 v16, $0x270FF  }
0x6a: {  	[tilespmem:$0x2A00] =	vst v14;
	v14 =	vadd.s32 v6, v15  }
0x6b: {  	[tilespmem:$0x2B00] =	vst v14  }
0x6c: {  	v14 =	vld [tilespmem:s2+$0xD0];
	_ =	sdelay $0x4  }
0x6d: {  	s12 =	sadd.s32 $0x10, s0;
	v15 =	vshrl.u32 v14, $0x10  }
0x6e: {  	v16 =	vor.u32 s12, v0;
	v15 =	vadd.s32 v5, v15  }
0x6f: {  	v14 =	vand.u32 $0xFFFF, v14;
	[tilespmem:$0x2910] =	vst v15;
	v15 =	vmin.u32 v16, $0x270FF  }
0x70: {  	[tilespmem:$0x2A10] =	vst v14;
	v14 =	vadd.s32 v6, v15  }
0x71: {  	[tilespmem:$0x2B10] =	vst v14  }
0x72: {  	v14 =	vld [tilespmem:s2+$0xE0];
	_ =	sdelay $0x4  }
0x73: {  	s14 =	sadd.s32 $0x20, s0;
	v15 =	vshrl.u32 v14, $0x10  }
0x74: {  	v16 =	vor.u32 s14, v0;
	v15 =	vadd.s32 v5, v15  }
0x75: {  	v14 =	vand.u32 $0xFFFF, v14;
	[tilespmem:$0x2920] =	vst v15;
	v15 =	vmin.u32 v16, $0x270FF  }
0x76: {  	[tilespmem:$0x2A20] =	vst v14;
	v14 =	vadd.s32 v6, v15  }
0x77: {  	[tilespmem:$0x2B20] =	vst v14  }
0x78: {  	v14 =	vld [tilespmem:s2+$0xF0];
	_ =	sdelay $0x4  }
0x79: {  	s0 =	sadd.s32 $0x30, s0;
	v15 =	vshrl.u32 v14, $0x10  }
0x7a: {  	v16 =	vor.u32 s0, v0;
	v15 =	vadd.s32 v5, v15  }
0x7b: {  	v14 =	vand.u32 $0xFFFF, v14;
	[tilespmem:$0x2930] =	vst v15;
	v15 =	vmin.u32 v16, $0x270FF  }
0x7c: {  	[tilespmem:$0x2A30] =	vst v14;
	v14 =	vadd.s32 v6, v15  }
0x7d: {  	[tilespmem:$0x2B30] =	vst v14  }
0x7e: {  	[tilespmem:s23], [sflag:$0x1] =	stream.indirect.gather [hbm4b:s5+s18], $0x80, s25, s18, $0xb8;
	[tilespmem:$0x1E440] =	vst v63  }
0x7f: {  	s0 =	simm.s32 $0x0  }
0x80: {  	[tilespmem:s28], [sflag:$0x1] =	stream.indirect.gather [hbm4b:s3+s18], $0x80, s26, s18, $0xb8;
	[tilespmem:$0x1E440] =	vst v63  }
0x81: {  	v20 =	vld [tilespmem:s0+$0x6B80]  }
0x82: {  	v25 =	vld [tilespmem:s0+$0x6B90]  }
0x83: {  	v19 =	vld [tilespmem:s0+$0x6BA0]  }
0x84: {  	v18 =	vld [tilespmem:s0+$0x6BB0]  }
0x85: {  	v17 =	vld [tilespmem:s0+$0x6BC0]  }
0x86: {  	v16 =	vld [tilespmem:s0+$0x6BD0]  }
0x87: {  	v15 =	vld [tilespmem:s0+$0x6BE0]  }
0x88: {  	v14 =	vld [tilespmem:s0+$0x6BF0]  }
0x89: {  	v26 =	vld [tilespmem:s0+$0x2B80]  }
0x8a: {  	v27 =	vld [tilespmem:s0+$0x2B90]  }
0x8b: {  	v24 =	vld [tilespmem:s0+$0x2BA0]  }
0x8c: {  	v23 =	vld [tilespmem:s0+$0x2BB0]  }
0x8d: {  	v22 =	vld [tilespmem:s0+$0x2BC0]  }
0x8e: {  	v21 =	vld [tilespmem:s0+$0x2BD0];
	v26 =	vadd.f32 v20, v26  }
0x8f: {  	s2 =	simm.s32 $0x200;
	v25 =	vadd.f32 v25, v27;
	v20 =	vld [tilespmem:s0+$0x2BE0]  }
.LBB2_9:
0x90: {  	s12 =	sshra.s32 s2, $0x2;
	p1 =	sne.s32 s2, $0x7E00;
	v26 =	vmax.f32 v26, $0.0e+00;
	v19 =	vadd.f32 v19, v24;
	v24 =	vld [tilespmem:s0+$0x2BF0]  }
0x91: {  	v27 =	vld [tilespmem:s12+$0x6B80];
	[tilespmem:s0+$0x2B80] =	vst v26;
	v25 =	vmax.f32 v25, $0.0e+00;
	v18 =	vadd.f32 v18, v23  }
0x92: {  	v28 =	vld [tilespmem:s12+$0x6B90];
	[tilespmem:s0+$0x2B90] =	vst v25;
	v23 =	vmax.f32 v19, $0.0e+00;
	v17 =	vadd.f32 v17, v22  }
0x93: {  	v19 =	vld [tilespmem:s12+$0x6BA0];
	[tilespmem:s0+$0x2BA0] =	vst v23;
	v22 =	vmax.f32 v18, $0.0e+00;
	v16 =	vadd.f32 v16, v21  }
0x94: {  	v18 =	vld [tilespmem:s12+$0x6BB0];
	[tilespmem:s0+$0x2BB0] =	vst v22;
	v21 =	vmax.f32 v17, $0.0e+00;
	v15 =	vadd.f32 v15, v20  }
0x95: {  	v17 =	vld [tilespmem:s12+$0x6BC0];
	[tilespmem:s0+$0x2BC0] =	vst v21;
	v20 =	vmax.f32 v16, $0.0e+00;
	v14 =	vadd.f32 v14, v24  }
0x96: {  	v16 =	vld [tilespmem:s12+$0x6BD0];
	[tilespmem:s0+$0x2BD0] =	vst v20;
	v20 =	vmax.f32 v15, $0.0e+00  }
0x97: {  	v15 =	vld [tilespmem:s12+$0x6BE0];
	[tilespmem:s0+$0x2BE0] =	vst v20;
	v20 =	vmax.f32 v14, $0.0e+00  }
0x98: {  	v14 =	vld [tilespmem:s12+$0x6BF0];
	[tilespmem:s0+$0x2BF0] =	vst v20;
	s0 =	smov.u32 s12  }
0x99: {  	v20 =	vld [tilespmem:s0+$0x2B80]  }
0x9a: {  	v25 =	vld [tilespmem:s0+$0x2B90]  }
.Ltmp5:
0x9b: {  	v24 =	vld [tilespmem:s0+$0x2BA0];
	(pc) =	sbr.rel @p1 .LBB2_9-.Ltmp5, $4  }
0x9c: {  	v23 =	vld [tilespmem:s0+$0x2BB0]  }
0x9d: {  	v22 =	vld [tilespmem:s0+$0x2BC0]  }
0x9e: {  	v26 =	vadd.f32 v27, v20;
	v21 =	vld [tilespmem:s0+$0x2BD0]  }
0x9f: {  	s2 =	sadd.s32 $0x200, s2;
	v25 =	vadd.f32 v28, v25;
	v20 =	vld [tilespmem:s0+$0x2BE0]  }
0xa0: {  	v26 =	vmax.f32 v26, $0.0e+00;
	v19 =	vadd.f32 v19, v24;
	v24 =	vld [tilespmem:s0+$0x2BF0]  }
0xa1: {  	[tilespmem:s0+$0x2B80] =	vst v26;
	v25 =	vmax.f32 v25, $0.0e+00;
	v18 =	vadd.f32 v18, v23  }
0xa2: {  	[tilespmem:s0+$0x2B90] =	vst v25;
	v19 =	vmax.f32 v19, $0.0e+00;
	v17 =	vadd.f32 v17, v22  }
0xa3: {  	[tilespmem:s0+$0x2BA0] =	vst v19;
	v18 =	vmax.f32 v18, $0.0e+00;
	v16 =	vadd.f32 v16, v21  }
0xa4: {  	[tilespmem:s0+$0x2BB0] =	vst v18;
	v17 =	vmax.f32 v17, $0.0e+00;
	v15 =	vadd.f32 v15, v20  }
0xa5: {  	[tilespmem:s0+$0x2BC0] =	vst v17;
	v16 =	vmax.f32 v16, $0.0e+00;
	v14 =	vadd.f32 v14, v24  }
0xa6: {  	[tilespmem:s0+$0x2BD0] =	vst v16;
	v15 =	vmax.f32 v15, $0.0e+00  }
0xa7: {  	[tilespmem:s0+$0x2BE0] =	vst v15;
	v14 =	vmax.f32 v14, $0.0e+00  }
0xa8: {  	[tilespmem:s0+$0x2BF0] =	vst v14  }
0xa9: {  	[spmem:s1] =	stream.indirect.scatter.add.f32 [tilespmem:s16], [sflag:$0x2], $0x80, s29, s18, $0xb8;
	[tilespmem:$0x1E440] =	vst v63  }
0xaa: {  	_ =	swait.ge [sflag:s15], $0x2000  }
0xab: {  	[sflag:s15] =	ssyncset.done $0x0  }
0xac: {  	[sflag:s15] =	ssyncadd.s32 $0xFFFFE000  }
0xad: {  	_ =	swait.ge [sflag:s15], $0x2000  }
0xae: {  	s12 =	sshll.u32 s31, $0x1;
	[sflag:s15] =	ssyncset.done $0x0  }
0xaf: {  	s0 =	sadd.s32 $0x2, s12;
	[sflag:s15] =	ssyncadd.s32 $0xFFFFE000  }
0xb0: {  	s2 =	sshrl.u32 s0, $0x1;
	_ =	swait.ge [sflag:s24], $0x2000  }
0xb1: {  	s2 =	smin.u32 s2, $0x4E;
	[sflag:s24] =	ssyncset.done $0x0  }
0xb2: {  	s2 =	sshll.u32 s2, $0x7;
	[sflag:s24] =	ssyncadd.s32 $0xFFFFE000  }
0xb3: {  	v14 =	vld [tilespmem:s2+$0x80];
	_ =	sdelay $0x3  }
0xb4: {  	s0 =	sshll.u32 s0, $0x6  }
0xb5: {  	s0 =	sadd.s32 s8, s0;
	v15 =	vshrl.u32 v14, $0x10  }
0xb6: {  	v16 =	vor.u32 s0, v0;
	v15 =	vadd.s32 v5, v15  }
0xb7: {  	v14 =	vand.u32 $0xFFFF, v14;
	[tilespmem:$0x2880] =	vst v15;
	v15 =	vmin.u32 v16, $0x270FF  }
0xb8: {  	[tilespmem:$0x2980] =	vst v14;
	v14 =	vadd.s32 v6, v15  }
0xb9: {  	[tilespmem:$0x2A80] =	vst v14  }
0xba: {  	v14 =	vld [tilespmem:s2+$0x90];
	_ =	sdelay $0x4  }
0xbb: {  	s12 =	sadd.s32 $0x10, s0;
	v15 =	vshrl.u32 v14, $0x10  }
0xbc: {  	v16 =	vor.u32 s12, v0;
	v15 =	vadd.s32 v5, v15  }
0xbd: {  	v14 =	vand.u32 $0xFFFF, v14;
	[tilespmem:$0x2890] =	vst v15;
	v15 =	vmin.u32 v16, $0x270FF  }
0xbe: {  	[tilespmem:$0x2990] =	vst v14;
	v14 =	vadd.s32 v6, v15  }
0xbf: {  	[tilespmem:$0x2A90] =	vst v14  }
0xc0: {  	v14 =	vld [tilespmem:s2+$0xA0];
	_ =	sdelay $0x4  }
0xc1: {  	s14 =	sadd.s32 $0x20, s0;
	v15 =	vshrl.u32 v14, $0x10  }
0xc2: {  	v16 =	vor.u32 s14, v0;
	v15 =	vadd.s32 v5, v15  }
0xc3: {  	v14 =	vand.u32 $0xFFFF, v14;
	[tilespmem:$0x28A0] =	vst v15;
	v15 =	vmin.u32 v16, $0x270FF  }
0xc4: {  	[tilespmem:$0x29A0] =	vst v14;
	v14 =	vadd.s32 v6, v15  }
0xc5: {  	[tilespmem:$0x2AA0] =	vst v14  }
0xc6: {  	v14 =	vld [tilespmem:s2+$0xB0];
	_ =	sdelay $0x4  }
0xc7: {  	s0 =	sadd.s32 $0x30, s0;
	v15 =	vshrl.u32 v14, $0x10  }
0xc8: {  	v16 =	vor.u32 s0, v0;
	v15 =	vadd.s32 v5, v15  }
0xc9: {  	v14 =	vand.u32 $0xFFFF, v14;
	[tilespmem:$0x28B0] =	vst v15;
	v15 =	vmin.u32 v16, $0x270FF  }
0xca: {  	[tilespmem:$0x29B0] =	vst v14;
	v14 =	vadd.s32 v6, v15  }
0xcb: {  	[tilespmem:$0x2AB0] =	vst v14  }
0xcc: {  	[tilespmem:s20], [sflag:$0x1] =	stream.indirect.gather [hbm4b:s5+s18], $0x80, s19, s18, $0xb8;
	[tilespmem:$0x1E440] =	vst v63  }
0xcd: {  	s0 =	simm.s32 $0x0  }
0xce: {  	[tilespmem:s16], [sflag:$0x1] =	stream.indirect.gather [hbm4b:s3+s18], $0x80, s21, s18, $0xb8;
	[tilespmem:$0x1E440] =	vst v63  }
0xcf: {  	v20 =	vld [tilespmem:s0+$0x8B80]  }
0xd0: {  	v25 =	vld [tilespmem:s0+$0x8B90]  }
0xd1: {  	v19 =	vld [tilespmem:s0+$0x8BA0]  }
0xd2: {  	v18 =	vld [tilespmem:s0+$0x8BB0]  }
0xd3: {  	v17 =	vld [tilespmem:s0+$0x8BC0]  }
0xd4: {  	v16 =	vld [tilespmem:s0+$0x8BD0]  }
0xd5: {  	v15 =	vld [tilespmem:s0+$0x8BE0]  }
0xd6: {  	v14 =	vld [tilespmem:s0+$0x8BF0]  }
0xd7: {  	v26 =	vld [tilespmem:s0+$0x4B80]  }
0xd8: {  	v27 =	vld [tilespmem:s0+$0x4B90]  }
0xd9: {  	v24 =	vld [tilespmem:s0+$0x4BA0]  }
0xda: {  	v23 =	vld [tilespmem:s0+$0x4BB0]  }
0xdb: {  	v22 =	vld [tilespmem:s0+$0x4BC0]  }
0xdc: {  	v21 =	vld [tilespmem:s0+$0x4BD0];
	v26 =	vadd.f32 v20, v26  }
0xdd: {  	s2 =	simm.s32 $0x200;
	v25 =	vadd.f32 v25, v27;
	v20 =	vld [tilespmem:s0+$0x4BE0]  }
.LBB2_11:
0xde: {  	s12 =	sshra.s32 s2, $0x2;
	p1 =	sne.s32 s2, $0x7E00;
	v26 =	vmax.f32 v26, $0.0e+00;
	v19 =	vadd.f32 v19, v24;
	v24 =	vld [tilespmem:s0+$0x4BF0]  }
0xdf: {  	v27 =	vld [tilespmem:s12+$0x8B80];
	[tilespmem:s0+$0x4B80] =	vst v26;
	v25 =	vmax.f32 v25, $0.0e+00;
	v18 =	vadd.f32 v18, v23  }
0xe0: {  	v28 =	vld [tilespmem:s12+$0x8B90];
	[tilespmem:s0+$0x4B90] =	vst v25;
	v23 =	vmax.f32 v19, $0.0e+00;
	v17 =	vadd.f32 v17, v22  }
0xe1: {  	v19 =	vld [tilespmem:s12+$0x8BA0];
	[tilespmem:s0+$0x4BA0] =	vst v23;
	v22 =	vmax.f32 v18, $0.0e+00;
	v16 =	vadd.f32 v16, v21  }
0xe2: {  	v18 =	vld [tilespmem:s12+$0x8BB0];
	[tilespmem:s0+$0x4BB0] =	vst v22;
	v21 =	vmax.f32 v17, $0.0e+00;
	v15 =	vadd.f32 v15, v20  }
0xe3: {  	v17 =	vld [tilespmem:s12+$0x8BC0];
	[tilespmem:s0+$0x4BC0] =	vst v21;
	v20 =	vmax.f32 v16, $0.0e+00;
	v14 =	vadd.f32 v14, v24  }
0xe4: {  	v16 =	vld [tilespmem:s12+$0x8BD0];
	[tilespmem:s0+$0x4BD0] =	vst v20;
	v20 =	vmax.f32 v15, $0.0e+00  }
0xe5: {  	v15 =	vld [tilespmem:s12+$0x8BE0];
	[tilespmem:s0+$0x4BE0] =	vst v20;
	v20 =	vmax.f32 v14, $0.0e+00  }
0xe6: {  	v14 =	vld [tilespmem:s12+$0x8BF0];
	[tilespmem:s0+$0x4BF0] =	vst v20;
	s0 =	smov.u32 s12  }
0xe7: {  	v20 =	vld [tilespmem:s0+$0x4B80]  }
0xe8: {  	v25 =	vld [tilespmem:s0+$0x4B90]  }
.Ltmp6:
0xe9: {  	v24 =	vld [tilespmem:s0+$0x4BA0];
	(pc) =	sbr.rel @p1 .LBB2_11-.Ltmp6, $4  }
0xea: {  	v23 =	vld [tilespmem:s0+$0x4BB0]  }
0xeb: {  	v22 =	vld [tilespmem:s0+$0x4BC0]  }
0xec: {  	v26 =	vadd.f32 v27, v20;
	v21 =	vld [tilespmem:s0+$0x4BD0]  }
0xed: {  	s2 =	sadd.s32 $0x200, s2;
	v25 =	vadd.f32 v28, v25;
	v20 =	vld [tilespmem:s0+$0x4BE0]  }
0xee: {  	v26 =	vmax.f32 v26, $0.0e+00;
	v19 =	vadd.f32 v19, v24;
	v63 =	vld [tilespmem:s0+$0x4BF0]  }
0xef: {  	[tilespmem:s0+$0x4B80] =	vst v26;
	v25 =	vmax.f32 v25, $0.0e+00;
	v18 =	vadd.f32 v18, v23  }
0xf0: {  	[tilespmem:s0+$0x4B90] =	vst v25;
	v19 =	vmax.f32 v19, $0.0e+00;
	v17 =	vadd.f32 v17, v22  }
0xf1: {  	s31 =	sadd.s32 $0x1, s31;
	[tilespmem:s0+$0x4BA0] =	vst v19;
	v18 =	vmax.f32 v18, $0.0e+00;
	v16 =	vadd.f32 v16, v21  }
0xf2: {  	p1 =	sne.s32 s31, $0x4F;
	[tilespmem:s0+$0x4BB0] =	vst v18;
	v17 =	vmax.f32 v17, $0.0e+00;
	v15 =	vadd.f32 v15, v20  }
.Ltmp7:
0xf3: {  	[tilespmem:s0+$0x4BC0] =	vst v17;
	v16 =	vmax.f32 v16, $0.0e+00;
	v14 =	vadd.f32 v14, v63;
	(pc) =	sbr.rel @p1 .LBB2_8-.Ltmp7, $4  }
0xf4: {  	[tilespmem:s0+$0x4BD0] =	vst v16;
	v15 =	vmax.f32 v15, $0.0e+00  }
0xf5: {  	[tilespmem:s0+$0x4BE0] =	vst v15;
	v14 =	vmax.f32 v14, $0.0e+00  }
0xf6: {  	[tilespmem:s0+$0x4BF0] =	vst v14  }
0xf7: {  	[spmem:s1] =	stream.indirect.scatter.add.f32 [tilespmem:s28], [sflag:$0x2], $0x80, s22, s18, $0xb8;
	[tilespmem:$0x1E440] =	vst v63  }
0xf8: {  	_ =	swait.ge [sflag:s15], $0x2000  }
0xf9: {  	[sflag:s15] =	ssyncset.done $0x0  }
0xfa: {  	[sflag:s15] =	ssyncadd.s32 $0xFFFFE000  }
0xfb: {  	_ =	swait.ge [sflag:s15], $0x2000  }
0xfc: {  	[sflag:s15] =	ssyncset.done $0x0  }
0xfd: {  	[sflag:s15] =	ssyncadd.s32 $0xFFFFE000  }
0xfe: {  	_ =	swait.ge [sflag:s24], $0x2000  }
.Ltmp8:
0xff: {  	[sflag:s24] =	ssyncset.done $0x0;
	(pc) =	sbr.rel @!p0 .LBB2_15-.Ltmp8, $4  }
0x100: {  	s0 =	sshll.u32 s4, $0x6;
	s2 =	sshrl.u32 s11, $0x3;
	[sflag:s24] =	ssyncadd.s32 $0xFFFFE000  }
0x101: {  	s31 =	sadd.s32 $0x1400, s11;
	s0 =	sor.u32 $0x1C03, s0;
	[bflag:$0x0] =	sbarrier.arrive $0xFFFF  }
0x102: {  	[hbm:s13], [sflag:s0] =	dma.local [spmem:s2], $0x280  }
0x103: {  	s12 =	smov.u32 s13;
	s2 =	sadd.s32 $0xFFFFFFFF, s7;
	_ =	swait.ge [sflag:s17], $0x280  }
.LBB2_14:
0x104: {  	[sflag:s17] =	ssyncset.done $0x0;
	s12 =	sadd.s32 $0x280, s12;
	p0 =	sne.s32 s2, $0x1  }
.Ltmp9:
0x105: {  	s14 =	sshrl.u32 s31, $0x3;
	[sflag:s17] =	ssyncadd.s32 $0xFFFFFD80;
	(pc) =	sbr.rel @p0 .LBB2_14-.Ltmp9, $3  }
0x106: {  	[hbm:s12], [sflag:s0] =	dma.local [spmem:s14], $0x280  }
0x107: {  	s2 =	sadd.s32 $0xFFFFFFFF, s2;
	_ =	sdelay $0x1  }
0x108: {  	s31 =	sadd.s32 $0x1400, s31;
	_ =	swait.ge [sflag:s17], $0x280  }
.LBB2_15:
0x109: {  	s30 =	sadd.s32 $0x1, s30  }
0x10a: {  	p0 =	sne.s32 s30, s10  }
.Ltmp10:
0x10b: {  	_ = 	snop;
	(pc) =	sbr.rel @p0 .LBB2_1-.Ltmp10, $3  }
0x10c: {  	_ =	sdelay $0x1  }
0x10d: {  	[sflag:s17] =	ssyncset.done $0x0  }
0x10e: {  	[sflag:s17] =	ssyncadd.s32 $0xFFFFFD80  }
0x10f: {  	_ =	sfence.sel $0x180000  }
0x110: {  	[bflag:$0x0] =	sbarrier.arrive $0xFFFF  }
0x111: {  	_ =	strace $0x90000047  }
0x112: {  	[bflag:$0x2] =	sbarrier.arrive $0xFFFF  }
0x113: {  	p0 =	sne.s32 s4, $0x0;
	s0 =	rddreg [dreg:$0x2]  }
0x114: {  	s0 =	sadd.s32 @!p0 $0x100000, s0  }
0x115: {  	[sflag:s0] =	ssyncadd.tile.s32 @!p0 $0x1;
	_ =	shalt  }
.Lfunc_end2:
_tile_overlayer_lowered:
.L_overlay_start_2:
0x116: {  	(tag) =	ssettag $0x2  }
0x117: {  	s0 =	rddreg [dreg:$0x0];
	s2 =	stileid.u32  }
0x118: {  	s1 =	rddreg [dreg:$0x1];
	p0 =	sne.s32 s2, $0x0  }
0x119: {  	s3 =	rddreg [dreg:$0x2];
	[bflag:$0x3] =	sbarrier.arrive $0xFFFF;
	s2 =	simm.s32 @!p0 $0x1C03  }
0x11a: {  	[timem:s3], [sflag:s2] =	dma.local @!p0 [hbm:s0], s1  }
0x11b: {  	s0 =	simm.s32 @!p0 $0x3  }
0x11c: {  	_ =	swait.ge @!p0 [sflag:s0], s1  }
0x11d: {  	s1 =	ssub.s32 @!p0 $0x0, s1;
	[sflag:s0] =	ssyncset.done @!p0 $0x0  }
0x11e: {  	[sflag:s0] =	ssyncadd.s32 @!p0 s1  }
0x11f: {  	[bflag:$0x3] =	sbarrier.arrive $0xFFFF  }
0x120: {  	_ =	shalt  }

// kernel: kernel.13.cloned.1.call-start
scs
__scs_entry_jumppad:
0x0: {  	(pc) =	sbr.rel $0x88, $3  }
0x1: {  	(tag) =	ssettag $0x0;
	lr =	simm.s32 $0x1  }
0x2: {  	[smem:$0x3F89] =	sst lr;
	_ =	strace $0xD0000000  }
0x3: {  	_ = 	snop  }
0x4: {  	_ = 	snop  }
0x5: {  	_ = 	snop  }
0x6: {  	_ = 	snop  }
0x7: {  	_ = 	snop  }
__scs_overlays_trampoline_lowered:
0x8: {  	[smem:$0x3F98] =	sst s0  }
0x9: {  	[smem:$0x3F99] =	sst s1  }
0xa: {  	[smem:$0x3F9A] =	sst s2  }
0xb: {  	[smem:$0x3F9B] =	sst s3  }
0xc: {  	[smem:$0x3F9C] =	sst s4  }
0xd: {  	[smem:$0x3F9D] =	sst s5  }
0xe: {  	[smem:$0x3F9E] =	sst s6  }
0xf: {  	[smem:$0x3F9F] =	sst s7  }
0x10: {  	[smem:$0x3FA0] =	sst s8  }
0x11: {  	[smem:$0x3FA1] =	sst s9;
	s0 =	simm.s32 @!p0 $0x0  }
0x12: {  	s1 =	sld [smem:$0x3F87];
	s0 =	simm.s32 @p0 $0x1  }
0x13: {  	[smem:$0x3FA2] =	sst s0;
	s0 =	simm.s32 @!p1 $0x0  }
0x14: {  	s2 =	sld [smem:$0x3F86];
	s0 =	simm.s32 @p1 $0x1  }
0x15: {  	[smem:$0x3FA3] =	sst s0;
	s0 =	simm.s32 @!p2 $0x0  }
0x16: {  	s3 =	sld [smem:$0x3FDB];
	s0 =	simm.s32 @p2 $0x1  }
0x17: {  	s4 =	simm.s32 $0x1BF5;
	[smem:$0x3FA5] =	sst s0  }
0x18: {  	s0 =	sld [smem:$0x3F88];
	_ =	swait.ge [sflag:s4], $0x0  }
0x19: {  	s7 =	sld [smem:$0x3F89]  }
0x1a: {  	s8 =	sadd.s32 $0xFFFFE003, lr  }
0x1b: {  	s9 =	sadd.s32 $0xFFFFFEF7, lr;
	s5 =	simm.s32 $0xFFFFFFFF;
	p2 =	slt.u32 s8, $0xFFFFF086  }
0x1c: {  	p1 =	slt.u32 s9, $0xF7A;
	s5 =	simm.s32 @!p2 $0x0  }
0x1d: {  	s5 =	simm.s32 @p1 $0x1;
	p0 =	seq.s32 s7, s2  }
0x1e: {  	s7 =	smul.u32 @!p0 $0xF7A, s2;
	p2 =	seq.s32 @!p0 s5, $0x0  }
0x1f: {  	s9 =	smul.u32 $0xF7A, s1;
	s8 =	simm.s32 @!p0 $0x1BF5;
	p2 =	por !p2, p0  }
0x20: {  	[sflag:s8] =	ssyncset.s32 @!p0 $0xFFFFF086;
	s6 =	sadd.s32 @!p0 s3, s7;
	s7 =	simm.s32 @!p0 $0x108  }
0x21: {  	s3 =	sadd.s32 s3, s9;
	s6 =	sadd.s32 @!p0 $0x88, s6;
	s7 =	simm.s32 @p2 $0x1082  }
0x22: {  	[simem:s7], [sflag:s8] =	dma.local @!p0 [hbm:s6], $0xF7A  }
0x23: {  	s9 =	sor.u32 $0xD0000000, s2;
	s6 =	simm.s32 $0x108;
	_ =	swait.ge @!p0 [sflag:s8], $0x0  }
0x24: {  	s3 =	sadd.s32 $0x88, s3;
	s6 =	simm.s32 @!p1 $0x1082;
	[sflag:s4] =	ssyncset.s32 $0xFFFFF086  }
0x25: {  	[simem:s6], [sflag:s4] =	dma.local [hbm:s3], $0xF7A  }
0x26: {  	[smem:$0x3F89] =	sst s1;
	(tag) =	ssettag s2;
	_ =	strace s9  }
0x27: {  	s1 =	sld [smem:$0x3F99]  }
0x28: {  	s2 =	sld [smem:$0x3F9A]  }
0x29: {  	s4 =	sld [smem:$0x3F9C]  }
0x2a: {  	p0 =	seq.s32 s5, $0x0;
	s5 =	sld [smem:$0x3F9D]  }
0x2b: {  	s6 =	sld [smem:$0x3F9E]  }
0x2c: {  	s7 =	sld [smem:$0x3F9F]  }
0x2d: {  	s3 =	simm.s32 $0x108;
	s8 =	sld [smem:$0x3FA0]  }
0x2e: {  	s3 =	simm.s32 @!p0 $0x1082;
	s9 =	sld [smem:$0x3FA1]  }
0x2f: {  	lr =	sadd.s32 s0, s3;
	s0 =	sld [smem:$0x3F98]  }
0x30: {  	s3 =	sld [smem:$0x3F9B]  }
0x31: {  	[smem:$0x3FA4] =	sst s10  }
0x32: {  	s10 =	sld [smem:$0x3FA2];
	_ =	sdelay $0x3  }
0x33: {  	p0 =	seq.s32 s10, $0x1;
	s10 =	sld [smem:$0x3FA4];
	_ =	sdelay $0x3  }
0x34: {  	[smem:$0x3FA4] =	sst s10  }
0x35: {  	s10 =	sld [smem:$0x3FA3];
	_ =	sdelay $0x3  }
0x36: {  	p1 =	seq.s32 s10, $0x1;
	s10 =	sld [smem:$0x3FA4];
	_ =	sdelay $0x3  }
0x37: {  	[smem:$0x3FA4] =	sst s10  }
0x38: {  	s10 =	sld [smem:$0x3FA5]  }
0x39: {  	_ = 	snop;
	(pc) =	sbr.ind lr, $3  }
0x3a: {  	_ = 	snop  }
0x3b: {  	_ = 	snop  }
0x3c: {  	p2 =	seq.s32 s10, $0x1;
	s10 =	sld [smem:$0x3FA4]  }
0x3d: {  	_ =	shalt  }
0x3e: {  	_ =	shalt  }
0x3f: {  	_ =	shalt  }
0x40: {  	_ =	shalt  }
0x41: {  	_ =	shalt  }
0x42: {  	_ =	shalt  }
0x43: {  	_ =	shalt  }
0x44: {  	_ =	shalt  }
0x45: {  	_ =	shalt  }
0x46: {  	_ =	shalt  }
0x47: {  	_ =	shalt  }
0x48: {  	_ =	shalt  }
0x49: {  	_ =	shalt  }
0x4a: {  	_ =	shalt  }
0x4b: {  	_ =	shalt  }
0x4c: {  	_ =	shalt  }
0x4d: {  	_ =	shalt  }
0x4e: {  	_ =	shalt  }
0x4f: {  	_ =	shalt  }
0x50: {  	_ =	shalt  }
0x51: {  	_ =	shalt  }
0x52: {  	_ =	shalt  }
0x53: {  	_ =	shalt  }
0x54: {  	_ =	shalt  }
0x55: {  	_ =	shalt  }
0x56: {  	_ =	shalt  }
0x57: {  	_ =	shalt  }
0x58: {  	_ =	shalt  }
0x59: {  	_ =	shalt  }
0x5a: {  	_ =	shalt  }
0x5b: {  	_ =	shalt  }
0x5c: {  	_ =	shalt  }
0x5d: {  	_ =	shalt  }
0x5e: {  	_ =	shalt  }
0x5f: {  	_ =	shalt  }
0x60: {  	_ =	shalt  }
0x61: {  	_ =	shalt  }
0x62: {  	_ =	shalt  }
0x63: {  	_ =	shalt  }
0x64: {  	_ =	shalt  }
0x65: {  	_ =	shalt  }
0x66: {  	_ =	shalt  }
0x67: {  	_ =	shalt  }
0x68: {  	_ =	shalt  }
0x69: {  	_ =	shalt  }
0x6a: {  	_ =	shalt  }
0x6b: {  	_ =	shalt  }
0x6c: {  	_ =	shalt  }
0x6d: {  	_ =	shalt  }
0x6e: {  	_ =	shalt  }
0x6f: {  	_ =	shalt  }
0x70: {  	_ =	shalt  }
0x71: {  	_ =	shalt  }
0x72: {  	_ =	shalt  }
0x73: {  	_ =	shalt  }
0x74: {  	_ =	shalt  }
0x75: {  	_ =	shalt  }
0x76: {  	_ =	shalt  }
0x77: {  	_ =	shalt  }
0x78: {  	_ =	shalt  }
0x79: {  	_ =	shalt  }
0x7a: {  	_ =	shalt  }
0x7b: {  	_ =	shalt  }
0x7c: {  	_ =	shalt  }
0x7d: {  	_ =	shalt  }
0x7e: {  	_ =	shalt  }
0x7f: {  	_ =	shalt  }
0x80: {  	_ =	shalt  }
0x81: {  	_ =	shalt  }
0x82: {  	_ =	shalt  }
0x83: {  	_ =	shalt  }
0x84: {  	_ =	shalt  }
0x85: {  	_ =	shalt  }
0x86: {  	_ =	shalt  }
0x87: {  	_ =	shalt  }
.Lfunc_end0:
.L_simem_size_0:
called_computation.1_lowered:
.L_overlay_start_0:
0x88: {  	s2 =	sld [smem:$0x3FD9]  }
0x89: {  	s3 =	sld [smem:$0x3FFE];
	_ =	sdelay $0x1  }
0x8a: {  	s1 =	srdreg.scid  }
0x8b: {  	s0 =	sand.u32 $0x1, s1  }
0x8c: {  	s16 =	sshll.u32 s0, $0xA;
	s2 =	sadd.s32 s3, s2  }
0x8d: {  	s2 =	sadd.s32 s2, s16  }
0x8e: {  	[smem:$0x3FB0] =	sst s2  }
0x8f: {  	_ = 	snop  }
0x90: {  	(tm) =	ssettm $0x1  }
0x91: {  	s17 =	sld [smem:$0x3FFB];
	_ =	sdelay $0x3  }
0x92: {  	_ =	strace s17  }
0x93: {  	s2 =	sld [smem:$0x3FFC];
	_ =	sdelay $0x3  }
0x94: {  	_ =	strace s2  }
0x95: {  	s2 =	sld [smem:$0x3FFD];
	_ =	sdelay $0x3  }
0x96: {  	_ =	strace s2  }
0x97: {  	_ =	strace $0x8FFFFFFF  }
0x98: {  	s18 =	sld [smem:$0x3FDB];
	_ =	sdelay $0x1  }
0x99: {  	s19 =	simm.s32 $_scs_section_size  }
0x9a: {  	s4 =	simm.s32 $_size__tile_overlayer_lowered;
	s5 =	simm.s32 $_tile_overlayer_lowered  }
0x9b: {  	s22 =	simm.s32 $0x1BFF;
	s21 =	sshll.u32 s5, $0x1;
	s2 =	sadd.s32 s19, s18  }
0x9c: {  	s6 =	simm.s32 $0x0;
	s20 =	sshll.u32 s4, $0x1;
	s4 =	sadd.s32 s21, s2  }
0x9d: {  	[timem:s6], [sflag:s22] =	dma.local [hbm:s4], s20  }
0x9e: {  	_ =	swait.ge [sflag:s22], s20  }
0x9f: {  	s3 =	ssub.s32 $0x0, s20;
	[sflag:s22] =	ssyncset.done $0x0  }
0xa0: {  	[sflag:s22] =	ssyncadd.s32 s3;
	_ =	sdelay $0x1  }
0xa1: {  	s23 =	simm.s32 $0x1B8B  }
0xa2: {  	_ =	swait.ge [sflag:s23], $0x1  }
0xa3: {  	[sflag:s23] =	ssyncset.done $0x0  }
0xa4: {  	s25 =	simm.s32 $0x1B8E;
	s24 =	sld [smem:$0x3FFE];
	[sflag:s23] =	ssyncadd.s32 $0xFFFFFFFF  }
0xa5: {  	s26 =	simm.s32 $execute0_lowered;
	[smem:$0x3FD2] =	sst s25  }
0xa6: {  	s4 =	sshll.u32 s26, $0x1;
	_ =	strace $0x80000049;
	[dreg:$0x1] =	wrdreg $0xFFFFFFFF  }
0xa7: {  	s28 =	simm.s32 $_size_execute0_lowered;
	s2 =	sadd.s32 s2, s4;
	[dreg:$0x0] =	wrdreg $0x0  }
0xa8: {  	s4 =	sshll.u32 s28, $0x1;
	[dreg:$0x2] =	wrdreg s2  }
0xa9: {  	[dreg:$0x3] =	wrdreg s4  }
0xaa: {  	[dreg:$0x4] =	wrdreg $0xC0  }
0xab: {  	_ =	task [dreg:s6], $0x5FFFF  }
0xac: {  	[dreg:$0x1] =	wrdreg $0xFFFFFFFF  }
0xad: {  	[dreg:$0x0] =	wrdreg $0x60  }
0xae: {  	[dreg:$0x2] =	wrdreg s24  }
0xaf: {  	[dreg:$0x3] =	wrdreg $0xAB800  }
0xb0: {  	[dreg:$0x4] =	wrdreg $0x9  }
0xb1: {  	_ =	task.clear_ibuf [dreg:s6], $0x5FFFF;
	_ =	strace $0x90000049  }
0xb2: {  	s29 =	simm.s32 $0x9;
	_ =	strace $0x8000004B  }
0xb3: {  	_ =	swait.ge [sflag:s29], $0x1  }
0xb4: {  	[sflag:s29] =	ssyncadd.s32 $0xFFFFFFFF  }
0xb5: {  	_ =	strace $0x9000004B  }
0xb6: {  	_ =	sfence  }
0xb7: {  	s30 =	sld [smem:$0x0];
	_ =	sdelay $0x2  }
0xb8: {  	s31 =	sshll.u32 s1, $0xD;
	s1 =	sshrl.u32 s1, $0x2  }
0xb9: {  	s3 =	sand.u32 $0x4000, s31;
	s1 =	sadd.s32 s1, s30  }
0xba: {  	s0 =	sor.u32 s3, s0;
	s1 =	sshll.u32 s1, $0x11  }
0xbb: {  	s0 =	sor.u32 s1, s0  }
0xbc: {  	s0 =	sadd.s32 $0x8F2B, s0  }
0xbd: {  	[sflag:s0] =	ssyncadd.remote.s32 $0x1  }
0xbe: {  	_ =	sfence.sel $0xFFFF  }
0xbf: {  	[dreg:$0x0] =	wrdreg $0xFFFFFFFF;
	(pc) =	sbr.abs _section_cstart, $3  }
0xc0: {  	[dreg:$0x1] =	wrdreg $0xFFFFFFFF  }
0xc1: {  	_ =	task.clear_ibuf [dreg:s6], $0x2FFFF;
	_ =	strace $0x9FFFFFFF  }
0xc2: {  	(tm) =	ssettm $0x7FFFFFFF  }
0xc3: {  	_ =	shalt  }
tec
execute0_lowered:
.L_overlay_start_1:
0x0: {  	(tag) =	ssettag $0x1  }
0x1: {  	s0 =	rddreg [dreg:$0x0]  }
0x2: {  	s1 =	rddreg [dreg:$0x1]  }
0x3: {  	s2 =	simm.s32 $0x0;
	s19 =	srdreg.scid;
	s17 =	stileid.u32  }
0x4: {  	s18 =	simm.s32 $0x3;
	s28 =	simm.s32 $0x2900;
	s29 =	simm.s32 $0x4B80  }
0x5: {  	s30 =	simm.s32 $0x2980;
	s31 =	simm.s32 $0x0;
	s9 =	smul.u32 $0x4F, s17  }
0x6: {  	[smem:$0x7FF] =	sst s2;
	s2 =	sand.u32 $0x1, s19;
	s8 =	smul.u32 $0x2710, s17  }
0x7: {  	s4 =	sadd.s32 $0x9FC00, s0;
	s5 =	sadd.s32 $0x7F7C00, s0;
	s15 =	smul.u32 $0x50000, s17  }
0x8: {  	s6 =	sadd.s32 $0x274800, s0;
	p0 =	seq.s32 s17, $0xF;
	s23 =	smul.u32 $0x2800, s17  }
0x9: {  	s17 =	simm.s32 $0x2B80;
	s19 =	simm.s32 $0x40;
	_ =	strace $0x8000004A  }
0xa: {  	s3 =	smul.u32 $0x27100, s2;
	[dreg:$0x3] =	wrdreg s6;
	s20 =	ssub.s32 $0x2, s2  }
0xb: {  	v0 =	vlaneseq.u32;
	v18 =	vimm.f32 $0.0e+00;
	v19 =	vimm.s32 $0x2710;
	s13 =	smul.u32 $0x2710, s2;
	s2 =	sor.u32 $0x2, s2;
	s10 =	sadd.s32 $0x10, s9  }
0xc: {  	s7 =	sshrl.u32 s20, $0x1;
	s11 =	sadd.s32 $0x20, s9;
	s12 =	sadd.s32 $0x30, s9;
	v1 =	vadd.s32 s9, v0;
	v5 =	vor.u32 s8, v0;
	v2 =	vadd.s32 s10, v0  }
0xd: {  	s21 =	sadd.s32 $0x40, s9;
	s14 =	sadd.s32 $0x10, s8;
	s16 =	sadd.s32 $0x20, s8;
	v1 =	vmin.u32 v1, $0x4EF;
	v3 =	vadd.s32 s11, v0;
	v4 =	vadd.s32 s12, v0  }
0xe: {  	s24 =	sadd.s32 $0x30, s8;
	s9 =	sadd.s32 $0x40, s8;
	s22 =	smul.u32 $0x2710, s2;
	v17 =	vadd.s32 s21, v0;
	v13 =	vmin.u32 v5, $0x270FF;
	v5 =	vmov s13  }
0xf: {  	s2 =	smul.u32 $0x27100, s2;
	s25 =	sshrl.u32 s15, $0x2;
	s0 =	sadd.s32 s3, s0;
	v6 =	vmov s3;
	v8 =	vor.u32 s14, v0;
	v9 =	vor.u32 s16, v0  }
0x10: {  	s6 =	ssub.s32 s20, s7;
	s7 =	simm.s32 $0xA;
	s11 =	sadd.s32 s25, s1;
	v10 =	vor.u32 s24, v0;
	v2 =	vmin.u32 v2, $0x4EF;
	v3 =	vmin.u32 v3, $0x4EF  }
0x11: {  	s16 =	simm.s32 $0x1;
	s20 =	simm.s32 $0x2A80;
	s21 =	simm.s32 $0x6B80;
	v4 =	vmin.u32 v4, $0x4EF;
	v7 =	vadd.s32 s3, v13;
	v14 =	vmin.u32 v8, $0x270FF  }
0x12: {  	s24 =	simm.s32 $0x8B80;
	s25 =	simm.s32 $0x2;
	s7 =	simm.s32 @!p0 $0x10;
	v15 =	vmin.u32 v9, $0x270FF;
	v16 =	vmin.u32 v10, $0x270FF;
	v11 =	vmov s22  }
0x13: {  	s0 =	sadd.s32 s23, s0;
	s6 =	smax.u32 s6, $0x1;
	v12 =	vmov s2;
	v13 =	vadd.s32 s2, v13;
	s22 =	simm.s32 $0x2880;
	v17 =	vmin.u32 v17, $0x4EF  }
0x14: {  	s23 =	simm.s32 $0x2A00;
	[dreg:$0x4] =	wrdreg s6;
	s26 =	sadd.s32 $0x13C000, s0;
	v8 =	vadd.s32 s3, v14;
	v9 =	vadd.s32 s3, v15;
	v10 =	vadd.s32 s3, v16  }
0x15: {  	s13 =	sadd.s32 $0x18A200, s0;
	v14 =	vadd.s32 s2, v14;
	v15 =	vadd.s32 s2, v15;
	v16 =	vadd.s32 s2, v16;
	[dreg:$0x5] =	wrdreg s26;
	s26 =	simm.s32 $0x2B00  }
.LBB2_1:
0x16: {  	[tilespmem:$0x0] =	vst v1  }
0x17: {  	[tilespmem:$0x10] =	vst v2  }
0x18: {  	[tilespmem:$0x20] =	vst v3  }
0x19: {  	[tilespmem:$0x30] =	vst v4;
	s0 =	simm.s32 $0x0;
	s2 =	rddreg [dreg:$0x3];
	p0 =	por $0x0, $0x0  }
.Ltmp0:
0x1a: {  	[tilespmem:$0x40] =	vst v17;
	s3 =	simm.s32 $0x50;
	s6 =	simm.s32 $0x80;
	(pc) =	sbr.rel @p0 .LBB2_3-.Ltmp0, $4  }
0x1b: {  	[tilespmem:s6], [sflag:$0x1] =	stream.indirect.gather [hbm4b:s2+s3], $0x80, s0, s3, $0xb8;
	[tilespmem:$0x1E440] =	vst v63  }
0x1c: {  	_ =	swait.ge [sflag:s16], $0x2800  }
0x1d: {  	[sflag:s16] =	ssyncset.done $0x0  }
0x1e: {  	s0 =	simm.s32 $0x0;
	s2 =	simm.s32 $0x200;
	[sflag:s16] =	ssyncadd.s32 $0xFFFFD800  }
.LBB2_2:
0x1f: {  	p0 =	seq.s32 s2, $0x4E00;
	[tilespmem:s0+$0x2BF0] =	vst v18  }
0x20: {  	[tilespmem:s0+$0x2B80] =	vst v18  }
0x21: {  	[tilespmem:s0+$0x2B90] =	vst v18  }
.Ltmp1:
0x22: {  	[tilespmem:s0+$0x2BA0] =	vst v18;
	(pc) =	sbr.rel @!p0 .LBB2_2-.Ltmp1, $4  }
0x23: {  	[tilespmem:s0+$0x2BB0] =	vst v18  }
0x24: {  	[tilespmem:s0+$0x2BC0] =	vst v18  }
0x25: {  	[tilespmem:s0+$0x2BD0] =	vst v18  }
0x26: {  	[tilespmem:s0+$0x2BE0] =	vst v18;
	s0 =	sshra.s32 s2, $0x2;
	s2 =	sadd.s32 $0x200, s2  }
.LBB2_3:
0x27: {  	[tilespmem:s0+$0x2BF0] =	vst v18  }
0x28: {  	[tilespmem:s0+$0x2B80] =	vst v18  }
0x29: {  	[tilespmem:s0+$0x2B90] =	vst v18  }
0x2a: {  	[tilespmem:s0+$0x2BA0] =	vst v18  }
0x2b: {  	[tilespmem:s0+$0x2BB0] =	vst v18  }
0x2c: {  	[tilespmem:s0+$0x2BC0] =	vst v18  }
0x2d: {  	[tilespmem:s0+$0x2BD0] =	vst v18  }
0x2e: {  	[tilespmem:s0+$0x2BE0] =	vst v18;
	s0 =	simm.s32 $0x0;
	s2 =	simm.s32 $0x200  }
.LBB2_4:
0x2f: {  	p0 =	seq.s32 s2, $0x7E00;
	[tilespmem:s0+$0x8BF0] =	vst v18  }
0x30: {  	[tilespmem:s0+$0x8B80] =	vst v18  }
0x31: {  	[tilespmem:s0+$0x8B90] =	vst v18  }
.Ltmp2:
0x32: {  	[tilespmem:s0+$0x8BA0] =	vst v18;
	(pc) =	sbr.rel @!p0 .LBB2_4-.Ltmp2, $4  }
0x33: {  	[tilespmem:s0+$0x8BB0] =	vst v18  }
0x34: {  	[tilespmem:s0+$0x8BC0] =	vst v18  }
0x35: {  	[tilespmem:s0+$0x8BD0] =	vst v18  }
0x36: {  	[tilespmem:s0+$0x8BE0] =	vst v18;
	s0 =	sshra.s32 s2, $0x2;
	s2 =	sadd.s32 $0x200, s2  }
0x37: {  	[tilespmem:s0+$0x8BF0] =	vst v18  }
0x38: {  	[tilespmem:s0+$0x8B80] =	vst v18  }
0x39: {  	[tilespmem:s0+$0x8B90] =	vst v18  }
0x3a: {  	[tilespmem:s0+$0x8BA0] =	vst v18  }
0x3b: {  	[tilespmem:s0+$0x8BB0] =	vst v18  }
0x3c: {  	[tilespmem:s0+$0x8BC0] =	vst v18;
	p0 =	sne.s32 s7, $0x1  }
.Ltmp3:
0x3d: {  	[tilespmem:s0+$0x8BD0] =	vst v18;
	(pc) =	sbr.rel @!p0 .LBB2_7-.Ltmp3, $4  }
0x3e: {  	[tilespmem:s0+$0x8BE0] =	vst v18  }
0x3f: {  	[spmem:s11] =	stream.linear.scatter [tilespmem:s17], [sflag:$0x3], $0x1400, $0x38;
	[tilespmem:$0x1E440] =	vst v63  }
0x40: {  	_ =	swait.ge [sflag:s18], $0x1400  }
0x41: {  	s0 =	sadd.s32 $0xFFFFFFFF, s7;
	s2 =	smov.u32 s11;
	[sflag:s18] =	ssyncset.done $0x0  }
.LBB2_6:
0x42: {  	p1 =	sne.s32 s0, $0x1;
	[sflag:s18] =	ssyncadd.s32 $0xFFFFEC00;
	s2 =	sadd.s32 $0x1400, s2  }
.Ltmp4:
0x43: {  	s0 =	sadd.s32 $0xFFFFFFFF, s0;
	(pc) =	sbr.rel @p1 .LBB2_6-.Ltmp4, $4  }
0x44: {  	_ = 	snop  }
0x45: {  	[spmem:s2] =	stream.linear.scatter [tilespmem:s17], [sflag:$0x3], $0x1400, $0x38;
	[tilespmem:$0x1E440] =	vst v63  }
0x46: {  	_ =	swait.ge [sflag:s18], $0x1400  }
0x47: {  	[sflag:s18] =	ssyncset.done $0x0  }
.LBB2_7:
0x48: {  	[sflag:s18] =	ssyncadd.s32 $0xFFFFEC00  }
0x49: {  	[bflag:$0x0] =	sbarrier.arrive $0xFFFF  }
0x4a: {  	v20 =	vld [tilespmem:$0x80]  }
0x4b: {  	v21 =	vld [tilespmem:$0x90];
	_ =	sdelay $0x1  }
0x4c: {  	v22 =	vld [tilespmem:$0xA0];
	[tilespmem:$0x2A80] =	vst v7  }
0x4d: {  	[tilespmem:$0x2A90] =	vst v8  }
0x4e: {  	[tilespmem:$0x2AA0] =	vst v9  }
0x4f: {  	v63 =	vld [tilespmem:$0xB0];
	[tilespmem:$0x2AB0] =	vst v10;
	v23 =	vshrl.u32 v20, $0x10;
	v20 =	vand.u32 $0xFFFF, v20;
	v61 =	vshrl.u32 v21, $0x10  }
0x50: {  	[tilespmem:$0x2980] =	vst v20;
	v20 =	vadd.s32 v5, v61  }
0x51: {  	v62 =	vshrl.u32 v22, $0x10;
	[tilespmem:$0x2890] =	vst v20;
	v20 =	vand.u32 $0xFFFF, v21  }
0x52: {  	[tilespmem:$0x2990] =	vst v20;
	v20 =	vadd.s32 v5, v62  }
0x53: {  	[tilespmem:$0x28A0] =	vst v20;
	v20 =	vand.u32 $0xFFFF, v22  }
0x54: {  	v23 =	vadd.s32 v5, v23;
	[tilespmem:$0x29A0] =	vst v20;
	v20 =	vshrl.u32 v63, $0x10  }
0x55: {  	[tilespmem:$0x2880] =	vst v23;
	v20 =	vadd.s32 v5, v20  }
0x56: {  	[tilespmem:$0x28B0] =	vst v20;
	v20 =	vand.u32 $0xFFFF, v63  }
0x57: {  	[tilespmem:$0x29B0] =	vst v20  }
0x58: {  	[tilespmem:s21], [sflag:$0x1] =	stream.indirect.gather [hbm4b:s5+s19], $0x80, s20, s19, $0xb8;
	[tilespmem:$0x1E440] =	vst v63  }
0x59: {  	_ = 	snop  }
0x5a: {  	[tilespmem:s17], [sflag:$0x1] =	stream.indirect.gather [hbm4b:s4+s19], $0x80, s22, s19, $0xb8;
	[tilespmem:$0x1E440] =	vst v63  }
0x5b: {  	[tilespmem:$0x2A00] =	vst v19  }
0x5c: {  	[tilespmem:$0x2A10] =	vst v19  }
0x5d: {  	[tilespmem:$0x2A20] =	vst v19  }
0x5e: {  	s0 =	simm.s32 $0x0;
	[tilespmem:$0x2A30] =	vst v19  }
0x5f: {  	[spmem:s1] =	stream.indirect.scatter.add.f32 [tilespmem:s24], [sflag:$0x2], $0x80, s23, s19, $0xb8;
	[tilespmem:$0x1E440] =	vst v63  }
.LBB2_8:
0x60: {  	_ =	swait.ge [sflag:s16], $0x2000  }
0x61: {  	[sflag:s16] =	ssyncset.done $0x0  }
0x62: {  	[sflag:s16] =	ssyncadd.s32 $0xFFFFE000  }
0x63: {  	_ =	swait.ge [sflag:s16], $0x2000  }
0x64: {  	[sflag:s16] =	ssyncset.done $0x0  }
0x65: {  	[sflag:s16] =	ssyncadd.s32 $0xFFFFE000  }
0x66: {  	_ =	swait.ge [sflag:s25], $0x2000  }
0x67: {  	s2 =	sshll.u32 s0, $0x7;
	[sflag:s25] =	ssyncset.done $0x0  }
0x68: {  	s3 =	sand.u32 $0x3FFFFF80, s2;
	[sflag:s25] =	ssyncadd.s32 $0xFFFFE000  }
0x69: {  	v20 =	vld [tilespmem:s3+$0xC0];
	_ =	sdelay $0x4  }
0x6a: {  	s2 =	sadd.s32 s2, s9;
	v21 =	vshrl.u32 v20, $0x10  }
0x6b: {  	v22 =	vor.u32 s2, v0;
	v21 =	vadd.s32 v5, v21  }
0x6c: {  	v20 =	vand.u32 $0xFFFF, v20;
	[tilespmem:$0x2900] =	vst v21;
	v21 =	vmin.u32 v22, $0x270FF  }
0x6d: {  	[tilespmem:$0x2A00] =	vst v20;
	v20 =	vadd.s32 v6, v21  }
0x6e: {  	[tilespmem:$0x2B00] =	vst v20  }
0x6f: {  	v20 =	vld [tilespmem:s3+$0xD0];
	_ =	sdelay $0x4  }
0x70: {  	s6 =	sadd.s32 $0x10, s2;
	v21 =	vshrl.u32 v20, $0x10  }
0x71: {  	v22 =	vor.u32 s6, v0;
	v21 =	vadd.s32 v5, v21  }
0x72: {  	v20 =	vand.u32 $0xFFFF, v20;
	[tilespmem:$0x2910] =	vst v21;
	v21 =	vmin.u32 v22, $0x270FF  }
0x73: {  	[tilespmem:$0x2A10] =	vst v20;
	v20 =	vadd.s32 v6, v21  }
0x74: {  	[tilespmem:$0x2B10] =	vst v20  }
0x75: {  	v20 =	vld [tilespmem:s3+$0xE0];
	_ =	sdelay $0x4  }
0x76: {  	s15 =	sadd.s32 $0x20, s2;
	v21 =	vshrl.u32 v20, $0x10  }
0x77: {  	v22 =	vor.u32 s15, v0;
	v21 =	vadd.s32 v5, v21  }
0x78: {  	v20 =	vand.u32 $0xFFFF, v20;
	[tilespmem:$0x2920] =	vst v21;
	v21 =	vmin.u32 v22, $0x270FF  }
0x79: {  	[tilespmem:$0x2A20] =	vst v20;
	v20 =	vadd.s32 v6, v21  }
0x7a: {  	[tilespmem:$0x2B20] =	vst v20  }
0x7b: {  	v20 =	vld [tilespmem:s3+$0xF0];
	_ =	sdelay $0x4  }
0x7c: {  	s2 =	sadd.s32 $0x30, s2;
	v21 =	vshrl.u32 v20, $0x10  }
0x7d: {  	v22 =	vor.u32 s2, v0;
	v21 =	vadd.s32 v5, v21  }
0x7e: {  	v20 =	vand.u32 $0xFFFF, v20;
	[tilespmem:$0x2930] =	vst v21;
	v21 =	vmin.u32 v22, $0x270FF  }
0x7f: {  	[tilespmem:$0x2A30] =	vst v20;
	v20 =	vadd.s32 v6, v21  }
0x80: {  	[tilespmem:$0x2B30] =	vst v20  }
0x81: {  	[tilespmem:s24], [sflag:$0x1] =	stream.indirect.gather [hbm4b:s5+s19], $0x80, s26, s19, $0xb8;
	[tilespmem:$0x1E440] =	vst v63  }
0x82: {  	s2 =	simm.s32 $0x0  }
0x83: {  	[tilespmem:s29], [sflag:$0x1] =	stream.indirect.gather [hbm4b:s4+s19], $0x80, s28, s19, $0xb8;
	[tilespmem:$0x1E440] =	vst v63  }
0x84: {  	v26 =	vld [tilespmem:s2+$0x6B80]  }
0x85: {  	v31 =	vld [tilespmem:s2+$0x6B90]  }
0x86: {  	v25 =	vld [tilespmem:s2+$0x6BA0]  }
0x87: {  	v24 =	vld [tilespmem:s2+$0x6BB0]  }
0x88: {  	v23 =	vld [tilespmem:s2+$0x6BC0]  }
0x89: {  	v22 =	vld [tilespmem:s2+$0x6BD0]  }
0x8a: {  	v21 =	vld [tilespmem:s2+$0x6BE0]  }
0x8b: {  	v20 =	vld [tilespmem:s2+$0x6BF0]  }
0x8c: {  	v32 =	vld [tilespmem:s2+$0x2B80]  }
0x8d: {  	v33 =	vld [tilespmem:s2+$0x2B90]  }
0x8e: {  	v30 =	vld [tilespmem:s2+$0x2BA0]  }
0x8f: {  	v29 =	vld [tilespmem:s2+$0x2BB0]  }
0x90: {  	v28 =	vld [tilespmem:s2+$0x2BC0]  }
0x91: {  	v27 =	vld [tilespmem:s2+$0x2BD0];
	v32 =	vadd.f32 v26, v32  }
0x92: {  	s14 =	simm.s32 $0x200;
	v31 =	vadd.f32 v31, v33;
	v26 =	vld [tilespmem:s2+$0x2BE0]  }
.LBB2_9:
0x93: {  	s3 =	sshra.s32 s14, $0x2;
	p1 =	sne.s32 s14, $0x7E00;
	v32 =	vmax.f32 v32, $0.0e+00;
	v25 =	vadd.f32 v25, v30;
	v30 =	vld [tilespmem:s2+$0x2BF0]  }
0x94: {  	v33 =	vld [tilespmem:s3+$0x6B80];
	[tilespmem:s2+$0x2B80] =	vst v32;
	v31 =	vmax.f32 v31, $0.0e+00;
	v24 =	vadd.f32 v24, v29  }
0x95: {  	v34 =	vld [tilespmem:s3+$0x6B90];
	[tilespmem:s2+$0x2B90] =	vst v31;
	v29 =	vmax.f32 v25, $0.0e+00;
	v23 =	vadd.f32 v23, v28  }
0x96: {  	v25 =	vld [tilespmem:s3+$0x6BA0];
	[tilespmem:s2+$0x2BA0] =	vst v29;
	v28 =	vmax.f32 v24, $0.0e+00;
	v22 =	vadd.f32 v22, v27  }
0x97: {  	v24 =	vld [tilespmem:s3+$0x6BB0];
	[tilespmem:s2+$0x2BB0] =	vst v28;
	v27 =	vmax.f32 v23, $0.0e+00;
	v21 =	vadd.f32 v21, v26  }
0x98: {  	v23 =	vld [tilespmem:s3+$0x6BC0];
	[tilespmem:s2+$0x2BC0] =	vst v27;
	v26 =	vmax.f32 v22, $0.0e+00;
	v20 =	vadd.f32 v20, v30  }
0x99: {  	v22 =	vld [tilespmem:s3+$0x6BD0];
	[tilespmem:s2+$0x2BD0] =	vst v26;
	v26 =	vmax.f32 v21, $0.0e+00  }
0x9a: {  	v21 =	vld [tilespmem:s3+$0x6BE0];
	[tilespmem:s2+$0x2BE0] =	vst v26;
	v26 =	vmax.f32 v20, $0.0e+00  }
0x9b: {  	v20 =	vld [tilespmem:s3+$0x6BF0];
	[tilespmem:s2+$0x2BF0] =	vst v26;
	s2 =	smov.u32 s3  }
0x9c: {  	v26 =	vld [tilespmem:s2+$0x2B80]  }
0x9d: {  	v31 =	vld [tilespmem:s2+$0x2B90]  }
.Ltmp5:
0x9e: {  	v30 =	vld [tilespmem:s2+$0x2BA0];
	(pc) =	sbr.rel @p1 .LBB2_9-.Ltmp5, $4  }
0x9f: {  	v29 =	vld [tilespmem:s2+$0x2BB0]  }
0xa0: {  	v28 =	vld [tilespmem:s2+$0x2BC0]  }
0xa1: {  	v32 =	vadd.f32 v33, v26;
	v27 =	vld [tilespmem:s2+$0x2BD0]  }
0xa2: {  	s14 =	sadd.s32 $0x200, s14;
	v31 =	vadd.f32 v34, v31;
	v26 =	vld [tilespmem:s2+$0x2BE0]  }
0xa3: {  	v32 =	vmax.f32 v32, $0.0e+00;
	v25 =	vadd.f32 v25, v30;
	v30 =	vld [tilespmem:s2+$0x2BF0]  }
0xa4: {  	[tilespmem:s2+$0x2B80] =	vst v32;
	v31 =	vmax.f32 v31, $0.0e+00;
	v24 =	vadd.f32 v24, v29  }
0xa5: {  	[tilespmem:s2+$0x2B90] =	vst v31;
	v25 =	vmax.f32 v25, $0.0e+00;
	v23 =	vadd.f32 v23, v28  }
0xa6: {  	[tilespmem:s2+$0x2BA0] =	vst v25;
	v24 =	vmax.f32 v24, $0.0e+00;
	v22 =	vadd.f32 v22, v27  }
0xa7: {  	[tilespmem:s2+$0x2BB0] =	vst v24;
	v23 =	vmax.f32 v23, $0.0e+00;
	v21 =	vadd.f32 v21, v26  }
0xa8: {  	[tilespmem:s2+$0x2BC0] =	vst v23;
	v22 =	vmax.f32 v22, $0.0e+00;
	v20 =	vadd.f32 v20, v30  }
0xa9: {  	[tilespmem:s2+$0x2BD0] =	vst v22;
	v21 =	vmax.f32 v21, $0.0e+00  }
0xaa: {  	[tilespmem:s2+$0x2BE0] =	vst v21;
	v20 =	vmax.f32 v20, $0.0e+00  }
0xab: {  	[tilespmem:s2+$0x2BF0] =	vst v20  }
0xac: {  	[spmem:s1] =	stream.indirect.scatter.add.f32 [tilespmem:s17], [sflag:$0x2], $0x80, s30, s19, $0xb8;
	[tilespmem:$0x1E440] =	vst v63  }
0xad: {  	_ =	swait.ge [sflag:s16], $0x2000  }
0xae: {  	[sflag:s16] =	ssyncset.done $0x0  }
0xaf: {  	[sflag:s16] =	ssyncadd.s32 $0xFFFFE000  }
0xb0: {  	_ =	swait.ge [sflag:s16], $0x2000  }
0xb1: {  	s14 =	sshll.u32 s0, $0x1;
	[sflag:s16] =	ssyncset.done $0x0  }
0xb2: {  	s2 =	sadd.s32 $0x2, s14;
	[sflag:s16] =	ssyncadd.s32 $0xFFFFE000  }
0xb3: {  	s3 =	sshrl.u32 s2, $0x1;
	_ =	swait.ge [sflag:s25], $0x2000  }
0xb4: {  	s3 =	smin.u32 s3, $0x4E;
	[sflag:s25] =	ssyncset.done $0x0  }
0xb5: {  	s3 =	sshll.u32 s3, $0x7;
	[sflag:s25] =	ssyncadd.s32 $0xFFFFE000  }
0xb6: {  	v20 =	vld [tilespmem:s3+$0x80];
	_ =	sdelay $0x3  }
0xb7: {  	s2 =	sshll.u32 s2, $0x6  }
0xb8: {  	s2 =	sadd.s32 s8, s2;
	v21 =	vshrl.u32 v20, $0x10  }
0xb9: {  	v22 =	vor.u32 s2, v0;
	v21 =	vadd.s32 v5, v21  }
0xba: {  	v20 =	vand.u32 $0xFFFF, v20;
	[tilespmem:$0x2880] =	vst v21;
	v21 =	vmin.u32 v22, $0x270FF  }
0xbb: {  	[tilespmem:$0x2980] =	vst v20;
	v20 =	vadd.s32 v6, v21  }
0xbc: {  	[tilespmem:$0x2A80] =	vst v20  }
0xbd: {  	v20 =	vld [tilespmem:s3+$0x90];
	_ =	sdelay $0x4  }
0xbe: {  	s6 =	sadd.s32 $0x10, s2;
	v21 =	vshrl.u32 v20, $0x10  }
0xbf: {  	v22 =	vor.u32 s6, v0;
	v21 =	vadd.s32 v5, v21  }
0xc0: {  	v20 =	vand.u32 $0xFFFF, v20;
	[tilespmem:$0x2890] =	vst v21;
	v21 =	vmin.u32 v22, $0x270FF  }
0xc1: {  	[tilespmem:$0x2990] =	vst v20;
	v20 =	vadd.s32 v6, v21  }
0xc2: {  	[tilespmem:$0x2A90] =	vst v20  }
0xc3: {  	v20 =	vld [tilespmem:s3+$0xA0];
	_ =	sdelay $0x4  }
0xc4: {  	s15 =	sadd.s32 $0x20, s2;
	v21 =	vshrl.u32 v20, $0x10  }
0xc5: {  	v22 =	vor.u32 s15, v0;
	v21 =	vadd.s32 v5, v21  }
0xc6: {  	v20 =	vand.u32 $0xFFFF, v20;
	[tilespmem:$0x28A0] =	vst v21;
	v21 =	vmin.u32 v22, $0x270FF  }
0xc7: {  	[tilespmem:$0x29A0] =	vst v20;
	v20 =	vadd.s32 v6, v21  }
0xc8: {  	[tilespmem:$0x2AA0] =	vst v20  }
0xc9: {  	v20 =	vld [tilespmem:s3+$0xB0];
	_ =	sdelay $0x4  }
0xca: {  	s2 =	sadd.s32 $0x30, s2;
	v21 =	vshrl.u32 v20, $0x10  }
0xcb: {  	v22 =	vor.u32 s2, v0;
	v21 =	vadd.s32 v5, v21  }
0xcc: {  	v20 =	vand.u32 $0xFFFF, v20;
	[tilespmem:$0x28B0] =	vst v21;
	v21 =	vmin.u32 v22, $0x270FF  }
0xcd: {  	[tilespmem:$0x29B0] =	vst v20;
	v20 =	vadd.s32 v6, v21  }
0xce: {  	[tilespmem:$0x2AB0] =	vst v20  }
0xcf: {  	[tilespmem:s21], [sflag:$0x1] =	stream.indirect.gather [hbm4b:s5+s19], $0x80, s20, s19, $0xb8;
	[tilespmem:$0x1E440] =	vst v63  }
0xd0: {  	s2 =	simm.s32 $0x0  }
0xd1: {  	[tilespmem:s17], [sflag:$0x1] =	stream.indirect.gather [hbm4b:s4+s19], $0x80, s22, s19, $0xb8;
	[tilespmem:$0x1E440] =	vst v63  }
0xd2: {  	v26 =	vld [tilespmem:s2+$0x8B80]  }
0xd3: {  	v31 =	vld [tilespmem:s2+$0x8B90]  }
0xd4: {  	v25 =	vld [tilespmem:s2+$0x8BA0]  }
0xd5: {  	v24 =	vld [tilespmem:s2+$0x8BB0]  }
0xd6: {  	v23 =	vld [tilespmem:s2+$0x8BC0]  }
0xd7: {  	v22 =	vld [tilespmem:s2+$0x8BD0]  }
0xd8: {  	v21 =	vld [tilespmem:s2+$0x8BE0]  }
0xd9: {  	v20 =	vld [tilespmem:s2+$0x8BF0]  }
0xda: {  	v63 =	vld [tilespmem:s2+$0x4B80]  }
0xdb: {  	v33 =	vld [tilespmem:s2+$0x4B90]  }
0xdc: {  	v30 =	vld [tilespmem:s2+$0x4BA0]  }
0xdd: {  	v29 =	vld [tilespmem:s2+$0x4BB0]  }
0xde: {  	v28 =	vld [tilespmem:s2+$0x4BC0]  }
0xdf: {  	v27 =	vld [tilespmem:s2+$0x4BD0];
	v32 =	vadd.f32 v26, v63  }
0xe0: {  	s14 =	simm.s32 $0x200;
	v31 =	vadd.f32 v31, v33;
	v26 =	vld [tilespmem:s2+$0x4BE0]  }
.LBB2_11:
0xe1: {  	s3 =	sshra.s32 s14, $0x2;
	p1 =	sne.s32 s14, $0x7E00;
	v32 =	vmax.f32 v32, $0.0e+00;
	v25 =	vadd.f32 v25, v30;
	v30 =	vld [tilespmem:s2+$0x4BF0]  }
0xe2: {  	v33 =	vld [tilespmem:s3+$0x8B80];
	[tilespmem:s2+$0x4B80] =	vst v32;
	v31 =	vmax.f32 v31, $0.0e+00;
	v24 =	vadd.f32 v24, v29  }
0xe3: {  	v34 =	vld [tilespmem:s3+$0x8B90];
	[tilespmem:s2+$0x4B90] =	vst v31;
	v29 =	vmax.f32 v25, $0.0e+00;
	v23 =	vadd.f32 v23, v28  }
0xe4: {  	v25 =	vld [tilespmem:s3+$0x8BA0];
	[tilespmem:s2+$0x4BA0] =	vst v29;
	v28 =	vmax.f32 v24, $0.0e+00;
	v22 =	vadd.f32 v22, v27  }
0xe5: {  	v24 =	vld [tilespmem:s3+$0x8BB0];
	[tilespmem:s2+$0x4BB0] =	vst v28;
	v27 =	vmax.f32 v23, $0.0e+00;
	v21 =	vadd.f32 v21, v26  }
0xe6: {  	v23 =	vld [tilespmem:s3+$0x8BC0];
	[tilespmem:s2+$0x4BC0] =	vst v27;
	v26 =	vmax.f32 v22, $0.0e+00;
	v20 =	vadd.f32 v20, v30  }
0xe7: {  	v22 =	vld [tilespmem:s3+$0x8BD0];
	[tilespmem:s2+$0x4BD0] =	vst v26;
	v26 =	vmax.f32 v21, $0.0e+00  }
0xe8: {  	v21 =	vld [tilespmem:s3+$0x8BE0];
	[tilespmem:s2+$0x4BE0] =	vst v26;
	v26 =	vmax.f32 v20, $0.0e+00  }
0xe9: {  	v20 =	vld [tilespmem:s3+$0x8BF0];
	[tilespmem:s2+$0x4BF0] =	vst v26;
	s2 =	smov.u32 s3  }
0xea: {  	v26 =	vld [tilespmem:s2+$0x4B80]  }
0xeb: {  	v31 =	vld [tilespmem:s2+$0x4B90]  }
.Ltmp6:
0xec: {  	v30 =	vld [tilespmem:s2+$0x4BA0];
	(pc) =	sbr.rel @p1 .LBB2_11-.Ltmp6, $4  }
0xed: {  	v29 =	vld [tilespmem:s2+$0x4BB0]  }
0xee: {  	v28 =	vld [tilespmem:s2+$0x4BC0]  }
0xef: {  	v32 =	vadd.f32 v33, v26;
	v27 =	vld [tilespmem:s2+$0x4BD0]  }
0xf0: {  	s14 =	sadd.s32 $0x200, s14;
	v31 =	vadd.f32 v34, v31;
	v26 =	vld [tilespmem:s2+$0x4BE0]  }
0xf1: {  	v32 =	vmax.f32 v32, $0.0e+00;
	v25 =	vadd.f32 v25, v30;
	v63 =	vld [tilespmem:s2+$0x4BF0]  }
0xf2: {  	[tilespmem:s2+$0x4B80] =	vst v32;
	v31 =	vmax.f32 v31, $0.0e+00;
	v24 =	vadd.f32 v24, v29  }
0xf3: {  	[tilespmem:s2+$0x4B90] =	vst v31;
	v25 =	vmax.f32 v25, $0.0e+00;
	v23 =	vadd.f32 v23, v28  }
0xf4: {  	s0 =	sadd.s32 $0x1, s0;
	[tilespmem:s2+$0x4BA0] =	vst v25;
	v24 =	vmax.f32 v24, $0.0e+00;
	v22 =	vadd.f32 v22, v27  }
0xf5: {  	p1 =	sne.s32 s0, $0x4F;
	[tilespmem:s2+$0x4BB0] =	vst v24;
	v23 =	vmax.f32 v23, $0.0e+00;
	v21 =	vadd.f32 v21, v26  }
.Ltmp7:
0xf6: {  	[tilespmem:s2+$0x4BC0] =	vst v23;
	v22 =	vmax.f32 v22, $0.0e+00;
	v20 =	vadd.f32 v20, v63;
	(pc) =	sbr.rel @p1 .LBB2_8-.Ltmp7, $4  }
0xf7: {  	[tilespmem:s2+$0x4BD0] =	vst v22;
	v21 =	vmax.f32 v21, $0.0e+00  }
0xf8: {  	[tilespmem:s2+$0x4BE0] =	vst v21;
	v20 =	vmax.f32 v20, $0.0e+00  }
0xf9: {  	[tilespmem:s2+$0x4BF0] =	vst v20  }
0xfa: {  	[spmem:s1] =	stream.indirect.scatter.add.f32 [tilespmem:s29], [sflag:$0x2], $0x80, s23, s19, $0xb8;
	[tilespmem:$0x1E440] =	vst v63  }
0xfb: {  	_ =	swait.ge [sflag:s16], $0x2000  }
0xfc: {  	[sflag:s16] =	ssyncset.done $0x0  }
0xfd: {  	[sflag:s16] =	ssyncadd.s32 $0xFFFFE000  }
0xfe: {  	_ =	swait.ge [sflag:s16], $0x2000  }
0xff: {  	[sflag:s16] =	ssyncset.done $0x0  }
0x100: {  	[sflag:s16] =	ssyncadd.s32 $0xFFFFE000  }
0x101: {  	_ =	swait.ge [sflag:s25], $0x2000  }
0x102: {  	[sflag:s25] =	ssyncset.done $0x0  }
.Ltmp8:
0x103: {  	s0 =	stileid.u32;
	[sflag:s25] =	ssyncadd.s32 $0xFFFFE000;
	(pc) =	sbr.rel @!p0 .LBB2_15-.Ltmp8, $4  }
0x104: {  	s2 =	sshrl.u32 s11, $0x3;
	s3 =	sshll.u32 s0, $0x6;
	[bflag:$0x0] =	sbarrier.arrive $0xFFFF  }
0x105: {  	s6 =	sadd.s32 $0xFFFFFFFF, s7;
	s0 =	sor.u32 $0x1C03, s3;
	s12 =	rddreg [dreg:$0x5]  }
0x106: {  	[hbm:s12], [sflag:s0] =	dma.local [spmem:s2], $0x280  }
0x107: {  	s14 =	sadd.s32 $0x1400, s11;
	s15 =	simm.s32 $0x0;
	_ =	swait.ge [sflag:s18], $0x280  }
.LBB2_14:
0x108: {  	[sflag:s18] =	ssyncset.done $0x0  }
0x109: {  	s12 =	sadd.s32 $0x280, s12;
	s0 =	sor.u32 $0x1C03, s3;
	p1 =	sne.s32 s6, $0x1  }
.Ltmp9:
0x10a: {  	s10 =	sshrl.u32 s14, $0x3;
	[sflag:s18] =	ssyncadd.s32 $0xFFFFFD80;
	(pc) =	sbr.rel @p1 .LBB2_14-.Ltmp9, $3  }
0x10b: {  	[hbm:s12], [sflag:s0] =	dma.local [spmem:s10], $0x280  }
0x10c: {  	s6 =	sadd.s32 $0xFFFFFFFF, s6;
	_ =	sdelay $0x1  }
0x10d: {  	s14 =	sadd.s32 $0x1400, s14;
	_ =	swait.ge [sflag:s18], $0x280  }
.LBB2_15:
0x10e: {  	p1 =	sne.s32 s15, $0x4E00  }
.Ltmp10:
0x10f: {  	_ = 	snop;
	(pc) =	sbr.rel @!p1 .LBB2_17-.Ltmp10, $3  }
0x110: {  	_ =	sdelay $0x1  }
0x111: {  	[sflag:s18] =	ssyncset.done $0x0;
	s14 =	sshra.s32 s15, $0x2  }
0x112: {  	s6 =	sadd.s32 $0x200, s15;
	[sflag:s18] =	ssyncadd.s32 $0xFFFFFD80;
	s3 =	smov.u32 s14  }
.LBB2_16:
0x113: {  	p1 =	sne.s32 s6, $0x4E00;
	[tilespmem:s3+$0x2BF0] =	vst v18  }
0x114: {  	[tilespmem:s3+$0x2B80] =	vst v18  }
0x115: {  	[tilespmem:s3+$0x2B90] =	vst v18  }
.Ltmp11:
0x116: {  	[tilespmem:s3+$0x2BA0] =	vst v18;
	(pc) =	sbr.rel @p1 .LBB2_16-.Ltmp11, $4  }
0x117: {  	[tilespmem:s3+$0x2BB0] =	vst v18  }
0x118: {  	[tilespmem:s3+$0x2BC0] =	vst v18  }
0x119: {  	[tilespmem:s3+$0x2BD0] =	vst v18  }
0x11a: {  	[tilespmem:s3+$0x2BE0] =	vst v18;
	s3 =	sshra.s32 s6, $0x2;
	s6 =	sadd.s32 $0x200, s6  }
.LBB2_17:
0x11b: {  	[tilespmem:s3+$0x2BF0] =	vst v18  }
0x11c: {  	[tilespmem:s3+$0x2B80] =	vst v18  }
0x11d: {  	[tilespmem:s3+$0x2B90] =	vst v18;
	p1 =	sne.s32 s15, $0x7E00  }
.Ltmp12:
0x11e: {  	[tilespmem:s3+$0x2BA0] =	vst v18;
	(pc) =	sbr.rel @!p1 .LBB2_19-.Ltmp12, $4  }
0x11f: {  	[tilespmem:s3+$0x2BB0] =	vst v18  }
0x120: {  	[tilespmem:s3+$0x2BC0] =	vst v18  }
0x121: {  	[tilespmem:s3+$0x2BD0] =	vst v18  }
0x122: {  	[tilespmem:s3+$0x2BE0] =	vst v18;
	s3 =	sadd.s32 $0x200, s15  }
.LBB2_18:
0x123: {  	p1 =	sne.s32 s3, $0x7E00;
	[tilespmem:s14+$0x8BF0] =	vst v18  }
0x124: {  	[tilespmem:s14+$0x8B80] =	vst v18  }
0x125: {  	[tilespmem:s14+$0x8B90] =	vst v18  }
.Ltmp13:
0x126: {  	[tilespmem:s14+$0x8BA0] =	vst v18;
	(pc) =	sbr.rel @p1 .LBB2_18-.Ltmp13, $4  }
0x127: {  	[tilespmem:s14+$0x8BB0] =	vst v18  }
0x128: {  	[tilespmem:s14+$0x8BC0] =	vst v18  }
0x129: {  	[tilespmem:s14+$0x8BD0] =	vst v18  }
0x12a: {  	[tilespmem:s14+$0x8BE0] =	vst v18;
	s14 =	sshra.s32 s3, $0x2;
	s3 =	sadd.s32 $0x200, s3  }
.LBB2_19:
0x12b: {  	[tilespmem:s14+$0x8BF0] =	vst v18  }
0x12c: {  	[tilespmem:s14+$0x8B80] =	vst v18  }
0x12d: {  	[tilespmem:s14+$0x8B90] =	vst v18  }
0x12e: {  	[tilespmem:s14+$0x8BA0] =	vst v18  }
0x12f: {  	[tilespmem:s14+$0x8BB0] =	vst v18  }
0x130: {  	[tilespmem:s14+$0x8BC0] =	vst v18  }
.Ltmp14:
0x131: {  	[tilespmem:s14+$0x8BD0] =	vst v18;
	(pc) =	sbr.rel @!p0 .LBB2_21-.Ltmp14, $4  }
0x132: {  	[tilespmem:s14+$0x8BE0] =	vst v18  }
0x133: {  	[spmem:s11] =	stream.linear.scatter [tilespmem:s17], [sflag:$0x3], $0x1400, $0x38;
	[tilespmem:$0x1E440] =	vst v63  }
0x134: {  	_ =	swait.ge [sflag:s18], $0x1400  }
0x135: {  	s3 =	sadd.s32 $0xFFFFFFFF, s7;
	s6 =	smov.u32 s11;
	[sflag:s18] =	ssyncset.done $0x0  }
.LBB2_20:
0x136: {  	p1 =	sne.s32 s3, $0x1;
	[sflag:s18] =	ssyncadd.s32 $0xFFFFEC00;
	s6 =	sadd.s32 $0x1400, s6  }
.Ltmp15:
0x137: {  	s3 =	sadd.s32 $0xFFFFFFFF, s3;
	(pc) =	sbr.rel @p1 .LBB2_20-.Ltmp15, $4  }
0x138: {  	_ = 	snop  }
0x139: {  	[spmem:s6] =	stream.linear.scatter [tilespmem:s17], [sflag:$0x3], $0x1400, $0x38;
	[tilespmem:$0x1E440] =	vst v63  }
0x13a: {  	_ =	swait.ge [sflag:s18], $0x1400  }
0x13b: {  	[sflag:s18] =	ssyncset.done $0x0  }
.LBB2_21:
0x13c: {  	[sflag:s18] =	ssyncadd.s32 $0xFFFFEC00  }
0x13d: {  	[bflag:$0x0] =	sbarrier.arrive $0xFFFF  }
0x13e: {  	v20 =	vld [tilespmem:$0x80]  }
0x13f: {  	v21 =	vld [tilespmem:$0x90];
	_ =	sdelay $0x1  }
0x140: {  	v22 =	vld [tilespmem:$0xA0];
	[tilespmem:$0x2A80] =	vst v13  }
0x141: {  	[tilespmem:$0x2A90] =	vst v14  }
0x142: {  	[tilespmem:$0x2AA0] =	vst v15  }
0x143: {  	v63 =	vld [tilespmem:$0xB0];
	[tilespmem:$0x2AB0] =	vst v16;
	v23 =	vshrl.u32 v20, $0x10;
	v20 =	vand.u32 $0xFFFF, v20;
	v61 =	vshrl.u32 v21, $0x10  }
0x144: {  	[tilespmem:$0x2980] =	vst v20;
	v20 =	vadd.s32 v11, v61  }
0x145: {  	v62 =	vshrl.u32 v22, $0x10;
	[tilespmem:$0x2890] =	vst v20;
	v20 =	vand.u32 $0xFFFF, v21  }
0x146: {  	[tilespmem:$0x2990] =	vst v20;
	v20 =	vadd.s32 v11, v62  }
0x147: {  	[tilespmem:$0x28A0] =	vst v20;
	v20 =	vand.u32 $0xFFFF, v22  }
0x148: {  	v23 =	vadd.s32 v11, v23;
	[tilespmem:$0x29A0] =	vst v20;
	v20 =	vshrl.u32 v63, $0x10  }
0x149: {  	[tilespmem:$0x2880] =	vst v23;
	v20 =	vadd.s32 v11, v20  }
0x14a: {  	[tilespmem:$0x28B0] =	vst v20;
	v20 =	vand.u32 $0xFFFF, v63  }
0x14b: {  	[tilespmem:$0x29B0] =	vst v20  }
0x14c: {  	[tilespmem:s21], [sflag:$0x1] =	stream.indirect.gather [hbm4b:s5+s19], $0x80, s20, s19, $0xb8;
	[tilespmem:$0x1E440] =	vst v63  }
0x14d: {  	_ = 	snop  }
0x14e: {  	[tilespmem:s17], [sflag:$0x1] =	stream.indirect.gather [hbm4b:s4+s19], $0x80, s22, s19, $0xb8;
	[tilespmem:$0x1E440] =	vst v63  }
0x14f: {  	[tilespmem:$0x2A00] =	vst v19  }
0x150: {  	[tilespmem:$0x2A10] =	vst v19  }
0x151: {  	[tilespmem:$0x2A20] =	vst v19  }
0x152: {  	s14 =	simm.s32 $0x0;
	[tilespmem:$0x2A30] =	vst v19  }
0x153: {  	[spmem:s1] =	stream.indirect.scatter.add.f32 [tilespmem:s24], [sflag:$0x2], $0x80, s23, s19, $0xb8;
	[tilespmem:$0x1E440] =	vst v63  }
.LBB2_22:
0x154: {  	_ =	swait.ge [sflag:s16], $0x2000  }
0x155: {  	[sflag:s16] =	ssyncset.done $0x0  }
0x156: {  	[sflag:s16] =	ssyncadd.s32 $0xFFFFE000  }
0x157: {  	_ =	swait.ge [sflag:s16], $0x2000  }
0x158: {  	[sflag:s16] =	ssyncset.done $0x0  }
0x159: {  	[sflag:s16] =	ssyncadd.s32 $0xFFFFE000  }
0x15a: {  	_ =	swait.ge [sflag:s25], $0x2000  }
0x15b: {  	s3 =	sshll.u32 s14, $0x7;
	[sflag:s25] =	ssyncset.done $0x0  }
0x15c: {  	s6 =	sand.u32 $0x3FFFFF80, s3;
	[sflag:s25] =	ssyncadd.s32 $0xFFFFE000  }
0x15d: {  	v20 =	vld [tilespmem:s6+$0xC0];
	_ =	sdelay $0x4  }
0x15e: {  	s3 =	sadd.s32 s3, s9;
	v21 =	vshrl.u32 v20, $0x10  }
0x15f: {  	v22 =	vor.u32 s3, v0;
	v21 =	vadd.s32 v11, v21  }
0x160: {  	v20 =	vand.u32 $0xFFFF, v20;
	[tilespmem:$0x2900] =	vst v21;
	v21 =	vmin.u32 v22, $0x270FF  }
0x161: {  	[tilespmem:$0x2A00] =	vst v20;
	v20 =	vadd.s32 v12, v21  }
0x162: {  	[tilespmem:$0x2B00] =	vst v20  }
0x163: {  	v20 =	vld [tilespmem:s6+$0xD0];
	_ =	sdelay $0x4  }
0x164: {  	s10 =	sadd.s32 $0x10, s3;
	v21 =	vshrl.u32 v20, $0x10  }
0x165: {  	v22 =	vor.u32 s10, v0;
	v21 =	vadd.s32 v11, v21  }
0x166: {  	v20 =	vand.u32 $0xFFFF, v20;
	[tilespmem:$0x2910] =	vst v21;
	v21 =	vmin.u32 v22, $0x270FF  }
0x167: {  	[tilespmem:$0x2A10] =	vst v20;
	v20 =	vadd.s32 v12, v21  }
0x168: {  	[tilespmem:$0x2B10] =	vst v20  }
0x169: {  	v20 =	vld [tilespmem:s6+$0xE0];
	_ =	sdelay $0x4  }
0x16a: {  	s15 =	sadd.s32 $0x20, s3;
	v21 =	vshrl.u32 v20, $0x10  }
0x16b: {  	v22 =	vor.u32 s15, v0;
	v21 =	vadd.s32 v11, v21  }
0x16c: {  	v20 =	vand.u32 $0xFFFF, v20;
	[tilespmem:$0x2920] =	vst v21;
	v21 =	vmin.u32 v22, $0x270FF  }
0x16d: {  	[tilespmem:$0x2A20] =	vst v20;
	v20 =	vadd.s32 v12, v21  }
0x16e: {  	[tilespmem:$0x2B20] =	vst v20  }
0x16f: {  	v20 =	vld [tilespmem:s6+$0xF0];
	_ =	sdelay $0x4  }
0x170: {  	s3 =	sadd.s32 $0x30, s3;
	v21 =	vshrl.u32 v20, $0x10  }
0x171: {  	v22 =	vor.u32 s3, v0;
	v21 =	vadd.s32 v11, v21  }
0x172: {  	v20 =	vand.u32 $0xFFFF, v20;
	[tilespmem:$0x2930] =	vst v21;
	v21 =	vmin.u32 v22, $0x270FF  }
0x173: {  	[tilespmem:$0x2A30] =	vst v20;
	v20 =	vadd.s32 v12, v21  }
0x174: {  	[tilespmem:$0x2B30] =	vst v20  }
0x175: {  	[tilespmem:s24], [sflag:$0x1] =	stream.indirect.gather [hbm4b:s5+s19], $0x80, s26, s19, $0xb8;
	[tilespmem:$0x1E440] =	vst v63  }
0x176: {  	s15 =	simm.s32 $0x0  }
0x177: {  	[tilespmem:s29], [sflag:$0x1] =	stream.indirect.gather [hbm4b:s4+s19], $0x80, s28, s19, $0xb8;
	[tilespmem:$0x1E440] =	vst v63  }
0x178: {  	v26 =	vld [tilespmem:s15+$0x6B80]  }
0x179: {  	v31 =	vld [tilespmem:s15+$0x6B90]  }
0x17a: {  	v25 =	vld [tilespmem:s15+$0x6BA0]  }
0x17b: {  	v24 =	vld [tilespmem:s15+$0x6BB0]  }
0x17c: {  	v23 =	vld [tilespmem:s15+$0x6BC0]  }
0x17d: {  	v22 =	vld [tilespmem:s15+$0x6BD0]  }
0x17e: {  	v21 =	vld [tilespmem:s15+$0x6BE0]  }
0x17f: {  	v20 =	vld [tilespmem:s15+$0x6BF0]  }
0x180: {  	v32 =	vld [tilespmem:s15+$0x2B80]  }
0x181: {  	v33 =	vld [tilespmem:s15+$0x2B90]  }
0x182: {  	v30 =	vld [tilespmem:s15+$0x2BA0]  }
0x183: {  	v29 =	vld [tilespmem:s15+$0x2BB0]  }
0x184: {  	v28 =	vld [tilespmem:s15+$0x2BC0]  }
0x185: {  	v27 =	vld [tilespmem:s15+$0x2BD0];
	v32 =	vadd.f32 v26, v32  }
0x186: {  	s3 =	simm.s32 $0x200;
	v31 =	vadd.f32 v31, v33;
	v26 =	vld [tilespmem:s15+$0x2BE0]  }
.LBB2_23:
0x187: {  	s6 =	sshra.s32 s3, $0x2;
	p1 =	sne.s32 s3, $0x7E00;
	v32 =	vmax.f32 v32, $0.0e+00;
	v25 =	vadd.f32 v25, v30;
	v30 =	vld [tilespmem:s15+$0x2BF0]  }
0x188: {  	v33 =	vld [tilespmem:s6+$0x6B80];
	[tilespmem:s15+$0x2B80] =	vst v32;
	v31 =	vmax.f32 v31, $0.0e+00;
	v24 =	vadd.f32 v24, v29  }
0x189: {  	v34 =	vld [tilespmem:s6+$0x6B90];
	[tilespmem:s15+$0x2B90] =	vst v31;
	v29 =	vmax.f32 v25, $0.0e+00;
	v23 =	vadd.f32 v23, v28  }
0x18a: {  	v25 =	vld [tilespmem:s6+$0x6BA0];
	[tilespmem:s15+$0x2BA0] =	vst v29;
	v28 =	vmax.f32 v24, $0.0e+00;
	v22 =	vadd.f32 v22, v27  }
0x18b: {  	v24 =	vld [tilespmem:s6+$0x6BB0];
	[tilespmem:s15+$0x2BB0] =	vst v28;
	v27 =	vmax.f32 v23, $0.0e+00;
	v21 =	vadd.f32 v21, v26  }
0x18c: {  	v23 =	vld [tilespmem:s6+$0x6BC0];
	[tilespmem:s15+$0x2BC0] =	vst v27;
	v26 =	vmax.f32 v22, $0.0e+00;
	v20 =	vadd.f32 v20, v30  }
0x18d: {  	v22 =	vld [tilespmem:s6+$0x6BD0];
	[tilespmem:s15+$0x2BD0] =	vst v26;
	v26 =	vmax.f32 v21, $0.0e+00  }
0x18e: {  	v21 =	vld [tilespmem:s6+$0x6BE0];
	[tilespmem:s15+$0x2BE0] =	vst v26;
	v26 =	vmax.f32 v20, $0.0e+00  }
0x18f: {  	v20 =	vld [tilespmem:s6+$0x6BF0];
	[tilespmem:s15+$0x2BF0] =	vst v26;
	s15 =	smov.u32 s6  }
0x190: {  	v26 =	vld [tilespmem:s15+$0x2B80]  }
0x191: {  	v31 =	vld [tilespmem:s15+$0x2B90]  }
.Ltmp16:
0x192: {  	v30 =	vld [tilespmem:s15+$0x2BA0];
	(pc) =	sbr.rel @p1 .LBB2_23-.Ltmp16, $4  }
0x193: {  	v29 =	vld [tilespmem:s15+$0x2BB0]  }
0x194: {  	v28 =	vld [tilespmem:s15+$0x2BC0]  }
0x195: {  	v32 =	vadd.f32 v33, v26;
	v27 =	vld [tilespmem:s15+$0x2BD0]  }
0x196: {  	s3 =	sadd.s32 $0x200, s3;
	v31 =	vadd.f32 v34, v31;
	v26 =	vld [tilespmem:s15+$0x2BE0]  }
0x197: {  	v32 =	vmax.f32 v32, $0.0e+00;
	v25 =	vadd.f32 v25, v30;
	v30 =	vld [tilespmem:s15+$0x2BF0]  }
0x198: {  	[tilespmem:s15+$0x2B80] =	vst v32;
	v31 =	vmax.f32 v31, $0.0e+00;
	v24 =	vadd.f32 v24, v29  }
0x199: {  	[tilespmem:s15+$0x2B90] =	vst v31;
	v25 =	vmax.f32 v25, $0.0e+00;
	v23 =	vadd.f32 v23, v28  }
0x19a: {  	[tilespmem:s15+$0x2BA0] =	vst v25;
	v24 =	vmax.f32 v24, $0.0e+00;
	v22 =	vadd.f32 v22, v27  }
0x19b: {  	[tilespmem:s15+$0x2BB0] =	vst v24;
	v23 =	vmax.f32 v23, $0.0e+00;
	v21 =	vadd.f32 v21, v26  }
0x19c: {  	[tilespmem:s15+$0x2BC0] =	vst v23;
	v22 =	vmax.f32 v22, $0.0e+00;
	v20 =	vadd.f32 v20, v30  }
0x19d: {  	[tilespmem:s15+$0x2BD0] =	vst v22;
	v21 =	vmax.f32 v21, $0.0e+00  }
0x19e: {  	[tilespmem:s15+$0x2BE0] =	vst v21;
	v20 =	vmax.f32 v20, $0.0e+00  }
0x19f: {  	[tilespmem:s15+$0x2BF0] =	vst v20  }
0x1a0: {  	[spmem:s1] =	stream.indirect.scatter.add.f32 [tilespmem:s17], [sflag:$0x2], $0x80, s30, s19, $0xb8;
	[tilespmem:$0x1E440] =	vst v63  }
0x1a1: {  	_ =	swait.ge [sflag:s16], $0x2000  }
0x1a2: {  	[sflag:s16] =	ssyncset.done $0x0  }
0x1a3: {  	[sflag:s16] =	ssyncadd.s32 $0xFFFFE000  }
0x1a4: {  	_ =	swait.ge [sflag:s16], $0x2000  }
0x1a5: {  	s3 =	sshll.u32 s14, $0x1;
	[sflag:s16] =	ssyncset.done $0x0  }
0x1a6: {  	s3 =	sadd.s32 $0x2, s3;
	[sflag:s16] =	ssyncadd.s32 $0xFFFFE000  }
0x1a7: {  	s6 =	sshrl.u32 s3, $0x1;
	_ =	swait.ge [sflag:s25], $0x2000  }
0x1a8: {  	s6 =	smin.u32 s6, $0x4E;
	[sflag:s25] =	ssyncset.done $0x0  }
0x1a9: {  	s6 =	sshll.u32 s6, $0x7;
	[sflag:s25] =	ssyncadd.s32 $0xFFFFE000  }
0x1aa: {  	v20 =	vld [tilespmem:s6+$0x80];
	_ =	sdelay $0x3  }
0x1ab: {  	s3 =	sshll.u32 s3, $0x6  }
0x1ac: {  	s3 =	sadd.s32 s8, s3;
	v21 =	vshrl.u32 v20, $0x10  }
0x1ad: {  	v22 =	vor.u32 s3, v0;
	v21 =	vadd.s32 v11, v21  }
0x1ae: {  	v20 =	vand.u32 $0xFFFF, v20;
	[tilespmem:$0x2880] =	vst v21;
	v21 =	vmin.u32 v22, $0x270FF  }
0x1af: {  	[tilespmem:$0x2980] =	vst v20;
	v20 =	vadd.s32 v12, v21  }
0x1b0: {  	[tilespmem:$0x2A80] =	vst v20  }
0x1b1: {  	v20 =	vld [tilespmem:s6+$0x90];
	_ =	sdelay $0x4  }
0x1b2: {  	s10 =	sadd.s32 $0x10, s3;
	v21 =	vshrl.u32 v20, $0x10  }
0x1b3: {  	v22 =	vor.u32 s10, v0;
	v21 =	vadd.s32 v11, v21  }
0x1b4: {  	v20 =	vand.u32 $0xFFFF, v20;
	[tilespmem:$0x2890] =	vst v21;
	v21 =	vmin.u32 v22, $0x270FF  }
0x1b5: {  	[tilespmem:$0x2990] =	vst v20;
	v20 =	vadd.s32 v12, v21  }
0x1b6: {  	[tilespmem:$0x2A90] =	vst v20  }
0x1b7: {  	v20 =	vld [tilespmem:s6+$0xA0];
	_ =	sdelay $0x4  }
0x1b8: {  	s15 =	sadd.s32 $0x20, s3;
	v21 =	vshrl.u32 v20, $0x10  }
0x1b9: {  	v22 =	vor.u32 s15, v0;
	v21 =	vadd.s32 v11, v21  }
0x1ba: {  	v20 =	vand.u32 $0xFFFF, v20;
	[tilespmem:$0x28A0] =	vst v21;
	v21 =	vmin.u32 v22, $0x270FF  }
0x1bb: {  	[tilespmem:$0x29A0] =	vst v20;
	v20 =	vadd.s32 v12, v21  }
0x1bc: {  	[tilespmem:$0x2AA0] =	vst v20  }
0x1bd: {  	v20 =	vld [tilespmem:s6+$0xB0];
	_ =	sdelay $0x4  }
0x1be: {  	s3 =	sadd.s32 $0x30, s3;
	v21 =	vshrl.u32 v20, $0x10  }
0x1bf: {  	v22 =	vor.u32 s3, v0;
	v21 =	vadd.s32 v11, v21  }
0x1c0: {  	v20 =	vand.u32 $0xFFFF, v20;
	[tilespmem:$0x28B0] =	vst v21;
	v21 =	vmin.u32 v22, $0x270FF  }
0x1c1: {  	[tilespmem:$0x29B0] =	vst v20;
	v20 =	vadd.s32 v12, v21  }
0x1c2: {  	[tilespmem:$0x2AB0] =	vst v20  }
0x1c3: {  	[tilespmem:s21], [sflag:$0x1] =	stream.indirect.gather [hbm4b:s5+s19], $0x80, s20, s19, $0xb8;
	[tilespmem:$0x1E440] =	vst v63  }
0x1c4: {  	s15 =	simm.s32 $0x0  }
0x1c5: {  	[tilespmem:s17], [sflag:$0x1] =	stream.indirect.gather [hbm4b:s4+s19], $0x80, s22, s19, $0xb8;
	[tilespmem:$0x1E440] =	vst v63  }
0x1c6: {  	v26 =	vld [tilespmem:s15+$0x8B80]  }
0x1c7: {  	v31 =	vld [tilespmem:s15+$0x8B90]  }
0x1c8: {  	v25 =	vld [tilespmem:s15+$0x8BA0]  }
0x1c9: {  	v24 =	vld [tilespmem:s15+$0x8BB0]  }
0x1ca: {  	v23 =	vld [tilespmem:s15+$0x8BC0]  }
0x1cb: {  	v22 =	vld [tilespmem:s15+$0x8BD0]  }
0x1cc: {  	v21 =	vld [tilespmem:s15+$0x8BE0]  }
0x1cd: {  	v20 =	vld [tilespmem:s15+$0x8BF0]  }
0x1ce: {  	v63 =	vld [tilespmem:s15+$0x4B80]  }
0x1cf: {  	v33 =	vld [tilespmem:s15+$0x4B90]  }
0x1d0: {  	v30 =	vld [tilespmem:s15+$0x4BA0]  }
0x1d1: {  	v29 =	vld [tilespmem:s15+$0x4BB0]  }
0x1d2: {  	v28 =	vld [tilespmem:s15+$0x4BC0]  }
0x1d3: {  	v27 =	vld [tilespmem:s15+$0x4BD0];
	v32 =	vadd.f32 v26, v63  }
0x1d4: {  	s3 =	simm.s32 $0x200;
	v31 =	vadd.f32 v31, v33;
	v26 =	vld [tilespmem:s15+$0x4BE0]  }
.LBB2_25:
0x1d5: {  	s6 =	sshra.s32 s3, $0x2;
	p1 =	sne.s32 s3, $0x7E00;
	v32 =	vmax.f32 v32, $0.0e+00;
	v25 =	vadd.f32 v25, v30;
	v30 =	vld [tilespmem:s15+$0x4BF0]  }
0x1d6: {  	v33 =	vld [tilespmem:s6+$0x8B80];
	[tilespmem:s15+$0x4B80] =	vst v32;
	v31 =	vmax.f32 v31, $0.0e+00;
	v24 =	vadd.f32 v24, v29  }
0x1d7: {  	v34 =	vld [tilespmem:s6+$0x8B90];
	[tilespmem:s15+$0x4B90] =	vst v31;
	v29 =	vmax.f32 v25, $0.0e+00;
	v23 =	vadd.f32 v23, v28  }
0x1d8: {  	v25 =	vld [tilespmem:s6+$0x8BA0];
	[tilespmem:s15+$0x4BA0] =	vst v29;
	v28 =	vmax.f32 v24, $0.0e+00;
	v22 =	vadd.f32 v22, v27  }
0x1d9: {  	v24 =	vld [tilespmem:s6+$0x8BB0];
	[tilespmem:s15+$0x4BB0] =	vst v28;
	v27 =	vmax.f32 v23, $0.0e+00;
	v21 =	vadd.f32 v21, v26  }
0x1da: {  	v23 =	vld [tilespmem:s6+$0x8BC0];
	[tilespmem:s15+$0x4BC0] =	vst v27;
	v26 =	vmax.f32 v22, $0.0e+00;
	v20 =	vadd.f32 v20, v30  }
0x1db: {  	v22 =	vld [tilespmem:s6+$0x8BD0];
	[tilespmem:s15+$0x4BD0] =	vst v26;
	v26 =	vmax.f32 v21, $0.0e+00  }
0x1dc: {  	v21 =	vld [tilespmem:s6+$0x8BE0];
	[tilespmem:s15+$0x4BE0] =	vst v26;
	v26 =	vmax.f32 v20, $0.0e+00  }
0x1dd: {  	v20 =	vld [tilespmem:s6+$0x8BF0];
	[tilespmem:s15+$0x4BF0] =	vst v26;
	s15 =	smov.u32 s6  }
0x1de: {  	v26 =	vld [tilespmem:s15+$0x4B80]  }
0x1df: {  	v31 =	vld [tilespmem:s15+$0x4B90]  }
.Ltmp17:
0x1e0: {  	v30 =	vld [tilespmem:s15+$0x4BA0];
	(pc) =	sbr.rel @p1 .LBB2_25-.Ltmp17, $4  }
0x1e1: {  	v29 =	vld [tilespmem:s15+$0x4BB0]  }
0x1e2: {  	v28 =	vld [tilespmem:s15+$0x4BC0]  }
0x1e3: {  	v32 =	vadd.f32 v33, v26;
	v27 =	vld [tilespmem:s15+$0x4BD0]  }
0x1e4: {  	s3 =	sadd.s32 $0x200, s3;
	v31 =	vadd.f32 v34, v31;
	v26 =	vld [tilespmem:s15+$0x4BE0]  }
0x1e5: {  	v32 =	vmax.f32 v32, $0.0e+00;
	v25 =	vadd.f32 v25, v30;
	v63 =	vld [tilespmem:s15+$0x4BF0]  }
0x1e6: {  	[tilespmem:s15+$0x4B80] =	vst v32;
	v31 =	vmax.f32 v31, $0.0e+00;
	v24 =	vadd.f32 v24, v29  }
0x1e7: {  	[tilespmem:s15+$0x4B90] =	vst v31;
	v25 =	vmax.f32 v25, $0.0e+00;
	v23 =	vadd.f32 v23, v28  }
0x1e8: {  	s14 =	sadd.s32 $0x1, s14;
	[tilespmem:s15+$0x4BA0] =	vst v25;
	v24 =	vmax.f32 v24, $0.0e+00;
	v22 =	vadd.f32 v22, v27  }
0x1e9: {  	p1 =	sne.s32 s14, $0x4F;
	[tilespmem:s15+$0x4BB0] =	vst v24;
	v23 =	vmax.f32 v23, $0.0e+00;
	v21 =	vadd.f32 v21, v26  }
.Ltmp18:
0x1ea: {  	[tilespmem:s15+$0x4BC0] =	vst v23;
	v22 =	vmax.f32 v22, $0.0e+00;
	v20 =	vadd.f32 v20, v63;
	(pc) =	sbr.rel @p1 .LBB2_22-.Ltmp18, $4  }
0x1eb: {  	[tilespmem:s15+$0x4BD0] =	vst v22;
	v21 =	vmax.f32 v21, $0.0e+00  }
0x1ec: {  	[tilespmem:s15+$0x4BE0] =	vst v21;
	v20 =	vmax.f32 v20, $0.0e+00  }
0x1ed: {  	[tilespmem:s15+$0x4BF0] =	vst v20  }
0x1ee: {  	[spmem:s1] =	stream.indirect.scatter.add.f32 [tilespmem:s29], [sflag:$0x2], $0x80, s23, s19, $0xb8;
	[tilespmem:$0x1E440] =	vst v63  }
0x1ef: {  	_ =	swait.ge [sflag:s16], $0x2000  }
0x1f0: {  	[sflag:s16] =	ssyncset.done $0x0  }
0x1f1: {  	[sflag:s16] =	ssyncadd.s32 $0xFFFFE000  }
0x1f2: {  	_ =	swait.ge [sflag:s16], $0x2000  }
0x1f3: {  	[sflag:s16] =	ssyncset.done $0x0  }
0x1f4: {  	[sflag:s16] =	ssyncadd.s32 $0xFFFFE000  }
0x1f5: {  	_ =	swait.ge [sflag:s25], $0x2000  }
0x1f6: {  	[sflag:s25] =	ssyncset.done $0x0  }
.Ltmp19:
0x1f7: {  	[sflag:s25] =	ssyncadd.s32 $0xFFFFE000;
	(pc) =	sbr.rel @!p0 .LBB2_29-.Ltmp19, $4  }
0x1f8: {  	[bflag:$0x0] =	sbarrier.arrive $0xFFFF  }
0x1f9: {  	[hbm:s13], [sflag:s0] =	dma.local [spmem:s2], $0x280  }
0x1fa: {  	s3 =	sadd.s32 $0x1400, s11;
	_ =	swait.ge [sflag:s18], $0x280  }
0x1fb: {  	s6 =	smov.u32 s13;
	s2 =	sadd.s32 $0xFFFFFFFF, s7;
	[sflag:s18] =	ssyncset.done $0x0  }
.LBB2_28:
0x1fc: {  	s10 =	sshrl.u32 s3, $0x3  }
0x1fd: {  	[sflag:s18] =	ssyncadd.s32 $0xFFFFFD80;
	s6 =	sadd.s32 $0x280, s6;
	p0 =	sne.s32 s2, $0x1  }
0x1fe: {  	[hbm:s6], [sflag:s0] =	dma.local [spmem:s10], $0x280  }
.Ltmp20:
0x1ff: {  	_ = 	snop;
	(pc) =	sbr.rel @p0 .LBB2_28-.Ltmp20, $4  }
0x200: {  	_ = 	snop  }
0x201: {  	s2 =	sadd.s32 $0xFFFFFFFF, s2  }
0x202: {  	_ =	swait.ge [sflag:s18], $0x280  }
0x203: {  	s3 =	sadd.s32 $0x1400, s3;
	[sflag:s18] =	ssyncset.done $0x0  }
.LBB2_29:
0x204: {  	s31 =	sadd.s32 $0x1, s31;
	s0 =	rddreg [dreg:$0x4]  }
0x205: {  	p0 =	sne.s32 s31, s0  }
.Ltmp21:
0x206: {  	_ = 	snop;
	(pc) =	sbr.rel @p0 .LBB2_1-.Ltmp21, $2  }
0x207: {  	_ =	sdelay $0x2  }
0x208: {  	[sflag:s18] =	ssyncadd.s32 $0xFFFFFD80  }
0x209: {  	_ =	sfence.sel $0x180000  }
0x20a: {  	[bflag:$0x0] =	sbarrier.arrive $0xFFFF  }
0x20b: {  	_ =	strace $0x9000004A  }
0x20c: {  	s0 =	stileid.u32;
	[bflag:$0x2] =	sbarrier.arrive $0xFFFF  }
0x20d: {  	p0 =	sne.s32 s0, $0x0;
	s0 =	rddreg [dreg:$0x2]  }
0x20e: {  	s0 =	sadd.s32 @!p0 $0x100000, s0  }
0x20f: {  	[sflag:s0] =	ssyncadd.tile.s32 @!p0 $0x1;
	_ =	shalt  }
.Lfunc_end2:
_tile_overlayer_lowered:
.L_overlay_start_2:
0x210: {  	(tag) =	ssettag $0x2  }
0x211: {  	s0 =	rddreg [dreg:$0x0];
	s2 =	stileid.u32  }
0x212: {  	s1 =	rddreg [dreg:$0x1];
	p0 =	sne.s32 s2, $0x0  }
0x213: {  	s3 =	rddreg [dreg:$0x2];
	[bflag:$0x3] =	sbarrier.arrive $0xFFFF;
	s2 =	simm.s32 @!p0 $0x1C03  }
0x214: {  	[timem:s3], [sflag:s2] =	dma.local @!p0 [hbm:s0], s1  }
0x215: {  	s0 =	simm.s32 @!p0 $0x3  }
0x216: {  	_ =	swait.ge @!p0 [sflag:s0], s1  }
0x217: {  	s1 =	ssub.s32 @!p0 $0x0, s1;
	[sflag:s0] =	ssyncset.done @!p0 $0x0  }
0x218: {  	[sflag:s0] =	ssyncadd.s32 @!p0 s1  }
0x219: {  	[bflag:$0x3] =	sbarrier.arrive $0xFFFF  }
0x21a: {  	_ =	shalt  }

</sc_bundles>
